<compile_context>
chip_gen: v7x
topology: tpu7x:2x2x1
jax: 0.10.2.dev20260603
libtpu: 0.0.44.dev20260713+nightly
codegen_flags: <defaults>
</compile_context>

<pallas_src>
import functools

import jax
import jax.numpy as jnp
from jax import lax
from jax.experimental import pallas as pl
from jax.experimental.pallas import tpu as pltpu
from jax.experimental.pallas import tpu_sc as plsc

_MAX_DIS = 512
_DIM = 128
_N = 819200

_NC = 2
_NS = 16
_NW = _NC * _NS
_B_PER_W = _N // _NW
_CHUNK = 128
_NSTEPS = _B_PER_W // _CHUNK
_PIECE = 512
_CPP = _PIECE // _CHUNK
_NPIECE = _B_PER_W // _PIECE
_LANES = 16
_VPR = _DIM // _LANES


def _body(d_hbm, table_hbm, out_hbm, table_sp, d_sp, table_l, smem_idx,
          rows0, rows1, sd, sp0, sp1, so0, so1):
    rows = (rows0, rows1)
    so = (so0, so1)
    sp = (sp0, sp1)

    sid = lax.axis_index("s")
    wid = sid * _NC + lax.axis_index("c")
    base = wid * _B_PER_W

    @pl.when(sid == 0)
    def _():
        pltpu.sync_copy(table_hbm, table_sp)

    d_cp = pltpu.make_async_copy(
        d_hbm.at[pl.ds(base, _B_PER_W)], d_sp.at[sid], sd)
    d_cp.start()

    plsc.subcore_barrier()

    pltpu.sync_copy(table_sp, table_l)
    d_cp.wait()

    def load_piece(pb, p):
        pltpu.make_async_copy(
            d_sp.at[sid, pl.ds(p * _PIECE, _PIECE)], smem_idx.at[pb],
            sp[pb]).start()

    def wait_piece(pb, p):
        pltpu.make_async_copy(
            d_sp.at[sid, pl.ds(p * _PIECE, _PIECE)], smem_idx.at[pb],
            sp[pb]).wait()

    def compute_chunk(b, pb, loc, g):
        @plsc.parallel_loop(0, _CHUNK, unroll=8)
        def _(jrow):
            r = smem_idx[pb, loc * _CHUNK + jrow]
            r = jnp.where(r > 1000, _MAX_DIS + 1, jnp.minimum(r, _MAX_DIS))
            for c in range(_VPR):
                rows[b][jrow, pl.ds(c * _LANES, _LANES)] = (
                    table_l[r, pl.ds(c * _LANES, _LANES)])

    def start_out(b, g):
        off = base + g * _CHUNK
        pltpu.make_async_copy(
            rows[b], out_hbm.at[pl.ds(off, _CHUNK)], so[b]).start()

    def wait_out(b, g):
        off = base + g * _CHUNK
        pltpu.make_async_copy(
            rows[b], out_hbm.at[pl.ds(off, _CHUNK)], so[b]).wait()

    def do_chunk(pb, loc, g, first):
        b = loc % 2
        compute_chunk(b, pb, loc, g)
        start_out(b, g)
        if not first:
            wait_out(1 - b, g - 1)

    load_piece(0, 0)
    wait_piece(0, 0)
    load_piece(1, 1)
    for loc in range(_CPP):
        do_chunk(0, loc, loc, first=(loc == 0))

    def step(i, carry):
        for q in range(2):
            p0 = 2 * i + 1 + q
            pb = (1 + q) % 2
            wait_piece(pb, p0)
            load_piece(1 - pb, p0 + 1)
            for loc in range(_CPP):
                g = p0 * _CPP + loc
                do_chunk(pb, loc, g, first=False)
        return carry

    lax.fori_loop(0, (_NPIECE - 2) // 2, step, 0)

    wait_piece(1, _NPIECE - 1)
    for loc in range(_CPP):
        g = (_NPIECE - 1) * _CPP + loc
        do_chunk(1, loc, g, first=False)

    wait_out((_NSTEPS - 1) % 2, _NSTEPS - 1)


_mesh = plsc.VectorSubcoreMesh(core_axis_name="c", subcore_axis_name="s")

_gather = functools.partial(
    pl.kernel,
    out_type=jax.ShapeDtypeStruct((_N, _DIM), jnp.float32),
    mesh=_mesh,
    scratch_types=[
        pltpu.VMEM_SHARED((_MAX_DIS + 2, _DIM), jnp.float32),
        pltpu.VMEM_SHARED((_NS, _B_PER_W), jnp.int32),
        pltpu.VMEM((_MAX_DIS + 2, _DIM), jnp.float32),
        pltpu.SMEM((2, _PIECE), jnp.int32),
        pltpu.VMEM((_CHUNK, _DIM), jnp.float32),
        pltpu.VMEM((_CHUNK, _DIM), jnp.float32),
        pltpu.SemaphoreType.DMA,
        pltpu.SemaphoreType.DMA,
        pltpu.SemaphoreType.DMA,
        pltpu.SemaphoreType.DMA,
        pltpu.SemaphoreType.DMA,
    ],
)(_body)


def kernel(d, embed_d):
    return _gather(d, embed_d)

# --- scband reference (transcript-rebuilt; emitter-appended) ---
"""Pipeline reference for scband-atom-32349693673645 (READ-ONLY COPY).

The authoritative reference and input builder live on the scoring server;
editing this copy changes nothing except your own understanding.
"""

import jax, jax.numpy as jnp
import numpy as np

MAX_DIS = 512
DIM = 128
N = 819200

def custom_clamp(t, max_val):
    clamped = jnp.clip(t, None, max_val)
    return jnp.where(t > 1000, max_val + 1, clamped)

def setup_inputs(seed: int = 0) -> dict:
    key = jax.random.key(seed)
    k1, k2 = jax.random.split(key)
    d = jax.random.randint(k1, (N,), 0, 2000, dtype=jnp.int32)
    embed_d = jax.random.normal(k2, (MAX_DIS + 2, DIM), dtype=jnp.float32)
    return {"d": d, "embed_d": embed_d}

def reference(d, embed_d):
    # encode=False path: x = 0; output = 0 + embed_d(clamped d)
    dd = custom_clamp(d, MAX_DIS)
    x = jnp.take(embed_d, dd, axis=0)
    return x

if __name__ == "__main__":
    import jax
    _d = setup_inputs()
    print(jax.jit(kernel)(*tuple(_d.values())))

</pallas_src>

<mosaic_0001>
#map = affine_map<(d0, d1) -> (0)>
#map1 = affine_map<(d0, d1) -> (0, 0)>
module attributes {stable_mosaic.version = 14 : i64} {
  func.func @_body(%arg0: i32, %arg1: i32, %arg2: memref<819200xi32, #tpu.memory_space<hbm>>, %arg3: memref<514x128xf32, #tpu.memory_space<hbm>>, %arg4: memref<819200x128xf32, #tpu.memory_space<hbm>>, %arg5: memref<514x128xf32, #tpu.memory_space<vmem_shared>>, %arg6: memref<16x25600xi32, #tpu.memory_space<vmem_shared>>, %arg7: memref<514x128xf32, #tpu.memory_space<vmem>>, %arg8: memref<2x512xi32, #tpu.memory_space<smem>>, %arg9: memref<128x128xf32, #tpu.memory_space<vmem>>, %arg10: memref<128x128xf32, #tpu.memory_space<vmem>>, %arg11: memref<!tpu.dma_semaphore, #tpu.memory_space<semaphore_mem>>, %arg12: memref<!tpu.dma_semaphore, #tpu.memory_space<semaphore_mem>>, %arg13: memref<!tpu.dma_semaphore, #tpu.memory_space<semaphore_mem>>, %arg14: memref<!tpu.dma_semaphore, #tpu.memory_space<semaphore_mem>>, %arg15: memref<!tpu.dma_semaphore, #tpu.memory_space<semaphore_mem>>) attributes {dimension_semantics = [#tpu.dimension_semantics<core_parallel>, #tpu.dimension_semantics<subcore_parallel>], iteration_bounds = array<i64: 2, 16>, scalar_prefetch = 0 : i64, scratch_operands = 11 : i64, tpu.core_type = #tpu.core_type<sc_vector_subcore>, window_params = [{transform_indices = #map}, {transform_indices = #map1}, {transform_indices = #map1}]} {
    %mul3A = arith.constant 2 : i32
    %mul3A_0 = arith.muli %arg1, %mul3A : i32
    %add3A = arith.addi %mul3A_0, %arg0 : i32
    %mul3A_1 = arith.constant 25600 : i32
    %mul3A_2 = arith.muli %add3A, %mul3A_1 : i32
    %eq3A = arith.constant 0 : i32
    %eq3A_3 = arith.cmpi eq, %arg1, %eq3A : i32
    %convert_element_type3A = arith.extui %eq3A_3 : i1 to i32
    %cond3A = arith.constant 0 : i32
    %cond3A_4 = arith.cmpi ne, %convert_element_type3A, %cond3A : i32
    scf.if %cond3A_4 {
      "tpu.region"() ({
        %run_scoped3A = tpu.sem_alloc : memref<!tpu.dma_semaphore, #tpu.memory_space<semaphore_mem>>
        tpu.enqueue_dma source(%arg3 : memref<514x128xf32, #tpu.memory_space<hbm>>) target(%arg5 : memref<514x128xf32, #tpu.memory_space<vmem_shared>>) target_semaphore(%run_scoped3A : memref<!tpu.dma_semaphore, #tpu.memory_space<semaphore_mem>>)
        tpu.wait_dma2 semaphore(%run_scoped3A : memref<!tpu.dma_semaphore, #tpu.memory_space<semaphore_mem>>) src(%arg3 : memref<514x128xf32, #tpu.memory_space<hbm>>) dst(%arg5 : memref<514x128xf32, #tpu.memory_space<vmem_shared>>)
        tpu.yield
      }) : () -> ()
    } else {
    }
    %dma_start3A = arith.constant 0 : i32
    %dma_start3A_5 = tpu.memref_slice %arg6[%arg1, %dma_start3A] : memref<16x25600xi32, #tpu.memory_space<vmem_shared>> -> memref<1x25600xi32, #tpu.memory_space<vmem_shared>>
    %dma_start3A_6 = tpu.memref_squeeze %dma_start3A_5 : memref<1x25600xi32, #tpu.memory_space<vmem_shared>> -> memref<25600xi32, #tpu.memory_space<vmem_shared>>
    %dma_start3A_7 = tpu.memref_slice %arg2[%mul3A_2] : memref<819200xi32, #tpu.memory_space<hbm>> -> memref<25600xi32, #tpu.memory_space<hbm>>
    tpu.enqueue_dma source(%dma_start3A_7 : memref<25600xi32, #tpu.memory_space<hbm>>) target(%dma_start3A_6 : memref<25600xi32, #tpu.memory_space<vmem_shared>>) target_semaphore(%arg11 : memref<!tpu.dma_semaphore, #tpu.memory_space<semaphore_mem>>)
    %barrier3A = arith.constant 0 : index
    tpu.barrier barrier_id(%barrier3A)
    "tpu.region"() ({
      %run_scoped3A = tpu.sem_alloc : memref<!tpu.dma_semaphore, #tpu.memory_space<semaphore_mem>>
      tpu.enqueue_dma source(%arg5 : memref<514x128xf32, #tpu.memory_space<vmem_shared>>) target(%arg7 : memref<514x128xf32, #tpu.memory_space<vmem>>) target_semaphore(%run_scoped3A : memref<!tpu.dma_semaphore, #tpu.memory_space<semaphore_mem>>)
      tpu.wait_dma2 semaphore(%run_scoped3A : memref<!tpu.dma_semaphore, #tpu.memory_space<semaphore_mem>>) src(%arg5 : memref<514x128xf32, #tpu.memory_space<vmem_shared>>) dst(%arg7 : memref<514x128xf32, #tpu.memory_space<vmem>>)
      tpu.yield
    }) : () -> ()
    %dma_wait3A = arith.constant 0 : i32
    %dma_wait3A_8 = tpu.memref_slice %arg6[%arg1, %dma_wait3A] : memref<16x25600xi32, #tpu.memory_space<vmem_shared>> -> memref<1x25600xi32, #tpu.memory_space<vmem_shared>>
    %dma_wait3A_9 = tpu.memref_squeeze %dma_wait3A_8 : memref<1x25600xi32, #tpu.memory_space<vmem_shared>> -> memref<25600xi32, #tpu.memory_space<vmem_shared>>
    %dma_wait3A_10 = tpu.memref_slice %arg2[%mul3A_2] : memref<819200xi32, #tpu.memory_space<hbm>> -> memref<25600xi32, #tpu.memory_space<hbm>>
    tpu.wait_dma2 semaphore(%arg11 : memref<!tpu.dma_semaphore, #tpu.memory_space<semaphore_mem>>) src(%dma_wait3A_10 : memref<25600xi32, #tpu.memory_space<hbm>>) dst(%dma_wait3A_9 : memref<25600xi32, #tpu.memory_space<vmem_shared>>)
    %dma_start3A_11 = arith.constant 0 : i32
    %dma_start3A_12 = arith.constant 0 : i32
    %dma_start3A_13 = tpu.memref_slice %arg8[%dma_start3A_11, %dma_start3A_12] : memref<2x512xi32, #tpu.memory_space<smem>> -> memref<1x512xi32, #tpu.memory_space<smem>>
    %dma_start3A_14 = tpu.memref_squeeze %dma_start3A_13 : memref<1x512xi32, #tpu.memory_space<smem>> -> memref<512xi32, #tpu.memory_space<smem>>
    %dma_start3A_15 = arith.constant 0 : i32
    %dma_start3A_16 = tpu.memref_slice %arg6[%arg1, %dma_start3A_15] : memref<16x25600xi32, #tpu.memory_space<vmem_shared>> -> memref<1x512xi32, #tpu.memory_space<vmem_shared>>
    %dma_start3A_17 = tpu.memref_squeeze %dma_start3A_16 : memref<1x512xi32, #tpu.memory_space<vmem_shared>> -> memref<512xi32, #tpu.memory_space<vmem_shared>>
    tpu.enqueue_dma source(%dma_start3A_17 : memref<512xi32, #tpu.memory_space<vmem_shared>>) target(%dma_start3A_14 : memref<512xi32, #tpu.memory_space<smem>>) target_semaphore(%arg12 : memref<!tpu.dma_semaphore, #tpu.memory_space<semaphore_mem>>)
    %dma_wait3A_18 = arith.constant 0 : i32
    %dma_wait3A_19 = arith.constant 0 : i32
    %dma_wait3A_20 = tpu.memref_slice %arg8[%dma_wait3A_18, %dma_wait3A_19] : memref<2x512xi32, #tpu.memory_space<smem>> -> memref<1x512xi32, #tpu.memory_space<smem>>
    %dma_wait3A_21 = tpu.memref_squeeze %dma_wait3A_20 : memref<1x512xi32, #tpu.memory_space<smem>> -> memref<512xi32, #tpu.memory_space<smem>>
    %dma_wait3A_22 = arith.constant 0 : i32
    %dma_wait3A_23 = tpu.memref_slice %arg6[%arg1, %dma_wait3A_22] : memref<16x25600xi32, #tpu.memory_space<vmem_shared>> -> memref<1x512xi32, #tpu.memory_space<vmem_shared>>
    %dma_wait3A_24 = tpu.memref_squeeze %dma_wait3A_23 : memref<1x512xi32, #tpu.memory_space<vmem_shared>> -> memref<512xi32, #tpu.memory_space<vmem_shared>>
    tpu.wait_dma2 semaphore(%arg12 : memref<!tpu.dma_semaphore, #tpu.memory_space<semaphore_mem>>) src(%dma_wait3A_24 : memref<512xi32, #tpu.memory_space<vmem_shared>>) dst(%dma_wait3A_21 : memref<512xi32, #tpu.memory_space<smem>>)
    %dma_start3A_25 = arith.constant 1 : i32
    %dma_start3A_26 = arith.constant 0 : i32
    %dma_start3A_27 = tpu.memref_slice %arg8[%dma_start3A_25, %dma_start3A_26] : memref<2x512xi32, #tpu.memory_space<smem>> -> memref<1x512xi32, #tpu.memory_space<smem>>
    %dma_start3A_28 = tpu.memref_squeeze %dma_start3A_27 : memref<1x512xi32, #tpu.memory_space<smem>> -> memref<512xi32, #tpu.memory_space<smem>>
    %dma_start3A_29 = arith.constant 512 : i32
    %dma_start3A_30 = tpu.memref_slice %arg6[%arg1, %dma_start3A_29] : memref<16x25600xi32, #tpu.memory_space<vmem_shared>> -> memref<1x512xi32, #tpu.memory_space<vmem_shared>>
    %dma_start3A_31 = tpu.memref_squeeze %dma_start3A_30 : memref<1x512xi32, #tpu.memory_space<vmem_shared>> -> memref<512xi32, #tpu.memory_space<vmem_shared>>
    tpu.enqueue_dma source(%dma_start3A_31 : memref<512xi32, #tpu.memory_space<vmem_shared>>) target(%dma_start3A_28 : memref<512xi32, #tpu.memory_space<smem>>) target_semaphore(%arg13 : memref<!tpu.dma_semaphore, #tpu.memory_space<semaphore_mem>>)
    %parallel_loop3A = arith.constant 0 : i32
    %parallel_loop3A_32 = arith.constant 128 : i32
    %parallel_loop3A_33 = arith.constant 1 : i32
    scf.for %parallel_loop3A_163 = %parallel_loop3A to %parallel_loop3A_32 step %parallel_loop3A_33  : i32 {
      %parallel_loop3A_164 = arith.constant 0 : i32
      %parallel_loop3A_165 = arith.addi %parallel_loop3A_164, %parallel_loop3A_163 : i32
      %parallel_loop3A_166 = arith.constant 0 : i32
      %parallel_loop3A_167 = arith.index_cast %parallel_loop3A_166 : i32 to index
      %parallel_loop3A_168 = arith.index_cast %parallel_loop3A_165 : i32 to index
      %parallel_loop3A_169 = memref.load %arg8[%parallel_loop3A_167, %parallel_loop3A_168] : memref<2x512xi32, #tpu.memory_space<smem>>
      %parallel_loop3A_170 = arith.constant 1000 : i32
      %parallel_loop3A_171 = arith.cmpi sgt, %parallel_loop3A_169, %parallel_loop3A_170 : i32
      %parallel_loop3A_172 = arith.constant 512 : i32
      %parallel_loop3A_173 = arith.minsi %parallel_loop3A_169, %parallel_loop3A_172 : i32
      %parallel_loop3A_174 = arith.constant 513 : i32
      %parallel_loop3A_175 = arith.select %parallel_loop3A_171, %parallel_loop3A_174, %parallel_loop3A_173 : i32
      %parallel_loop3A_176 = arith.index_cast %parallel_loop3A_175 : i32 to index
      %parallel_loop3A_177 = arith.constant 0 : index
      %parallel_loop3A_178 = tpu.vector_load %arg7[%parallel_loop3A_176, %parallel_loop3A_177] {strides = array<i32>} : memref<514x128xf32, #tpu.memory_space<vmem>>, vector<1x16xf32>,
      %parallel_loop3A_179 = vector.shape_cast %parallel_loop3A_178 : vector<1x16xf32> to vector<16xf32>
      %parallel_loop3A_180 = arith.index_cast %parallel_loop3A_163 : i32 to index
      %parallel_loop3A_181 = arith.constant 0 : index
      %parallel_loop3A_182 = tpu.vector_load %arg9[%parallel_loop3A_180, %parallel_loop3A_181] {strides = array<i32>} : memref<128x128xf32, #tpu.memory_space<vmem>>, vector<1x16xf32>,
      %parallel_loop3A_183 = vector.shape_cast %parallel_loop3A_182 : vector<1x16xf32> to vector<16xf32>
      %parallel_loop3A_184 = vector.shape_cast %parallel_loop3A_179 : vector<16xf32> to vector<1x16xf32>
      tpu.vector_store %arg9[%parallel_loop3A_180, %parallel_loop3A_181], %parallel_loop3A_184 {strides = array<i32>} : memref<128x128xf32, #tpu.memory_space<vmem>>, vector<1x16xf32>,
      %parallel_loop3A_185 = arith.index_cast %parallel_loop3A_175 : i32 to index
      %parallel_loop3A_186 = arith.constant 16 : index
      %parallel_loop3A_187 = tpu.vector_load %arg7[%parallel_loop3A_185, %parallel_loop3A_186] {strides = array<i32>} : memref<514x128xf32, #tpu.memory_space<vmem>>, vector<1x16xf32>,
      %parallel_loop3A_188 = vector.shape_cast %parallel_loop3A_187 : vector<1x16xf32> to vector<16xf32>
      %parallel_loop3A_189 = arith.index_cast %parallel_loop3A_163 : i32 to index
      %parallel_loop3A_190 = arith.constant 16 : index
      %parallel_loop3A_191 = tpu.vector_load %arg9[%parallel_loop3A_189, %parallel_loop3A_190] {strides = array<i32>} : memref<128x128xf32, #tpu.memory_space<vmem>>, vector<1x16xf32>,
      %parallel_loop3A_192 = vector.shape_cast %parallel_loop3A_191 : vector<1x16xf32> to vector<16xf32>
      %parallel_loop3A_193 = vector.shape_cast %parallel_loop3A_188 : vector<16xf32> to vector<1x16xf32>
      tpu.vector_store %arg9[%parallel_loop3A_189, %parallel_loop3A_190], %parallel_loop3A_193 {strides = array<i32>} : memref<128x128xf32, #tpu.memory_space<vmem>>, vector<1x16xf32>,
      %parallel_loop3A_194 = arith.index_cast %parallel_loop3A_175 : i32 to index
      %parallel_loop3A_195 = arith.constant 32 : index
      %parallel_loop3A_196 = tpu.vector_load %arg7[%parallel_loop3A_194, %parallel_loop3A_195] {strides = array<i32>} : memref<514x128xf32, #tpu.memory_space<vmem>>, vector<1x16xf32>,
      %parallel_loop3A_197 = vector.shape_cast %parallel_loop3A_196 : vector<1x16xf32> to vector<16xf32>
      %parallel_loop3A_198 = arith.index_cast %parallel_loop3A_163 : i32 to index
      %parallel_loop3A_199 = arith.constant 32 : index
      %parallel_loop3A_200 = tpu.vector_load %arg9[%parallel_loop3A_198, %parallel_loop3A_199] {strides = array<i32>} : memref<128x128xf32, #tpu.memory_space<vmem>>, vector<1x16xf32>,
      %parallel_loop3A_201 = vector.shape_cast %parallel_loop3A_200 : vector<1x16xf32> to vector<16xf32>
      %parallel_loop3A_202 = vector.shape_cast %parallel_loop3A_197 : vector<16xf32> to vector<1x16xf32>
      tpu.vector_store %arg9[%parallel_loop3A_198, %parallel_loop3A_199], %parallel_loop3A_202 {strides = array<i32>} : memref<128x128xf32, #tpu.memory_space<vmem>>, vector<1x16xf32>,
      %parallel_loop3A_203 = arith.index_cast %parallel_loop3A_175 : i32 to index
      %parallel_loop3A_204 = arith.constant 48 : index
      %parallel_loop3A_205 = tpu.vector_load %arg7[%parallel_loop3A_203, %parallel_loop3A_204] {strides = array<i32>} : memref<514x128xf32, #tpu.memory_space<vmem>>, vector<1x16xf32>,
      %parallel_loop3A_206 = vector.shape_cast %parallel_loop3A_205 : vector<1x16xf32> to vector<16xf32>
      %parallel_loop3A_207 = arith.index_cast %parallel_loop3A_163 : i32 to index
      %parallel_loop3A_208 = arith.constant 48 : index
      %parallel_loop3A_209 = tpu.vector_load %arg9[%parallel_loop3A_207, %parallel_loop3A_208] {strides = array<i32>} : memref<128x128xf32, #tpu.memory_space<vmem>>, vector<1x16xf32>,
      %parallel_loop3A_210 = vector.shape_cast %parallel_loop3A_209 : vector<1x16xf32> to vector<16xf32>
      %parallel_loop3A_211 = vector.shape_cast %parallel_loop3A_206 : vector<16xf32> to vector<1x16xf32>
      tpu.vector_store %arg9[%parallel_loop3A_207, %parallel_loop3A_208], %parallel_loop3A_211 {strides = array<i32>} : memref<128x128xf32, #tpu.memory_space<vmem>>, vector<1x16xf32>,
      %parallel_loop3A_212 = arith.index_cast %parallel_loop3A_175 : i32 to index
      %parallel_loop3A_213 = arith.constant 64 : index
      %parallel_loop3A_214 = tpu.vector_load %arg7[%parallel_loop3A_212, %parallel_loop3A_213] {strides = array<i32>} : memref<514x128xf32, #tpu.memory_space<vmem>>, vector<1x16xf32>,
      %parallel_loop3A_215 = vector.shape_cast %parallel_loop3A_214 : vector<1x16xf32> to vector<16xf32>
      %parallel_loop3A_216 = arith.index_cast %parallel_loop3A_163 : i32 to index
      %parallel_loop3A_217 = arith.constant 64 : index
      %parallel_loop3A_218 = tpu.vector_load %arg9[%parallel_loop3A_216, %parallel_loop3A_217] {strides = array<i32>} : memref<128x128xf32, #tpu.memory_space<vmem>>, vector<1x16xf32>,
      %parallel_loop3A_219 = vector.shape_cast %parallel_loop3A_218 : vector<1x16xf32> to vector<16xf32>
      %parallel_loop3A_220 = vector.shape_cast %parallel_loop3A_215 : vector<16xf32> to vector<1x16xf32>
      tpu.vector_store %arg9[%parallel_loop3A_216, %parallel_loop3A_217], %parallel_loop3A_220 {strides = array<i32>} : memref<128x128xf32, #tpu.memory_space<vmem>>, vector<1x16xf32>,
      %parallel_loop3A_221 = arith.index_cast %parallel_loop3A_175 : i32 to index
      %parallel_loop3A_222 = arith.constant 80 : index
      %parallel_loop3A_223 = tpu.vector_load %arg7[%parallel_loop3A_221, %parallel_loop3A_222] {strides = array<i32>} : memref<514x128xf32, #tpu.memory_space<vmem>>, vector<1x16xf32>,
      %parallel_loop3A_224 = vector.shape_cast %parallel_loop3A_223 : vector<1x16xf32> to vector<16xf32>
      %parallel_loop3A_225 = arith.index_cast %parallel_loop3A_163 : i32 to index
      %parallel_loop3A_226 = arith.constant 80 : index
      %parallel_loop3A_227 = tpu.vector_load %arg9[%parallel_loop3A_225, %parallel_loop3A_226] {strides = array<i32>} : memref<128x128xf32, #tpu.memory_space<vmem>>, vector<1x16xf32>,
      %parallel_loop3A_228 = vector.shape_cast %parallel_loop3A_227 : vector<1x16xf32> to vector<16xf32>
      %parallel_loop3A_229 = vector.shape_cast %parallel_loop3A_224 : vector<16xf32> to vector<1x16xf32>
      tpu.vector_store %arg9[%parallel_loop3A_225, %parallel_loop3A_226], %parallel_loop3A_229 {strides = array<i32>} : memref<128x128xf32, #tpu.memory_space<vmem>>, vector<1x16xf32>,
      %parallel_loop3A_230 = arith.index_cast %parallel_loop3A_175 : i32 to index
      %parallel_loop3A_231 = arith.constant 96 : index
      %parallel_loop3A_232 = tpu.vector_load %arg7[%parallel_loop3A_230, %parallel_loop3A_231] {strides = array<i32>} : memref<514x128xf32, #tpu.memory_space<vmem>>, vector<1x16xf32>,
      %parallel_loop3A_233 = vector.shape_cast %parallel_loop3A_232 : vector<1x16xf32> to vector<16xf32>
      %parallel_loop3A_234 = arith.index_cast %parallel_loop3A_163 : i32 to index
      %parallel_loop3A_235 = arith.constant 96 : index
      %parallel_loop3A_236 = tpu.vector_load %arg9[%parallel_loop3A_234, %parallel_loop3A_235] {strides = array<i32>} : memref<128x128xf32, #tpu.memory_space<vmem>>, vector<1x16xf32>,
      %parallel_loop3A_237 = vector.shape_cast %parallel_loop3A_236 : vector<1x16xf32> to vector<16xf32>
      %parallel_loop3A_238 = vector.shape_cast %parallel_loop3A_233 : vector<16xf32> to vector<1x16xf32>
      tpu.vector_store %arg9[%parallel_loop3A_234, %parallel_loop3A_235], %parallel_loop3A_238 {strides = array<i32>} : memref<128x128xf32, #tpu.memory_space<vmem>>, vector<1x16xf32>,
      %parallel_loop3A_239 = arith.index_cast %parallel_loop3A_175 : i32 to index
      %parallel_loop3A_240 = arith.constant 112 : index
      %parallel_loop3A_241 = tpu.vector_load %arg7[%parallel_loop3A_239, %parallel_loop3A_240] {strides = array<i32>} : memref<514x128xf32, #tpu.memory_space<vmem>>, vector<1x16xf32>,
      %parallel_loop3A_242 = vector.shape_cast %parallel_loop3A_241 : vector<1x16xf32> to vector<16xf32>
      %parallel_loop3A_243 = arith.index_cast %parallel_loop3A_163 : i32 to index
      %parallel_loop3A_244 = arith.constant 112 : index
      %parallel_loop3A_245 = tpu.vector_load %arg9[%parallel_loop3A_243, %parallel_loop3A_244] {strides = array<i32>} : memref<128x128xf32, #tpu.memory_space<vmem>>, vector<1x16xf32>,
      %parallel_loop3A_246 = vector.shape_cast %parallel_loop3A_245 : vector<1x16xf32> to vector<16xf32>
      %parallel_loop3A_247 = vector.shape_cast %parallel_loop3A_242 : vector<16xf32> to vector<1x16xf32>
      tpu.vector_store %arg9[%parallel_loop3A_243, %parallel_loop3A_244], %parallel_loop3A_247 {strides = array<i32>} : memref<128x128xf32, #tpu.memory_space<vmem>>, vector<1x16xf32>,
    } {sc.loop_unroll_factor = 8 : i64, sc.parallel_access}
    %add3A_34 = arith.constant 0 : i32
    %add3A_35 = arith.addi %mul3A_2, %add3A_34 : i32
    %dma_start3A_36 = arith.constant 0 : i32
    %dma_start3A_37 = tpu.memref_slice %arg4[%add3A_35, %dma_start3A_36] : memref<819200x128xf32, #tpu.memory_space<hbm>> -> memref<128x128xf32, #tpu.memory_space<hbm>>
    %dma_start3A_38 = arith.constant 0 : i32
    %dma_start3A_39 = tpu.memref_slice %arg4[%add3A_35, %dma_start3A_38] : memref<819200x128xf32, #tpu.memory_space<hbm>> -> memref<128x128xf32, #tpu.memory_space<hbm>>
    tpu.enqueue_dma source(%arg9 : memref<128x128xf32, #tpu.memory_space<vmem>>) target(%dma_start3A_39 : memref<128x128xf32, #tpu.memory_space<hbm>>) target_semaphore(%arg14 : memref<!tpu.dma_semaphore, #tpu.memory_space<semaphore_mem>>)
    %parallel_loop3A_40 = arith.constant 0 : i32
    %parallel_loop3A_41 = arith.constant 128 : i32
    %parallel_loop3A_42 = arith.constant 1 : i32
    scf.for %parallel_loop3A_163 = %parallel_loop3A_40 to %parallel_loop3A_41 step %parallel_loop3A_42  : i32 {
      %parallel_loop3A_164 = arith.constant 128 : i32
      %parallel_loop3A_165 = arith.addi %parallel_loop3A_164, %parallel_loop3A_163 : i32
      %parallel_loop3A_166 = arith.constant 0 : i32
      %parallel_loop3A_167 = arith.index_cast %parallel_loop3A_166 : i32 to index
      %parallel_loop3A_168 = arith.index_cast %parallel_loop3A_165 : i32 to index
      %parallel_loop3A_169 = memref.load %arg8[%parallel_loop3A_167, %parallel_loop3A_168] : memref<2x512xi32, #tpu.memory_space<smem>>
      %parallel_loop3A_170 = arith.constant 1000 : i32
      %parallel_loop3A_171 = arith.cmpi sgt, %parallel_loop3A_169, %parallel_loop3A_170 : i32
      %parallel_loop3A_172 = arith.constant 512 : i32
      %parallel_loop3A_173 = arith.minsi %parallel_loop3A_169, %parallel_loop3A_172 : i32
      %parallel_loop3A_174 = arith.constant 513 : i32
      %parallel_loop3A_175 = arith.select %parallel_loop3A_171, %parallel_loop3A_174, %parallel_loop3A_173 : i32
      %parallel_loop3A_176 = arith.index_cast %parallel_loop3A_175 : i32 to index
      %parallel_loop3A_177 = arith.constant 0 : index
      %parallel_loop3A_178 = tpu.vector_load %arg7[%parallel_loop3A_176, %parallel_loop3A_177] {strides = array<i32>} : memref<514x128xf32, #tpu.memory_space<vmem>>, vector<1x16xf32>,
      %parallel_loop3A_179 = vector.shape_cast %parallel_loop3A_178 : vector<1x16xf32> to vector<16xf32>
      %parallel_loop3A_180 = arith.index_cast %parallel_loop3A_163 : i32 to index
      %parallel_loop3A_181 = arith.constant 0 : index
      %parallel_loop3A_182 = tpu.vector_load %arg10[%parallel_loop3A_180, %parallel_loop3A_181] {strides = array<i32>} : memref<128x128xf32, #tpu.memory_space<vmem>>, vector<1x16xf32>,
      %parallel_loop3A_183 = vector.shape_cast %parallel_loop3A_182 : vector<1x16xf32> to vector<16xf32>
      %parallel_loop3A_184 = vector.shape_cast %parallel_loop3A_179 : vector<16xf32> to vector<1x16xf32>
      tpu.vector_store %arg10[%parallel_loop3A_180, %parallel_loop3A_181], %parallel_loop3A_184 {strides = array<i32>} : memref<128x128xf32, #tpu.memory_space<vmem>>, vector<1x16xf32>,
      %parallel_loop3A_185 = arith.index_cast %parallel_loop3A_175 : i32 to index
      %parallel_loop3A_186 = arith.constant 16 : index
      %parallel_loop3A_187 = tpu.vector_load %arg7[%parallel_loop3A_185, %parallel_loop3A_186] {strides = array<i32>} : memref<514x128xf32, #tpu.memory_space<vmem>>, vector<1x16xf32>,
      %parallel_loop3A_188 = vector.shape_cast %parallel_loop3A_187 : vector<1x16xf32> to vector<16xf32>
      %parallel_loop3A_189 = arith.index_cast %parallel_loop3A_163 : i32 to index
      %parallel_loop3A_190 = arith.constant 16 : index
      %parallel_loop3A_191 = tpu.vector_load %arg10[%parallel_loop3A_189, %parallel_loop3A_190] {strides = array<i32>} : memref<128x128xf32, #tpu.memory_space<vmem>>, vector<1x16xf32>,
      %parallel_loop3A_192 = vector.shape_cast %parallel_loop3A_191 : vector<1x16xf32> to vector<16xf32>
      %parallel_loop3A_193 = vector.shape_cast %parallel_loop3A_188 : vector<16xf32> to vector<1x16xf32>
      tpu.vector_store %arg10[%parallel_loop3A_189, %parallel_loop3A_190], %parallel_loop3A_193 {strides = array<i32>} : memref<128x128xf32, #tpu.memory_space<vmem>>, vector<1x16xf32>,
      %parallel_loop3A_194 = arith.index_cast %parallel_loop3A_175 : i32 to index
      %parallel_loop3A_195 = arith.constant 32 : index
      %parallel_loop3A_196 = tpu.vector_load %arg7[%parallel_loop3A_194, %parallel_loop3A_195] {strides = array<i32>} : memref<514x128xf32, #tpu.memory_space<vmem>>, vector<1x16xf32>,
      %parallel_loop3A_197 = vector.shape_cast %parallel_loop3A_196 : vector<1x16xf32> to vector<16xf32>
      %parallel_loop3A_198 = arith.index_cast %parallel_loop3A_163 : i32 to index
      %parallel_loop3A_199 = arith.constant 32 : index
      %parallel_loop3A_200 = tpu.vector_load %arg10[%parallel_loop3A_198, %parallel_loop3A_199] {strides = array<i32>} : memref<128x128xf32, #tpu.memory_space<vmem>>, vector<1x16xf32>,
      %parallel_loop3A_201 = vector.shape_cast %parallel_loop3A_200 : vector<1x16xf32> to vector<16xf32>
      %parallel_loop3A_202 = vector.shape_cast %parallel_loop3A_197 : vector<16xf32> to vector<1x16xf32>
      tpu.vector_store %arg10[%parallel_loop3A_198, %parallel_loop3A_199], %parallel_loop3A_202 {strides = array<i32>} : memref<128x128xf32, #tpu.memory_space<vmem>>, vector<1x16xf32>,
      %parallel_loop3A_203 = arith.index_cast %parallel_loop3A_175 : i32 to index
      %parallel_loop3A_204 = arith.constant 48 : index
      %parallel_loop3A_205 = tpu.vector_load %arg7[%parallel_loop3A_203, %parallel_loop3A_204] {strides = array<i32>} : memref<514x128xf32, #tpu.memory_space<vmem>>, vector<1x16xf32>,
      %parallel_loop3A_206 = vector.shape_cast %parallel_loop3A_205 : vector<1x16xf32> to vector<16xf32>
      %parallel_loop3A_207 = arith.index_cast %parallel_loop3A_163 : i32 to index
      %parallel_loop3A_208 = arith.constant 48 : index
      %parallel_loop3A_209 = tpu.vector_load %arg10[%parallel_loop3A_207, %parallel_loop3A_208] {strides = array<i32>} : memref<128x128xf32, #tpu.memory_space<vmem>>, vector<1x16xf32>,
      %parallel_loop3A_210 = vector.shape_cast %parallel_loop3A_209 : vector<1x16xf32> to vector<16xf32>
      %parallel_loop3A_211 = vector.shape_cast %parallel_loop3A_206 : vector<16xf32> to vector<1x16xf32>
      tpu.vector_store %arg10[%parallel_loop3A_207, %parallel_loop3A_208], %parallel_loop3A_211 {strides = array<i32>} : memref<128x128xf32, #tpu.memory_space<vmem>>, vector<1x16xf32>,
      %parallel_loop3A_212 = arith.index_cast %parallel_loop3A_175 : i32 to index
      %parallel_loop3A_213 = arith.constant 64 : index
      %parallel_loop3A_214 = tpu.vector_load %arg7[%parallel_loop3A_212, %parallel_loop3A_213] {strides = array<i32>} : memref<514x128xf32, #tpu.memory_space<vmem>>, vector<1x16xf32>,
      %parallel_loop3A_215 = vector.shape_cast %parallel_loop3A_214 : vector<1x16xf32> to vector<16xf32>
      %parallel_loop3A_216 = arith.index_cast %parallel_loop3A_163 : i32 to index
      %parallel_loop3A_217 = arith.constant 64 : index
      %parallel_loop3A_218 = tpu.vector_load %arg10[%parallel_loop3A_216, %parallel_loop3A_217] {strides = array<i32>} : memref<128x128xf32, #tpu.memory_space<vmem>>, vector<1x16xf32>,
      %parallel_loop3A_219 = vector.shape_cast %parallel_loop3A_218 : vector<1x16xf32> to vector<16xf32>
      %parallel_loop3A_220 = vector.shape_cast %parallel_loop3A_215 : vector<16xf32> to vector<1x16xf32>
      tpu.vector_store %arg10[%parallel_loop3A_216, %parallel_loop3A_217], %parallel_loop3A_220 {strides = array<i32>} : memref<128x128xf32, #tpu.memory_space<vmem>>, vector<1x16xf32>,
      %parallel_loop3A_221 = arith.index_cast %parallel_loop3A_175 : i32 to index
      %parallel_loop3A_222 = arith.constant 80 : index
      %parallel_loop3A_223 = tpu.vector_load %arg7[%parallel_loop3A_221, %parallel_loop3A_222] {strides = array<i32>} : memref<514x128xf32, #tpu.memory_space<vmem>>, vector<1x16xf32>,
      %parallel_loop3A_224 = vector.shape_cast %parallel_loop3A_223 : vector<1x16xf32> to vector<16xf32>
      %parallel_loop3A_225 = arith.index_cast %parallel_loop3A_163 : i32 to index
      %parallel_loop3A_226 = arith.constant 80 : index
      %parallel_loop3A_227 = tpu.vector_load %arg10[%parallel_loop3A_225, %parallel_loop3A_226] {strides = array<i32>} : memref<128x128xf32, #tpu.memory_space<vmem>>, vector<1x16xf32>,
      %parallel_loop3A_228 = vector.shape_cast %parallel_loop3A_227 : vector<1x16xf32> to vector<16xf32>
      %parallel_loop3A_229 = vector.shape_cast %parallel_loop3A_224 : vector<16xf32> to vector<1x16xf32>
      tpu.vector_store %arg10[%parallel_loop3A_225, %parallel_loop3A_226], %parallel_loop3A_229 {strides = array<i32>} : memref<128x128xf32, #tpu.memory_space<vmem>>, vector<1x16xf32>,
      %parallel_loop3A_230 = arith.index_cast %parallel_loop3A_175 : i32 to index
      %parallel_loop3A_231 = arith.constant 96 : index
      %parallel_loop3A_232 = tpu.vector_load %arg7[%parallel_loop3A_230, %parallel_loop3A_231] {strides = array<i32>} : memref<514x128xf32, #tpu.memory_space<vmem>>, vector<1x16xf32>,
      %parallel_loop3A_233 = vector.shape_cast %parallel_loop3A_232 : vector<1x16xf32> to vector<16xf32>
      %parallel_loop3A_234 = arith.index_cast %parallel_loop3A_163 : i32 to index
      %parallel_loop3A_235 = arith.constant 96 : index
      %parallel_loop3A_236 = tpu.vector_load %arg10[%parallel_loop3A_234, %parallel_loop3A_235] {strides = array<i32>} : memref<128x128xf32, #tpu.memory_space<vmem>>, vector<1x16xf32>,
      %parallel_loop3A_237 = vector.shape_cast %parallel_loop3A_236 : vector<1x16xf32> to vector<16xf32>
      %parallel_loop3A_238 = vector.shape_cast %parallel_loop3A_233 : vector<16xf32> to vector<1x16xf32>
      tpu.vector_store %arg10[%parallel_loop3A_234, %parallel_loop3A_235], %parallel_loop3A_238 {strides = array<i32>} : memref<128x128xf32, #tpu.memory_space<vmem>>, vector<1x16xf32>,
      %parallel_loop3A_239 = arith.index_cast %parallel_loop3A_175 : i32 to index
      %parallel_loop3A_240 = arith.constant 112 : index
      %parallel_loop3A_241 = tpu.vector_load %arg7[%parallel_loop3A_239, %parallel_loop3A_240] {strides = array<i32>} : memref<514x128xf32, #tpu.memory_space<vmem>>, vector<1x16xf32>,
      %parallel_loop3A_242 = vector.shape_cast %parallel_loop3A_241 : vector<1x16xf32> to vector<16xf32>
      %parallel_loop3A_243 = arith.index_cast %parallel_loop3A_163 : i32 to index
      %parallel_loop3A_244 = arith.constant 112 : index
      %parallel_loop3A_245 = tpu.vector_load %arg10[%parallel_loop3A_243, %parallel_loop3A_244] {strides = array<i32>} : memref<128x128xf32, #tpu.memory_space<vmem>>, vector<1x16xf32>,
      %parallel_loop3A_246 = vector.shape_cast %parallel_loop3A_245 : vector<1x16xf32> to vector<16xf32>
      %parallel_loop3A_247 = vector.shape_cast %parallel_loop3A_242 : vector<16xf32> to vector<1x16xf32>
      tpu.vector_store %arg10[%parallel_loop3A_243, %parallel_loop3A_244], %parallel_loop3A_247 {strides = array<i32>} : memref<128x128xf32, #tpu.memory_space<vmem>>, vector<1x16xf32>,
    } {sc.loop_unroll_factor = 8 : i64, sc.parallel_access}
    %add3A_43 = arith.constant 128 : i32
    %add3A_44 = arith.addi %mul3A_2, %add3A_43 : i32
    %dma_start3A_45 = arith.constant 0 : i32
    %dma_start3A_46 = tpu.memref_slice %arg4[%add3A_44, %dma_start3A_45] : memref<819200x128xf32, #tpu.memory_space<hbm>> -> memref<128x128xf32, #tpu.memory_space<hbm>>
    %dma_start3A_47 = arith.constant 0 : i32
    %dma_start3A_48 = tpu.memref_slice %arg4[%add3A_44, %dma_start3A_47] : memref<819200x128xf32, #tpu.memory_space<hbm>> -> memref<128x128xf32, #tpu.memory_space<hbm>>
    tpu.enqueue_dma source(%arg10 : memref<128x128xf32, #tpu.memory_space<vmem>>) target(%dma_start3A_48 : memref<128x128xf32, #tpu.memory_space<hbm>>) target_semaphore(%arg15 : memref<!tpu.dma_semaphore, #tpu.memory_space<semaphore_mem>>)
    %add3A_49 = arith.constant 0 : i32
    %add3A_50 = arith.addi %mul3A_2, %add3A_49 : i32
    %dma_wait3A_51 = arith.constant 0 : i32
    %dma_wait3A_52 = tpu.memref_slice %arg4[%add3A_50, %dma_wait3A_51] : memref<819200x128xf32, #tpu.memory_space<hbm>> -> memref<128x128xf32, #tpu.memory_space<hbm>>
    %dma_wait3A_53 = arith.constant 0 : i32
    %dma_wait3A_54 = tpu.memref_slice %arg4[%add3A_50, %dma_wait3A_53] : memref<819200x128xf32, #tpu.memory_space<hbm>> -> memref<128x128xf32, #tpu.memory_space<hbm>>
    tpu.wait_dma2 semaphore(%arg14 : memref<!tpu.dma_semaphore, #tpu.memory_space<semaphore_mem>>) src(%arg9 : memref<128x128xf32, #tpu.memory_space<vmem>>) dst(%dma_wait3A_54 : memref<128x128xf32, #tpu.memory_space<hbm>>)
    %parallel_loop3A_55 = arith.constant 0 : i32
    %parallel_loop3A_56 = arith.constant 128 : i32
    %parallel_loop3A_57 = arith.constant 1 : i32
    scf.for %parallel_loop3A_163 = %parallel_loop3A_55 to %parallel_loop3A_56 step %parallel_loop3A_57  : i32 {
      %parallel_loop3A_164 = arith.constant 256 : i32
      %parallel_loop3A_165 = arith.addi %parallel_loop3A_164, %parallel_loop3A_163 : i32
      %parallel_loop3A_166 = arith.constant 0 : i32
      %parallel_loop3A_167 = arith.index_cast %parallel_loop3A_166 : i32 to index
      %parallel_loop3A_168 = arith.index_cast %parallel_loop3A_165 : i32 to index
      %parallel_loop3A_169 = memref.load %arg8[%parallel_loop3A_167, %parallel_loop3A_168] : memref<2x512xi32, #tpu.memory_space<smem>>
      %parallel_loop3A_170 = arith.constant 1000 : i32
      %parallel_loop3A_171 = arith.cmpi sgt, %parallel_loop3A_169, %parallel_loop3A_170 : i32
      %parallel_loop3A_172 = arith.constant 512 : i32
      %parallel_loop3A_173 = arith.minsi %parallel_loop3A_169, %parallel_loop3A_172 : i32
      %parallel_loop3A_174 = arith.constant 513 : i32
      %parallel_loop3A_175 = arith.select %parallel_loop3A_171, %parallel_loop3A_174, %parallel_loop3A_173 : i32
      %parallel_loop3A_176 = arith.index_cast %parallel_loop3A_175 : i32 to index
      %parallel_loop3A_177 = arith.constant 0 : index
      %parallel_loop3A_178 = tpu.vector_load %arg7[%parallel_loop3A_176, %parallel_loop3A_177] {strides = array<i32>} : memref<514x128xf32, #tpu.memory_space<vmem>>, vector<1x16xf32>,
      %parallel_loop3A_179 = vector.shape_cast %parallel_loop3A_178 : vector<1x16xf32> to vector<16xf32>
      %parallel_loop3A_180 = arith.index_cast %parallel_loop3A_163 : i32 to index
      %parallel_loop3A_181 = arith.constant 0 : index
      %parallel_loop3A_182 = tpu.vector_load %arg9[%parallel_loop3A_180, %parallel_loop3A_181] {strides = array<i32>} : memref<128x128xf32, #tpu.memory_space<vmem>>, vector<1x16xf32>,
      %parallel_loop3A_183 = vector.shape_cast %parallel_loop3A_182 : vector<1x16xf32> to vector<16xf32>
      %parallel_loop3A_184 = vector.shape_cast %parallel_loop3A_179 : vector<16xf32> to vector<1x16xf32>
      tpu.vector_store %arg9[%parallel_loop3A_180, %parallel_loop3A_181], %parallel_loop3A_184 {strides = array<i32>} : memref<128x128xf32, #tpu.memory_space<vmem>>, vector<1x16xf32>,
      %parallel_loop3A_185 = arith.index_cast %parallel_loop3A_175 : i32 to index
      %parallel_loop3A_186 = arith.constant 16 : index
      %parallel_loop3A_187 = tpu.vector_load %arg7[%parallel_loop3A_185, %parallel_loop3A_186] {strides = array<i32>} : memref<514x128xf32, #tpu.memory_space<vmem>>, vector<1x16xf32>,
      %parallel_loop3A_188 = vector.shape_cast %parallel_loop3A_187 : vector<1x16xf32> to vector<16xf32>
      %parallel_loop3A_189 = arith.index_cast %parallel_loop3A_163 : i32 to index
      %parallel_loop3A_190 = arith.constant 16 : index
      %parallel_loop3A_191 = tpu.vector_load %arg9[%parallel_loop3A_189, %parallel_loop3A_190] {strides = array<i32>} : memref<128x128xf32, #tpu.memory_space<vmem>>, vector<1x16xf32>,
      %parallel_loop3A_192 = vector.shape_cast %parallel_loop3A_191 : vector<1x16xf32> to vector<16xf32>
      %parallel_loop3A_193 = vector.shape_cast %parallel_loop3A_188 : vector<16xf32> to vector<1x16xf32>
      tpu.vector_store %arg9[%parallel_loop3A_189, %parallel_loop3A_190], %parallel_loop3A_193 {strides = array<i32>} : memref<128x128xf32, #tpu.memory_space<vmem>>, vector<1x16xf32>,
      %parallel_loop3A_194 = arith.index_cast %parallel_loop3A_175 : i32 to index
      %parallel_loop3A_195 = arith.constant 32 : index
      %parallel_loop3A_196 = tpu.vector_load %arg7[%parallel_loop3A_194, %parallel_loop3A_195] {strides = array<i32>} : memref<514x128xf32, #tpu.memory_space<vmem>>, vector<1x16xf32>,
      %parallel_loop3A_197 = vector.shape_cast %parallel_loop3A_196 : vector<1x16xf32> to vector<16xf32>
      %parallel_loop3A_198 = arith.index_cast %parallel_loop3A_163 : i32 to index
      %parallel_loop3A_199 = arith.constant 32 : index
      %parallel_loop3A_200 = tpu.vector_load %arg9[%parallel_loop3A_198, %parallel_loop3A_199] {strides = array<i32>} : memref<128x128xf32, #tpu.memory_space<vmem>>, vector<1x16xf32>,
      %parallel_loop3A_201 = vector.shape_cast %parallel_loop3A_200 : vector<1x16xf32> to vector<16xf32>
      %parallel_loop3A_202 = vector.shape_cast %parallel_loop3A_197 : vector<16xf32> to vector<1x16xf32>
      tpu.vector_store %arg9[%parallel_loop3A_198, %parallel_loop3A_199], %parallel_loop3A_202 {strides = array<i32>} : memref<128x128xf32, #tpu.memory_space<vmem>>, vector<1x16xf32>,
      %parallel_loop3A_203 = arith.index_cast %parallel_loop3A_175 : i32 to index
      %parallel_loop3A_204 = arith.constant 48 : index
      %parallel_loop3A_205 = tpu.vector_load %arg7[%parallel_loop3A_203, %parallel_loop3A_204] {strides = array<i32>} : memref<514x128xf32, #tpu.memory_space<vmem>>, vector<1x16xf32>,
      %parallel_loop3A_206 = vector.shape_cast %parallel_loop3A_205 : vector<1x16xf32> to vector<16xf32>
      %parallel_loop3A_207 = arith.index_cast %parallel_loop3A_163 : i32 to index
      %parallel_loop3A_208 = arith.constant 48 : index
      %parallel_loop3A_209 = tpu.vector_load %arg9[%parallel_loop3A_207, %parallel_loop3A_208] {strides = array<i32>} : memref<128x128xf32, #tpu.memory_space<vmem>>, vector<1x16xf32>,
      %parallel_loop3A_210 = vector.shape_cast %parallel_loop3A_209 : vector<1x16xf32> to vector<16xf32>
      %parallel_loop3A_211 = vector.shape_cast %parallel_loop3A_206 : vector<16xf32> to vector<1x16xf32>
      tpu.vector_store %arg9[%parallel_loop3A_207, %parallel_loop3A_208], %parallel_loop3A_211 {strides = array<i32>} : memref<128x128xf32, #tpu.memory_space<vmem>>, vector<1x16xf32>,
      %parallel_loop3A_212 = arith.index_cast %parallel_loop3A_175 : i32 to index
      %parallel_loop3A_213 = arith.constant 64 : index
      %parallel_loop3A_214 = tpu.vector_load %arg7[%parallel_loop3A_212, %parallel_loop3A_213] {strides = array<i32>} : memref<514x128xf32, #tpu.memory_space<vmem>>, vector<1x16xf32>,
      %parallel_loop3A_215 = vector.shape_cast %parallel_loop3A_214 : vector<1x16xf32> to vector<16xf32>
      %parallel_loop3A_216 = arith.index_cast %parallel_loop3A_163 : i32 to index
      %parallel_loop3A_217 = arith.constant 64 : index
      %parallel_loop3A_218 = tpu.vector_load %arg9[%parallel_loop3A_216, %parallel_loop3A_217] {strides = array<i32>} : memref<128x128xf32, #tpu.memory_space<vmem>>, vector<1x16xf32>,
      %parallel_loop3A_219 = vector.shape_cast %parallel_loop3A_218 : vector<1x16xf32> to vector<16xf32>
      %parallel_loop3A_220 = vector.shape_cast %parallel_loop3A_215 : vector<16xf32> to vector<1x16xf32>
      tpu.vector_store %arg9[%parallel_loop3A_216, %parallel_loop3A_217], %parallel_loop3A_220 {strides = array<i32>} : memref<128x128xf32, #tpu.memory_space<vmem>>, vector<1x16xf32>,
      %parallel_loop3A_221 = arith.index_cast %parallel_loop3A_175 : i32 to index
      %parallel_loop3A_222 = arith.constant 80 : index
      %parallel_loop3A_223 = tpu.vector_load %arg7[%parallel_loop3A_221, %parallel_loop3A_222] {strides = array<i32>} : memref<514x128xf32, #tpu.memory_space<vmem>>, vector<1x16xf32>,
      %parallel_loop3A_224 = vector.shape_cast %parallel_loop3A_223 : vector<1x16xf32> to vector<16xf32>
      %parallel_loop3A_225 = arith.index_cast %parallel_loop3A_163 : i32 to index
      %parallel_loop3A_226 = arith.constant 80 : index
      %parallel_loop3A_227 = tpu.vector_load %arg9[%parallel_loop3A_225, %parallel_loop3A_226] {strides = array<i32>} : memref<128x128xf32, #tpu.memory_space<vmem>>, vector<1x16xf32>,
      %parallel_loop3A_228 = vector.shape_cast %parallel_loop3A_227 : vector<1x16xf32> to vector<16xf32>
      %parallel_loop3A_229 = vector.shape_cast %parallel_loop3A_224 : vector<16xf32> to vector<1x16xf32>
      tpu.vector_store %arg9[%parallel_loop3A_225, %parallel_loop3A_226], %parallel_loop3A_229 {strides = array<i32>} : memref<128x128xf32, #tpu.memory_space<vmem>>, vector<1x16xf32>,
      %parallel_loop3A_230 = arith.index_cast %parallel_loop3A_175 : i32 to index
      %parallel_loop3A_231 = arith.constant 96 : index
      %parallel_loop3A_232 = tpu.vector_load %arg7[%parallel_loop3A_230, %parallel_loop3A_231] {strides = array<i32>} : memref<514x128xf32, #tpu.memory_space<vmem>>, vector<1x16xf32>,
      %parallel_loop3A_233 = vector.shape_cast %parallel_loop3A_232 : vector<1x16xf32> to vector<16xf32>
      %parallel_loop3A_234 = arith.index_cast %parallel_loop3A_163 : i32 to index
      %parallel_loop3A_235 = arith.constant 96 : index
      %parallel_loop3A_236 = tpu.vector_load %arg9[%parallel_loop3A_234, %parallel_loop3A_235] {strides = array<i32>} : memref<128x128xf32, #tpu.memory_space<vmem>>, vector<1x16xf32>,
      %parallel_loop3A_237 = vector.shape_cast %parallel_loop3A_236 : vector<1x16xf32> to vector<16xf32>
      %parallel_loop3A_238 = vector.shape_cast %parallel_loop3A_233 : vector<16xf32> to vector<1x16xf32>
      tpu.vector_store %arg9[%parallel_loop3A_234, %parallel_loop3A_235], %parallel_loop3A_238 {strides = array<i32>} : memref<128x128xf32, #tpu.memory_space<vmem>>, vector<1x16xf32>,
      %parallel_loop3A_239 = arith.index_cast %parallel_loop3A_175 : i32 to index
      %parallel_loop3A_240 = arith.constant 112 : index
      %parallel_loop3A_241 = tpu.vector_load %arg7[%parallel_loop3A_239, %parallel_loop3A_240] {strides = array<i32>} : memref<514x128xf32, #tpu.memory_space<vmem>>, vector<1x16xf32>,
      %parallel_loop3A_242 = vector.shape_cast %parallel_loop3A_241 : vector<1x16xf32> to vector<16xf32>
      %parallel_loop3A_243 = arith.index_cast %parallel_loop3A_163 : i32 to index
      %parallel_loop3A_244 = arith.constant 112 : index
      %parallel_loop3A_245 = tpu.vector_load %arg9[%parallel_loop3A_243, %parallel_loop3A_244] {strides = array<i32>} : memref<128x128xf32, #tpu.memory_space<vmem>>, vector<1x16xf32>,
      %parallel_loop3A_246 = vector.shape_cast %parallel_loop3A_245 : vector<1x16xf32> to vector<16xf32>
      %parallel_loop3A_247 = vector.shape_cast %parallel_loop3A_242 : vector<16xf32> to vector<1x16xf32>
      tpu.vector_store %arg9[%parallel_loop3A_243, %parallel_loop3A_244], %parallel_loop3A_247 {strides = array<i32>} : memref<128x128xf32, #tpu.memory_space<vmem>>, vector<1x16xf32>,
    } {sc.loop_unroll_factor = 8 : i64, sc.parallel_access}
    %add3A_58 = arith.constant 256 : i32
    %add3A_59 = arith.addi %mul3A_2, %add3A_58 : i32
    %dma_start3A_60 = arith.constant 0 : i32
    %dma_start3A_61 = tpu.memref_slice %arg4[%add3A_59, %dma_start3A_60] : memref<819200x128xf32, #tpu.memory_space<hbm>> -> memref<128x128xf32, #tpu.memory_space<hbm>>
    %dma_start3A_62 = arith.constant 0 : i32
    %dma_start3A_63 = tpu.memref_slice %arg4[%add3A_59, %dma_start3A_62] : memref<819200x128xf32, #tpu.memory_space<hbm>> -> memref<128x128xf32, #tpu.memory_space<hbm>>
    tpu.enqueue_dma source(%arg9 : memref<128x128xf32, #tpu.memory_space<vmem>>) target(%dma_start3A_63 : memref<128x128xf32, #tpu.memory_space<hbm>>) target_semaphore(%arg14 : memref<!tpu.dma_semaphore, #tpu.memory_space<semaphore_mem>>)
    %add3A_64 = arith.constant 128 : i32
    %add3A_65 = arith.addi %mul3A_2, %add3A_64 : i32
    %dma_wait3A_66 = arith.constant 0 : i32
    %dma_wait3A_67 = tpu.memref_slice %arg4[%add3A_65, %dma_wait3A_66] : memref<819200x128xf32, #tpu.memory_space<hbm>> -> memref<128x128xf32, #tpu.memory_space<hbm>>
    %dma_wait3A_68 = arith.constant 0 : i32
    %dma_wait3A_69 = tpu.memref_slice %arg4[%add3A_65, %dma_wait3A_68] : memref<819200x128xf32, #tpu.memory_space<hbm>> -> memref<128x128xf32, #tpu.memory_space<hbm>>
    tpu.wait_dma2 semaphore(%arg15 : memref<!tpu.dma_semaphore, #tpu.memory_space<semaphore_mem>>) src(%arg10 : memref<128x128xf32, #tpu.memory_space<vmem>>) dst(%dma_wait3A_69 : memref<128x128xf32, #tpu.memory_space<hbm>>)
    %parallel_loop3A_70 = arith.constant 0 : i32
    %parallel_loop3A_71 = arith.constant 128 : i32
    %parallel_loop3A_72 = arith.constant 1 : i32
    scf.for %parallel_loop3A_163 = %parallel_loop3A_70 to %parallel_loop3A_71 step %parallel_loop3A_72  : i32 {
      %parallel_loop3A_164 = arith.constant 384 : i32
      %parallel_loop3A_165 = arith.addi %parallel_loop3A_164, %parallel_loop3A_163 : i32
      %parallel_loop3A_166 = arith.constant 0 : i32
      %parallel_loop3A_167 = arith.index_cast %parallel_loop3A_166 : i32 to index
      %parallel_loop3A_168 = arith.index_cast %parallel_loop3A_165 : i32 to index
      %parallel_loop3A_169 = memref.load %arg8[%parallel_loop3A_167, %parallel_loop3A_168] : memref<2x512xi32, #tpu.memory_space<smem>>
      %parallel_loop3A_170 = arith.constant 1000 : i32
      %parallel_loop3A_171 = arith.cmpi sgt, %parallel_loop3A_169, %parallel_loop3A_170 : i32
      %parallel_loop3A_172 = arith.constant 512 : i32
      %parallel_loop3A_173 = arith.minsi %parallel_loop3A_169, %parallel_loop3A_172 : i32
      %parallel_loop3A_174 = arith.constant 513 : i32
      %parallel_loop3A_175 = arith.select %parallel_loop3A_171, %parallel_loop3A_174, %parallel_loop3A_173 : i32
      %parallel_loop3A_176 = arith.index_cast %parallel_loop3A_175 : i32 to index
      %parallel_loop3A_177 = arith.constant 0 : index
      %parallel_loop3A_178 = tpu.vector_load %arg7[%parallel_loop3A_176, %parallel_loop3A_177] {strides = array<i32>} : memref<514x128xf32, #tpu.memory_space<vmem>>, vector<1x16xf32>,
      %parallel_loop3A_179 = vector.shape_cast %parallel_loop3A_178 : vector<1x16xf32> to vector<16xf32>
      %parallel_loop3A_180 = arith.index_cast %parallel_loop3A_163 : i32 to index
      %parallel_loop3A_181 = arith.constant 0 : index
      %parallel_loop3A_182 = tpu.vector_load %arg10[%parallel_loop3A_180, %parallel_loop3A_181] {strides = array<i32>} : memref<128x128xf32, #tpu.memory_space<vmem>>, vector<1x16xf32>,
      %parallel_loop3A_183 = vector.shape_cast %parallel_loop3A_182 : vector<1x16xf32> to vector<16xf32>
      %parallel_loop3A_184 = vector.shape_cast %parallel_loop3A_179 : vector<16xf32> to vector<1x16xf32>
      tpu.vector_store %arg10[%parallel_loop3A_180, %parallel_loop3A_181], %parallel_loop3A_184 {strides = array<i32>} : memref<128x128xf32, #tpu.memory_space<vmem>>, vector<1x16xf32>,
      %parallel_loop3A_185 = arith.index_cast %parallel_loop3A_175 : i32 to index
      %parallel_loop3A_186 = arith.constant 16 : index
      %parallel_loop3A_187 = tpu.vector_load %arg7[%parallel_loop3A_185, %parallel_loop3A_186] {strides = array<i32>} : memref<514x128xf32, #tpu.memory_space<vmem>>, vector<1x16xf32>,
      %parallel_loop3A_188 = vector.shape_cast %parallel_loop3A_187 : vector<1x16xf32> to vector<16xf32>
      %parallel_loop3A_189 = arith.index_cast %parallel_loop3A_163 : i32 to index
      %parallel_loop3A_190 = arith.constant 16 : index
      %parallel_loop3A_191 = tpu.vector_load %arg10[%parallel_loop3A_189, %parallel_loop3A_190] {strides = array<i32>} : memref<128x128xf32, #tpu.memory_space<vmem>>, vector<1x16xf32>,
      %parallel_loop3A_192 = vector.shape_cast %parallel_loop3A_191 : vector<1x16xf32> to vector<16xf32>
      %parallel_loop3A_193 = vector.shape_cast %parallel_loop3A_188 : vector<16xf32> to vector<1x16xf32>
      tpu.vector_store %arg10[%parallel_loop3A_189, %parallel_loop3A_190], %parallel_loop3A_193 {strides = array<i32>} : memref<128x128xf32, #tpu.memory_space<vmem>>, vector<1x16xf32>,
      %parallel_loop3A_194 = arith.index_cast %parallel_loop3A_175 : i32 to index
      %parallel_loop3A_195 = arith.constant 32 : index
      %parallel_loop3A_196 = tpu.vector_load %arg7[%parallel_loop3A_194, %parallel_loop3A_195] {strides = array<i32>} : memref<514x128xf32, #tpu.memory_space<vmem>>, vector<1x16xf32>,
      %parallel_loop3A_197 = vector.shape_cast %parallel_loop3A_196 : vector<1x16xf32> to vector<16xf32>
      %parallel_loop3A_198 = arith.index_cast %parallel_loop3A_163 : i32 to index
      %parallel_loop3A_199 = arith.constant 32 : index
      %parallel_loop3A_200 = tpu.vector_load %arg10[%parallel_loop3A_198, %parallel_loop3A_199] {strides = array<i32>} : memref<128x128xf32, #tpu.memory_space<vmem>>, vector<1x16xf32>,
      %parallel_loop3A_201 = vector.shape_cast %parallel_loop3A_200 : vector<1x16xf32> to vector<16xf32>
      %parallel_loop3A_202 = vector.shape_cast %parallel_loop3A_197 : vector<16xf32> to vector<1x16xf32>
      tpu.vector_store %arg10[%parallel_loop3A_198, %parallel_loop3A_199], %parallel_loop3A_202 {strides = array<i32>} : memref<128x128xf32, #tpu.memory_space<vmem>>, vector<1x16xf32>,
      %parallel_loop3A_203 = arith.index_cast %parallel_loop3A_175 : i32 to index
      %parallel_loop3A_204 = arith.constant 48 : index
      %parallel_loop3A_205 = tpu.vector_load %arg7[%parallel_loop3A_203, %parallel_loop3A_204] {strides = array<i32>} : memref<514x128xf32, #tpu.memory_space<vmem>>, vector<1x16xf32>,
      %parallel_loop3A_206 = vector.shape_cast %parallel_loop3A_205 : vector<1x16xf32> to vector<16xf32>
      %parallel_loop3A_207 = arith.index_cast %parallel_loop3A_163 : i32 to index
      %parallel_loop3A_208 = arith.constant 48 : index
      %parallel_loop3A_209 = tpu.vector_load %arg10[%parallel_loop3A_207, %parallel_loop3A_208] {strides = array<i32>} : memref<128x128xf32, #tpu.memory_space<vmem>>, vector<1x16xf32>,
      %parallel_loop3A_210 = vector.shape_cast %parallel_loop3A_209 : vector<1x16xf32> to vector<16xf32>
      %parallel_loop3A_211 = vector.shape_cast %parallel_loop3A_206 : vector<16xf32> to vector<1x16xf32>
      tpu.vector_store %arg10[%parallel_loop3A_207, %parallel_loop3A_208], %parallel_loop3A_211 {strides = array<i32>} : memref<128x128xf32, #tpu.memory_space<vmem>>, vector<1x16xf32>,
      %parallel_loop3A_212 = arith.index_cast %parallel_loop3A_175 : i32 to index
      %parallel_loop3A_213 = arith.constant 64 : index
      %parallel_loop3A_214 = tpu.vector_load %arg7[%parallel_loop3A_212, %parallel_loop3A_213] {strides = array<i32>} : memref<514x128xf32, #tpu.memory_space<vmem>>, vector<1x16xf32>,
      %parallel_loop3A_215 = vector.shape_cast %parallel_loop3A_214 : vector<1x16xf32> to vector<16xf32>
      %parallel_loop3A_216 = arith.index_cast %parallel_loop3A_163 : i32 to index
      %parallel_loop3A_217 = arith.constant 64 : index
      %parallel_loop3A_218 = tpu.vector_load %arg10[%parallel_loop3A_216, %parallel_loop3A_217] {strides = array<i32>} : memref<128x128xf32, #tpu.memory_space<vmem>>, vector<1x16xf32>,
      %parallel_loop3A_219 = vector.shape_cast %parallel_loop3A_218 : vector<1x16xf32> to vector<16xf32>
      %parallel_loop3A_220 = vector.shape_cast %parallel_loop3A_215 : vector<16xf32> to vector<1x16xf32>
      tpu.vector_store %arg10[%parallel_loop3A_216, %parallel_loop3A_217], %parallel_loop3A_220 {strides = array<i32>} : memref<128x128xf32, #tpu.memory_space<vmem>>, vector<1x16xf32>,
      %parallel_loop3A_221 = arith.index_cast %parallel_loop3A_175 : i32 to index
      %parallel_loop3A_222 = arith.constant 80 : index
      %parallel_loop3A_223 = tpu.vector_load %arg7[%parallel_loop3A_221, %parallel_loop3A_222] {strides = array<i32>} : memref<514x128xf32, #tpu.memory_space<vmem>>, vector<1x16xf32>,
      %parallel_loop3A_224 = vector.shape_cast %parallel_loop3A_223 : vector<1x16xf32> to vector<16xf32>
      %parallel_loop3A_225 = arith.index_cast %parallel_loop3A_163 : i32 to index
      %parallel_loop3A_226 = arith.constant 80 : index
      %parallel_loop3A_227 = tpu.vector_load %arg10[%parallel_loop3A_225, %parallel_loop3A_226] {strides = array<i32>} : memref<128x128xf32, #tpu.memory_space<vmem>>, vector<1x16xf32>,
      %parallel_loop3A_228 = vector.shape_cast %parallel_loop3A_227 : vector<1x16xf32> to vector<16xf32>
      %parallel_loop3A_229 = vector.shape_cast %parallel_loop3A_224 : vector<16xf32> to vector<1x16xf32>
      tpu.vector_store %arg10[%parallel_loop3A_225, %parallel_loop3A_226], %parallel_loop3A_229 {strides = array<i32>} : memref<128x128xf32, #tpu.memory_space<vmem>>, vector<1x16xf32>,
      %parallel_loop3A_230 = arith.index_cast %parallel_loop3A_175 : i32 to index
      %parallel_loop3A_231 = arith.constant 96 : index
      %parallel_loop3A_232 = tpu.vector_load %arg7[%parallel_loop3A_230, %parallel_loop3A_231] {strides = array<i32>} : memref<514x128xf32, #tpu.memory_space<vmem>>, vector<1x16xf32>,
      %parallel_loop3A_233 = vector.shape_cast %parallel_loop3A_232 : vector<1x16xf32> to vector<16xf32>
      %parallel_loop3A_234 = arith.index_cast %parallel_loop3A_163 : i32 to index
      %parallel_loop3A_235 = arith.constant 96 : index
      %parallel_loop3A_236 = tpu.vector_load %arg10[%parallel_loop3A_234, %parallel_loop3A_235] {strides = array<i32>} : memref<128x128xf32, #tpu.memory_space<vmem>>, vector<1x16xf32>,
      %parallel_loop3A_237 = vector.shape_cast %parallel_loop3A_236 : vector<1x16xf32> to vector<16xf32>
      %parallel_loop3A_238 = vector.shape_cast %parallel_loop3A_233 : vector<16xf32> to vector<1x16xf32>
      tpu.vector_store %arg10[%parallel_loop3A_234, %parallel_loop3A_235], %parallel_loop3A_238 {strides = array<i32>} : memref<128x128xf32, #tpu.memory_space<vmem>>, vector<1x16xf32>,
      %parallel_loop3A_239 = arith.index_cast %parallel_loop3A_175 : i32 to index
      %parallel_loop3A_240 = arith.constant 112 : index
      %parallel_loop3A_241 = tpu.vector_load %arg7[%parallel_loop3A_239, %parallel_loop3A_240] {strides = array<i32>} : memref<514x128xf32, #tpu.memory_space<vmem>>, vector<1x16xf32>,
      %parallel_loop3A_242 = vector.shape_cast %parallel_loop3A_241 : vector<1x16xf32> to vector<16xf32>
      %parallel_loop3A_243 = arith.index_cast %parallel_loop3A_163 : i32 to index
      %parallel_loop3A_244 = arith.constant 112 : index
      %parallel_loop3A_245 = tpu.vector_load %arg10[%parallel_loop3A_243, %parallel_loop3A_244] {strides = array<i32>} : memref<128x128xf32, #tpu.memory_space<vmem>>, vector<1x16xf32>,
      %parallel_loop3A_246 = vector.shape_cast %parallel_loop3A_245 : vector<1x16xf32> to vector<16xf32>
      %parallel_loop3A_247 = vector.shape_cast %parallel_loop3A_242 : vector<16xf32> to vector<1x16xf32>
      tpu.vector_store %arg10[%parallel_loop3A_243, %parallel_loop3A_244], %parallel_loop3A_247 {strides = array<i32>} : memref<128x128xf32, #tpu.memory_space<vmem>>, vector<1x16xf32>,
    } {sc.loop_unroll_factor = 8 : i64, sc.parallel_access}
    %add3A_73 = arith.constant 384 : i32
    %add3A_74 = arith.addi %mul3A_2, %add3A_73 : i32
    %dma_start3A_75 = arith.constant 0 : i32
    %dma_start3A_76 = tpu.memref_slice %arg4[%add3A_74, %dma_start3A_75] : memref<819200x128xf32, #tpu.memory_space<hbm>> -> memref<128x128xf32, #tpu.memory_space<hbm>>
    %dma_start3A_77 = arith.constant 0 : i32
    %dma_start3A_78 = tpu.memref_slice %arg4[%add3A_74, %dma_start3A_77] : memref<819200x128xf32, #tpu.memory_space<hbm>> -> memref<128x128xf32, #tpu.memory_space<hbm>>
    tpu.enqueue_dma source(%arg10 : memref<128x128xf32, #tpu.memory_space<vmem>>) target(%dma_start3A_78 : memref<128x128xf32, #tpu.memory_space<hbm>>) target_semaphore(%arg15 : memref<!tpu.dma_semaphore, #tpu.memory_space<semaphore_mem>>)
    %add3A_79 = arith.constant 256 : i32
    %add3A_80 = arith.addi %mul3A_2, %add3A_79 : i32
    %dma_wait3A_81 = arith.constant 0 : i32
    %dma_wait3A_82 = tpu.memref_slice %arg4[%add3A_80, %dma_wait3A_81] : memref<819200x128xf32, #tpu.memory_space<hbm>> -> memref<128x128xf32, #tpu.memory_space<hbm>>
    %dma_wait3A_83 = arith.constant 0 : i32
    %dma_wait3A_84 = tpu.memref_slice %arg4[%add3A_80, %dma_wait3A_83] : memref<819200x128xf32, #tpu.memory_space<hbm>> -> memref<128x128xf32, #tpu.memory_space<hbm>>
    tpu.wait_dma2 semaphore(%arg14 : memref<!tpu.dma_semaphore, #tpu.memory_space<semaphore_mem>>) src(%arg9 : memref<128x128xf32, #tpu.memory_space<vmem>>) dst(%dma_wait3A_84 : memref<128x128xf32, #tpu.memory_space<hbm>>)
    %scan3A = arith.constant 0 : i32
    %scan3A_85 = arith.constant 0 : i32
    %scan3A_86 = arith.constant 24 : i32
    %scan3A_87 = arith.addi %scan3A_85, %scan3A_86 : i32
    %scan3A_88 = arith.constant 1 : i32
    scf.for %scan3A_163 = %scan3A_85 to %scan3A_87 step %scan3A_88  : i32 {
      %mul3A_164 = arith.constant 2 : i32
      %mul3A_165 = arith.muli %mul3A_164, %scan3A_163 : i32
      %add3A_166 = arith.constant 1 : i32
      %add3A_167 = arith.addi %mul3A_165, %add3A_166 : i32
      %add3A_168 = arith.constant 0 : i32
      %add3A_169 = arith.addi %add3A_167, %add3A_168 : i32
      %mul3A_170 = arith.constant 512 : i32
      %mul3A_171 = arith.muli %add3A_169, %mul3A_170 : i32
      %dma_wait3A_172 = arith.constant 1 : i32
      %dma_wait3A_173 = arith.constant 0 : i32
      %dma_wait3A_174 = tpu.memref_slice %arg8[%dma_wait3A_172, %dma_wait3A_173] : memref<2x512xi32, #tpu.memory_space<smem>> -> memref<1x512xi32, #tpu.memory_space<smem>>
      %dma_wait3A_175 = tpu.memref_squeeze %dma_wait3A_174 : memref<1x512xi32, #tpu.memory_space<smem>> -> memref<512xi32, #tpu.memory_space<smem>>
      %dma_wait3A_176 = tpu.memref_slice %arg6[%arg1, %mul3A_171] : memref<16x25600xi32, #tpu.memory_space<vmem_shared>> -> memref<1x512xi32, #tpu.memory_space<vmem_shared>>
      %dma_wait3A_177 = tpu.memref_squeeze %dma_wait3A_176 : memref<1x512xi32, #tpu.memory_space<vmem_shared>> -> memref<512xi32, #tpu.memory_space<vmem_shared>>
      tpu.wait_dma2 semaphore(%arg13 : memref<!tpu.dma_semaphore, #tpu.memory_space<semaphore_mem>>) src(%dma_wait3A_177 : memref<512xi32, #tpu.memory_space<vmem_shared>>) dst(%dma_wait3A_175 : memref<512xi32, #tpu.memory_space<smem>>)
      %add3A_178 = arith.constant 1 : i32
      %add3A_179 = arith.addi %add3A_169, %add3A_178 : i32
      %mul3A_180 = arith.constant 512 : i32
      %mul3A_181 = arith.muli %add3A_179, %mul3A_180 : i32
      %dma_start3A_182 = arith.constant 0 : i32
      %dma_start3A_183 = arith.constant 0 : i32
      %dma_start3A_184 = tpu.memref_slice %arg8[%dma_start3A_182, %dma_start3A_183] : memref<2x512xi32, #tpu.memory_space<smem>> -> memref<1x512xi32, #tpu.memory_space<smem>>
      %dma_start3A_185 = tpu.memref_squeeze %dma_start3A_184 : memref<1x512xi32, #tpu.memory_space<smem>> -> memref<512xi32, #tpu.memory_space<smem>>
      %dma_start3A_186 = tpu.memref_slice %arg6[%arg1, %mul3A_181] : memref<16x25600xi32, #tpu.memory_space<vmem_shared>> -> memref<1x512xi32, #tpu.memory_space<vmem_shared>>
      %dma_start3A_187 = tpu.memref_squeeze %dma_start3A_186 : memref<1x512xi32, #tpu.memory_space<vmem_shared>> -> memref<512xi32, #tpu.memory_space<vmem_shared>>
      tpu.enqueue_dma source(%dma_start3A_187 : memref<512xi32, #tpu.memory_space<vmem_shared>>) target(%dma_start3A_185 : memref<512xi32, #tpu.memory_space<smem>>) target_semaphore(%arg12 : memref<!tpu.dma_semaphore, #tpu.memory_space<semaphore_mem>>)
      %mul3A_188 = arith.constant 4 : i32
      %mul3A_189 = arith.muli %add3A_169, %mul3A_188 : i32
      %add3A_190 = arith.constant 0 : i32
      %add3A_191 = arith.addi %mul3A_189, %add3A_190 : i32
      %parallel_loop3A_192 = arith.constant 0 : i32
      %parallel_loop3A_193 = arith.constant 128 : i32
      %parallel_loop3A_194 = arith.constant 1 : i32
      scf.for %parallel_loop3A_395 = %parallel_loop3A_192 to %parallel_loop3A_193 step %parallel_loop3A_194  : i32 {
        %parallel_loop3A_396 = arith.constant 0 : i32
        %parallel_loop3A_397 = arith.addi %parallel_loop3A_396, %parallel_loop3A_395 : i32
        %parallel_loop3A_398 = arith.constant 1 : i32
        %parallel_loop3A_399 = arith.index_cast %parallel_loop3A_398 : i32 to index
        %parallel_loop3A_400 = arith.index_cast %parallel_loop3A_397 : i32 to index
        %parallel_loop3A_401 = memref.load %arg8[%parallel_loop3A_399, %parallel_loop3A_400] : memref<2x512xi32, #tpu.memory_space<smem>>
        %parallel_loop3A_402 = arith.constant 1000 : i32
        %parallel_loop3A_403 = arith.cmpi sgt, %parallel_loop3A_401, %parallel_loop3A_402 : i32
        %parallel_loop3A_404 = arith.constant 512 : i32
        %parallel_loop3A_405 = arith.minsi %parallel_loop3A_401, %parallel_loop3A_404 : i32
        %parallel_loop3A_406 = arith.constant 513 : i32
        %parallel_loop3A_407 = arith.select %parallel_loop3A_403, %parallel_loop3A_406, %parallel_loop3A_405 : i32
        %parallel_loop3A_408 = arith.index_cast %parallel_loop3A_407 : i32 to index
        %parallel_loop3A_409 = arith.constant 0 : index
        %parallel_loop3A_410 = tpu.vector_load %arg7[%parallel_loop3A_408, %parallel_loop3A_409] {strides = array<i32>} : memref<514x128xf32, #tpu.memory_space<vmem>>, vector<1x16xf32>,
        %parallel_loop3A_411 = vector.shape_cast %parallel_loop3A_410 : vector<1x16xf32> to vector<16xf32>
        %parallel_loop3A_412 = arith.index_cast %parallel_loop3A_395 : i32 to index
        %parallel_loop3A_413 = arith.constant 0 : index
        %parallel_loop3A_414 = tpu.vector_load %arg9[%parallel_loop3A_412, %parallel_loop3A_413] {strides = array<i32>} : memref<128x128xf32, #tpu.memory_space<vmem>>, vector<1x16xf32>,
        %parallel_loop3A_415 = vector.shape_cast %parallel_loop3A_414 : vector<1x16xf32> to vector<16xf32>
        %parallel_loop3A_416 = vector.shape_cast %parallel_loop3A_411 : vector<16xf32> to vector<1x16xf32>
        tpu.vector_store %arg9[%parallel_loop3A_412, %parallel_loop3A_413], %parallel_loop3A_416 {strides = array<i32>} : memref<128x128xf32, #tpu.memory_space<vmem>>, vector<1x16xf32>,
        %parallel_loop3A_417 = arith.index_cast %parallel_loop3A_407 : i32 to index
        %parallel_loop3A_418 = arith.constant 16 : index
        %parallel_loop3A_419 = tpu.vector_load %arg7[%parallel_loop3A_417, %parallel_loop3A_418] {strides = array<i32>} : memref<514x128xf32, #tpu.memory_space<vmem>>, vector<1x16xf32>,
        %parallel_loop3A_420 = vector.shape_cast %parallel_loop3A_419 : vector<1x16xf32> to vector<16xf32>
        %parallel_loop3A_421 = arith.index_cast %parallel_loop3A_395 : i32 to index
        %parallel_loop3A_422 = arith.constant 16 : index
        %parallel_loop3A_423 = tpu.vector_load %arg9[%parallel_loop3A_421, %parallel_loop3A_422] {strides = array<i32>} : memref<128x128xf32, #tpu.memory_space<vmem>>, vector<1x16xf32>,
        %parallel_loop3A_424 = vector.shape_cast %parallel_loop3A_423 : vector<1x16xf32> to vector<16xf32>
        %parallel_loop3A_425 = vector.shape_cast %parallel_loop3A_420 : vector<16xf32> to vector<1x16xf32>
        tpu.vector_store %arg9[%parallel_loop3A_421, %parallel_loop3A_422], %parallel_loop3A_425 {strides = array<i32>} : memref<128x128xf32, #tpu.memory_space<vmem>>, vector<1x16xf32>,
        %parallel_loop3A_426 = arith.index_cast %parallel_loop3A_407 : i32 to index
        %parallel_loop3A_427 = arith.constant 32 : index
        %parallel_loop3A_428 = tpu.vector_load %arg7[%parallel_loop3A_426, %parallel_loop3A_427] {strides = array<i32>} : memref<514x128xf32, #tpu.memory_space<vmem>>, vector<1x16xf32>,
        %parallel_loop3A_429 = vector.shape_cast %parallel_loop3A_428 : vector<1x16xf32> to vector<16xf32>
        %parallel_loop3A_430 = arith.index_cast %parallel_loop3A_395 : i32 to index
        %parallel_loop3A_431 = arith.constant 32 : index
        %parallel_loop3A_432 = tpu.vector_load %arg9[%parallel_loop3A_430, %parallel_loop3A_431] {strides = array<i32>} : memref<128x128xf32, #tpu.memory_space<vmem>>, vector<1x16xf32>,
        %parallel_loop3A_433 = vector.shape_cast %parallel_loop3A_432 : vector<1x16xf32> to vector<16xf32>
        %parallel_loop3A_434 = vector.shape_cast %parallel_loop3A_429 : vector<16xf32> to vector<1x16xf32>
        tpu.vector_store %arg9[%parallel_loop3A_430, %parallel_loop3A_431], %parallel_loop3A_434 {strides = array<i32>} : memref<128x128xf32, #tpu.memory_space<vmem>>, vector<1x16xf32>,
        %parallel_loop3A_435 = arith.index_cast %parallel_loop3A_407 : i32 to index
        %parallel_loop3A_436 = arith.constant 48 : index
        %parallel_loop3A_437 = tpu.vector_load %arg7[%parallel_loop3A_435, %parallel_loop3A_436] {strides = array<i32>} : memref<514x128xf32, #tpu.memory_space<vmem>>, vector<1x16xf32>,
        %parallel_loop3A_438 = vector.shape_cast %parallel_loop3A_437 : vector<1x16xf32> to vector<16xf32>
        %parallel_loop3A_439 = arith.index_cast %parallel_loop3A_395 : i32 to index
        %parallel_loop3A_440 = arith.constant 48 : index
        %parallel_loop3A_441 = tpu.vector_load %arg9[%parallel_loop3A_439, %parallel_loop3A_440] {strides = array<i32>} : memref<128x128xf32, #tpu.memory_space<vmem>>, vector<1x16xf32>,
        %parallel_loop3A_442 = vector.shape_cast %parallel_loop3A_441 : vector<1x16xf32> to vector<16xf32>
        %parallel_loop3A_443 = vector.shape_cast %parallel_loop3A_438 : vector<16xf32> to vector<1x16xf32>
        tpu.vector_store %arg9[%parallel_loop3A_439, %parallel_loop3A_440], %parallel_loop3A_443 {strides = array<i32>} : memref<128x128xf32, #tpu.memory_space<vmem>>, vector<1x16xf32>,
        %parallel_loop3A_444 = arith.index_cast %parallel_loop3A_407 : i32 to index
        %parallel_loop3A_445 = arith.constant 64 : index
        %parallel_loop3A_446 = tpu.vector_load %arg7[%parallel_loop3A_444, %parallel_loop3A_445] {strides = array<i32>} : memref<514x128xf32, #tpu.memory_space<vmem>>, vector<1x16xf32>,
        %parallel_loop3A_447 = vector.shape_cast %parallel_loop3A_446 : vector<1x16xf32> to vector<16xf32>
        %parallel_loop3A_448 = arith.index_cast %parallel_loop3A_395 : i32 to index
        %parallel_loop3A_449 = arith.constant 64 : index
        %parallel_loop3A_450 = tpu.vector_load %arg9[%parallel_loop3A_448, %parallel_loop3A_449] {strides = array<i32>} : memref<128x128xf32, #tpu.memory_space<vmem>>, vector<1x16xf32>,
        %parallel_loop3A_451 = vector.shape_cast %parallel_loop3A_450 : vector<1x16xf32> to vector<16xf32>
        %parallel_loop3A_452 = vector.shape_cast %parallel_loop3A_447 : vector<16xf32> to vector<1x16xf32>
        tpu.vector_store %arg9[%parallel_loop3A_448, %parallel_loop3A_449], %parallel_loop3A_452 {strides = array<i32>} : memref<128x128xf32, #tpu.memory_space<vmem>>, vector<1x16xf32>,
        %parallel_loop3A_453 = arith.index_cast %parallel_loop3A_407 : i32 to index
        %parallel_loop3A_454 = arith.constant 80 : index
        %parallel_loop3A_455 = tpu.vector_load %arg7[%parallel_loop3A_453, %parallel_loop3A_454] {strides = array<i32>} : memref<514x128xf32, #tpu.memory_space<vmem>>, vector<1x16xf32>,
        %parallel_loop3A_456 = vector.shape_cast %parallel_loop3A_455 : vector<1x16xf32> to vector<16xf32>
        %parallel_loop3A_457 = arith.index_cast %parallel_loop3A_395 : i32 to index
        %parallel_loop3A_458 = arith.constant 80 : index
        %parallel_loop3A_459 = tpu.vector_load %arg9[%parallel_loop3A_457, %parallel_loop3A_458] {strides = array<i32>} : memref<128x128xf32, #tpu.memory_space<vmem>>, vector<1x16xf32>,
        %parallel_loop3A_460 = vector.shape_cast %parallel_loop3A_459 : vector<1x16xf32> to vector<16xf32>
        %parallel_loop3A_461 = vector.shape_cast %parallel_loop3A_456 : vector<16xf32> to vector<1x16xf32>
        tpu.vector_store %arg9[%parallel_loop3A_457, %parallel_loop3A_458], %parallel_loop3A_461 {strides = array<i32>} : memref<128x128xf32, #tpu.memory_space<vmem>>, vector<1x16xf32>,
        %parallel_loop3A_462 = arith.index_cast %parallel_loop3A_407 : i32 to index
        %parallel_loop3A_463 = arith.constant 96 : index
        %parallel_loop3A_464 = tpu.vector_load %arg7[%parallel_loop3A_462, %parallel_loop3A_463] {strides = array<i32>} : memref<514x128xf32, #tpu.memory_space<vmem>>, vector<1x16xf32>,
        %parallel_loop3A_465 = vector.shape_cast %parallel_loop3A_464 : vector<1x16xf32> to vector<16xf32>
        %parallel_loop3A_466 = arith.index_cast %parallel_loop3A_395 : i32 to index
        %parallel_loop3A_467 = arith.constant 96 : index
        %parallel_loop3A_468 = tpu.vector_load %arg9[%parallel_loop3A_466, %parallel_loop3A_467] {strides = array<i32>} : memref<128x128xf32, #tpu.memory_space<vmem>>, vector<1x16xf32>,
        %parallel_loop3A_469 = vector.shape_cast %parallel_loop3A_468 : vector<1x16xf32> to vector<16xf32>
        %parallel_loop3A_470 = vector.shape_cast %parallel_loop3A_465 : vector<16xf32> to vector<1x16xf32>
        tpu.vector_store %arg9[%parallel_loop3A_466, %parallel_loop3A_467], %parallel_loop3A_470 {strides = array<i32>} : memref<128x128xf32, #tpu.memory_space<vmem>>, vector<1x16xf32>,
        %parallel_loop3A_471 = arith.index_cast %parallel_loop3A_407 : i32 to index
        %parallel_loop3A_472 = arith.constant 112 : index
        %parallel_loop3A_473 = tpu.vector_load %arg7[%parallel_loop3A_471, %parallel_loop3A_472] {strides = array<i32>} : memref<514x128xf32, #tpu.memory_space<vmem>>, vector<1x16xf32>,
        %parallel_loop3A_474 = vector.shape_cast %parallel_loop3A_473 : vector<1x16xf32> to vector<16xf32>
        %parallel_loop3A_475 = arith.index_cast %parallel_loop3A_395 : i32 to index
        %parallel_loop3A_476 = arith.constant 112 : index
        %parallel_loop3A_477 = tpu.vector_load %arg9[%parallel_loop3A_475, %parallel_loop3A_476] {strides = array<i32>} : memref<128x128xf32, #tpu.memory_space<vmem>>, vector<1x16xf32>,
        %parallel_loop3A_478 = vector.shape_cast %parallel_loop3A_477 : vector<1x16xf32> to vector<16xf32>
        %parallel_loop3A_479 = vector.shape_cast %parallel_loop3A_474 : vector<16xf32> to vector<1x16xf32>
        tpu.vector_store %arg9[%parallel_loop3A_475, %parallel_loop3A_476], %parallel_loop3A_479 {strides = array<i32>} : memref<128x128xf32, #tpu.memory_space<vmem>>, vector<1x16xf32>,
      } {sc.loop_unroll_factor = 8 : i64, sc.parallel_access}
      %mul3A_195 = arith.constant 128 : i32
      %mul3A_196 = arith.muli %add3A_191, %mul3A_195 : i32
      %add3A_197 = arith.addi %mul3A_2, %mul3A_196 : i32
      %dma_start3A_198 = arith.constant 0 : i32
      %dma_start3A_199 = tpu.memref_slice %arg4[%add3A_197, %dma_start3A_198] : memref<819200x128xf32, #tpu.memory_space<hbm>> -> memref<128x128xf32, #tpu.memory_space<hbm>>
      %dma_start3A_200 = arith.constant 0 : i32
      %dma_start3A_201 = tpu.memref_slice %arg4[%add3A_197, %dma_start3A_200] : memref<819200x128xf32, #tpu.memory_space<hbm>> -> memref<128x128xf32, #tpu.memory_space<hbm>>
      tpu.enqueue_dma source(%arg9 : memref<128x128xf32, #tpu.memory_space<vmem>>) target(%dma_start3A_201 : memref<128x128xf32, #tpu.memory_space<hbm>>) target_semaphore(%arg14 : memref<!tpu.dma_semaphore, #tpu.memory_space<semaphore_mem>>)
      %sub3A = arith.constant 1 : i32
      %sub3A_202 = arith.subi %add3A_191, %sub3A : i32
      %mul3A_203 = arith.constant 128 : i32
      %mul3A_204 = arith.muli %sub3A_202, %mul3A_203 : i32
      %add3A_205 = arith.addi %mul3A_2, %mul3A_204 : i32
      %dma_wait3A_206 = arith.constant 0 : i32
      %dma_wait3A_207 = tpu.memref_slice %arg4[%add3A_205, %dma_wait3A_206] : memref<819200x128xf32, #tpu.memory_space<hbm>> -> memref<128x128xf32, #tpu.memory_space<hbm>>
      %dma_wait3A_208 = arith.constant 0 : i32
      %dma_wait3A_209 = tpu.memref_slice %arg4[%add3A_205, %dma_wait3A_208] : memref<819200x128xf32, #tpu.memory_space<hbm>> -> memref<128x128xf32, #tpu.memory_space<hbm>>
      tpu.wait_dma2 semaphore(%arg15 : memref<!tpu.dma_semaphore, #tpu.memory_space<semaphore_mem>>) src(%arg10 : memref<128x128xf32, #tpu.memory_space<vmem>>) dst(%dma_wait3A_209 : memref<128x128xf32, #tpu.memory_space<hbm>>)
      %mul3A_210 = arith.constant 4 : i32
      %mul3A_211 = arith.muli %add3A_169, %mul3A_210 : i32
      %add3A_212 = arith.constant 1 : i32
      %add3A_213 = arith.addi %mul3A_211, %add3A_212 : i32
      %parallel_loop3A_214 = arith.constant 0 : i32
      %parallel_loop3A_215 = arith.constant 128 : i32
      %parallel_loop3A_216 = arith.constant 1 : i32
      scf.for %parallel_loop3A_395 = %parallel_loop3A_214 to %parallel_loop3A_215 step %parallel_loop3A_216  : i32 {
        %parallel_loop3A_396 = arith.constant 128 : i32
        %parallel_loop3A_397 = arith.addi %parallel_loop3A_396, %parallel_loop3A_395 : i32
        %parallel_loop3A_398 = arith.constant 1 : i32
        %parallel_loop3A_399 = arith.index_cast %parallel_loop3A_398 : i32 to index
        %parallel_loop3A_400 = arith.index_cast %parallel_loop3A_397 : i32 to index
        %parallel_loop3A_401 = memref.load %arg8[%parallel_loop3A_399, %parallel_loop3A_400] : memref<2x512xi32, #tpu.memory_space<smem>>
        %parallel_loop3A_402 = arith.constant 1000 : i32
        %parallel_loop3A_403 = arith.cmpi sgt, %parallel_loop3A_401, %parallel_loop3A_402 : i32
        %parallel_loop3A_404 = arith.constant 512 : i32
        %parallel_loop3A_405 = arith.minsi %parallel_loop3A_401, %parallel_loop3A_404 : i32
        %parallel_loop3A_406 = arith.constant 513 : i32
        %parallel_loop3A_407 = arith.select %parallel_loop3A_403, %parallel_loop3A_406, %parallel_loop3A_405 : i32
        %parallel_loop3A_408 = arith.index_cast %parallel_loop3A_407 : i32 to index
        %parallel_loop3A_409 = arith.constant 0 : index
        %parallel_loop3A_410 = tpu.vector_load %arg7[%parallel_loop3A_408, %parallel_loop3A_409] {strides = array<i32>} : memref<514x128xf32, #tpu.memory_space<vmem>>, vector<1x16xf32>,
        %parallel_loop3A_411 = vector.shape_cast %parallel_loop3A_410 : vector<1x16xf32> to vector<16xf32>
        %parallel_loop3A_412 = arith.index_cast %parallel_loop3A_395 : i32 to index
        %parallel_loop3A_413 = arith.constant 0 : index
        %parallel_loop3A_414 = tpu.vector_load %arg10[%parallel_loop3A_412, %parallel_loop3A_413] {strides = array<i32>} : memref<128x128xf32, #tpu.memory_space<vmem>>, vector<1x16xf32>,
        %parallel_loop3A_415 = vector.shape_cast %parallel_loop3A_414 : vector<1x16xf32> to vector<16xf32>
        %parallel_loop3A_416 = vector.shape_cast %parallel_loop3A_411 : vector<16xf32> to vector<1x16xf32>
        tpu.vector_store %arg10[%parallel_loop3A_412, %parallel_loop3A_413], %parallel_loop3A_416 {strides = array<i32>} : memref<128x128xf32, #tpu.memory_space<vmem>>, vector<1x16xf32>,
        %parallel_loop3A_417 = arith.index_cast %parallel_loop3A_407 : i32 to index
        %parallel_loop3A_418 = arith.constant 16 : index
        %parallel_loop3A_419 = tpu.vector_load %arg7[%parallel_loop3A_417, %parallel_loop3A_418] {strides = array<i32>} : memref<514x128xf32, #tpu.memory_space<vmem>>, vector<1x16xf32>,
        %parallel_loop3A_420 = vector.shape_cast %parallel_loop3A_419 : vector<1x16xf32> to vector<16xf32>
        %parallel_loop3A_421 = arith.index_cast %parallel_loop3A_395 : i32 to index
        %parallel_loop3A_422 = arith.constant 16 : index
        %parallel_loop3A_423 = tpu.vector_load %arg10[%parallel_loop3A_421, %parallel_loop3A_422] {strides = array<i32>} : memref<128x128xf32, #tpu.memory_space<vmem>>, vector<1x16xf32>,
        %parallel_loop3A_424 = vector.shape_cast %parallel_loop3A_423 : vector<1x16xf32> to vector<16xf32>
        %parallel_loop3A_425 = vector.shape_cast %parallel_loop3A_420 : vector<16xf32> to vector<1x16xf32>
        tpu.vector_store %arg10[%parallel_loop3A_421, %parallel_loop3A_422], %parallel_loop3A_425 {strides = array<i32>} : memref<128x128xf32, #tpu.memory_space<vmem>>, vector<1x16xf32>,
        %parallel_loop3A_426 = arith.index_cast %parallel_loop3A_407 : i32 to index
        %parallel_loop3A_427 = arith.constant 32 : index
        %parallel_loop3A_428 = tpu.vector_load %arg7[%parallel_loop3A_426, %parallel_loop3A_427] {strides = array<i32>} : memref<514x128xf32, #tpu.memory_space<vmem>>, vector<1x16xf32>,
        %parallel_loop3A_429 = vector.shape_cast %parallel_loop3A_428 : vector<1x16xf32> to vector<16xf32>
        %parallel_loop3A_430 = arith.index_cast %parallel_loop3A_395 : i32 to index
        %parallel_loop3A_431 = arith.constant 32 : index
        %parallel_loop3A_432 = tpu.vector_load %arg10[%parallel_loop3A_430, %parallel_loop3A_431] {strides = array<i32>} : memref<128x128xf32, #tpu.memory_space<vmem>>, vector<1x16xf32>,
        %parallel_loop3A_433 = vector.shape_cast %parallel_loop3A_432 : vector<1x16xf32> to vector<16xf32>
        %parallel_loop3A_434 = vector.shape_cast %parallel_loop3A_429 : vector<16xf32> to vector<1x16xf32>
        tpu.vector_store %arg10[%parallel_loop3A_430, %parallel_loop3A_431], %parallel_loop3A_434 {strides = array<i32>} : memref<128x128xf32, #tpu.memory_space<vmem>>, vector<1x16xf32>,
        %parallel_loop3A_435 = arith.index_cast %parallel_loop3A_407 : i32 to index
        %parallel_loop3A_436 = arith.constant 48 : index
        %parallel_loop3A_437 = tpu.vector_load %arg7[%parallel_loop3A_435, %parallel_loop3A_436] {strides = array<i32>} : memref<514x128xf32, #tpu.memory_space<vmem>>, vector<1x16xf32>,
        %parallel_loop3A_438 = vector.shape_cast %parallel_loop3A_437 : vector<1x16xf32> to vector<16xf32>
        %parallel_loop3A_439 = arith.index_cast %parallel_loop3A_395 : i32 to index
        %parallel_loop3A_440 = arith.constant 48 : index
        %parallel_loop3A_441 = tpu.vector_load %arg10[%parallel_loop3A_439, %parallel_loop3A_440] {strides = array<i32>} : memref<128x128xf32, #tpu.memory_space<vmem>>, vector<1x16xf32>,
        %parallel_loop3A_442 = vector.shape_cast %parallel_loop3A_441 : vector<1x16xf32> to vector<16xf32>
        %parallel_loop3A_443 = vector.shape_cast %parallel_loop3A_438 : vector<16xf32> to vector<1x16xf32>
        tpu.vector_store %arg10[%parallel_loop3A_439, %parallel_loop3A_440], %parallel_loop3A_443 {strides = array<i32>} : memref<128x128xf32, #tpu.memory_space<vmem>>, vector<1x16xf32>,
        %parallel_loop3A_444 = arith.index_cast %parallel_loop3A_407 : i32 to index
        %parallel_loop3A_445 = arith.constant 64 : index
        %parallel_loop3A_446 = tpu.vector_load %arg7[%parallel_loop3A_444, %parallel_loop3A_445] {strides = array<i32>} : memref<514x128xf32, #tpu.memory_space<vmem>>, vector<1x16xf32>,
        %parallel_loop3A_447 = vector.shape_cast %parallel_loop3A_446 : vector<1x16xf32> to vector<16xf32>
        %parallel_loop3A_448 = arith.index_cast %parallel_loop3A_395 : i32 to index
        %parallel_loop3A_449 = arith.constant 64 : index
        %parallel_loop3A_450 = tpu.vector_load %arg10[%parallel_loop3A_448, %parallel_loop3A_449] {strides = array<i32>} : memref<128x128xf32, #tpu.memory_space<vmem>>, vector<1x16xf32>,
        %parallel_loop3A_451 = vector.shape_cast %parallel_loop3A_450 : vector<1x16xf32> to vector<16xf32>
        %parallel_loop3A_452 = vector.shape_cast %parallel_loop3A_447 : vector<16xf32> to vector<1x16xf32>
        tpu.vector_store %arg10[%parallel_loop3A_448, %parallel_loop3A_449], %parallel_loop3A_452 {strides = array<i32>} : memref<128x128xf32, #tpu.memory_space<vmem>>, vector<1x16xf32>,
        %parallel_loop3A_453 = arith.index_cast %parallel_loop3A_407 : i32 to index
        %parallel_loop3A_454 = arith.constant 80 : index
        %parallel_loop3A_455 = tpu.vector_load %arg7[%parallel_loop3A_453, %parallel_loop3A_454] {strides = array<i32>} : memref<514x128xf32, #tpu.memory_space<vmem>>, vector<1x16xf32>,
        %parallel_loop3A_456 = vector.shape_cast %parallel_loop3A_455 : vector<1x16xf32> to vector<16xf32>
        %parallel_loop3A_457 = arith.index_cast %parallel_loop3A_395 : i32 to index
        %parallel_loop3A_458 = arith.constant 80 : index
        %parallel_loop3A_459 = tpu.vector_load %arg10[%parallel_loop3A_457, %parallel_loop3A_458] {strides = array<i32>} : memref<128x128xf32, #tpu.memory_space<vmem>>, vector<1x16xf32>,
        %parallel_loop3A_460 = vector.shape_cast %parallel_loop3A_459 : vector<1x16xf32> to vector<16xf32>
        %parallel_loop3A_461 = vector.shape_cast %parallel_loop3A_456 : vector<16xf32> to vector<1x16xf32>
        tpu.vector_store %arg10[%parallel_loop3A_457, %parallel_loop3A_458], %parallel_loop3A_461 {strides = array<i32>} : memref<128x128xf32, #tpu.memory_space<vmem>>, vector<1x16xf32>,
        %parallel_loop3A_462 = arith.index_cast %parallel_loop3A_407 : i32 to index
        %parallel_loop3A_463 = arith.constant 96 : index
        %parallel_loop3A_464 = tpu.vector_load %arg7[%parallel_loop3A_462, %parallel_loop3A_463] {strides = array<i32>} : memref<514x128xf32, #tpu.memory_space<vmem>>, vector<1x16xf32>,
        %parallel_loop3A_465 = vector.shape_cast %parallel_loop3A_464 : vector<1x16xf32> to vector<16xf32>
        %parallel_loop3A_466 = arith.index_cast %parallel_loop3A_395 : i32 to index
        %parallel_loop3A_467 = arith.constant 96 : index
        %parallel_loop3A_468 = tpu.vector_load %arg10[%parallel_loop3A_466, %parallel_loop3A_467] {strides = array<i32>} : memref<128x128xf32, #tpu.memory_space<vmem>>, vector<1x16xf32>,
        %parallel_loop3A_469 = vector.shape_cast %parallel_loop3A_468 : vector<1x16xf32> to vector<16xf32>
        %parallel_loop3A_470 = vector.shape_cast %parallel_loop3A_465 : vector<16xf32> to vector<1x16xf32>
        tpu.vector_store %arg10[%parallel_loop3A_466, %parallel_loop3A_467], %parallel_loop3A_470 {strides = array<i32>} : memref<128x128xf32, #tpu.memory_space<vmem>>, vector<1x16xf32>,
        %parallel_loop3A_471 = arith.index_cast %parallel_loop3A_407 : i32 to index
        %parallel_loop3A_472 = arith.constant 112 : index
        %parallel_loop3A_473 = tpu.vector_load %arg7[%parallel_loop3A_471, %parallel_loop3A_472] {strides = array<i32>} : memref<514x128xf32, #tpu.memory_space<vmem>>, vector<1x16xf32>,
        %parallel_loop3A_474 = vector.shape_cast %parallel_loop3A_473 : vector<1x16xf32> to vector<16xf32>
        %parallel_loop3A_475 = arith.index_cast %parallel_loop3A_395 : i32 to index
        %parallel_loop3A_476 = arith.constant 112 : index
        %parallel_loop3A_477 = tpu.vector_load %arg10[%parallel_loop3A_475, %parallel_loop3A_476] {strides = array<i32>} : memref<128x128xf32, #tpu.memory_space<vmem>>, vector<1x16xf32>,
        %parallel_loop3A_478 = vector.shape_cast %parallel_loop3A_477 : vector<1x16xf32> to vector<16xf32>
        %parallel_loop3A_479 = vector.shape_cast %parallel_loop3A_474 : vector<16xf32> to vector<1x16xf32>
        tpu.vector_store %arg10[%parallel_loop3A_475, %parallel_loop3A_476], %parallel_loop3A_479 {strides = array<i32>} : memref<128x128xf32, #tpu.memory_space<vmem>>, vector<1x16xf32>,
      } {sc.loop_unroll_factor = 8 : i64, sc.parallel_access}
      %mul3A_217 = arith.constant 128 : i32
      %mul3A_218 = arith.muli %add3A_213, %mul3A_217 : i32
      %add3A_219 = arith.addi %mul3A_2, %mul3A_218 : i32
      %dma_start3A_220 = arith.constant 0 : i32
      %dma_start3A_221 = tpu.memref_slice %arg4[%add3A_219, %dma_start3A_220] : memref<819200x128xf32, #tpu.memory_space<hbm>> -> memref<128x128xf32, #tpu.memory_space<hbm>>
      %dma_start3A_222 = arith.constant 0 : i32
      %dma_start3A_223 = tpu.memref_slice %arg4[%add3A_219, %dma_start3A_222] : memref<819200x128xf32, #tpu.memory_space<hbm>> -> memref<128x128xf32, #tpu.memory_space<hbm>>
      tpu.enqueue_dma source(%arg10 : memref<128x128xf32, #tpu.memory_space<vmem>>) target(%dma_start3A_223 : memref<128x128xf32, #tpu.memory_space<hbm>>) target_semaphore(%arg15 : memref<!tpu.dma_semaphore, #tpu.memory_space<semaphore_mem>>)
      %sub3A_224 = arith.constant 1 : i32
      %sub3A_225 = arith.subi %add3A_213, %sub3A_224 : i32
      %mul3A_226 = arith.constant 128 : i32
      %mul3A_227 = arith.muli %sub3A_225, %mul3A_226 : i32
      %add3A_228 = arith.addi %mul3A_2, %mul3A_227 : i32
      %dma_wait3A_229 = arith.constant 0 : i32
      %dma_wait3A_230 = tpu.memref_slice %arg4[%add3A_228, %dma_wait3A_229] : memref<819200x128xf32, #tpu.memory_space<hbm>> -> memref<128x128xf32, #tpu.memory_space<hbm>>
      %dma_wait3A_231 = arith.constant 0 : i32
      %dma_wait3A_232 = tpu.memref_slice %arg4[%add3A_228, %dma_wait3A_231] : memref<819200x128xf32, #tpu.memory_space<hbm>> -> memref<128x128xf32, #tpu.memory_space<hbm>>
      tpu.wait_dma2 semaphore(%arg14 : memref<!tpu.dma_semaphore, #tpu.memory_space<semaphore_mem>>) src(%arg9 : memref<128x128xf32, #tpu.memory_space<vmem>>) dst(%dma_wait3A_232 : memref<128x128xf32, #tpu.memory_space<hbm>>)
      %mul3A_233 = arith.constant 4 : i32
      %mul3A_234 = arith.muli %add3A_169, %mul3A_233 : i32
      %add3A_235 = arith.constant 2 : i32
      %add3A_236 = arith.addi %mul3A_234, %add3A_235 : i32
      %parallel_loop3A_237 = arith.constant 0 : i32
      %parallel_loop3A_238 = arith.constant 128 : i32
      %parallel_loop3A_239 = arith.constant 1 : i32
      scf.for %parallel_loop3A_395 = %parallel_loop3A_237 to %parallel_loop3A_238 step %parallel_loop3A_239  : i32 {
        %parallel_loop3A_396 = arith.constant 256 : i32
        %parallel_loop3A_397 = arith.addi %parallel_loop3A_396, %parallel_loop3A_395 : i32
        %parallel_loop3A_398 = arith.constant 1 : i32
        %parallel_loop3A_399 = arith.index_cast %parallel_loop3A_398 : i32 to index
        %parallel_loop3A_400 = arith.index_cast %parallel_loop3A_397 : i32 to index
        %parallel_loop3A_401 = memref.load %arg8[%parallel_loop3A_399, %parallel_loop3A_400] : memref<2x512xi32, #tpu.memory_space<smem>>
        %parallel_loop3A_402 = arith.constant 1000 : i32
        %parallel_loop3A_403 = arith.cmpi sgt, %parallel_loop3A_401, %parallel_loop3A_402 : i32
        %parallel_loop3A_404 = arith.constant 512 : i32
        %parallel_loop3A_405 = arith.minsi %parallel_loop3A_401, %parallel_loop3A_404 : i32
        %parallel_loop3A_406 = arith.constant 513 : i32
        %parallel_loop3A_407 = arith.select %parallel_loop3A_403, %parallel_loop3A_406, %parallel_loop3A_405 : i32
        %parallel_loop3A_408 = arith.index_cast %parallel_loop3A_407 : i32 to index
        %parallel_loop3A_409 = arith.constant 0 : index
        %parallel_loop3A_410 = tpu.vector_load %arg7[%parallel_loop3A_408, %parallel_loop3A_409] {strides = array<i32>} : memref<514x128xf32, #tpu.memory_space<vmem>>, vector<1x16xf32>,
        %parallel_loop3A_411 = vector.shape_cast %parallel_loop3A_410 : vector<1x16xf32> to vector<16xf32>
        %parallel_loop3A_412 = arith.index_cast %parallel_loop3A_395 : i32 to index
        %parallel_loop3A_413 = arith.constant 0 : index
        %parallel_loop3A_414 = tpu.vector_load %arg9[%parallel_loop3A_412, %parallel_loop3A_413] {strides = array<i32>} : memref<128x128xf32, #tpu.memory_space<vmem>>, vector<1x16xf32>,
        %parallel_loop3A_415 = vector.shape_cast %parallel_loop3A_414 : vector<1x16xf32> to vector<16xf32>
        %parallel_loop3A_416 = vector.shape_cast %parallel_loop3A_411 : vector<16xf32> to vector<1x16xf32>
        tpu.vector_store %arg9[%parallel_loop3A_412, %parallel_loop3A_413], %parallel_loop3A_416 {strides = array<i32>} : memref<128x128xf32, #tpu.memory_space<vmem>>, vector<1x16xf32>,
        %parallel_loop3A_417 = arith.index_cast %parallel_loop3A_407 : i32 to index
        %parallel_loop3A_418 = arith.constant 16 : index
        %parallel_loop3A_419 = tpu.vector_load %arg7[%parallel_loop3A_417, %parallel_loop3A_418] {strides = array<i32>} : memref<514x128xf32, #tpu.memory_space<vmem>>, vector<1x16xf32>,
        %parallel_loop3A_420 = vector.shape_cast %parallel_loop3A_419 : vector<1x16xf32> to vector<16xf32>
        %parallel_loop3A_421 = arith.index_cast %parallel_loop3A_395 : i32 to index
        %parallel_loop3A_422 = arith.constant 16 : index
        %parallel_loop3A_423 = tpu.vector_load %arg9[%parallel_loop3A_421, %parallel_loop3A_422] {strides = array<i32>} : memref<128x128xf32, #tpu.memory_space<vmem>>, vector<1x16xf32>,
        %parallel_loop3A_424 = vector.shape_cast %parallel_loop3A_423 : vector<1x16xf32> to vector<16xf32>
        %parallel_loop3A_425 = vector.shape_cast %parallel_loop3A_420 : vector<16xf32> to vector<1x16xf32>
        tpu.vector_store %arg9[%parallel_loop3A_421, %parallel_loop3A_422], %parallel_loop3A_425 {strides = array<i32>} : memref<128x128xf32, #tpu.memory_space<vmem>>, vector<1x16xf32>,
        %parallel_loop3A_426 = arith.index_cast %parallel_loop3A_407 : i32 to index
        %parallel_loop3A_427 = arith.constant 32 : index
        %parallel_loop3A_428 = tpu.vector_load %arg7[%parallel_loop3A_426, %parallel_loop3A_427] {strides = array<i32>} : memref<514x128xf32, #tpu.memory_space<vmem>>, vector<1x16xf32>,
        %parallel_loop3A_429 = vector.shape_cast %parallel_loop3A_428 : vector<1x16xf32> to vector<16xf32>
        %parallel_loop3A_430 = arith.index_cast %parallel_loop3A_395 : i32 to index
        %parallel_loop3A_431 = arith.constant 32 : index
        %parallel_loop3A_432 = tpu.vector_load %arg9[%parallel_loop3A_430, %parallel_loop3A_431] {strides = array<i32>} : memref<128x128xf32, #tpu.memory_space<vmem>>, vector<1x16xf32>,
        %parallel_loop3A_433 = vector.shape_cast %parallel_loop3A_432 : vector<1x16xf32> to vector<16xf32>
        %parallel_loop3A_434 = vector.shape_cast %parallel_loop3A_429 : vector<16xf32> to vector<1x16xf32>
        tpu.vector_store %arg9[%parallel_loop3A_430, %parallel_loop3A_431], %parallel_loop3A_434 {strides = array<i32>} : memref<128x128xf32, #tpu.memory_space<vmem>>, vector<1x16xf32>,
        %parallel_loop3A_435 = arith.index_cast %parallel_loop3A_407 : i32 to index
        %parallel_loop3A_436 = arith.constant 48 : index
        %parallel_loop3A_437 = tpu.vector_load %arg7[%parallel_loop3A_435, %parallel_loop3A_436] {strides = array<i32>} : memref<514x128xf32, #tpu.memory_space<vmem>>, vector<1x16xf32>,
        %parallel_loop3A_438 = vector.shape_cast %parallel_loop3A_437 : vector<1x16xf32> to vector<16xf32>
        %parallel_loop3A_439 = arith.index_cast %parallel_loop3A_395 : i32 to index
        %parallel_loop3A_440 = arith.constant 48 : index
        %parallel_loop3A_441 = tpu.vector_load %arg9[%parallel_loop3A_439, %parallel_loop3A_440] {strides = array<i32>} : memref<128x128xf32, #tpu.memory_space<vmem>>, vector<1x16xf32>,
        %parallel_loop3A_442 = vector.shape_cast %parallel_loop3A_441 : vector<1x16xf32> to vector<16xf32>
        %parallel_loop3A_443 = vector.shape_cast %parallel_loop3A_438 : vector<16xf32> to vector<1x16xf32>
        tpu.vector_store %arg9[%parallel_loop3A_439, %parallel_loop3A_440], %parallel_loop3A_443 {strides = array<i32>} : memref<128x128xf32, #tpu.memory_space<vmem>>, vector<1x16xf32>,
        %parallel_loop3A_444 = arith.index_cast %parallel_loop3A_407 : i32 to index
        %parallel_loop3A_445 = arith.constant 64 : index
        %parallel_loop3A_446 = tpu.vector_load %arg7[%parallel_loop3A_444, %parallel_loop3A_445] {strides = array<i32>} : memref<514x128xf32, #tpu.memory_space<vmem>>, vector<1x16xf32>,
        %parallel_loop3A_447 = vector.shape_cast %parallel_loop3A_446 : vector<1x16xf32> to vector<16xf32>
        %parallel_loop3A_448 = arith.index_cast %parallel_loop3A_395 : i32 to index
        %parallel_loop3A_449 = arith.constant 64 : index
        %parallel_loop3A_450 = tpu.vector_load %arg9[%parallel_loop3A_448, %parallel_loop3A_449] {strides = array<i32>} : memref<128x128xf32, #tpu.memory_space<vmem>>, vector<1x16xf32>,
        %parallel_loop3A_451 = vector.shape_cast %parallel_loop3A_450 : vector<1x16xf32> to vector<16xf32>
        %parallel_loop3A_452 = vector.shape_cast %parallel_loop3A_447 : vector<16xf32> to vector<1x16xf32>
        tpu.vector_store %arg9[%parallel_loop3A_448, %parallel_loop3A_449], %parallel_loop3A_452 {strides = array<i32>} : memref<128x128xf32, #tpu.memory_space<vmem>>, vector<1x16xf32>,
        %parallel_loop3A_453 = arith.index_cast %parallel_loop3A_407 : i32 to index
        %parallel_loop3A_454 = arith.constant 80 : index
        %parallel_loop3A_455 = tpu.vector_load %arg7[%parallel_loop3A_453, %parallel_loop3A_454] {strides = array<i32>} : memref<514x128xf32, #tpu.memory_space<vmem>>, vector<1x16xf32>,
        %parallel_loop3A_456 = vector.shape_cast %parallel_loop3A_455 : vector<1x16xf32> to vector<16xf32>
        %parallel_loop3A_457 = arith.index_cast %parallel_loop3A_395 : i32 to index
        %parallel_loop3A_458 = arith.constant 80 : index
        %parallel_loop3A_459 = tpu.vector_load %arg9[%parallel_loop3A_457, %parallel_loop3A_458] {strides = array<i32>} : memref<128x128xf32, #tpu.memory_space<vmem>>, vector<1x16xf32>,
        %parallel_loop3A_460 = vector.shape_cast %parallel_loop3A_459 : vector<1x16xf32> to vector<16xf32>
        %parallel_loop3A_461 = vector.shape_cast %parallel_loop3A_456 : vector<16xf32> to vector<1x16xf32>
        tpu.vector_store %arg9[%parallel_loop3A_457, %parallel_loop3A_458], %parallel_loop3A_461 {strides = array<i32>} : memref<128x128xf32, #tpu.memory_space<vmem>>, vector<1x16xf32>,
        %parallel_loop3A_462 = arith.index_cast %parallel_loop3A_407 : i32 to index
        %parallel_loop3A_463 = arith.constant 96 : index
        %parallel_loop3A_464 = tpu.vector_load %arg7[%parallel_loop3A_462, %parallel_loop3A_463] {strides = array<i32>} : memref<514x128xf32, #tpu.memory_space<vmem>>, vector<1x16xf32>,
        %parallel_loop3A_465 = vector.shape_cast %parallel_loop3A_464 : vector<1x16xf32> to vector<16xf32>
        %parallel_loop3A_466 = arith.index_cast %parallel_loop3A_395 : i32 to index
        %parallel_loop3A_467 = arith.constant 96 : index
        %parallel_loop3A_468 = tpu.vector_load %arg9[%parallel_loop3A_466, %parallel_loop3A_467] {strides = array<i32>} : memref<128x128xf32, #tpu.memory_space<vmem>>, vector<1x16xf32>,
        %parallel_loop3A_469 = vector.shape_cast %parallel_loop3A_468 : vector<1x16xf32> to vector<16xf32>
        %parallel_loop3A_470 = vector.shape_cast %parallel_loop3A_465 : vector<16xf32> to vector<1x16xf32>
        tpu.vector_store %arg9[%parallel_loop3A_466, %parallel_loop3A_467], %parallel_loop3A_470 {strides = array<i32>} : memref<128x128xf32, #tpu.memory_space<vmem>>, vector<1x16xf32>,
        %parallel_loop3A_471 = arith.index_cast %parallel_loop3A_407 : i32 to index
        %parallel_loop3A_472 = arith.constant 112 : index
        %parallel_loop3A_473 = tpu.vector_load %arg7[%parallel_loop3A_471, %parallel_loop3A_472] {strides = array<i32>} : memref<514x128xf32, #tpu.memory_space<vmem>>, vector<1x16xf32>,
        %parallel_loop3A_474 = vector.shape_cast %parallel_loop3A_473 : vector<1x16xf32> to vector<16xf32>
        %parallel_loop3A_475 = arith.index_cast %parallel_loop3A_395 : i32 to index
        %parallel_loop3A_476 = arith.constant 112 : index
        %parallel_loop3A_477 = tpu.vector_load %arg9[%parallel_loop3A_475, %parallel_loop3A_476] {strides = array<i32>} : memref<128x128xf32, #tpu.memory_space<vmem>>, vector<1x16xf32>,
        %parallel_loop3A_478 = vector.shape_cast %parallel_loop3A_477 : vector<1x16xf32> to vector<16xf32>
        %parallel_loop3A_479 = vector.shape_cast %parallel_loop3A_474 : vector<16xf32> to vector<1x16xf32>
        tpu.vector_store %arg9[%parallel_loop3A_475, %parallel_loop3A_476], %parallel_loop3A_479 {strides = array<i32>} : memref<128x128xf32, #tpu.memory_space<vmem>>, vector<1x16xf32>,
      } {sc.loop_unroll_factor = 8 : i64, sc.parallel_access}
      %mul3A_240 = arith.constant 128 : i32
      %mul3A_241 = arith.muli %add3A_236, %mul3A_240 : i32
      %add3A_242 = arith.addi %mul3A_2, %mul3A_241 : i32
      %dma_start3A_243 = arith.constant 0 : i32
      %dma_start3A_244 = tpu.memref_slice %arg4[%add3A_242, %dma_start3A_243] : memref<819200x128xf32, #tpu.memory_space<hbm>> -> memref<128x128xf32, #tpu.memory_space<hbm>>
      %dma_start3A_245 = arith.constant 0 : i32
      %dma_start3A_246 = tpu.memref_slice %arg4[%add3A_242, %dma_start3A_245] : memref<819200x128xf32, #tpu.memory_space<hbm>> -> memref<128x128xf32, #tpu.memory_space<hbm>>
      tpu.enqueue_dma source(%arg9 : memref<128x128xf32, #tpu.memory_space<vmem>>) target(%dma_start3A_246 : memref<128x128xf32, #tpu.memory_space<hbm>>) target_semaphore(%arg14 : memref<!tpu.dma_semaphore, #tpu.memory_space<semaphore_mem>>)
      %sub3A_247 = arith.constant 1 : i32
      %sub3A_248 = arith.subi %add3A_236, %sub3A_247 : i32
      %mul3A_249 = arith.constant 128 : i32
      %mul3A_250 = arith.muli %sub3A_248, %mul3A_249 : i32
      %add3A_251 = arith.addi %mul3A_2, %mul3A_250 : i32
      %dma_wait3A_252 = arith.constant 0 : i32
      %dma_wait3A_253 = tpu.memref_slice %arg4[%add3A_251, %dma_wait3A_252] : memref<819200x128xf32, #tpu.memory_space<hbm>> -> memref<128x128xf32, #tpu.memory_space<hbm>>
      %dma_wait3A_254 = arith.constant 0 : i32
      %dma_wait3A_255 = tpu.memref_slice %arg4[%add3A_251, %dma_wait3A_254] : memref<819200x128xf32, #tpu.memory_space<hbm>> -> memref<128x128xf32, #tpu.memory_space<hbm>>
      tpu.wait_dma2 semaphore(%arg15 : memref<!tpu.dma_semaphore, #tpu.memory_space<semaphore_mem>>) src(%arg10 : memref<128x128xf32, #tpu.memory_space<vmem>>) dst(%dma_wait3A_255 : memref<128x128xf32, #tpu.memory_space<hbm>>)
      %mul3A_256 = arith.constant 4 : i32
      %mul3A_257 = arith.muli %add3A_169, %mul3A_256 : i32
      %add3A_258 = arith.constant 3 : i32
      %add3A_259 = arith.addi %mul3A_257, %add3A_258 : i32
      %parallel_loop3A_260 = arith.constant 0 : i32
      %parallel_loop3A_261 = arith.constant 128 : i32
      %parallel_loop3A_262 = arith.constant 1 : i32
      scf.for %parallel_loop3A_395 = %parallel_loop3A_260 to %parallel_loop3A_261 step %parallel_loop3A_262  : i32 {
        %parallel_loop3A_396 = arith.constant 384 : i32
        %parallel_loop3A_397 = arith.addi %parallel_loop3A_396, %parallel_loop3A_395 : i32
        %parallel_loop3A_398 = arith.constant 1 : i32
        %parallel_loop3A_399 = arith.index_cast %parallel_loop3A_398 : i32 to index
        %parallel_loop3A_400 = arith.index_cast %parallel_loop3A_397 : i32 to index
        %parallel_loop3A_401 = memref.load %arg8[%parallel_loop3A_399, %parallel_loop3A_400] : memref<2x512xi32, #tpu.memory_space<smem>>
        %parallel_loop3A_402 = arith.constant 1000 : i32
        %parallel_loop3A_403 = arith.cmpi sgt, %parallel_loop3A_401, %parallel_loop3A_402 : i32
        %parallel_loop3A_404 = arith.constant 512 : i32
        %parallel_loop3A_405 = arith.minsi %parallel_loop3A_401, %parallel_loop3A_404 : i32
        %parallel_loop3A_406 = arith.constant 513 : i32
        %parallel_loop3A_407 = arith.select %parallel_loop3A_403, %parallel_loop3A_406, %parallel_loop3A_405 : i32
        %parallel_loop3A_408 = arith.index_cast %parallel_loop3A_407 : i32 to index
        %parallel_loop3A_409 = arith.constant 0 : index
        %parallel_loop3A_410 = tpu.vector_load %arg7[%parallel_loop3A_408, %parallel_loop3A_409] {strides = array<i32>} : memref<514x128xf32, #tpu.memory_space<vmem>>, vector<1x16xf32>,
        %parallel_loop3A_411 = vector.shape_cast %parallel_loop3A_410 : vector<1x16xf32> to vector<16xf32>
        %parallel_loop3A_412 = arith.index_cast %parallel_loop3A_395 : i32 to index
        %parallel_loop3A_413 = arith.constant 0 : index
        %parallel_loop3A_414 = tpu.vector_load %arg10[%parallel_loop3A_412, %parallel_loop3A_413] {strides = array<i32>} : memref<128x128xf32, #tpu.memory_space<vmem>>, vector<1x16xf32>,
        %parallel_loop3A_415 = vector.shape_cast %parallel_loop3A_414 : vector<1x16xf32> to vector<16xf32>
        %parallel_loop3A_416 = vector.shape_cast %parallel_loop3A_411 : vector<16xf32> to vector<1x16xf32>
        tpu.vector_store %arg10[%parallel_loop3A_412, %parallel_loop3A_413], %parallel_loop3A_416 {strides = array<i32>} : memref<128x128xf32, #tpu.memory_space<vmem>>, vector<1x16xf32>,
        %parallel_loop3A_417 = arith.index_cast %parallel_loop3A_407 : i32 to index
        %parallel_loop3A_418 = arith.constant 16 : index
        %parallel_loop3A_419 = tpu.vector_load %arg7[%parallel_loop3A_417, %parallel_loop3A_418] {strides = array<i32>} : memref<514x128xf32, #tpu.memory_space<vmem>>, vector<1x16xf32>,
        %parallel_loop3A_420 = vector.shape_cast %parallel_loop3A_419 : vector<1x16xf32> to vector<16xf32>
        %parallel_loop3A_421 = arith.index_cast %parallel_loop3A_395 : i32 to index
        %parallel_loop3A_422 = arith.constant 16 : index
        %parallel_loop3A_423 = tpu.vector_load %arg10[%parallel_loop3A_421, %parallel_loop3A_422] {strides = array<i32>} : memref<128x128xf32, #tpu.memory_space<vmem>>, vector<1x16xf32>,
        %parallel_loop3A_424 = vector.shape_cast %parallel_loop3A_423 : vector<1x16xf32> to vector<16xf32>
        %parallel_loop3A_425 = vector.shape_cast %parallel_loop3A_420 : vector<16xf32> to vector<1x16xf32>
        tpu.vector_store %arg10[%parallel_loop3A_421, %parallel_loop3A_422], %parallel_loop3A_425 {strides = array<i32>} : memref<128x128xf32, #tpu.memory_space<vmem>>, vector<1x16xf32>,
        %parallel_loop3A_426 = arith.index_cast %parallel_loop3A_407 : i32 to index
        %parallel_loop3A_427 = arith.constant 32 : index
        %parallel_loop3A_428 = tpu.vector_load %arg7[%parallel_loop3A_426, %parallel_loop3A_427] {strides = array<i32>} : memref<514x128xf32, #tpu.memory_space<vmem>>, vector<1x16xf32>,
        %parallel_loop3A_429 = vector.shape_cast %parallel_loop3A_428 : vector<1x16xf32> to vector<16xf32>
        %parallel_loop3A_430 = arith.index_cast %parallel_loop3A_395 : i32 to index
        %parallel_loop3A_431 = arith.constant 32 : index
        %parallel_loop3A_432 = tpu.vector_load %arg10[%parallel_loop3A_430, %parallel_loop3A_431] {strides = array<i32>} : memref<128x128xf32, #tpu.memory_space<vmem>>, vector<1x16xf32>,
        %parallel_loop3A_433 = vector.shape_cast %parallel_loop3A_432 : vector<1x16xf32> to vector<16xf32>
        %parallel_loop3A_434 = vector.shape_cast %parallel_loop3A_429 : vector<16xf32> to vector<1x16xf32>
        tpu.vector_store %arg10[%parallel_loop3A_430, %parallel_loop3A_431], %parallel_loop3A_434 {strides = array<i32>} : memref<128x128xf32, #tpu.memory_space<vmem>>, vector<1x16xf32>,
        %parallel_loop3A_435 = arith.index_cast %parallel_loop3A_407 : i32 to index
        %parallel_loop3A_436 = arith.constant 48 : index
        %parallel_loop3A_437 = tpu.vector_load %arg7[%parallel_loop3A_435, %parallel_loop3A_436] {strides = array<i32>} : memref<514x128xf32, #tpu.memory_space<vmem>>, vector<1x16xf32>,
        %parallel_loop3A_438 = vector.shape_cast %parallel_loop3A_437 : vector<1x16xf32> to vector<16xf32>
        %parallel_loop3A_439 = arith.index_cast %parallel_loop3A_395 : i32 to index
        %parallel_loop3A_440 = arith.constant 48 : index
        %parallel_loop3A_441 = tpu.vector_load %arg10[%parallel_loop3A_439, %parallel_loop3A_440] {strides = array<i32>} : memref<128x128xf32, #tpu.memory_space<vmem>>, vector<1x16xf32>,
        %parallel_loop3A_442 = vector.shape_cast %parallel_loop3A_441 : vector<1x16xf32> to vector<16xf32>
        %parallel_loop3A_443 = vector.shape_cast %parallel_loop3A_438 : vector<16xf32> to vector<1x16xf32>
        tpu.vector_store %arg10[%parallel_loop3A_439, %parallel_loop3A_440], %parallel_loop3A_443 {strides = array<i32>} : memref<128x128xf32, #tpu.memory_space<vmem>>, vector<1x16xf32>,
        %parallel_loop3A_444 = arith.index_cast %parallel_loop3A_407 : i32 to index
        %parallel_loop3A_445 = arith.constant 64 : index
        %parallel_loop3A_446 = tpu.vector_load %arg7[%parallel_loop3A_444, %parallel_loop3A_445] {strides = array<i32>} : memref<514x128xf32, #tpu.memory_space<vmem>>, vector<1x16xf32>,
        %parallel_loop3A_447 = vector.shape_cast %parallel_loop3A_446 : vector<1x16xf32> to vector<16xf32>
        %parallel_loop3A_448 = arith.index_cast %parallel_loop3A_395 : i32 to index
        %parallel_loop3A_449 = arith.constant 64 : index
        %parallel_loop3A_450 = tpu.vector_load %arg10[%parallel_loop3A_448, %parallel_loop3A_449] {strides = array<i32>} : memref<128x128xf32, #tpu.memory_space<vmem>>, vector<1x16xf32>,
        %parallel_loop3A_451 = vector.shape_cast %parallel_loop3A_450 : vector<1x16xf32> to vector<16xf32>
        %parallel_loop3A_452 = vector.shape_cast %parallel_loop3A_447 : vector<16xf32> to vector<1x16xf32>
        tpu.vector_store %arg10[%parallel_loop3A_448, %parallel_loop3A_449], %parallel_loop3A_452 {strides = array<i32>} : memref<128x128xf32, #tpu.memory_space<vmem>>, vector<1x16xf32>,
        %parallel_loop3A_453 = arith.index_cast %parallel_loop3A_407 : i32 to index
        %parallel_loop3A_454 = arith.constant 80 : index
        %parallel_loop3A_455 = tpu.vector_load %arg7[%parallel_loop3A_453, %parallel_loop3A_454] {strides = array<i32>} : memref<514x128xf32, #tpu.memory_space<vmem>>, vector<1x16xf32>,
        %parallel_loop3A_456 = vector.shape_cast %parallel_loop3A_455 : vector<1x16xf32> to vector<16xf32>
        %parallel_loop3A_457 = arith.index_cast %parallel_loop3A_395 : i32 to index
        %parallel_loop3A_458 = arith.constant 80 : index
        %parallel_loop3A_459 = tpu.vector_load %arg10[%parallel_loop3A_457, %parallel_loop3A_458] {strides = array<i32>} : memref<128x128xf32, #tpu.memory_space<vmem>>, vector<1x16xf32>,
        %parallel_loop3A_460 = vector.shape_cast %parallel_loop3A_459 : vector<1x16xf32> to vector<16xf32>
        %parallel_loop3A_461 = vector.shape_cast %parallel_loop3A_456 : vector<16xf32> to vector<1x16xf32>
        tpu.vector_store %arg10[%parallel_loop3A_457, %parallel_loop3A_458], %parallel_loop3A_461 {strides = array<i32>} : memref<128x128xf32, #tpu.memory_space<vmem>>, vector<1x16xf32>,
        %parallel_loop3A_462 = arith.index_cast %parallel_loop3A_407 : i32 to index
        %parallel_loop3A_463 = arith.constant 96 : index
        %parallel_loop3A_464 = tpu.vector_load %arg7[%parallel_loop3A_462, %parallel_loop3A_463] {strides = array<i32>} : memref<514x128xf32, #tpu.memory_space<vmem>>, vector<1x16xf32>,
        %parallel_loop3A_465 = vector.shape_cast %parallel_loop3A_464 : vector<1x16xf32> to vector<16xf32>
        %parallel_loop3A_466 = arith.index_cast %parallel_loop3A_395 : i32 to index
        %parallel_loop3A_467 = arith.constant 96 : index
        %parallel_loop3A_468 = tpu.vector_load %arg10[%parallel_loop3A_466, %parallel_loop3A_467] {strides = array<i32>} : memref<128x128xf32, #tpu.memory_space<vmem>>, vector<1x16xf32>,
        %parallel_loop3A_469 = vector.shape_cast %parallel_loop3A_468 : vector<1x16xf32> to vector<16xf32>
        %parallel_loop3A_470 = vector.shape_cast %parallel_loop3A_465 : vector<16xf32> to vector<1x16xf32>
        tpu.vector_store %arg10[%parallel_loop3A_466, %parallel_loop3A_467], %parallel_loop3A_470 {strides = array<i32>} : memref<128x128xf32, #tpu.memory_space<vmem>>, vector<1x16xf32>,
        %parallel_loop3A_471 = arith.index_cast %parallel_loop3A_407 : i32 to index
        %parallel_loop3A_472 = arith.constant 112 : index
        %parallel_loop3A_473 = tpu.vector_load %arg7[%parallel_loop3A_471, %parallel_loop3A_472] {strides = array<i32>} : memref<514x128xf32, #tpu.memory_space<vmem>>, vector<1x16xf32>,
        %parallel_loop3A_474 = vector.shape_cast %parallel_loop3A_473 : vector<1x16xf32> to vector<16xf32>
        %parallel_loop3A_475 = arith.index_cast %parallel_loop3A_395 : i32 to index
        %parallel_loop3A_476 = arith.constant 112 : index
        %parallel_loop3A_477 = tpu.vector_load %arg10[%parallel_loop3A_475, %parallel_loop3A_476] {strides = array<i32>} : memref<128x128xf32, #tpu.memory_space<vmem>>, vector<1x16xf32>,
        %parallel_loop3A_478 = vector.shape_cast %parallel_loop3A_477 : vector<1x16xf32> to vector<16xf32>
        %parallel_loop3A_479 = vector.shape_cast %parallel_loop3A_474 : vector<16xf32> to vector<1x16xf32>
        tpu.vector_store %arg10[%parallel_loop3A_475, %parallel_loop3A_476], %parallel_loop3A_479 {strides = array<i32>} : memref<128x128xf32, #tpu.memory_space<vmem>>, vector<1x16xf32>,
      } {sc.loop_unroll_factor = 8 : i64, sc.parallel_access}
      %mul3A_263 = arith.constant 128 : i32
      %mul3A_264 = arith.muli %add3A_259, %mul3A_263 : i32
      %add3A_265 = arith.addi %mul3A_2, %mul3A_264 : i32
      %dma_start3A_266 = arith.constant 0 : i32
      %dma_start3A_267 = tpu.memref_slice %arg4[%add3A_265, %dma_start3A_266] : memref<819200x128xf32, #tpu.memory_space<hbm>> -> memref<128x128xf32, #tpu.memory_space<hbm>>
      %dma_start3A_268 = arith.constant 0 : i32
      %dma_start3A_269 = tpu.memref_slice %arg4[%add3A_265, %dma_start3A_268] : memref<819200x128xf32, #tpu.memory_space<hbm>> -> memref<128x128xf32, #tpu.memory_space<hbm>>
      tpu.enqueue_dma source(%arg10 : memref<128x128xf32, #tpu.memory_space<vmem>>) target(%dma_start3A_269 : memref<128x128xf32, #tpu.memory_space<hbm>>) target_semaphore(%arg15 : memref<!tpu.dma_semaphore, #tpu.memory_space<semaphore_mem>>)
      %sub3A_270 = arith.constant 1 : i32
      %sub3A_271 = arith.subi %add3A_259, %sub3A_270 : i32
      %mul3A_272 = arith.constant 128 : i32
      %mul3A_273 = arith.muli %sub3A_271, %mul3A_272 : i32
      %add3A_274 = arith.addi %mul3A_2, %mul3A_273 : i32
      %dma_wait3A_275 = arith.constant 0 : i32
      %dma_wait3A_276 = tpu.memref_slice %arg4[%add3A_274, %dma_wait3A_275] : memref<819200x128xf32, #tpu.memory_space<hbm>> -> memref<128x128xf32, #tpu.memory_space<hbm>>
      %dma_wait3A_277 = arith.constant 0 : i32
      %dma_wait3A_278 = tpu.memref_slice %arg4[%add3A_274, %dma_wait3A_277] : memref<819200x128xf32, #tpu.memory_space<hbm>> -> memref<128x128xf32, #tpu.memory_space<hbm>>
      tpu.wait_dma2 semaphore(%arg14 : memref<!tpu.dma_semaphore, #tpu.memory_space<semaphore_mem>>) src(%arg9 : memref<128x128xf32, #tpu.memory_space<vmem>>) dst(%dma_wait3A_278 : memref<128x128xf32, #tpu.memory_space<hbm>>)
      %mul3A_279 = arith.constant 2 : i32
      %mul3A_280 = arith.muli %mul3A_279, %scan3A_163 : i32
      %add3A_281 = arith.constant 1 : i32
      %add3A_282 = arith.addi %mul3A_280, %add3A_281 : i32
      %add3A_283 = arith.constant 1 : i32
      %add3A_284 = arith.addi %add3A_282, %add3A_283 : i32
      %mul3A_285 = arith.constant 512 : i32
      %mul3A_286 = arith.muli %add3A_284, %mul3A_285 : i32
      %dma_wait3A_287 = arith.constant 0 : i32
      %dma_wait3A_288 = arith.constant 0 : i32
      %dma_wait3A_289 = tpu.memref_slice %arg8[%dma_wait3A_287, %dma_wait3A_288] : memref<2x512xi32, #tpu.memory_space<smem>> -> memref<1x512xi32, #tpu.memory_space<smem>>
      %dma_wait3A_290 = tpu.memref_squeeze %dma_wait3A_289 : memref<1x512xi32, #tpu.memory_space<smem>> -> memref<512xi32, #tpu.memory_space<smem>>
      %dma_wait3A_291 = tpu.memref_slice %arg6[%arg1, %mul3A_286] : memref<16x25600xi32, #tpu.memory_space<vmem_shared>> -> memref<1x512xi32, #tpu.memory_space<vmem_shared>>
      %dma_wait3A_292 = tpu.memref_squeeze %dma_wait3A_291 : memref<1x512xi32, #tpu.memory_space<vmem_shared>> -> memref<512xi32, #tpu.memory_space<vmem_shared>>
      tpu.wait_dma2 semaphore(%arg12 : memref<!tpu.dma_semaphore, #tpu.memory_space<semaphore_mem>>) src(%dma_wait3A_292 : memref<512xi32, #tpu.memory_space<vmem_shared>>) dst(%dma_wait3A_290 : memref<512xi32, #tpu.memory_space<smem>>)
      %add3A_293 = arith.constant 1 : i32
      %add3A_294 = arith.addi %add3A_284, %add3A_293 : i32
      %mul3A_295 = arith.constant 512 : i32
      %mul3A_296 = arith.muli %add3A_294, %mul3A_295 : i32
      %dma_start3A_297 = arith.constant 1 : i32
      %dma_start3A_298 = arith.constant 0 : i32
      %dma_start3A_299 = tpu.memref_slice %arg8[%dma_start3A_297, %dma_start3A_298] : memref<2x512xi32, #tpu.memory_space<smem>> -> memref<1x512xi32, #tpu.memory_space<smem>>
      %dma_start3A_300 = tpu.memref_squeeze %dma_start3A_299 : memref<1x512xi32, #tpu.memory_space<smem>> -> memref<512xi32, #tpu.memory_space<smem>>
      %dma_start3A_301 = tpu.memref_slice %arg6[%arg1, %mul3A_296] : memref<16x25600xi32, #tpu.memory_space<vmem_shared>> -> memref<1x512xi32, #tpu.memory_space<vmem_shared>>
      %dma_start3A_302 = tpu.memref_squeeze %dma_start3A_301 : memref<1x512xi32, #tpu.memory_space<vmem_shared>> -> memref<512xi32, #tpu.memory_space<vmem_shared>>
      tpu.enqueue_dma source(%dma_start3A_302 : memref<512xi32, #tpu.memory_space<vmem_shared>>) target(%dma_start3A_300 : memref<512xi32, #tpu.memory_space<smem>>) target_semaphore(%arg13 : memref<!tpu.dma_semaphore, #tpu.memory_space<semaphore_mem>>)
      %mul3A_303 = arith.constant 4 : i32
      %mul3A_304 = arith.muli %add3A_284, %mul3A_303 : i32
      %add3A_305 = arith.constant 0 : i32
      %add3A_306 = arith.addi %mul3A_304, %add3A_305 : i32
      %parallel_loop3A_307 = arith.constant 0 : i32
      %parallel_loop3A_308 = arith.constant 128 : i32
      %parallel_loop3A_309 = arith.constant 1 : i32
      scf.for %parallel_loop3A_395 = %parallel_loop3A_307 to %parallel_loop3A_308 step %parallel_loop3A_309  : i32 {
        %parallel_loop3A_396 = arith.constant 0 : i32
        %parallel_loop3A_397 = arith.addi %parallel_loop3A_396, %parallel_loop3A_395 : i32
        %parallel_loop3A_398 = arith.constant 0 : i32
        %parallel_loop3A_399 = arith.index_cast %parallel_loop3A_398 : i32 to index
        %parallel_loop3A_400 = arith.index_cast %parallel_loop3A_397 : i32 to index
        %parallel_loop3A_401 = memref.load %arg8[%parallel_loop3A_399, %parallel_loop3A_400] : memref<2x512xi32, #tpu.memory_space<smem>>
        %parallel_loop3A_402 = arith.constant 1000 : i32
        %parallel_loop3A_403 = arith.cmpi sgt, %parallel_loop3A_401, %parallel_loop3A_402 : i32
        %parallel_loop3A_404 = arith.constant 512 : i32
        %parallel_loop3A_405 = arith.minsi %parallel_loop3A_401, %parallel_loop3A_404 : i32
        %parallel_loop3A_406 = arith.constant 513 : i32
        %parallel_loop3A_407 = arith.select %parallel_loop3A_403, %parallel_loop3A_406, %parallel_loop3A_405 : i32
        %parallel_loop3A_408 = arith.index_cast %parallel_loop3A_407 : i32 to index
        %parallel_loop3A_409 = arith.constant 0 : index
        %parallel_loop3A_410 = tpu.vector_load %arg7[%parallel_loop3A_408, %parallel_loop3A_409] {strides = array<i32>} : memref<514x128xf32, #tpu.memory_space<vmem>>, vector<1x16xf32>,
        %parallel_loop3A_411 = vector.shape_cast %parallel_loop3A_410 : vector<1x16xf32> to vector<16xf32>
        %parallel_loop3A_412 = arith.index_cast %parallel_loop3A_395 : i32 to index
        %parallel_loop3A_413 = arith.constant 0 : index
        %parallel_loop3A_414 = tpu.vector_load %arg9[%parallel_loop3A_412, %parallel_loop3A_413] {strides = array<i32>} : memref<128x128xf32, #tpu.memory_space<vmem>>, vector<1x16xf32>,
        %parallel_loop3A_415 = vector.shape_cast %parallel_loop3A_414 : vector<1x16xf32> to vector<16xf32>
        %parallel_loop3A_416 = vector.shape_cast %parallel_loop3A_411 : vector<16xf32> to vector<1x16xf32>
        tpu.vector_store %arg9[%parallel_loop3A_412, %parallel_loop3A_413], %parallel_loop3A_416 {strides = array<i32>} : memref<128x128xf32, #tpu.memory_space<vmem>>, vector<1x16xf32>,
        %parallel_loop3A_417 = arith.index_cast %parallel_loop3A_407 : i32 to index
        %parallel_loop3A_418 = arith.constant 16 : index
        %parallel_loop3A_419 = tpu.vector_load %arg7[%parallel_loop3A_417, %parallel_loop3A_418] {strides = array<i32>} : memref<514x128xf32, #tpu.memory_space<vmem>>, vector<1x16xf32>,
        %parallel_loop3A_420 = vector.shape_cast %parallel_loop3A_419 : vector<1x16xf32> to vector<16xf32>
        %parallel_loop3A_421 = arith.index_cast %parallel_loop3A_395 : i32 to index
        %parallel_loop3A_422 = arith.constant 16 : index
        %parallel_loop3A_423 = tpu.vector_load %arg9[%parallel_loop3A_421, %parallel_loop3A_422] {strides = array<i32>} : memref<128x128xf32, #tpu.memory_space<vmem>>, vector<1x16xf32>,
        %parallel_loop3A_424 = vector.shape_cast %parallel_loop3A_423 : vector<1x16xf32> to vector<16xf32>
        %parallel_loop3A_425 = vector.shape_cast %parallel_loop3A_420 : vector<16xf32> to vector<1x16xf32>
        tpu.vector_store %arg9[%parallel_loop3A_421, %parallel_loop3A_422], %parallel_loop3A_425 {strides = array<i32>} : memref<128x128xf32, #tpu.memory_space<vmem>>, vector<1x16xf32>,
        %parallel_loop3A_426 = arith.index_cast %parallel_loop3A_407 : i32 to index
        %parallel_loop3A_427 = arith.constant 32 : index
        %parallel_loop3A_428 = tpu.vector_load %arg7[%parallel_loop3A_426, %parallel_loop3A_427] {strides = array<i32>} : memref<514x128xf32, #tpu.memory_space<vmem>>, vector<1x16xf32>,
        %parallel_loop3A_429 = vector.shape_cast %parallel_loop3A_428 : vector<1x16xf32> to vector<16xf32>
        %parallel_loop3A_430 = arith.index_cast %parallel_loop3A_395 : i32 to index
        %parallel_loop3A_431 = arith.constant 32 : index
        %parallel_loop3A_432 = tpu.vector_load %arg9[%parallel_loop3A_430, %parallel_loop3A_431] {strides = array<i32>} : memref<128x128xf32, #tpu.memory_space<vmem>>, vector<1x16xf32>,
        %parallel_loop3A_433 = vector.shape_cast %parallel_loop3A_432 : vector<1x16xf32> to vector<16xf32>
        %parallel_loop3A_434 = vector.shape_cast %parallel_loop3A_429 : vector<16xf32> to vector<1x16xf32>
        tpu.vector_store %arg9[%parallel_loop3A_430, %parallel_loop3A_431], %parallel_loop3A_434 {strides = array<i32>} : memref<128x128xf32, #tpu.memory_space<vmem>>, vector<1x16xf32>,
        %parallel_loop3A_435 = arith.index_cast %parallel_loop3A_407 : i32 to index
        %parallel_loop3A_436 = arith.constant 48 : index
        %parallel_loop3A_437 = tpu.vector_load %arg7[%parallel_loop3A_435, %parallel_loop3A_436] {strides = array<i32>} : memref<514x128xf32, #tpu.memory_space<vmem>>, vector<1x16xf32>,
        %parallel_loop3A_438 = vector.shape_cast %parallel_loop3A_437 : vector<1x16xf32> to vector<16xf32>
        %parallel_loop3A_439 = arith.index_cast %parallel_loop3A_395 : i32 to index
        %parallel_loop3A_440 = arith.constant 48 : index
        %parallel_loop3A_441 = tpu.vector_load %arg9[%parallel_loop3A_439, %parallel_loop3A_440] {strides = array<i32>} : memref<128x128xf32, #tpu.memory_space<vmem>>, vector<1x16xf32>,
        %parallel_loop3A_442 = vector.shape_cast %parallel_loop3A_441 : vector<1x16xf32> to vector<16xf32>
        %parallel_loop3A_443 = vector.shape_cast %parallel_loop3A_438 : vector<16xf32> to vector<1x16xf32>
        tpu.vector_store %arg9[%parallel_loop3A_439, %parallel_loop3A_440], %parallel_loop3A_443 {strides = array<i32>} : memref<128x128xf32, #tpu.memory_space<vmem>>, vector<1x16xf32>,
        %parallel_loop3A_444 = arith.index_cast %parallel_loop3A_407 : i32 to index
        %parallel_loop3A_445 = arith.constant 64 : index
        %parallel_loop3A_446 = tpu.vector_load %arg7[%parallel_loop3A_444, %parallel_loop3A_445] {strides = array<i32>} : memref<514x128xf32, #tpu.memory_space<vmem>>, vector<1x16xf32>,
        %parallel_loop3A_447 = vector.shape_cast %parallel_loop3A_446 : vector<1x16xf32> to vector<16xf32>
        %parallel_loop3A_448 = arith.index_cast %parallel_loop3A_395 : i32 to index
        %parallel_loop3A_449 = arith.constant 64 : index
        %parallel_loop3A_450 = tpu.vector_load %arg9[%parallel_loop3A_448, %parallel_loop3A_449] {strides = array<i32>} : memref<128x128xf32, #tpu.memory_space<vmem>>, vector<1x16xf32>,
        %parallel_loop3A_451 = vector.shape_cast %parallel_loop3A_450 : vector<1x16xf32> to vector<16xf32>
        %parallel_loop3A_452 = vector.shape_cast %parallel_loop3A_447 : vector<16xf32> to vector<1x16xf32>
        tpu.vector_store %arg9[%parallel_loop3A_448, %parallel_loop3A_449], %parallel_loop3A_452 {strides = array<i32>} : memref<128x128xf32, #tpu.memory_space<vmem>>, vector<1x16xf32>,
        %parallel_loop3A_453 = arith.index_cast %parallel_loop3A_407 : i32 to index
        %parallel_loop3A_454 = arith.constant 80 : index
        %parallel_loop3A_455 = tpu.vector_load %arg7[%parallel_loop3A_453, %parallel_loop3A_454] {strides = array<i32>} : memref<514x128xf32, #tpu.memory_space<vmem>>, vector<1x16xf32>,
        %parallel_loop3A_456 = vector.shape_cast %parallel_loop3A_455 : vector<1x16xf32> to vector<16xf32>
        %parallel_loop3A_457 = arith.index_cast %parallel_loop3A_395 : i32 to index
        %parallel_loop3A_458 = arith.constant 80 : index
        %parallel_loop3A_459 = tpu.vector_load %arg9[%parallel_loop3A_457, %parallel_loop3A_458] {strides = array<i32>} : memref<128x128xf32, #tpu.memory_space<vmem>>, vector<1x16xf32>,
        %parallel_loop3A_460 = vector.shape_cast %parallel_loop3A_459 : vector<1x16xf32> to vector<16xf32>
        %parallel_loop3A_461 = vector.shape_cast %parallel_loop3A_456 : vector<16xf32> to vector<1x16xf32>
        tpu.vector_store %arg9[%parallel_loop3A_457, %parallel_loop3A_458], %parallel_loop3A_461 {strides = array<i32>} : memref<128x128xf32, #tpu.memory_space<vmem>>, vector<1x16xf32>,
        %parallel_loop3A_462 = arith.index_cast %parallel_loop3A_407 : i32 to index
        %parallel_loop3A_463 = arith.constant 96 : index
        %parallel_loop3A_464 = tpu.vector_load %arg7[%parallel_loop3A_462, %parallel_loop3A_463] {strides = array<i32>} : memref<514x128xf32, #tpu.memory_space<vmem>>, vector<1x16xf32>,
        %parallel_loop3A_465 = vector.shape_cast %parallel_loop3A_464 : vector<1x16xf32> to vector<16xf32>
        %parallel_loop3A_466 = arith.index_cast %parallel_loop3A_395 : i32 to index
        %parallel_loop3A_467 = arith.constant 96 : index
        %parallel_loop3A_468 = tpu.vector_load %arg9[%parallel_loop3A_466, %parallel_loop3A_467] {strides = array<i32>} : memref<128x128xf32, #tpu.memory_space<vmem>>, vector<1x16xf32>,
        %parallel_loop3A_469 = vector.shape_cast %parallel_loop3A_468 : vector<1x16xf32> to vector<16xf32>
        %parallel_loop3A_470 = vector.shape_cast %parallel_loop3A_465 : vector<16xf32> to vector<1x16xf32>
        tpu.vector_store %arg9[%parallel_loop3A_466, %parallel_loop3A_467], %parallel_loop3A_470 {strides = array<i32>} : memref<128x128xf32, #tpu.memory_space<vmem>>, vector<1x16xf32>,
        %parallel_loop3A_471 = arith.index_cast %parallel_loop3A_407 : i32 to index
        %parallel_loop3A_472 = arith.constant 112 : index
        %parallel_loop3A_473 = tpu.vector_load %arg7[%parallel_loop3A_471, %parallel_loop3A_472] {strides = array<i32>} : memref<514x128xf32, #tpu.memory_space<vmem>>, vector<1x16xf32>,
        %parallel_loop3A_474 = vector.shape_cast %parallel_loop3A_473 : vector<1x16xf32> to vector<16xf32>
        %parallel_loop3A_475 = arith.index_cast %parallel_loop3A_395 : i32 to index
        %parallel_loop3A_476 = arith.constant 112 : index
        %parallel_loop3A_477 = tpu.vector_load %arg9[%parallel_loop3A_475, %parallel_loop3A_476] {strides = array<i32>} : memref<128x128xf32, #tpu.memory_space<vmem>>, vector<1x16xf32>,
        %parallel_loop3A_478 = vector.shape_cast %parallel_loop3A_477 : vector<1x16xf32> to vector<16xf32>
        %parallel_loop3A_479 = vector.shape_cast %parallel_loop3A_474 : vector<16xf32> to vector<1x16xf32>
        tpu.vector_store %arg9[%parallel_loop3A_475, %parallel_loop3A_476], %parallel_loop3A_479 {strides = array<i32>} : memref<128x128xf32, #tpu.memory_space<vmem>>, vector<1x16xf32>,
      } {sc.loop_unroll_factor = 8 : i64, sc.parallel_access}
      %mul3A_310 = arith.constant 128 : i32
      %mul3A_311 = arith.muli %add3A_306, %mul3A_310 : i32
      %add3A_312 = arith.addi %mul3A_2, %mul3A_311 : i32
      %dma_start3A_313 = arith.constant 0 : i32
      %dma_start3A_314 = tpu.memref_slice %arg4[%add3A_312, %dma_start3A_313] : memref<819200x128xf32, #tpu.memory_space<hbm>> -> memref<128x128xf32, #tpu.memory_space<hbm>>
      %dma_start3A_315 = arith.constant 0 : i32
      %dma_start3A_316 = tpu.memref_slice %arg4[%add3A_312, %dma_start3A_315] : memref<819200x128xf32, #tpu.memory_space<hbm>> -> memref<128x128xf32, #tpu.memory_space<hbm>>
      tpu.enqueue_dma source(%arg9 : memref<128x128xf32, #tpu.memory_space<vmem>>) target(%dma_start3A_316 : memref<128x128xf32, #tpu.memory_space<hbm>>) target_semaphore(%arg14 : memref<!tpu.dma_semaphore, #tpu.memory_space<semaphore_mem>>)
      %sub3A_317 = arith.constant 1 : i32
      %sub3A_318 = arith.subi %add3A_306, %sub3A_317 : i32
      %mul3A_319 = arith.constant 128 : i32
      %mul3A_320 = arith.muli %sub3A_318, %mul3A_319 : i32
      %add3A_321 = arith.addi %mul3A_2, %mul3A_320 : i32
      %dma_wait3A_322 = arith.constant 0 : i32
      %dma_wait3A_323 = tpu.memref_slice %arg4[%add3A_321, %dma_wait3A_322] : memref<819200x128xf32, #tpu.memory_space<hbm>> -> memref<128x128xf32, #tpu.memory_space<hbm>>
      %dma_wait3A_324 = arith.constant 0 : i32
      %dma_wait3A_325 = tpu.memref_slice %arg4[%add3A_321, %dma_wait3A_324] : memref<819200x128xf32, #tpu.memory_space<hbm>> -> memref<128x128xf32, #tpu.memory_space<hbm>>
      tpu.wait_dma2 semaphore(%arg15 : memref<!tpu.dma_semaphore, #tpu.memory_space<semaphore_mem>>) src(%arg10 : memref<128x128xf32, #tpu.memory_space<vmem>>) dst(%dma_wait3A_325 : memref<128x128xf32, #tpu.memory_space<hbm>>)
      %mul3A_326 = arith.constant 4 : i32
      %mul3A_327 = arith.muli %add3A_284, %mul3A_326 : i32
      %add3A_328 = arith.constant 1 : i32
      %add3A_329 = arith.addi %mul3A_327, %add3A_328 : i32
      %parallel_loop3A_330 = arith.constant 0 : i32
      %parallel_loop3A_331 = arith.constant 128 : i32
      %parallel_loop3A_332 = arith.constant 1 : i32
      scf.for %parallel_loop3A_395 = %parallel_loop3A_330 to %parallel_loop3A_331 step %parallel_loop3A_332  : i32 {
        %parallel_loop3A_396 = arith.constant 128 : i32
        %parallel_loop3A_397 = arith.addi %parallel_loop3A_396, %parallel_loop3A_395 : i32
        %parallel_loop3A_398 = arith.constant 0 : i32
        %parallel_loop3A_399 = arith.index_cast %parallel_loop3A_398 : i32 to index
        %parallel_loop3A_400 = arith.index_cast %parallel_loop3A_397 : i32 to index
        %parallel_loop3A_401 = memref.load %arg8[%parallel_loop3A_399, %parallel_loop3A_400] : memref<2x512xi32, #tpu.memory_space<smem>>
        %parallel_loop3A_402 = arith.constant 1000 : i32
        %parallel_loop3A_403 = arith.cmpi sgt, %parallel_loop3A_401, %parallel_loop3A_402 : i32
        %parallel_loop3A_404 = arith.constant 512 : i32
        %parallel_loop3A_405 = arith.minsi %parallel_loop3A_401, %parallel_loop3A_404 : i32
        %parallel_loop3A_406 = arith.constant 513 : i32
        %parallel_loop3A_407 = arith.select %parallel_loop3A_403, %parallel_loop3A_406, %parallel_loop3A_405 : i32
        %parallel_loop3A_408 = arith.index_cast %parallel_loop3A_407 : i32 to index
        %parallel_loop3A_409 = arith.constant 0 : index
        %parallel_loop3A_410 = tpu.vector_load %arg7[%parallel_loop3A_408, %parallel_loop3A_409] {strides = array<i32>} : memref<514x128xf32, #tpu.memory_space<vmem>>, vector<1x16xf32>,
        %parallel_loop3A_411 = vector.shape_cast %parallel_loop3A_410 : vector<1x16xf32> to vector<16xf32>
        %parallel_loop3A_412 = arith.index_cast %parallel_loop3A_395 : i32 to index
        %parallel_loop3A_413 = arith.constant 0 : index
        %parallel_loop3A_414 = tpu.vector_load %arg10[%parallel_loop3A_412, %parallel_loop3A_413] {strides = array<i32>} : memref<128x128xf32, #tpu.memory_space<vmem>>, vector<1x16xf32>,
        %parallel_loop3A_415 = vector.shape_cast %parallel_loop3A_414 : vector<1x16xf32> to vector<16xf32>
        %parallel_loop3A_416 = vector.shape_cast %parallel_loop3A_411 : vector<16xf32> to vector<1x16xf32>
        tpu.vector_store %arg10[%parallel_loop3A_412, %parallel_loop3A_413], %parallel_loop3A_416 {strides = array<i32>} : memref<128x128xf32, #tpu.memory_space<vmem>>, vector<1x16xf32>,
        %parallel_loop3A_417 = arith.index_cast %parallel_loop3A_407 : i32 to index
        %parallel_loop3A_418 = arith.constant 16 : index
        %parallel_loop3A_419 = tpu.vector_load %arg7[%parallel_loop3A_417, %parallel_loop3A_418] {strides = array<i32>} : memref<514x128xf32, #tpu.memory_space<vmem>>, vector<1x16xf32>,
        %parallel_loop3A_420 = vector.shape_cast %parallel_loop3A_419 : vector<1x16xf32> to vector<16xf32>
        %parallel_loop3A_421 = arith.index_cast %parallel_loop3A_395 : i32 to index
        %parallel_loop3A_422 = arith.constant 16 : index
        %parallel_loop3A_423 = tpu.vector_load %arg10[%parallel_loop3A_421, %parallel_loop3A_422] {strides = array<i32>} : memref<128x128xf32, #tpu.memory_space<vmem>>, vector<1x16xf32>,
        %parallel_loop3A_424 = vector.shape_cast %parallel_loop3A_423 : vector<1x16xf32> to vector<16xf32>
        %parallel_loop3A_425 = vector.shape_cast %parallel_loop3A_420 : vector<16xf32> to vector<1x16xf32>
        tpu.vector_store %arg10[%parallel_loop3A_421, %parallel_loop3A_422], %parallel_loop3A_425 {strides = array<i32>} : memref<128x128xf32, #tpu.memory_space<vmem>>, vector<1x16xf32>,
        %parallel_loop3A_426 = arith.index_cast %parallel_loop3A_407 : i32 to index
        %parallel_loop3A_427 = arith.constant 32 : index
        %parallel_loop3A_428 = tpu.vector_load %arg7[%parallel_loop3A_426, %parallel_loop3A_427] {strides = array<i32>} : memref<514x128xf32, #tpu.memory_space<vmem>>, vector<1x16xf32>,
        %parallel_loop3A_429 = vector.shape_cast %parallel_loop3A_428 : vector<1x16xf32> to vector<16xf32>
        %parallel_loop3A_430 = arith.index_cast %parallel_loop3A_395 : i32 to index
        %parallel_loop3A_431 = arith.constant 32 : index
        %parallel_loop3A_432 = tpu.vector_load %arg10[%parallel_loop3A_430, %parallel_loop3A_431] {strides = array<i32>} : memref<128x128xf32, #tpu.memory_space<vmem>>, vector<1x16xf32>,
        %parallel_loop3A_433 = vector.shape_cast %parallel_loop3A_432 : vector<1x16xf32> to vector<16xf32>
        %parallel_loop3A_434 = vector.shape_cast %parallel_loop3A_429 : vector<16xf32> to vector<1x16xf32>
        tpu.vector_store %arg10[%parallel_loop3A_430, %parallel_loop3A_431], %parallel_loop3A_434 {strides = array<i32>} : memref<128x128xf32, #tpu.memory_space<vmem>>, vector<1x16xf32>,
        %parallel_loop3A_435 = arith.index_cast %parallel_loop3A_407 : i32 to index
        %parallel_loop3A_436 = arith.constant 48 : index
        %parallel_loop3A_437 = tpu.vector_load %arg7[%parallel_loop3A_435, %parallel_loop3A_436] {strides = array<i32>} : memref<514x128xf32, #tpu.memory_space<vmem>>, vector<1x16xf32>,
        %parallel_loop3A_438 = vector.shape_cast %parallel_loop3A_437 : vector<1x16xf32> to vector<16xf32>
        %parallel_loop3A_439 = arith.index_cast %parallel_loop3A_395 : i32 to index
        %parallel_loop3A_440 = arith.constant 48 : index
        %parallel_loop3A_441 = tpu.vector_load %arg10[%parallel_loop3A_439, %parallel_loop3A_440] {strides = array<i32>} : memref<128x128xf32, #tpu.memory_space<vmem>>, vector<1x16xf32>,
        %parallel_loop3A_442 = vector.shape_cast %parallel_loop3A_441 : vector<1x16xf32> to vector<16xf32>
        %parallel_loop3A_443 = vector.shape_cast %parallel_loop3A_438 : vector<16xf32> to vector<1x16xf32>
        tpu.vector_store %arg10[%parallel_loop3A_439, %parallel_loop3A_440], %parallel_loop3A_443 {strides = array<i32>} : memref<128x128xf32, #tpu.memory_space<vmem>>, vector<1x16xf32>,
        %parallel_loop3A_444 = arith.index_cast %parallel_loop3A_407 : i32 to index
        %parallel_loop3A_445 = arith.constant 64 : index
        %parallel_loop3A_446 = tpu.vector_load %arg7[%parallel_loop3A_444, %parallel_loop3A_445] {strides = array<i32>} : memref<514x128xf32, #tpu.memory_space<vmem>>, vector<1x16xf32>,
        %parallel_loop3A_447 = vector.shape_cast %parallel_loop3A_446 : vector<1x16xf32> to vector<16xf32>
        %parallel_loop3A_448 = arith.index_cast %parallel_loop3A_395 : i32 to index
        %parallel_loop3A_449 = arith.constant 64 : index
        %parallel_loop3A_450 = tpu.vector_load %arg10[%parallel_loop3A_448, %parallel_loop3A_449] {strides = array<i32>} : memref<128x128xf32, #tpu.memory_space<vmem>>, vector<1x16xf32>,
        %parallel_loop3A_451 = vector.shape_cast %parallel_loop3A_450 : vector<1x16xf32> to vector<16xf32>
        %parallel_loop3A_452 = vector.shape_cast %parallel_loop3A_447 : vector<16xf32> to vector<1x16xf32>
        tpu.vector_store %arg10[%parallel_loop3A_448, %parallel_loop3A_449], %parallel_loop3A_452 {strides = array<i32>} : memref<128x128xf32, #tpu.memory_space<vmem>>, vector<1x16xf32>,
        %parallel_loop3A_453 = arith.index_cast %parallel_loop3A_407 : i32 to index
        %parallel_loop3A_454 = arith.constant 80 : index
        %parallel_loop3A_455 = tpu.vector_load %arg7[%parallel_loop3A_453, %parallel_loop3A_454] {strides = array<i32>} : memref<514x128xf32, #tpu.memory_space<vmem>>, vector<1x16xf32>,
        %parallel_loop3A_456 = vector.shape_cast %parallel_loop3A_455 : vector<1x16xf32> to vector<16xf32>
        %parallel_loop3A_457 = arith.index_cast %parallel_loop3A_395 : i32 to index
        %parallel_loop3A_458 = arith.constant 80 : index
        %parallel_loop3A_459 = tpu.vector_load %arg10[%parallel_loop3A_457, %parallel_loop3A_458] {strides = array<i32>} : memref<128x128xf32, #tpu.memory_space<vmem>>, vector<1x16xf32>,
        %parallel_loop3A_460 = vector.shape_cast %parallel_loop3A_459 : vector<1x16xf32> to vector<16xf32>
        %parallel_loop3A_461 = vector.shape_cast %parallel_loop3A_456 : vector<16xf32> to vector<1x16xf32>
        tpu.vector_store %arg10[%parallel_loop3A_457, %parallel_loop3A_458], %parallel_loop3A_461 {strides = array<i32>} : memref<128x128xf32, #tpu.memory_space<vmem>>, vector<1x16xf32>,
        %parallel_loop3A_462 = arith.index_cast %parallel_loop3A_407 : i32 to index
        %parallel_loop3A_463 = arith.constant 96 : index
        %parallel_loop3A_464 = tpu.vector_load %arg7[%parallel_loop3A_462, %parallel_loop3A_463] {strides = array<i32>} : memref<514x128xf32, #tpu.memory_space<vmem>>, vector<1x16xf32>,
        %parallel_loop3A_465 = vector.shape_cast %parallel_loop3A_464 : vector<1x16xf32> to vector<16xf32>
        %parallel_loop3A_466 = arith.index_cast %parallel_loop3A_395 : i32 to index
        %parallel_loop3A_467 = arith.constant 96 : index
        %parallel_loop3A_468 = tpu.vector_load %arg10[%parallel_loop3A_466, %parallel_loop3A_467] {strides = array<i32>} : memref<128x128xf32, #tpu.memory_space<vmem>>, vector<1x16xf32>,
        %parallel_loop3A_469 = vector.shape_cast %parallel_loop3A_468 : vector<1x16xf32> to vector<16xf32>
        %parallel_loop3A_470 = vector.shape_cast %parallel_loop3A_465 : vector<16xf32> to vector<1x16xf32>
        tpu.vector_store %arg10[%parallel_loop3A_466, %parallel_loop3A_467], %parallel_loop3A_470 {strides = array<i32>} : memref<128x128xf32, #tpu.memory_space<vmem>>, vector<1x16xf32>,
        %parallel_loop3A_471 = arith.index_cast %parallel_loop3A_407 : i32 to index
        %parallel_loop3A_472 = arith.constant 112 : index
        %parallel_loop3A_473 = tpu.vector_load %arg7[%parallel_loop3A_471, %parallel_loop3A_472] {strides = array<i32>} : memref<514x128xf32, #tpu.memory_space<vmem>>, vector<1x16xf32>,
        %parallel_loop3A_474 = vector.shape_cast %parallel_loop3A_473 : vector<1x16xf32> to vector<16xf32>
        %parallel_loop3A_475 = arith.index_cast %parallel_loop3A_395 : i32 to index
        %parallel_loop3A_476 = arith.constant 112 : index
        %parallel_loop3A_477 = tpu.vector_load %arg10[%parallel_loop3A_475, %parallel_loop3A_476] {strides = array<i32>} : memref<128x128xf32, #tpu.memory_space<vmem>>, vector<1x16xf32>,
        %parallel_loop3A_478 = vector.shape_cast %parallel_loop3A_477 : vector<1x16xf32> to vector<16xf32>
        %parallel_loop3A_479 = vector.shape_cast %parallel_loop3A_474 : vector<16xf32> to vector<1x16xf32>
        tpu.vector_store %arg10[%parallel_loop3A_475, %parallel_loop3A_476], %parallel_loop3A_479 {strides = array<i32>} : memref<128x128xf32, #tpu.memory_space<vmem>>, vector<1x16xf32>,
      } {sc.loop_unroll_factor = 8 : i64, sc.parallel_access}
      %mul3A_333 = arith.constant 128 : i32
      %mul3A_334 = arith.muli %add3A_329, %mul3A_333 : i32
      %add3A_335 = arith.addi %mul3A_2, %mul3A_334 : i32
      %dma_start3A_336 = arith.constant 0 : i32
      %dma_start3A_337 = tpu.memref_slice %arg4[%add3A_335, %dma_start3A_336] : memref<819200x128xf32, #tpu.memory_space<hbm>> -> memref<128x128xf32, #tpu.memory_space<hbm>>
      %dma_start3A_338 = arith.constant 0 : i32
      %dma_start3A_339 = tpu.memref_slice %arg4[%add3A_335, %dma_start3A_338] : memref<819200x128xf32, #tpu.memory_space<hbm>> -> memref<128x128xf32, #tpu.memory_space<hbm>>
      tpu.enqueue_dma source(%arg10 : memref<128x128xf32, #tpu.memory_space<vmem>>) target(%dma_start3A_339 : memref<128x128xf32, #tpu.memory_space<hbm>>) target_semaphore(%arg15 : memref<!tpu.dma_semaphore, #tpu.memory_space<semaphore_mem>>)
      %sub3A_340 = arith.constant 1 : i32
      %sub3A_341 = arith.subi %add3A_329, %sub3A_340 : i32
      %mul3A_342 = arith.constant 128 : i32
      %mul3A_343 = arith.muli %sub3A_341, %mul3A_342 : i32
      %add3A_344 = arith.addi %mul3A_2, %mul3A_343 : i32
      %dma_wait3A_345 = arith.constant 0 : i32
      %dma_wait3A_346 = tpu.memref_slice %arg4[%add3A_344, %dma_wait3A_345] : memref<819200x128xf32, #tpu.memory_space<hbm>> -> memref<128x128xf32, #tpu.memory_space<hbm>>
      %dma_wait3A_347 = arith.constant 0 : i32
      %dma_wait3A_348 = tpu.memref_slice %arg4[%add3A_344, %dma_wait3A_347] : memref<819200x128xf32, #tpu.memory_space<hbm>> -> memref<128x128xf32, #tpu.memory_space<hbm>>
      tpu.wait_dma2 semaphore(%arg14 : memref<!tpu.dma_semaphore, #tpu.memory_space<semaphore_mem>>) src(%arg9 : memref<128x128xf32, #tpu.memory_space<vmem>>) dst(%dma_wait3A_348 : memref<128x128xf32, #tpu.memory_space<hbm>>)
      %mul3A_349 = arith.constant 4 : i32
      %mul3A_350 = arith.muli %add3A_284, %mul3A_349 : i32
      %add3A_351 = arith.constant 2 : i32
      %add3A_352 = arith.addi %mul3A_350, %add3A_351 : i32
      %parallel_loop3A_353 = arith.constant 0 : i32
      %parallel_loop3A_354 = arith.constant 128 : i32
      %parallel_loop3A_355 = arith.constant 1 : i32
      scf.for %parallel_loop3A_395 = %parallel_loop3A_353 to %parallel_loop3A_354 step %parallel_loop3A_355  : i32 {
        %parallel_loop3A_396 = arith.constant 256 : i32
        %parallel_loop3A_397 = arith.addi %parallel_loop3A_396, %parallel_loop3A_395 : i32
        %parallel_loop3A_398 = arith.constant 0 : i32
        %parallel_loop3A_399 = arith.index_cast %parallel_loop3A_398 : i32 to index
        %parallel_loop3A_400 = arith.index_cast %parallel_loop3A_397 : i32 to index
        %parallel_loop3A_401 = memref.load %arg8[%parallel_loop3A_399, %parallel_loop3A_400] : memref<2x512xi32, #tpu.memory_space<smem>>
        %parallel_loop3A_402 = arith.constant 1000 : i32
        %parallel_loop3A_403 = arith.cmpi sgt, %parallel_loop3A_401, %parallel_loop3A_402 : i32
        %parallel_loop3A_404 = arith.constant 512 : i32
        %parallel_loop3A_405 = arith.minsi %parallel_loop3A_401, %parallel_loop3A_404 : i32
        %parallel_loop3A_406 = arith.constant 513 : i32
        %parallel_loop3A_407 = arith.select %parallel_loop3A_403, %parallel_loop3A_406, %parallel_loop3A_405 : i32
        %parallel_loop3A_408 = arith.index_cast %parallel_loop3A_407 : i32 to index
        %parallel_loop3A_409 = arith.constant 0 : index
        %parallel_loop3A_410 = tpu.vector_load %arg7[%parallel_loop3A_408, %parallel_loop3A_409] {strides = array<i32>} : memref<514x128xf32, #tpu.memory_space<vmem>>, vector<1x16xf32>,
        %parallel_loop3A_411 = vector.shape_cast %parallel_loop3A_410 : vector<1x16xf32> to vector<16xf32>
        %parallel_loop3A_412 = arith.index_cast %parallel_loop3A_395 : i32 to index
        %parallel_loop3A_413 = arith.constant 0 : index
        %parallel_loop3A_414 = tpu.vector_load %arg9[%parallel_loop3A_412, %parallel_loop3A_413] {strides = array<i32>} : memref<128x128xf32, #tpu.memory_space<vmem>>, vector<1x16xf32>,
        %parallel_loop3A_415 = vector.shape_cast %parallel_loop3A_414 : vector<1x16xf32> to vector<16xf32>
        %parallel_loop3A_416 = vector.shape_cast %parallel_loop3A_411 : vector<16xf32> to vector<1x16xf32>
        tpu.vector_store %arg9[%parallel_loop3A_412, %parallel_loop3A_413], %parallel_loop3A_416 {strides = array<i32>} : memref<128x128xf32, #tpu.memory_space<vmem>>, vector<1x16xf32>,
        %parallel_loop3A_417 = arith.index_cast %parallel_loop3A_407 : i32 to index
        %parallel_loop3A_418 = arith.constant 16 : index
        %parallel_loop3A_419 = tpu.vector_load %arg7[%parallel_loop3A_417, %parallel_loop3A_418] {strides = array<i32>} : memref<514x128xf32, #tpu.memory_space<vmem>>, vector<1x16xf32>,
        %parallel_loop3A_420 = vector.shape_cast %parallel_loop3A_419 : vector<1x16xf32> to vector<16xf32>
        %parallel_loop3A_421 = arith.index_cast %parallel_loop3A_395 : i32 to index
        %parallel_loop3A_422 = arith.constant 16 : index
        %parallel_loop3A_423 = tpu.vector_load %arg9[%parallel_loop3A_421, %parallel_loop3A_422] {strides = array<i32>} : memref<128x128xf32, #tpu.memory_space<vmem>>, vector<1x16xf32>,
        %parallel_loop3A_424 = vector.shape_cast %parallel_loop3A_423 : vector<1x16xf32> to vector<16xf32>
        %parallel_loop3A_425 = vector.shape_cast %parallel_loop3A_420 : vector<16xf32> to vector<1x16xf32>
        tpu.vector_store %arg9[%parallel_loop3A_421, %parallel_loop3A_422], %parallel_loop3A_425 {strides = array<i32>} : memref<128x128xf32, #tpu.memory_space<vmem>>, vector<1x16xf32>,
        %parallel_loop3A_426 = arith.index_cast %parallel_loop3A_407 : i32 to index
        %parallel_loop3A_427 = arith.constant 32 : index
        %parallel_loop3A_428 = tpu.vector_load %arg7[%parallel_loop3A_426, %parallel_loop3A_427] {strides = array<i32>} : memref<514x128xf32, #tpu.memory_space<vmem>>, vector<1x16xf32>,
        %parallel_loop3A_429 = vector.shape_cast %parallel_loop3A_428 : vector<1x16xf32> to vector<16xf32>
        %parallel_loop3A_430 = arith.index_cast %parallel_loop3A_395 : i32 to index
        %parallel_loop3A_431 = arith.constant 32 : index
        %parallel_loop3A_432 = tpu.vector_load %arg9[%parallel_loop3A_430, %parallel_loop3A_431] {strides = array<i32>} : memref<128x128xf32, #tpu.memory_space<vmem>>, vector<1x16xf32>,
        %parallel_loop3A_433 = vector.shape_cast %parallel_loop3A_432 : vector<1x16xf32> to vector<16xf32>
        %parallel_loop3A_434 = vector.shape_cast %parallel_loop3A_429 : vector<16xf32> to vector<1x16xf32>
        tpu.vector_store %arg9[%parallel_loop3A_430, %parallel_loop3A_431], %parallel_loop3A_434 {strides = array<i32>} : memref<128x128xf32, #tpu.memory_space<vmem>>, vector<1x16xf32>,
        %parallel_loop3A_435 = arith.index_cast %parallel_loop3A_407 : i32 to index
        %parallel_loop3A_436 = arith.constant 48 : index
        %parallel_loop3A_437 = tpu.vector_load %arg7[%parallel_loop3A_435, %parallel_loop3A_436] {strides = array<i32>} : memref<514x128xf32, #tpu.memory_space<vmem>>, vector<1x16xf32>,
        %parallel_loop3A_438 = vector.shape_cast %parallel_loop3A_437 : vector<1x16xf32> to vector<16xf32>
        %parallel_loop3A_439 = arith.index_cast %parallel_loop3A_395 : i32 to index
        %parallel_loop3A_440 = arith.constant 48 : index
        %parallel_loop3A_441 = tpu.vector_load %arg9[%parallel_loop3A_439, %parallel_loop3A_440] {strides = array<i32>} : memref<128x128xf32, #tpu.memory_space<vmem>>, vector<1x16xf32>,
        %parallel_loop3A_442 = vector.shape_cast %parallel_loop3A_441 : vector<1x16xf32> to vector<16xf32>
        %parallel_loop3A_443 = vector.shape_cast %parallel_loop3A_438 : vector<16xf32> to vector<1x16xf32>
        tpu.vector_store %arg9[%parallel_loop3A_439, %parallel_loop3A_440], %parallel_loop3A_443 {strides = array<i32>} : memref<128x128xf32, #tpu.memory_space<vmem>>, vector<1x16xf32>,
        %parallel_loop3A_444 = arith.index_cast %parallel_loop3A_407 : i32 to index
        %parallel_loop3A_445 = arith.constant 64 : index
        %parallel_loop3A_446 = tpu.vector_load %arg7[%parallel_loop3A_444, %parallel_loop3A_445] {strides = array<i32>} : memref<514x128xf32, #tpu.memory_space<vmem>>, vector<1x16xf32>,
        %parallel_loop3A_447 = vector.shape_cast %parallel_loop3A_446 : vector<1x16xf32> to vector<16xf32>
        %parallel_loop3A_448 = arith.index_cast %parallel_loop3A_395 : i32 to index
        %parallel_loop3A_449 = arith.constant 64 : index
        %parallel_loop3A_450 = tpu.vector_load %arg9[%parallel_loop3A_448, %parallel_loop3A_449] {strides = array<i32>} : memref<128x128xf32, #tpu.memory_space<vmem>>, vector<1x16xf32>,
        %parallel_loop3A_451 = vector.shape_cast %parallel_loop3A_450 : vector<1x16xf32> to vector<16xf32>
        %parallel_loop3A_452 = vector.shape_cast %parallel_loop3A_447 : vector<16xf32> to vector<1x16xf32>
        tpu.vector_store %arg9[%parallel_loop3A_448, %parallel_loop3A_449], %parallel_loop3A_452 {strides = array<i32>} : memref<128x128xf32, #tpu.memory_space<vmem>>, vector<1x16xf32>,
        %parallel_loop3A_453 = arith.index_cast %parallel_loop3A_407 : i32 to index
        %parallel_loop3A_454 = arith.constant 80 : index
        %parallel_loop3A_455 = tpu.vector_load %arg7[%parallel_loop3A_453, %parallel_loop3A_454] {strides = array<i32>} : memref<514x128xf32, #tpu.memory_space<vmem>>, vector<1x16xf32>,
        %parallel_loop3A_456 = vector.shape_cast %parallel_loop3A_455 : vector<1x16xf32> to vector<16xf32>
        %parallel_loop3A_457 = arith.index_cast %parallel_loop3A_395 : i32 to index
        %parallel_loop3A_458 = arith.constant 80 : index
        %parallel_loop3A_459 = tpu.vector_load %arg9[%parallel_loop3A_457, %parallel_loop3A_458] {strides = array<i32>} : memref<128x128xf32, #tpu.memory_space<vmem>>, vector<1x16xf32>,
        %parallel_loop3A_460 = vector.shape_cast %parallel_loop3A_459 : vector<1x16xf32> to vector<16xf32>
        %parallel_loop3A_461 = vector.shape_cast %parallel_loop3A_456 : vector<16xf32> to vector<1x16xf32>
        tpu.vector_store %arg9[%parallel_loop3A_457, %parallel_loop3A_458], %parallel_loop3A_461 {strides = array<i32>} : memref<128x128xf32, #tpu.memory_space<vmem>>, vector<1x16xf32>,
        %parallel_loop3A_462 = arith.index_cast %parallel_loop3A_407 : i32 to index
        %parallel_loop3A_463 = arith.constant 96 : index
        %parallel_loop3A_464 = tpu.vector_load %arg7[%parallel_loop3A_462, %parallel_loop3A_463] {strides = array<i32>} : memref<514x128xf32, #tpu.memory_space<vmem>>, vector<1x16xf32>,
        %parallel_loop3A_465 = vector.shape_cast %parallel_loop3A_464 : vector<1x16xf32> to vector<16xf32>
        %parallel_loop3A_466 = arith.index_cast %parallel_loop3A_395 : i32 to index
        %parallel_loop3A_467 = arith.constant 96 : index
        %parallel_loop3A_468 = tpu.vector_load %arg9[%parallel_loop3A_466, %parallel_loop3A_467] {strides = array<i32>} : memref<128x128xf32, #tpu.memory_space<vmem>>, vector<1x16xf32>,
        %parallel_loop3A_469 = vector.shape_cast %parallel_loop3A_468 : vector<1x16xf32> to vector<16xf32>
        %parallel_loop3A_470 = vector.shape_cast %parallel_loop3A_465 : vector<16xf32> to vector<1x16xf32>
        tpu.vector_store %arg9[%parallel_loop3A_466, %parallel_loop3A_467], %parallel_loop3A_470 {strides = array<i32>} : memref<128x128xf32, #tpu.memory_space<vmem>>, vector<1x16xf32>,
        %parallel_loop3A_471 = arith.index_cast %parallel_loop3A_407 : i32 to index
        %parallel_loop3A_472 = arith.constant 112 : index
        %parallel_loop3A_473 = tpu.vector_load %arg7[%parallel_loop3A_471, %parallel_loop3A_472] {strides = array<i32>} : memref<514x128xf32, #tpu.memory_space<vmem>>, vector<1x16xf32>,
        %parallel_loop3A_474 = vector.shape_cast %parallel_loop3A_473 : vector<1x16xf32> to vector<16xf32>
        %parallel_loop3A_475 = arith.index_cast %parallel_loop3A_395 : i32 to index
        %parallel_loop3A_476 = arith.constant 112 : index
        %parallel_loop3A_477 = tpu.vector_load %arg9[%parallel_loop3A_475, %parallel_loop3A_476] {strides = array<i32>} : memref<128x128xf32, #tpu.memory_space<vmem>>, vector<1x16xf32>,
        %parallel_loop3A_478 = vector.shape_cast %parallel_loop3A_477 : vector<1x16xf32> to vector<16xf32>
        %parallel_loop3A_479 = vector.shape_cast %parallel_loop3A_474 : vector<16xf32> to vector<1x16xf32>
        tpu.vector_store %arg9[%parallel_loop3A_475, %parallel_loop3A_476], %parallel_loop3A_479 {strides = array<i32>} : memref<128x128xf32, #tpu.memory_space<vmem>>, vector<1x16xf32>,
      } {sc.loop_unroll_factor = 8 : i64, sc.parallel_access}
      %mul3A_356 = arith.constant 128 : i32
      %mul3A_357 = arith.muli %add3A_352, %mul3A_356 : i32
      %add3A_358 = arith.addi %mul3A_2, %mul3A_357 : i32
      %dma_start3A_359 = arith.constant 0 : i32
      %dma_start3A_360 = tpu.memref_slice %arg4[%add3A_358, %dma_start3A_359] : memref<819200x128xf32, #tpu.memory_space<hbm>> -> memref<128x128xf32, #tpu.memory_space<hbm>>
      %dma_start3A_361 = arith.constant 0 : i32
      %dma_start3A_362 = tpu.memref_slice %arg4[%add3A_358, %dma_start3A_361] : memref<819200x128xf32, #tpu.memory_space<hbm>> -> memref<128x128xf32, #tpu.memory_space<hbm>>
      tpu.enqueue_dma source(%arg9 : memref<128x128xf32, #tpu.memory_space<vmem>>) target(%dma_start3A_362 : memref<128x128xf32, #tpu.memory_space<hbm>>) target_semaphore(%arg14 : memref<!tpu.dma_semaphore, #tpu.memory_space<semaphore_mem>>)
      %sub3A_363 = arith.constant 1 : i32
      %sub3A_364 = arith.subi %add3A_352, %sub3A_363 : i32
      %mul3A_365 = arith.constant 128 : i32
      %mul3A_366 = arith.muli %sub3A_364, %mul3A_365 : i32
      %add3A_367 = arith.addi %mul3A_2, %mul3A_366 : i32
      %dma_wait3A_368 = arith.constant 0 : i32
      %dma_wait3A_369 = tpu.memref_slice %arg4[%add3A_367, %dma_wait3A_368] : memref<819200x128xf32, #tpu.memory_space<hbm>> -> memref<128x128xf32, #tpu.memory_space<hbm>>
      %dma_wait3A_370 = arith.constant 0 : i32
      %dma_wait3A_371 = tpu.memref_slice %arg4[%add3A_367, %dma_wait3A_370] : memref<819200x128xf32, #tpu.memory_space<hbm>> -> memref<128x128xf32, #tpu.memory_space<hbm>>
      tpu.wait_dma2 semaphore(%arg15 : memref<!tpu.dma_semaphore, #tpu.memory_space<semaphore_mem>>) src(%arg10 : memref<128x128xf32, #tpu.memory_space<vmem>>) dst(%dma_wait3A_371 : memref<128x128xf32, #tpu.memory_space<hbm>>)
      %mul3A_372 = arith.constant 4 : i32
      %mul3A_373 = arith.muli %add3A_284, %mul3A_372 : i32
      %add3A_374 = arith.constant 3 : i32
      %add3A_375 = arith.addi %mul3A_373, %add3A_374 : i32
      %parallel_loop3A_376 = arith.constant 0 : i32
      %parallel_loop3A_377 = arith.constant 128 : i32
      %parallel_loop3A_378 = arith.constant 1 : i32
      scf.for %parallel_loop3A_395 = %parallel_loop3A_376 to %parallel_loop3A_377 step %parallel_loop3A_378  : i32 {
        %parallel_loop3A_396 = arith.constant 384 : i32
        %parallel_loop3A_397 = arith.addi %parallel_loop3A_396, %parallel_loop3A_395 : i32
        %parallel_loop3A_398 = arith.constant 0 : i32
        %parallel_loop3A_399 = arith.index_cast %parallel_loop3A_398 : i32 to index
        %parallel_loop3A_400 = arith.index_cast %parallel_loop3A_397 : i32 to index
        %parallel_loop3A_401 = memref.load %arg8[%parallel_loop3A_399, %parallel_loop3A_400] : memref<2x512xi32, #tpu.memory_space<smem>>
        %parallel_loop3A_402 = arith.constant 1000 : i32
        %parallel_loop3A_403 = arith.cmpi sgt, %parallel_loop3A_401, %parallel_loop3A_402 : i32
        %parallel_loop3A_404 = arith.constant 512 : i32
        %parallel_loop3A_405 = arith.minsi %parallel_loop3A_401, %parallel_loop3A_404 : i32
        %parallel_loop3A_406 = arith.constant 513 : i32
        %parallel_loop3A_407 = arith.select %parallel_loop3A_403, %parallel_loop3A_406, %parallel_loop3A_405 : i32
        %parallel_loop3A_408 = arith.index_cast %parallel_loop3A_407 : i32 to index
        %parallel_loop3A_409 = arith.constant 0 : index
        %parallel_loop3A_410 = tpu.vector_load %arg7[%parallel_loop3A_408, %parallel_loop3A_409] {strides = array<i32>} : memref<514x128xf32, #tpu.memory_space<vmem>>, vector<1x16xf32>,
        %parallel_loop3A_411 = vector.shape_cast %parallel_loop3A_410 : vector<1x16xf32> to vector<16xf32>
        %parallel_loop3A_412 = arith.index_cast %parallel_loop3A_395 : i32 to index
        %parallel_loop3A_413 = arith.constant 0 : index
        %parallel_loop3A_414 = tpu.vector_load %arg10[%parallel_loop3A_412, %parallel_loop3A_413] {strides = array<i32>} : memref<128x128xf32, #tpu.memory_space<vmem>>, vector<1x16xf32>,
        %parallel_loop3A_415 = vector.shape_cast %parallel_loop3A_414 : vector<1x16xf32> to vector<16xf32>
        %parallel_loop3A_416 = vector.shape_cast %parallel_loop3A_411 : vector<16xf32> to vector<1x16xf32>
        tpu.vector_store %arg10[%parallel_loop3A_412, %parallel_loop3A_413], %parallel_loop3A_416 {strides = array<i32>} : memref<128x128xf32, #tpu.memory_space<vmem>>, vector<1x16xf32>,
        %parallel_loop3A_417 = arith.index_cast %parallel_loop3A_407 : i32 to index
        %parallel_loop3A_418 = arith.constant 16 : index
        %parallel_loop3A_419 = tpu.vector_load %arg7[%parallel_loop3A_417, %parallel_loop3A_418] {strides = array<i32>} : memref<514x128xf32, #tpu.memory_space<vmem>>, vector<1x16xf32>,
        %parallel_loop3A_420 = vector.shape_cast %parallel_loop3A_419 : vector<1x16xf32> to vector<16xf32>
        %parallel_loop3A_421 = arith.index_cast %parallel_loop3A_395 : i32 to index
        %parallel_loop3A_422 = arith.constant 16 : index
        %parallel_loop3A_423 = tpu.vector_load %arg10[%parallel_loop3A_421, %parallel_loop3A_422] {strides = array<i32>} : memref<128x128xf32, #tpu.memory_space<vmem>>, vector<1x16xf32>,
        %parallel_loop3A_424 = vector.shape_cast %parallel_loop3A_423 : vector<1x16xf32> to vector<16xf32>
        %parallel_loop3A_425 = vector.shape_cast %parallel_loop3A_420 : vector<16xf32> to vector<1x16xf32>
        tpu.vector_store %arg10[%parallel_loop3A_421, %parallel_loop3A_422], %parallel_loop3A_425 {strides = array<i32>} : memref<128x128xf32, #tpu.memory_space<vmem>>, vector<1x16xf32>,
        %parallel_loop3A_426 = arith.index_cast %parallel_loop3A_407 : i32 to index
        %parallel_loop3A_427 = arith.constant 32 : index
        %parallel_loop3A_428 = tpu.vector_load %arg7[%parallel_loop3A_426, %parallel_loop3A_427] {strides = array<i32>} : memref<514x128xf32, #tpu.memory_space<vmem>>, vector<1x16xf32>,
        %parallel_loop3A_429 = vector.shape_cast %parallel_loop3A_428 : vector<1x16xf32> to vector<16xf32>
        %parallel_loop3A_430 = arith.index_cast %parallel_loop3A_395 : i32 to index
        %parallel_loop3A_431 = arith.constant 32 : index
        %parallel_loop3A_432 = tpu.vector_load %arg10[%parallel_loop3A_430, %parallel_loop3A_431] {strides = array<i32>} : memref<128x128xf32, #tpu.memory_space<vmem>>, vector<1x16xf32>,
        %parallel_loop3A_433 = vector.shape_cast %parallel_loop3A_432 : vector<1x16xf32> to vector<16xf32>
        %parallel_loop3A_434 = vector.shape_cast %parallel_loop3A_429 : vector<16xf32> to vector<1x16xf32>
        tpu.vector_store %arg10[%parallel_loop3A_430, %parallel_loop3A_431], %parallel_loop3A_434 {strides = array<i32>} : memref<128x128xf32, #tpu.memory_space<vmem>>, vector<1x16xf32>,
        %parallel_loop3A_435 = arith.index_cast %parallel_loop3A_407 : i32 to index
        %parallel_loop3A_436 = arith.constant 48 : index
        %parallel_loop3A_437 = tpu.vector_load %arg7[%parallel_loop3A_435, %parallel_loop3A_436] {strides = array<i32>} : memref<514x128xf32, #tpu.memory_space<vmem>>, vector<1x16xf32>,
        %parallel_loop3A_438 = vector.shape_cast %parallel_loop3A_437 : vector<1x16xf32> to vector<16xf32>
        %parallel_loop3A_439 = arith.index_cast %parallel_loop3A_395 : i32 to index
        %parallel_loop3A_440 = arith.constant 48 : index
        %parallel_loop3A_441 = tpu.vector_load %arg10[%parallel_loop3A_439, %parallel_loop3A_440] {strides = array<i32>} : memref<128x128xf32, #tpu.memory_space<vmem>>, vector<1x16xf32>,
        %parallel_loop3A_442 = vector.shape_cast %parallel_loop3A_441 : vector<1x16xf32> to vector<16xf32>
        %parallel_loop3A_443 = vector.shape_cast %parallel_loop3A_438 : vector<16xf32> to vector<1x16xf32>
        tpu.vector_store %arg10[%parallel_loop3A_439, %parallel_loop3A_440], %parallel_loop3A_443 {strides = array<i32>} : memref<128x128xf32, #tpu.memory_space<vmem>>, vector<1x16xf32>,
        %parallel_loop3A_444 = arith.index_cast %parallel_loop3A_407 : i32 to index
        %parallel_loop3A_445 = arith.constant 64 : index
        %parallel_loop3A_446 = tpu.vector_load %arg7[%parallel_loop3A_444, %parallel_loop3A_445] {strides = array<i32>} : memref<514x128xf32, #tpu.memory_space<vmem>>, vector<1x16xf32>,
        %parallel_loop3A_447 = vector.shape_cast %parallel_loop3A_446 : vector<1x16xf32> to vector<16xf32>
        %parallel_loop3A_448 = arith.index_cast %parallel_loop3A_395 : i32 to index
        %parallel_loop3A_449 = arith.constant 64 : index
        %parallel_loop3A_450 = tpu.vector_load %arg10[%parallel_loop3A_448, %parallel_loop3A_449] {strides = array<i32>} : memref<128x128xf32, #tpu.memory_space<vmem>>, vector<1x16xf32>,
        %parallel_loop3A_451 = vector.shape_cast %parallel_loop3A_450 : vector<1x16xf32> to vector<16xf32>
        %parallel_loop3A_452 = vector.shape_cast %parallel_loop3A_447 : vector<16xf32> to vector<1x16xf32>
        tpu.vector_store %arg10[%parallel_loop3A_448, %parallel_loop3A_449], %parallel_loop3A_452 {strides = array<i32>} : memref<128x128xf32, #tpu.memory_space<vmem>>, vector<1x16xf32>,
        %parallel_loop3A_453 = arith.index_cast %parallel_loop3A_407 : i32 to index
        %parallel_loop3A_454 = arith.constant 80 : index
        %parallel_loop3A_455 = tpu.vector_load %arg7[%parallel_loop3A_453, %parallel_loop3A_454] {strides = array<i32>} : memref<514x128xf32, #tpu.memory_space<vmem>>, vector<1x16xf32>,
        %parallel_loop3A_456 = vector.shape_cast %parallel_loop3A_455 : vector<1x16xf32> to vector<16xf32>
        %parallel_loop3A_457 = arith.index_cast %parallel_loop3A_395 : i32 to index
        %parallel_loop3A_458 = arith.constant 80 : index
        %parallel_loop3A_459 = tpu.vector_load %arg10[%parallel_loop3A_457, %parallel_loop3A_458] {strides = array<i32>} : memref<128x128xf32, #tpu.memory_space<vmem>>, vector<1x16xf32>,
        %parallel_loop3A_460 = vector.shape_cast %parallel_loop3A_459 : vector<1x16xf32> to vector<16xf32>
        %parallel_loop3A_461 = vector.shape_cast %parallel_loop3A_456 : vector<16xf32> to vector<1x16xf32>
        tpu.vector_store %arg10[%parallel_loop3A_457, %parallel_loop3A_458], %parallel_loop3A_461 {strides = array<i32>} : memref<128x128xf32, #tpu.memory_space<vmem>>, vector<1x16xf32>,
        %parallel_loop3A_462 = arith.index_cast %parallel_loop3A_407 : i32 to index
        %parallel_loop3A_463 = arith.constant 96 : index
        %parallel_loop3A_464 = tpu.vector_load %arg7[%parallel_loop3A_462, %parallel_loop3A_463] {strides = array<i32>} : memref<514x128xf32, #tpu.memory_space<vmem>>, vector<1x16xf32>,
        %parallel_loop3A_465 = vector.shape_cast %parallel_loop3A_464 : vector<1x16xf32> to vector<16xf32>
        %parallel_loop3A_466 = arith.index_cast %parallel_loop3A_395 : i32 to index
        %parallel_loop3A_467 = arith.constant 96 : index
        %parallel_loop3A_468 = tpu.vector_load %arg10[%parallel_loop3A_466, %parallel_loop3A_467] {strides = array<i32>} : memref<128x128xf32, #tpu.memory_space<vmem>>, vector<1x16xf32>,
        %parallel_loop3A_469 = vector.shape_cast %parallel_loop3A_468 : vector<1x16xf32> to vector<16xf32>
        %parallel_loop3A_470 = vector.shape_cast %parallel_loop3A_465 : vector<16xf32> to vector<1x16xf32>
        tpu.vector_store %arg10[%parallel_loop3A_466, %parallel_loop3A_467], %parallel_loop3A_470 {strides = array<i32>} : memref<128x128xf32, #tpu.memory_space<vmem>>, vector<1x16xf32>,
        %parallel_loop3A_471 = arith.index_cast %parallel_loop3A_407 : i32 to index
        %parallel_loop3A_472 = arith.constant 112 : index
        %parallel_loop3A_473 = tpu.vector_load %arg7[%parallel_loop3A_471, %parallel_loop3A_472] {strides = array<i32>} : memref<514x128xf32, #tpu.memory_space<vmem>>, vector<1x16xf32>,
        %parallel_loop3A_474 = vector.shape_cast %parallel_loop3A_473 : vector<1x16xf32> to vector<16xf32>
        %parallel_loop3A_475 = arith.index_cast %parallel_loop3A_395 : i32 to index
        %parallel_loop3A_476 = arith.constant 112 : index
        %parallel_loop3A_477 = tpu.vector_load %arg10[%parallel_loop3A_475, %parallel_loop3A_476] {strides = array<i32>} : memref<128x128xf32, #tpu.memory_space<vmem>>, vector<1x16xf32>,
        %parallel_loop3A_478 = vector.shape_cast %parallel_loop3A_477 : vector<1x16xf32> to vector<16xf32>
        %parallel_loop3A_479 = vector.shape_cast %parallel_loop3A_474 : vector<16xf32> to vector<1x16xf32>
        tpu.vector_store %arg10[%parallel_loop3A_475, %parallel_loop3A_476], %parallel_loop3A_479 {strides = array<i32>} : memref<128x128xf32, #tpu.memory_space<vmem>>, vector<1x16xf32>,
      } {sc.loop_unroll_factor = 8 : i64, sc.parallel_access}
      %mul3A_379 = arith.constant 128 : i32
      %mul3A_380 = arith.muli %add3A_375, %mul3A_379 : i32
      %add3A_381 = arith.addi %mul3A_2, %mul3A_380 : i32
      %dma_start3A_382 = arith.constant 0 : i32
      %dma_start3A_383 = tpu.memref_slice %arg4[%add3A_381, %dma_start3A_382] : memref<819200x128xf32, #tpu.memory_space<hbm>> -> memref<128x128xf32, #tpu.memory_space<hbm>>
      %dma_start3A_384 = arith.constant 0 : i32
      %dma_start3A_385 = tpu.memref_slice %arg4[%add3A_381, %dma_start3A_384] : memref<819200x128xf32, #tpu.memory_space<hbm>> -> memref<128x128xf32, #tpu.memory_space<hbm>>
      tpu.enqueue_dma source(%arg10 : memref<128x128xf32, #tpu.memory_space<vmem>>) target(%dma_start3A_385 : memref<128x128xf32, #tpu.memory_space<hbm>>) target_semaphore(%arg15 : memref<!tpu.dma_semaphore, #tpu.memory_space<semaphore_mem>>)
      %sub3A_386 = arith.constant 1 : i32
      %sub3A_387 = arith.subi %add3A_375, %sub3A_386 : i32
      %mul3A_388 = arith.constant 128 : i32
      %mul3A_389 = arith.muli %sub3A_387, %mul3A_388 : i32
      %add3A_390 = arith.addi %mul3A_2, %mul3A_389 : i32
      %dma_wait3A_391 = arith.constant 0 : i32
      %dma_wait3A_392 = tpu.memref_slice %arg4[%add3A_390, %dma_wait3A_391] : memref<819200x128xf32, #tpu.memory_space<hbm>> -> memref<128x128xf32, #tpu.memory_space<hbm>>
      %dma_wait3A_393 = arith.constant 0 : i32
      %dma_wait3A_394 = tpu.memref_slice %arg4[%add3A_390, %dma_wait3A_393] : memref<819200x128xf32, #tpu.memory_space<hbm>> -> memref<128x128xf32, #tpu.memory_space<hbm>>
      tpu.wait_dma2 semaphore(%arg14 : memref<!tpu.dma_semaphore, #tpu.memory_space<semaphore_mem>>) src(%arg9 : memref<128x128xf32, #tpu.memory_space<vmem>>) dst(%dma_wait3A_394 : memref<128x128xf32, #tpu.memory_space<hbm>>)
    }
    %scan3A_89 = arith.constant 24 : i32
    %dma_wait3A_90 = arith.constant 1 : i32
    %dma_wait3A_91 = arith.constant 0 : i32
    %dma_wait3A_92 = tpu.memref_slice %arg8[%dma_wait3A_90, %dma_wait3A_91] : memref<2x512xi32, #tpu.memory_space<smem>> -> memref<1x512xi32, #tpu.memory_space<smem>>
    %dma_wait3A_93 = tpu.memref_squeeze %dma_wait3A_92 : memref<1x512xi32, #tpu.memory_space<smem>> -> memref<512xi32, #tpu.memory_space<smem>>
    %dma_wait3A_94 = arith.constant 25088 : i32
    %dma_wait3A_95 = tpu.memref_slice %arg6[%arg1, %dma_wait3A_94] : memref<16x25600xi32, #tpu.memory_space<vmem_shared>> -> memref<1x512xi32, #tpu.memory_space<vmem_shared>>
    %dma_wait3A_96 = tpu.memref_squeeze %dma_wait3A_95 : memref<1x512xi32, #tpu.memory_space<vmem_shared>> -> memref<512xi32, #tpu.memory_space<vmem_shared>>
    tpu.wait_dma2 semaphore(%arg13 : memref<!tpu.dma_semaphore, #tpu.memory_space<semaphore_mem>>) src(%dma_wait3A_96 : memref<512xi32, #tpu.memory_space<vmem_shared>>) dst(%dma_wait3A_93 : memref<512xi32, #tpu.memory_space<smem>>)
    %parallel_loop3A_97 = arith.constant 0 : i32
    %parallel_loop3A_98 = arith.constant 128 : i32
    %parallel_loop3A_99 = arith.constant 1 : i32
    scf.for %parallel_loop3A_163 = %parallel_loop3A_97 to %parallel_loop3A_98 step %parallel_loop3A_99  : i32 {
      %parallel_loop3A_164 = arith.constant 0 : i32
      %parallel_loop3A_165 = arith.addi %parallel_loop3A_164, %parallel_loop3A_163 : i32
      %parallel_loop3A_166 = arith.constant 1 : i32
      %parallel_loop3A_167 = arith.index_cast %parallel_loop3A_166 : i32 to index
      %parallel_loop3A_168 = arith.index_cast %parallel_loop3A_165 : i32 to index
      %parallel_loop3A_169 = memref.load %arg8[%parallel_loop3A_167, %parallel_loop3A_168] : memref<2x512xi32, #tpu.memory_space<smem>>
      %parallel_loop3A_170 = arith.constant 1000 : i32
      %parallel_loop3A_171 = arith.cmpi sgt, %parallel_loop3A_169, %parallel_loop3A_170 : i32
      %parallel_loop3A_172 = arith.constant 512 : i32
      %parallel_loop3A_173 = arith.minsi %parallel_loop3A_169, %parallel_loop3A_172 : i32
      %parallel_loop3A_174 = arith.constant 513 : i32
      %parallel_loop3A_175 = arith.select %parallel_loop3A_171, %parallel_loop3A_174, %parallel_loop3A_173 : i32
      %parallel_loop3A_176 = arith.index_cast %parallel_loop3A_175 : i32 to index
      %parallel_loop3A_177 = arith.constant 0 : index
      %parallel_loop3A_178 = tpu.vector_load %arg7[%parallel_loop3A_176, %parallel_loop3A_177] {strides = array<i32>} : memref<514x128xf32, #tpu.memory_space<vmem>>, vector<1x16xf32>,
      %parallel_loop3A_179 = vector.shape_cast %parallel_loop3A_178 : vector<1x16xf32> to vector<16xf32>
      %parallel_loop3A_180 = arith.index_cast %parallel_loop3A_163 : i32 to index
      %parallel_loop3A_181 = arith.constant 0 : index
      %parallel_loop3A_182 = tpu.vector_load %arg9[%parallel_loop3A_180, %parallel_loop3A_181] {strides = array<i32>} : memref<128x128xf32, #tpu.memory_space<vmem>>, vector<1x16xf32>,
      %parallel_loop3A_183 = vector.shape_cast %parallel_loop3A_182 : vector<1x16xf32> to vector<16xf32>
      %parallel_loop3A_184 = vector.shape_cast %parallel_loop3A_179 : vector<16xf32> to vector<1x16xf32>
      tpu.vector_store %arg9[%parallel_loop3A_180, %parallel_loop3A_181], %parallel_loop3A_184 {strides = array<i32>} : memref<128x128xf32, #tpu.memory_space<vmem>>, vector<1x16xf32>,
      %parallel_loop3A_185 = arith.index_cast %parallel_loop3A_175 : i32 to index
      %parallel_loop3A_186 = arith.constant 16 : index
      %parallel_loop3A_187 = tpu.vector_load %arg7[%parallel_loop3A_185, %parallel_loop3A_186] {strides = array<i32>} : memref<514x128xf32, #tpu.memory_space<vmem>>, vector<1x16xf32>,
      %parallel_loop3A_188 = vector.shape_cast %parallel_loop3A_187 : vector<1x16xf32> to vector<16xf32>
      %parallel_loop3A_189 = arith.index_cast %parallel_loop3A_163 : i32 to index
      %parallel_loop3A_190 = arith.constant 16 : index
      %parallel_loop3A_191 = tpu.vector_load %arg9[%parallel_loop3A_189, %parallel_loop3A_190] {strides = array<i32>} : memref<128x128xf32, #tpu.memory_space<vmem>>, vector<1x16xf32>,
      %parallel_loop3A_192 = vector.shape_cast %parallel_loop3A_191 : vector<1x16xf32> to vector<16xf32>
      %parallel_loop3A_193 = vector.shape_cast %parallel_loop3A_188 : vector<16xf32> to vector<1x16xf32>
      tpu.vector_store %arg9[%parallel_loop3A_189, %parallel_loop3A_190], %parallel_loop3A_193 {strides = array<i32>} : memref<128x128xf32, #tpu.memory_space<vmem>>, vector<1x16xf32>,
      %parallel_loop3A_194 = arith.index_cast %parallel_loop3A_175 : i32 to index
      %parallel_loop3A_195 = arith.constant 32 : index
      %parallel_loop3A_196 = tpu.vector_load %arg7[%parallel_loop3A_194, %parallel_loop3A_195] {strides = array<i32>} : memref<514x128xf32, #tpu.memory_space<vmem>>, vector<1x16xf32>,
      %parallel_loop3A_197 = vector.shape_cast %parallel_loop3A_196 : vector<1x16xf32> to vector<16xf32>
      %parallel_loop3A_198 = arith.index_cast %parallel_loop3A_163 : i32 to index
      %parallel_loop3A_199 = arith.constant 32 : index
      %parallel_loop3A_200 = tpu.vector_load %arg9[%parallel_loop3A_198, %parallel_loop3A_199] {strides = array<i32>} : memref<128x128xf32, #tpu.memory_space<vmem>>, vector<1x16xf32>,
      %parallel_loop3A_201 = vector.shape_cast %parallel_loop3A_200 : vector<1x16xf32> to vector<16xf32>
      %parallel_loop3A_202 = vector.shape_cast %parallel_loop3A_197 : vector<16xf32> to vector<1x16xf32>
      tpu.vector_store %arg9[%parallel_loop3A_198, %parallel_loop3A_199], %parallel_loop3A_202 {strides = array<i32>} : memref<128x128xf32, #tpu.memory_space<vmem>>, vector<1x16xf32>,
      %parallel_loop3A_203 = arith.index_cast %parallel_loop3A_175 : i32 to index
      %parallel_loop3A_204 = arith.constant 48 : index
      %parallel_loop3A_205 = tpu.vector_load %arg7[%parallel_loop3A_203, %parallel_loop3A_204] {strides = array<i32>} : memref<514x128xf32, #tpu.memory_space<vmem>>, vector<1x16xf32>,
      %parallel_loop3A_206 = vector.shape_cast %parallel_loop3A_205 : vector<1x16xf32> to vector<16xf32>
      %parallel_loop3A_207 = arith.index_cast %parallel_loop3A_163 : i32 to index
      %parallel_loop3A_208 = arith.constant 48 : index
      %parallel_loop3A_209 = tpu.vector_load %arg9[%parallel_loop3A_207, %parallel_loop3A_208] {strides = array<i32>} : memref<128x128xf32, #tpu.memory_space<vmem>>, vector<1x16xf32>,
      %parallel_loop3A_210 = vector.shape_cast %parallel_loop3A_209 : vector<1x16xf32> to vector<16xf32>
      %parallel_loop3A_211 = vector.shape_cast %parallel_loop3A_206 : vector<16xf32> to vector<1x16xf32>
      tpu.vector_store %arg9[%parallel_loop3A_207, %parallel_loop3A_208], %parallel_loop3A_211 {strides = array<i32>} : memref<128x128xf32, #tpu.memory_space<vmem>>, vector<1x16xf32>,
      %parallel_loop3A_212 = arith.index_cast %parallel_loop3A_175 : i32 to index
      %parallel_loop3A_213 = arith.constant 64 : index
      %parallel_loop3A_214 = tpu.vector_load %arg7[%parallel_loop3A_212, %parallel_loop3A_213] {strides = array<i32>} : memref<514x128xf32, #tpu.memory_space<vmem>>, vector<1x16xf32>,
      %parallel_loop3A_215 = vector.shape_cast %parallel_loop3A_214 : vector<1x16xf32> to vector<16xf32>
      %parallel_loop3A_216 = arith.index_cast %parallel_loop3A_163 : i32 to index
      %parallel_loop3A_217 = arith.constant 64 : index
      %parallel_loop3A_218 = tpu.vector_load %arg9[%parallel_loop3A_216, %parallel_loop3A_217] {strides = array<i32>} : memref<128x128xf32, #tpu.memory_space<vmem>>, vector<1x16xf32>,
      %parallel_loop3A_219 = vector.shape_cast %parallel_loop3A_218 : vector<1x16xf32> to vector<16xf32>
      %parallel_loop3A_220 = vector.shape_cast %parallel_loop3A_215 : vector<16xf32> to vector<1x16xf32>
      tpu.vector_store %arg9[%parallel_loop3A_216, %parallel_loop3A_217], %parallel_loop3A_220 {strides = array<i32>} : memref<128x128xf32, #tpu.memory_space<vmem>>, vector<1x16xf32>,
      %parallel_loop3A_221 = arith.index_cast %parallel_loop3A_175 : i32 to index
      %parallel_loop3A_222 = arith.constant 80 : index
      %parallel_loop3A_223 = tpu.vector_load %arg7[%parallel_loop3A_221, %parallel_loop3A_222] {strides = array<i32>} : memref<514x128xf32, #tpu.memory_space<vmem>>, vector<1x16xf32>,
      %parallel_loop3A_224 = vector.shape_cast %parallel_loop3A_223 : vector<1x16xf32> to vector<16xf32>
      %parallel_loop3A_225 = arith.index_cast %parallel_loop3A_163 : i32 to index
      %parallel_loop3A_226 = arith.constant 80 : index
      %parallel_loop3A_227 = tpu.vector_load %arg9[%parallel_loop3A_225, %parallel_loop3A_226] {strides = array<i32>} : memref<128x128xf32, #tpu.memory_space<vmem>>, vector<1x16xf32>,
      %parallel_loop3A_228 = vector.shape_cast %parallel_loop3A_227 : vector<1x16xf32> to vector<16xf32>
      %parallel_loop3A_229 = vector.shape_cast %parallel_loop3A_224 : vector<16xf32> to vector<1x16xf32>
      tpu.vector_store %arg9[%parallel_loop3A_225, %parallel_loop3A_226], %parallel_loop3A_229 {strides = array<i32>} : memref<128x128xf32, #tpu.memory_space<vmem>>, vector<1x16xf32>,
      %parallel_loop3A_230 = arith.index_cast %parallel_loop3A_175 : i32 to index
      %parallel_loop3A_231 = arith.constant 96 : index
      %parallel_loop3A_232 = tpu.vector_load %arg7[%parallel_loop3A_230, %parallel_loop3A_231] {strides = array<i32>} : memref<514x128xf32, #tpu.memory_space<vmem>>, vector<1x16xf32>,
      %parallel_loop3A_233 = vector.shape_cast %parallel_loop3A_232 : vector<1x16xf32> to vector<16xf32>
      %parallel_loop3A_234 = arith.index_cast %parallel_loop3A_163 : i32 to index
      %parallel_loop3A_235 = arith.constant 96 : index
      %parallel_loop3A_236 = tpu.vector_load %arg9[%parallel_loop3A_234, %parallel_loop3A_235] {strides = array<i32>} : memref<128x128xf32, #tpu.memory_space<vmem>>, vector<1x16xf32>,
      %parallel_loop3A_237 = vector.shape_cast %parallel_loop3A_236 : vector<1x16xf32> to vector<16xf32>
      %parallel_loop3A_238 = vector.shape_cast %parallel_loop3A_233 : vector<16xf32> to vector<1x16xf32>
      tpu.vector_store %arg9[%parallel_loop3A_234, %parallel_loop3A_235], %parallel_loop3A_238 {strides = array<i32>} : memref<128x128xf32, #tpu.memory_space<vmem>>, vector<1x16xf32>,
      %parallel_loop3A_239 = arith.index_cast %parallel_loop3A_175 : i32 to index
      %parallel_loop3A_240 = arith.constant 112 : index
      %parallel_loop3A_241 = tpu.vector_load %arg7[%parallel_loop3A_239, %parallel_loop3A_240] {strides = array<i32>} : memref<514x128xf32, #tpu.memory_space<vmem>>, vector<1x16xf32>,
      %parallel_loop3A_242 = vector.shape_cast %parallel_loop3A_241 : vector<1x16xf32> to vector<16xf32>
      %parallel_loop3A_243 = arith.index_cast %parallel_loop3A_163 : i32 to index
      %parallel_loop3A_244 = arith.constant 112 : index
      %parallel_loop3A_245 = tpu.vector_load %arg9[%parallel_loop3A_243, %parallel_loop3A_244] {strides = array<i32>} : memref<128x128xf32, #tpu.memory_space<vmem>>, vector<1x16xf32>,
      %parallel_loop3A_246 = vector.shape_cast %parallel_loop3A_245 : vector<1x16xf32> to vector<16xf32>
      %parallel_loop3A_247 = vector.shape_cast %parallel_loop3A_242 : vector<16xf32> to vector<1x16xf32>
      tpu.vector_store %arg9[%parallel_loop3A_243, %parallel_loop3A_244], %parallel_loop3A_247 {strides = array<i32>} : memref<128x128xf32, #tpu.memory_space<vmem>>, vector<1x16xf32>,
    } {sc.loop_unroll_factor = 8 : i64, sc.parallel_access}
    %add3A_100 = arith.constant 25088 : i32
    %add3A_101 = arith.addi %mul3A_2, %add3A_100 : i32
    %dma_start3A_102 = arith.constant 0 : i32
    %dma_start3A_103 = tpu.memref_slice %arg4[%add3A_101, %dma_start3A_102] : memref<819200x128xf32, #tpu.memory_space<hbm>> -> memref<128x128xf32, #tpu.memory_space<hbm>>
    %dma_start3A_104 = arith.constant 0 : i32
    %dma_start3A_105 = tpu.memref_slice %arg4[%add3A_101, %dma_start3A_104] : memref<819200x128xf32, #tpu.memory_space<hbm>> -> memref<128x128xf32, #tpu.memory_space<hbm>>
    tpu.enqueue_dma source(%arg9 : memref<128x128xf32, #tpu.memory_space<vmem>>) target(%dma_start3A_105 : memref<128x128xf32, #tpu.memory_space<hbm>>) target_semaphore(%arg14 : memref<!tpu.dma_semaphore, #tpu.memory_space<semaphore_mem>>)
    %add3A_106 = arith.constant 24960 : i32
    %add3A_107 = arith.addi %mul3A_2, %add3A_106 : i32
    %dma_wait3A_108 = arith.constant 0 : i32
    %dma_wait3A_109 = tpu.memref_slice %arg4[%add3A_107, %dma_wait3A_108] : memref<819200x128xf32, #tpu.memory_space<hbm>> -> memref<128x128xf32, #tpu.memory_space<hbm>>
    %dma_wait3A_110 = arith.constant 0 : i32
    %dma_wait3A_111 = tpu.memref_slice %arg4[%add3A_107, %dma_wait3A_110] : memref<819200x128xf32, #tpu.memory_space<hbm>> -> memref<128x128xf32, #tpu.memory_space<hbm>>
    tpu.wait_dma2 semaphore(%arg15 : memref<!tpu.dma_semaphore, #tpu.memory_space<semaphore_mem>>) src(%arg10 : memref<128x128xf32, #tpu.memory_space<vmem>>) dst(%dma_wait3A_111 : memref<128x128xf32, #tpu.memory_space<hbm>>)
    %parallel_loop3A_112 = arith.constant 0 : i32
    %parallel_loop3A_113 = arith.constant 128 : i32
    %parallel_loop3A_114 = arith.constant 1 : i32
    scf.for %parallel_loop3A_163 = %parallel_loop3A_112 to %parallel_loop3A_113 step %parallel_loop3A_114  : i32 {
      %parallel_loop3A_164 = arith.constant 128 : i32
      %parallel_loop3A_165 = arith.addi %parallel_loop3A_164, %parallel_loop3A_163 : i32
      %parallel_loop3A_166 = arith.constant 1 : i32
      %parallel_loop3A_167 = arith.index_cast %parallel_loop3A_166 : i32 to index
      %parallel_loop3A_168 = arith.index_cast %parallel_loop3A_165 : i32 to index
      %parallel_loop3A_169 = memref.load %arg8[%parallel_loop3A_167, %parallel_loop3A_168] : memref<2x512xi32, #tpu.memory_space<smem>>
      %parallel_loop3A_170 = arith.constant 1000 : i32
      %parallel_loop3A_171 = arith.cmpi sgt, %parallel_loop3A_169, %parallel_loop3A_170 : i32
      %parallel_loop3A_172 = arith.constant 512 : i32
      %parallel_loop3A_173 = arith.minsi %parallel_loop3A_169, %parallel_loop3A_172 : i32
      %parallel_loop3A_174 = arith.constant 513 : i32
      %parallel_loop3A_175 = arith.select %parallel_loop3A_171, %parallel_loop3A_174, %parallel_loop3A_173 : i32
      %parallel_loop3A_176 = arith.index_cast %parallel_loop3A_175 : i32 to index
      %parallel_loop3A_177 = arith.constant 0 : index
      %parallel_loop3A_178 = tpu.vector_load %arg7[%parallel_loop3A_176, %parallel_loop3A_177] {strides = array<i32>} : memref<514x128xf32, #tpu.memory_space<vmem>>, vector<1x16xf32>,
      %parallel_loop3A_179 = vector.shape_cast %parallel_loop3A_178 : vector<1x16xf32> to vector<16xf32>
      %parallel_loop3A_180 = arith.index_cast %parallel_loop3A_163 : i32 to index
      %parallel_loop3A_181 = arith.constant 0 : index
      %parallel_loop3A_182 = tpu.vector_load %arg10[%parallel_loop3A_180, %parallel_loop3A_181] {strides = array<i32>} : memref<128x128xf32, #tpu.memory_space<vmem>>, vector<1x16xf32>,
      %parallel_loop3A_183 = vector.shape_cast %parallel_loop3A_182 : vector<1x16xf32> to vector<16xf32>
      %parallel_loop3A_184 = vector.shape_cast %parallel_loop3A_179 : vector<16xf32> to vector<1x16xf32>
      tpu.vector_store %arg10[%parallel_loop3A_180, %parallel_loop3A_181], %parallel_loop3A_184 {strides = array<i32>} : memref<128x128xf32, #tpu.memory_space<vmem>>, vector<1x16xf32>,
      %parallel_loop3A_185 = arith.index_cast %parallel_loop3A_175 : i32 to index
      %parallel_loop3A_186 = arith.constant 16 : index
      %parallel_loop3A_187 = tpu.vector_load %arg7[%parallel_loop3A_185, %parallel_loop3A_186] {strides = array<i32>} : memref<514x128xf32, #tpu.memory_space<vmem>>, vector<1x16xf32>,
      %parallel_loop3A_188 = vector.shape_cast %parallel_loop3A_187 : vector<1x16xf32> to vector<16xf32>
      %parallel_loop3A_189 = arith.index_cast %parallel_loop3A_163 : i32 to index
      %parallel_loop3A_190 = arith.constant 16 : index
      %parallel_loop3A_191 = tpu.vector_load %arg10[%parallel_loop3A_189, %parallel_loop3A_190] {strides = array<i32>} : memref<128x128xf32, #tpu.memory_space<vmem>>, vector<1x16xf32>,
      %parallel_loop3A_192 = vector.shape_cast %parallel_loop3A_191 : vector<1x16xf32> to vector<16xf32>
      %parallel_loop3A_193 = vector.shape_cast %parallel_loop3A_188 : vector<16xf32> to vector<1x16xf32>
      tpu.vector_store %arg10[%parallel_loop3A_189, %parallel_loop3A_190], %parallel_loop3A_193 {strides = array<i32>} : memref<128x128xf32, #tpu.memory_space<vmem>>, vector<1x16xf32>,
      %parallel_loop3A_194 = arith.index_cast %parallel_loop3A_175 : i32 to index
      %parallel_loop3A_195 = arith.constant 32 : index
      %parallel_loop3A_196 = tpu.vector_load %arg7[%parallel_loop3A_194, %parallel_loop3A_195] {strides = array<i32>} : memref<514x128xf32, #tpu.memory_space<vmem>>, vector<1x16xf32>,
      %parallel_loop3A_197 = vector.shape_cast %parallel_loop3A_196 : vector<1x16xf32> to vector<16xf32>
      %parallel_loop3A_198 = arith.index_cast %parallel_loop3A_163 : i32 to index
      %parallel_loop3A_199 = arith.constant 32 : index
      %parallel_loop3A_200 = tpu.vector_load %arg10[%parallel_loop3A_198, %parallel_loop3A_199] {strides = array<i32>} : memref<128x128xf32, #tpu.memory_space<vmem>>, vector<1x16xf32>,
      %parallel_loop3A_201 = vector.shape_cast %parallel_loop3A_200 : vector<1x16xf32> to vector<16xf32>
      %parallel_loop3A_202 = vector.shape_cast %parallel_loop3A_197 : vector<16xf32> to vector<1x16xf32>
      tpu.vector_store %arg10[%parallel_loop3A_198, %parallel_loop3A_199], %parallel_loop3A_202 {strides = array<i32>} : memref<128x128xf32, #tpu.memory_space<vmem>>, vector<1x16xf32>,
      %parallel_loop3A_203 = arith.index_cast %parallel_loop3A_175 : i32 to index
      %parallel_loop3A_204 = arith.constant 48 : index
      %parallel_loop3A_205 = tpu.vector_load %arg7[%parallel_loop3A_203, %parallel_loop3A_204] {strides = array<i32>} : memref<514x128xf32, #tpu.memory_space<vmem>>, vector<1x16xf32>,
      %parallel_loop3A_206 = vector.shape_cast %parallel_loop3A_205 : vector<1x16xf32> to vector<16xf32>
      %parallel_loop3A_207 = arith.index_cast %parallel_loop3A_163 : i32 to index
      %parallel_loop3A_208 = arith.constant 48 : index
      %parallel_loop3A_209 = tpu.vector_load %arg10[%parallel_loop3A_207, %parallel_loop3A_208] {strides = array<i32>} : memref<128x128xf32, #tpu.memory_space<vmem>>, vector<1x16xf32>,
      %parallel_loop3A_210 = vector.shape_cast %parallel_loop3A_209 : vector<1x16xf32> to vector<16xf32>
      %parallel_loop3A_211 = vector.shape_cast %parallel_loop3A_206 : vector<16xf32> to vector<1x16xf32>
      tpu.vector_store %arg10[%parallel_loop3A_207, %parallel_loop3A_208], %parallel_loop3A_211 {strides = array<i32>} : memref<128x128xf32, #tpu.memory_space<vmem>>, vector<1x16xf32>,
      %parallel_loop3A_212 = arith.index_cast %parallel_loop3A_175 : i32 to index
      %parallel_loop3A_213 = arith.constant 64 : index
      %parallel_loop3A_214 = tpu.vector_load %arg7[%parallel_loop3A_212, %parallel_loop3A_213] {strides = array<i32>} : memref<514x128xf32, #tpu.memory_space<vmem>>, vector<1x16xf32>,
      %parallel_loop3A_215 = vector.shape_cast %parallel_loop3A_214 : vector<1x16xf32> to vector<16xf32>
      %parallel_loop3A_216 = arith.index_cast %parallel_loop3A_163 : i32 to index
      %parallel_loop3A_217 = arith.constant 64 : index
      %parallel_loop3A_218 = tpu.vector_load %arg10[%parallel_loop3A_216, %parallel_loop3A_217] {strides = array<i32>} : memref<128x128xf32, #tpu.memory_space<vmem>>, vector<1x16xf32>,
      %parallel_loop3A_219 = vector.shape_cast %parallel_loop3A_218 : vector<1x16xf32> to vector<16xf32>
      %parallel_loop3A_220 = vector.shape_cast %parallel_loop3A_215 : vector<16xf32> to vector<1x16xf32>
      tpu.vector_store %arg10[%parallel_loop3A_216, %parallel_loop3A_217], %parallel_loop3A_220 {strides = array<i32>} : memref<128x128xf32, #tpu.memory_space<vmem>>, vector<1x16xf32>,
      %parallel_loop3A_221 = arith.index_cast %parallel_loop3A_175 : i32 to index
      %parallel_loop3A_222 = arith.constant 80 : index
      %parallel_loop3A_223 = tpu.vector_load %arg7[%parallel_loop3A_221, %parallel_loop3A_222] {strides = array<i32>} : memref<514x128xf32, #tpu.memory_space<vmem>>, vector<1x16xf32>,
      %parallel_loop3A_224 = vector.shape_cast %parallel_loop3A_223 : vector<1x16xf32> to vector<16xf32>
      %parallel_loop3A_225 = arith.index_cast %parallel_loop3A_163 : i32 to index
      %parallel_loop3A_226 = arith.constant 80 : index
      %parallel_loop3A_227 = tpu.vector_load %arg10[%parallel_loop3A_225, %parallel_loop3A_226] {strides = array<i32>} : memref<128x128xf32, #tpu.memory_space<vmem>>, vector<1x16xf32>,
      %parallel_loop3A_228 = vector.shape_cast %parallel_loop3A_227 : vector<1x16xf32> to vector<16xf32>
      %parallel_loop3A_229 = vector.shape_cast %parallel_loop3A_224 : vector<16xf32> to vector<1x16xf32>
      tpu.vector_store %arg10[%parallel_loop3A_225, %parallel_loop3A_226], %parallel_loop3A_229 {strides = array<i32>} : memref<128x128xf32, #tpu.memory_space<vmem>>, vector<1x16xf32>,
      %parallel_loop3A_230 = arith.index_cast %parallel_loop3A_175 : i32 to index
      %parallel_loop3A_231 = arith.constant 96 : index
      %parallel_loop3A_232 = tpu.vector_load %arg7[%parallel_loop3A_230, %parallel_loop3A_231] {strides = array<i32>} : memref<514x128xf32, #tpu.memory_space<vmem>>, vector<1x16xf32>,
      %parallel_loop3A_233 = vector.shape_cast %parallel_loop3A_232 : vector<1x16xf32> to vector<16xf32>
      %parallel_loop3A_234 = arith.index_cast %parallel_loop3A_163 : i32 to index
      %parallel_loop3A_235 = arith.constant 96 : index
      %parallel_loop3A_236 = tpu.vector_load %arg10[%parallel_loop3A_234, %parallel_loop3A_235] {strides = array<i32>} : memref<128x128xf32, #tpu.memory_space<vmem>>, vector<1x16xf32>,
      %parallel_loop3A_237 = vector.shape_cast %parallel_loop3A_236 : vector<1x16xf32> to vector<16xf32>
      %parallel_loop3A_238 = vector.shape_cast %parallel_loop3A_233 : vector<16xf32> to vector<1x16xf32>
      tpu.vector_store %arg10[%parallel_loop3A_234, %parallel_loop3A_235], %parallel_loop3A_238 {strides = array<i32>} : memref<128x128xf32, #tpu.memory_space<vmem>>, vector<1x16xf32>,
      %parallel_loop3A_239 = arith.index_cast %parallel_loop3A_175 : i32 to index
      %parallel_loop3A_240 = arith.constant 112 : index
      %parallel_loop3A_241 = tpu.vector_load %arg7[%parallel_loop3A_239, %parallel_loop3A_240] {strides = array<i32>} : memref<514x128xf32, #tpu.memory_space<vmem>>, vector<1x16xf32>,
      %parallel_loop3A_242 = vector.shape_cast %parallel_loop3A_241 : vector<1x16xf32> to vector<16xf32>
      %parallel_loop3A_243 = arith.index_cast %parallel_loop3A_163 : i32 to index
      %parallel_loop3A_244 = arith.constant 112 : index
      %parallel_loop3A_245 = tpu.vector_load %arg10[%parallel_loop3A_243, %parallel_loop3A_244] {strides = array<i32>} : memref<128x128xf32, #tpu.memory_space<vmem>>, vector<1x16xf32>,
      %parallel_loop3A_246 = vector.shape_cast %parallel_loop3A_245 : vector<1x16xf32> to vector<16xf32>
      %parallel_loop3A_247 = vector.shape_cast %parallel_loop3A_242 : vector<16xf32> to vector<1x16xf32>
      tpu.vector_store %arg10[%parallel_loop3A_243, %parallel_loop3A_244], %parallel_loop3A_247 {strides = array<i32>} : memref<128x128xf32, #tpu.memory_space<vmem>>, vector<1x16xf32>,
    } {sc.loop_unroll_factor = 8 : i64, sc.parallel_access}
    %add3A_115 = arith.constant 25216 : i32
    %add3A_116 = arith.addi %mul3A_2, %add3A_115 : i32
    %dma_start3A_117 = arith.constant 0 : i32
    %dma_start3A_118 = tpu.memref_slice %arg4[%add3A_116, %dma_start3A_117] : memref<819200x128xf32, #tpu.memory_space<hbm>> -> memref<128x128xf32, #tpu.memory_space<hbm>>
    %dma_start3A_119 = arith.constant 0 : i32
    %dma_start3A_120 = tpu.memref_slice %arg4[%add3A_116, %dma_start3A_119] : memref<819200x128xf32, #tpu.memory_space<hbm>> -> memref<128x128xf32, #tpu.memory_space<hbm>>
    tpu.enqueue_dma source(%arg10 : memref<128x128xf32, #tpu.memory_space<vmem>>) target(%dma_start3A_120 : memref<128x128xf32, #tpu.memory_space<hbm>>) target_semaphore(%arg15 : memref<!tpu.dma_semaphore, #tpu.memory_space<semaphore_mem>>)
    %add3A_121 = arith.constant 25088 : i32
    %add3A_122 = arith.addi %mul3A_2, %add3A_121 : i32
    %dma_wait3A_123 = arith.constant 0 : i32
    %dma_wait3A_124 = tpu.memref_slice %arg4[%add3A_122, %dma_wait3A_123] : memref<819200x128xf32, #tpu.memory_space<hbm>> -> memref<128x128xf32, #tpu.memory_space<hbm>>
    %dma_wait3A_125 = arith.constant 0 : i32
    %dma_wait3A_126 = tpu.memref_slice %arg4[%add3A_122, %dma_wait3A_125] : memref<819200x128xf32, #tpu.memory_space<hbm>> -> memref<128x128xf32, #tpu.memory_space<hbm>>
    tpu.wait_dma2 semaphore(%arg14 : memref<!tpu.dma_semaphore, #tpu.memory_space<semaphore_mem>>) src(%arg9 : memref<128x128xf32, #tpu.memory_space<vmem>>) dst(%dma_wait3A_126 : memref<128x128xf32, #tpu.memory_space<hbm>>)
    %parallel_loop3A_127 = arith.constant 0 : i32
    %parallel_loop3A_128 = arith.constant 128 : i32
    %parallel_loop3A_129 = arith.constant 1 : i32
    scf.for %parallel_loop3A_163 = %parallel_loop3A_127 to %parallel_loop3A_128 step %parallel_loop3A_129  : i32 {
      %parallel_loop3A_164 = arith.constant 256 : i32
      %parallel_loop3A_165 = arith.addi %parallel_loop3A_164, %parallel_loop3A_163 : i32
      %parallel_loop3A_166 = arith.constant 1 : i32
      %parallel_loop3A_167 = arith.index_cast %parallel_loop3A_166 : i32 to index
      %parallel_loop3A_168 = arith.index_cast %parallel_loop3A_165 : i32 to index
      %parallel_loop3A_169 = memref.load %arg8[%parallel_loop3A_167, %parallel_loop3A_168] : memref<2x512xi32, #tpu.memory_space<smem>>
      %parallel_loop3A_170 = arith.constant 1000 : i32
      %parallel_loop3A_171 = arith.cmpi sgt, %parallel_loop3A_169, %parallel_loop3A_170 : i32
      %parallel_loop3A_172 = arith.constant 512 : i32
      %parallel_loop3A_173 = arith.minsi %parallel_loop3A_169, %parallel_loop3A_172 : i32
      %parallel_loop3A_174 = arith.constant 513 : i32
      %parallel_loop3A_175 = arith.select %parallel_loop3A_171, %parallel_loop3A_174, %parallel_loop3A_173 : i32
      %parallel_loop3A_176 = arith.index_cast %parallel_loop3A_175 : i32 to index
      %parallel_loop3A_177 = arith.constant 0 : index
      %parallel_loop3A_178 = tpu.vector_load %arg7[%parallel_loop3A_176, %parallel_loop3A_177] {strides = array<i32>} : memref<514x128xf32, #tpu.memory_space<vmem>>, vector<1x16xf32>,
      %parallel_loop3A_179 = vector.shape_cast %parallel_loop3A_178 : vector<1x16xf32> to vector<16xf32>
      %parallel_loop3A_180 = arith.index_cast %parallel_loop3A_163 : i32 to index
      %parallel_loop3A_181 = arith.constant 0 : index
      %parallel_loop3A_182 = tpu.vector_load %arg9[%parallel_loop3A_180, %parallel_loop3A_181] {strides = array<i32>} : memref<128x128xf32, #tpu.memory_space<vmem>>, vector<1x16xf32>,
      %parallel_loop3A_183 = vector.shape_cast %parallel_loop3A_182 : vector<1x16xf32> to vector<16xf32>
      %parallel_loop3A_184 = vector.shape_cast %parallel_loop3A_179 : vector<16xf32> to vector<1x16xf32>
      tpu.vector_store %arg9[%parallel_loop3A_180, %parallel_loop3A_181], %parallel_loop3A_184 {strides = array<i32>} : memref<128x128xf32, #tpu.memory_space<vmem>>, vector<1x16xf32>,
      %parallel_loop3A_185 = arith.index_cast %parallel_loop3A_175 : i32 to index
      %parallel_loop3A_186 = arith.constant 16 : index
      %parallel_loop3A_187 = tpu.vector_load %arg7[%parallel_loop3A_185, %parallel_loop3A_186] {strides = array<i32>} : memref<514x128xf32, #tpu.memory_space<vmem>>, vector<1x16xf32>,
      %parallel_loop3A_188 = vector.shape_cast %parallel_loop3A_187 : vector<1x16xf32> to vector<16xf32>
      %parallel_loop3A_189 = arith.index_cast %parallel_loop3A_163 : i32 to index
      %parallel_loop3A_190 = arith.constant 16 : index
      %parallel_loop3A_191 = tpu.vector_load %arg9[%parallel_loop3A_189, %parallel_loop3A_190] {strides = array<i32>} : memref<128x128xf32, #tpu.memory_space<vmem>>, vector<1x16xf32>,
      %parallel_loop3A_192 = vector.shape_cast %parallel_loop3A_191 : vector<1x16xf32> to vector<16xf32>
      %parallel_loop3A_193 = vector.shape_cast %parallel_loop3A_188 : vector<16xf32> to vector<1x16xf32>
      tpu.vector_store %arg9[%parallel_loop3A_189, %parallel_loop3A_190], %parallel_loop3A_193 {strides = array<i32>} : memref<128x128xf32, #tpu.memory_space<vmem>>, vector<1x16xf32>,
      %parallel_loop3A_194 = arith.index_cast %parallel_loop3A_175 : i32 to index
      %parallel_loop3A_195 = arith.constant 32 : index
      %parallel_loop3A_196 = tpu.vector_load %arg7[%parallel_loop3A_194, %parallel_loop3A_195] {strides = array<i32>} : memref<514x128xf32, #tpu.memory_space<vmem>>, vector<1x16xf32>,
      %parallel_loop3A_197 = vector.shape_cast %parallel_loop3A_196 : vector<1x16xf32> to vector<16xf32>
      %parallel_loop3A_198 = arith.index_cast %parallel_loop3A_163 : i32 to index
      %parallel_loop3A_199 = arith.constant 32 : index
      %parallel_loop3A_200 = tpu.vector_load %arg9[%parallel_loop3A_198, %parallel_loop3A_199] {strides = array<i32>} : memref<128x128xf32, #tpu.memory_space<vmem>>, vector<1x16xf32>,
      %parallel_loop3A_201 = vector.shape_cast %parallel_loop3A_200 : vector<1x16xf32> to vector<16xf32>
      %parallel_loop3A_202 = vector.shape_cast %parallel_loop3A_197 : vector<16xf32> to vector<1x16xf32>
      tpu.vector_store %arg9[%parallel_loop3A_198, %parallel_loop3A_199], %parallel_loop3A_202 {strides = array<i32>} : memref<128x128xf32, #tpu.memory_space<vmem>>, vector<1x16xf32>,
      %parallel_loop3A_203 = arith.index_cast %parallel_loop3A_175 : i32 to index
      %parallel_loop3A_204 = arith.constant 48 : index
      %parallel_loop3A_205 = tpu.vector_load %arg7[%parallel_loop3A_203, %parallel_loop3A_204] {strides = array<i32>} : memref<514x128xf32, #tpu.memory_space<vmem>>, vector<1x16xf32>,
      %parallel_loop3A_206 = vector.shape_cast %parallel_loop3A_205 : vector<1x16xf32> to vector<16xf32>
      %parallel_loop3A_207 = arith.index_cast %parallel_loop3A_163 : i32 to index
      %parallel_loop3A_208 = arith.constant 48 : index
      %parallel_loop3A_209 = tpu.vector_load %arg9[%parallel_loop3A_207, %parallel_loop3A_208] {strides = array<i32>} : memref<128x128xf32, #tpu.memory_space<vmem>>, vector<1x16xf32>,
      %parallel_loop3A_210 = vector.shape_cast %parallel_loop3A_209 : vector<1x16xf32> to vector<16xf32>
      %parallel_loop3A_211 = vector.shape_cast %parallel_loop3A_206 : vector<16xf32> to vector<1x16xf32>
      tpu.vector_store %arg9[%parallel_loop3A_207, %parallel_loop3A_208], %parallel_loop3A_211 {strides = array<i32>} : memref<128x128xf32, #tpu.memory_space<vmem>>, vector<1x16xf32>,
      %parallel_loop3A_212 = arith.index_cast %parallel_loop3A_175 : i32 to index
      %parallel_loop3A_213 = arith.constant 64 : index
      %parallel_loop3A_214 = tpu.vector_load %arg7[%parallel_loop3A_212, %parallel_loop3A_213] {strides = array<i32>} : memref<514x128xf32, #tpu.memory_space<vmem>>, vector<1x16xf32>,
      %parallel_loop3A_215 = vector.shape_cast %parallel_loop3A_214 : vector<1x16xf32> to vector<16xf32>
      %parallel_loop3A_216 = arith.index_cast %parallel_loop3A_163 : i32 to index
      %parallel_loop3A_217 = arith.constant 64 : index
      %parallel_loop3A_218 = tpu.vector_load %arg9[%parallel_loop3A_216, %parallel_loop3A_217] {strides = array<i32>} : memref<128x128xf32, #tpu.memory_space<vmem>>, vector<1x16xf32>,
      %parallel_loop3A_219 = vector.shape_cast %parallel_loop3A_218 : vector<1x16xf32> to vector<16xf32>
      %parallel_loop3A_220 = vector.shape_cast %parallel_loop3A_215 : vector<16xf32> to vector<1x16xf32>
      tpu.vector_store %arg9[%parallel_loop3A_216, %parallel_loop3A_217], %parallel_loop3A_220 {strides = array<i32>} : memref<128x128xf32, #tpu.memory_space<vmem>>, vector<1x16xf32>,
      %parallel_loop3A_221 = arith.index_cast %parallel_loop3A_175 : i32 to index
      %parallel_loop3A_222 = arith.constant 80 : index
      %parallel_loop3A_223 = tpu.vector_load %arg7[%parallel_loop3A_221, %parallel_loop3A_222] {strides = array<i32>} : memref<514x128xf32, #tpu.memory_space<vmem>>, vector<1x16xf32>,
      %parallel_loop3A_224 = vector.shape_cast %parallel_loop3A_223 : vector<1x16xf32> to vector<16xf32>
      %parallel_loop3A_225 = arith.index_cast %parallel_loop3A_163 : i32 to index
      %parallel_loop3A_226 = arith.constant 80 : index
      %parallel_loop3A_227 = tpu.vector_load %arg9[%parallel_loop3A_225, %parallel_loop3A_226] {strides = array<i32>} : memref<128x128xf32, #tpu.memory_space<vmem>>, vector<1x16xf32>,
      %parallel_loop3A_228 = vector.shape_cast %parallel_loop3A_227 : vector<1x16xf32> to vector<16xf32>
      %parallel_loop3A_229 = vector.shape_cast %parallel_loop3A_224 : vector<16xf32> to vector<1x16xf32>
      tpu.vector_store %arg9[%parallel_loop3A_225, %parallel_loop3A_226], %parallel_loop3A_229 {strides = array<i32>} : memref<128x128xf32, #tpu.memory_space<vmem>>, vector<1x16xf32>,
      %parallel_loop3A_230 = arith.index_cast %parallel_loop3A_175 : i32 to index
      %parallel_loop3A_231 = arith.constant 96 : index
      %parallel_loop3A_232 = tpu.vector_load %arg7[%parallel_loop3A_230, %parallel_loop3A_231] {strides = array<i32>} : memref<514x128xf32, #tpu.memory_space<vmem>>, vector<1x16xf32>,
      %parallel_loop3A_233 = vector.shape_cast %parallel_loop3A_232 : vector<1x16xf32> to vector<16xf32>
      %parallel_loop3A_234 = arith.index_cast %parallel_loop3A_163 : i32 to index
      %parallel_loop3A_235 = arith.constant 96 : index
      %parallel_loop3A_236 = tpu.vector_load %arg9[%parallel_loop3A_234, %parallel_loop3A_235] {strides = array<i32>} : memref<128x128xf32, #tpu.memory_space<vmem>>, vector<1x16xf32>,
      %parallel_loop3A_237 = vector.shape_cast %parallel_loop3A_236 : vector<1x16xf32> to vector<16xf32>
      %parallel_loop3A_238 = vector.shape_cast %parallel_loop3A_233 : vector<16xf32> to vector<1x16xf32>
      tpu.vector_store %arg9[%parallel_loop3A_234, %parallel_loop3A_235], %parallel_loop3A_238 {strides = array<i32>} : memref<128x128xf32, #tpu.memory_space<vmem>>, vector<1x16xf32>,
      %parallel_loop3A_239 = arith.index_cast %parallel_loop3A_175 : i32 to index
      %parallel_loop3A_240 = arith.constant 112 : index
      %parallel_loop3A_241 = tpu.vector_load %arg7[%parallel_loop3A_239, %parallel_loop3A_240] {strides = array<i32>} : memref<514x128xf32, #tpu.memory_space<vmem>>, vector<1x16xf32>,
      %parallel_loop3A_242 = vector.shape_cast %parallel_loop3A_241 : vector<1x16xf32> to vector<16xf32>
      %parallel_loop3A_243 = arith.index_cast %parallel_loop3A_163 : i32 to index
      %parallel_loop3A_244 = arith.constant 112 : index
      %parallel_loop3A_245 = tpu.vector_load %arg9[%parallel_loop3A_243, %parallel_loop3A_244] {strides = array<i32>} : memref<128x128xf32, #tpu.memory_space<vmem>>, vector<1x16xf32>,
      %parallel_loop3A_246 = vector.shape_cast %parallel_loop3A_245 : vector<1x16xf32> to vector<16xf32>
      %parallel_loop3A_247 = vector.shape_cast %parallel_loop3A_242 : vector<16xf32> to vector<1x16xf32>
      tpu.vector_store %arg9[%parallel_loop3A_243, %parallel_loop3A_244], %parallel_loop3A_247 {strides = array<i32>} : memref<128x128xf32, #tpu.memory_space<vmem>>, vector<1x16xf32>,
    } {sc.loop_unroll_factor = 8 : i64, sc.parallel_access}
    %add3A_130 = arith.constant 25344 : i32
    %add3A_131 = arith.addi %mul3A_2, %add3A_130 : i32
    %dma_start3A_132 = arith.constant 0 : i32
    %dma_start3A_133 = tpu.memref_slice %arg4[%add3A_131, %dma_start3A_132] : memref<819200x128xf32, #tpu.memory_space<hbm>> -> memref<128x128xf32, #tpu.memory_space<hbm>>
    %dma_start3A_134 = arith.constant 0 : i32
    %dma_start3A_135 = tpu.memref_slice %arg4[%add3A_131, %dma_start3A_134] : memref<819200x128xf32, #tpu.memory_space<hbm>> -> memref<128x128xf32, #tpu.memory_space<hbm>>
    tpu.enqueue_dma source(%arg9 : memref<128x128xf32, #tpu.memory_space<vmem>>) target(%dma_start3A_135 : memref<128x128xf32, #tpu.memory_space<hbm>>) target_semaphore(%arg14 : memref<!tpu.dma_semaphore, #tpu.memory_space<semaphore_mem>>)
    %add3A_136 = arith.constant 25216 : i32
    %add3A_137 = arith.addi %mul3A_2, %add3A_136 : i32
    %dma_wait3A_138 = arith.constant 0 : i32
    %dma_wait3A_139 = tpu.memref_slice %arg4[%add3A_137, %dma_wait3A_138] : memref<819200x128xf32, #tpu.memory_space<hbm>> -> memref<128x128xf32, #tpu.memory_space<hbm>>
    %dma_wait3A_140 = arith.constant 0 : i32
    %dma_wait3A_141 = tpu.memref_slice %arg4[%add3A_137, %dma_wait3A_140] : memref<819200x128xf32, #tpu.memory_space<hbm>> -> memref<128x128xf32, #tpu.memory_space<hbm>>
    tpu.wait_dma2 semaphore(%arg15 : memref<!tpu.dma_semaphore, #tpu.memory_space<semaphore_mem>>) src(%arg10 : memref<128x128xf32, #tpu.memory_space<vmem>>) dst(%dma_wait3A_141 : memref<128x128xf32, #tpu.memory_space<hbm>>)
    %parallel_loop3A_142 = arith.constant 0 : i32
    %parallel_loop3A_143 = arith.constant 128 : i32
    %parallel_loop3A_144 = arith.constant 1 : i32
    scf.for %parallel_loop3A_163 = %parallel_loop3A_142 to %parallel_loop3A_143 step %parallel_loop3A_144  : i32 {
      %parallel_loop3A_164 = arith.constant 384 : i32
      %parallel_loop3A_165 = arith.addi %parallel_loop3A_164, %parallel_loop3A_163 : i32
      %parallel_loop3A_166 = arith.constant 1 : i32
      %parallel_loop3A_167 = arith.index_cast %parallel_loop3A_166 : i32 to index
      %parallel_loop3A_168 = arith.index_cast %parallel_loop3A_165 : i32 to index
      %parallel_loop3A_169 = memref.load %arg8[%parallel_loop3A_167, %parallel_loop3A_168] : memref<2x512xi32, #tpu.memory_space<smem>>
      %parallel_loop3A_170 = arith.constant 1000 : i32
      %parallel_loop3A_171 = arith.cmpi sgt, %parallel_loop3A_169, %parallel_loop3A_170 : i32
      %parallel_loop3A_172 = arith.constant 512 : i32
      %parallel_loop3A_173 = arith.minsi %parallel_loop3A_169, %parallel_loop3A_172 : i32
      %parallel_loop3A_174 = arith.constant 513 : i32
      %parallel_loop3A_175 = arith.select %parallel_loop3A_171, %parallel_loop3A_174, %parallel_loop3A_173 : i32
      %parallel_loop3A_176 = arith.index_cast %parallel_loop3A_175 : i32 to index
      %parallel_loop3A_177 = arith.constant 0 : index
      %parallel_loop3A_178 = tpu.vector_load %arg7[%parallel_loop3A_176, %parallel_loop3A_177] {strides = array<i32>} : memref<514x128xf32, #tpu.memory_space<vmem>>, vector<1x16xf32>,
      %parallel_loop3A_179 = vector.shape_cast %parallel_loop3A_178 : vector<1x16xf32> to vector<16xf32>
      %parallel_loop3A_180 = arith.index_cast %parallel_loop3A_163 : i32 to index
      %parallel_loop3A_181 = arith.constant 0 : index
      %parallel_loop3A_182 = tpu.vector_load %arg10[%parallel_loop3A_180, %parallel_loop3A_181] {strides = array<i32>} : memref<128x128xf32, #tpu.memory_space<vmem>>, vector<1x16xf32>,
      %parallel_loop3A_183 = vector.shape_cast %parallel_loop3A_182 : vector<1x16xf32> to vector<16xf32>
      %parallel_loop3A_184 = vector.shape_cast %parallel_loop3A_179 : vector<16xf32> to vector<1x16xf32>
      tpu.vector_store %arg10[%parallel_loop3A_180, %parallel_loop3A_181], %parallel_loop3A_184 {strides = array<i32>} : memref<128x128xf32, #tpu.memory_space<vmem>>, vector<1x16xf32>,
      %parallel_loop3A_185 = arith.index_cast %parallel_loop3A_175 : i32 to index
      %parallel_loop3A_186 = arith.constant 16 : index
      %parallel_loop3A_187 = tpu.vector_load %arg7[%parallel_loop3A_185, %parallel_loop3A_186] {strides = array<i32>} : memref<514x128xf32, #tpu.memory_space<vmem>>, vector<1x16xf32>,
      %parallel_loop3A_188 = vector.shape_cast %parallel_loop3A_187 : vector<1x16xf32> to vector<16xf32>
      %parallel_loop3A_189 = arith.index_cast %parallel_loop3A_163 : i32 to index
      %parallel_loop3A_190 = arith.constant 16 : index
      %parallel_loop3A_191 = tpu.vector_load %arg10[%parallel_loop3A_189, %parallel_loop3A_190] {strides = array<i32>} : memref<128x128xf32, #tpu.memory_space<vmem>>, vector<1x16xf32>,
      %parallel_loop3A_192 = vector.shape_cast %parallel_loop3A_191 : vector<1x16xf32> to vector<16xf32>
      %parallel_loop3A_193 = vector.shape_cast %parallel_loop3A_188 : vector<16xf32> to vector<1x16xf32>
      tpu.vector_store %arg10[%parallel_loop3A_189, %parallel_loop3A_190], %parallel_loop3A_193 {strides = array<i32>} : memref<128x128xf32, #tpu.memory_space<vmem>>, vector<1x16xf32>,
      %parallel_loop3A_194 = arith.index_cast %parallel_loop3A_175 : i32 to index
      %parallel_loop3A_195 = arith.constant 32 : index
      %parallel_loop3A_196 = tpu.vector_load %arg7[%parallel_loop3A_194, %parallel_loop3A_195] {strides = array<i32>} : memref<514x128xf32, #tpu.memory_space<vmem>>, vector<1x16xf32>,
      %parallel_loop3A_197 = vector.shape_cast %parallel_loop3A_196 : vector<1x16xf32> to vector<16xf32>
      %parallel_loop3A_198 = arith.index_cast %parallel_loop3A_163 : i32 to index
      %parallel_loop3A_199 = arith.constant 32 : index
      %parallel_loop3A_200 = tpu.vector_load %arg10[%parallel_loop3A_198, %parallel_loop3A_199] {strides = array<i32>} : memref<128x128xf32, #tpu.memory_space<vmem>>, vector<1x16xf32>,
      %parallel_loop3A_201 = vector.shape_cast %parallel_loop3A_200 : vector<1x16xf32> to vector<16xf32>
      %parallel_loop3A_202 = vector.shape_cast %parallel_loop3A_197 : vector<16xf32> to vector<1x16xf32>
      tpu.vector_store %arg10[%parallel_loop3A_198, %parallel_loop3A_199], %parallel_loop3A_202 {strides = array<i32>} : memref<128x128xf32, #tpu.memory_space<vmem>>, vector<1x16xf32>,
      %parallel_loop3A_203 = arith.index_cast %parallel_loop3A_175 : i32 to index
      %parallel_loop3A_204 = arith.constant 48 : index
      %parallel_loop3A_205 = tpu.vector_load %arg7[%parallel_loop3A_203, %parallel_loop3A_204] {strides = array<i32>} : memref<514x128xf32, #tpu.memory_space<vmem>>, vector<1x16xf32>,
      %parallel_loop3A_206 = vector.shape_cast %parallel_loop3A_205 : vector<1x16xf32> to vector<16xf32>
      %parallel_loop3A_207 = arith.index_cast %parallel_loop3A_163 : i32 to index
      %parallel_loop3A_208 = arith.constant 48 : index
      %parallel_loop3A_209 = tpu.vector_load %arg10[%parallel_loop3A_207, %parallel_loop3A_208] {strides = array<i32>} : memref<128x128xf32, #tpu.memory_space<vmem>>, vector<1x16xf32>,
      %parallel_loop3A_210 = vector.shape_cast %parallel_loop3A_209 : vector<1x16xf32> to vector<16xf32>
      %parallel_loop3A_211 = vector.shape_cast %parallel_loop3A_206 : vector<16xf32> to vector<1x16xf32>
      tpu.vector_store %arg10[%parallel_loop3A_207, %parallel_loop3A_208], %parallel_loop3A_211 {strides = array<i32>} : memref<128x128xf32, #tpu.memory_space<vmem>>, vector<1x16xf32>,
      %parallel_loop3A_212 = arith.index_cast %parallel_loop3A_175 : i32 to index
      %parallel_loop3A_213 = arith.constant 64 : index
      %parallel_loop3A_214 = tpu.vector_load %arg7[%parallel_loop3A_212, %parallel_loop3A_213] {strides = array<i32>} : memref<514x128xf32, #tpu.memory_space<vmem>>, vector<1x16xf32>,
      %parallel_loop3A_215 = vector.shape_cast %parallel_loop3A_214 : vector<1x16xf32> to vector<16xf32>
      %parallel_loop3A_216 = arith.index_cast %parallel_loop3A_163 : i32 to index
      %parallel_loop3A_217 = arith.constant 64 : index
      %parallel_loop3A_218 = tpu.vector_load %arg10[%parallel_loop3A_216, %parallel_loop3A_217] {strides = array<i32>} : memref<128x128xf32, #tpu.memory_space<vmem>>, vector<1x16xf32>,
      %parallel_loop3A_219 = vector.shape_cast %parallel_loop3A_218 : vector<1x16xf32> to vector<16xf32>
      %parallel_loop3A_220 = vector.shape_cast %parallel_loop3A_215 : vector<16xf32> to vector<1x16xf32>
      tpu.vector_store %arg10[%parallel_loop3A_216, %parallel_loop3A_217], %parallel_loop3A_220 {strides = array<i32>} : memref<128x128xf32, #tpu.memory_space<vmem>>, vector<1x16xf32>,
      %parallel_loop3A_221 = arith.index_cast %parallel_loop3A_175 : i32 to index
      %parallel_loop3A_222 = arith.constant 80 : index
      %parallel_loop3A_223 = tpu.vector_load %arg7[%parallel_loop3A_221, %parallel_loop3A_222] {strides = array<i32>} : memref<514x128xf32, #tpu.memory_space<vmem>>, vector<1x16xf32>,
      %parallel_loop3A_224 = vector.shape_cast %parallel_loop3A_223 : vector<1x16xf32> to vector<16xf32>
      %parallel_loop3A_225 = arith.index_cast %parallel_loop3A_163 : i32 to index
      %parallel_loop3A_226 = arith.constant 80 : index
      %parallel_loop3A_227 = tpu.vector_load %arg10[%parallel_loop3A_225, %parallel_loop3A_226] {strides = array<i32>} : memref<128x128xf32, #tpu.memory_space<vmem>>, vector<1x16xf32>,
      %parallel_loop3A_228 = vector.shape_cast %parallel_loop3A_227 : vector<1x16xf32> to vector<16xf32>
      %parallel_loop3A_229 = vector.shape_cast %parallel_loop3A_224 : vector<16xf32> to vector<1x16xf32>
      tpu.vector_store %arg10[%parallel_loop3A_225, %parallel_loop3A_226], %parallel_loop3A_229 {strides = array<i32>} : memref<128x128xf32, #tpu.memory_space<vmem>>, vector<1x16xf32>,
      %parallel_loop3A_230 = arith.index_cast %parallel_loop3A_175 : i32 to index
      %parallel_loop3A_231 = arith.constant 96 : index
      %parallel_loop3A_232 = tpu.vector_load %arg7[%parallel_loop3A_230, %parallel_loop3A_231] {strides = array<i32>} : memref<514x128xf32, #tpu.memory_space<vmem>>, vector<1x16xf32>,
      %parallel_loop3A_233 = vector.shape_cast %parallel_loop3A_232 : vector<1x16xf32> to vector<16xf32>
      %parallel_loop3A_234 = arith.index_cast %parallel_loop3A_163 : i32 to index
      %parallel_loop3A_235 = arith.constant 96 : index
      %parallel_loop3A_236 = tpu.vector_load %arg10[%parallel_loop3A_234, %parallel_loop3A_235] {strides = array<i32>} : memref<128x128xf32, #tpu.memory_space<vmem>>, vector<1x16xf32>,
      %parallel_loop3A_237 = vector.shape_cast %parallel_loop3A_236 : vector<1x16xf32> to vector<16xf32>
      %parallel_loop3A_238 = vector.shape_cast %parallel_loop3A_233 : vector<16xf32> to vector<1x16xf32>
      tpu.vector_store %arg10[%parallel_loop3A_234, %parallel_loop3A_235], %parallel_loop3A_238 {strides = array<i32>} : memref<128x128xf32, #tpu.memory_space<vmem>>, vector<1x16xf32>,
      %parallel_loop3A_239 = arith.index_cast %parallel_loop3A_175 : i32 to index
      %parallel_loop3A_240 = arith.constant 112 : index
      %parallel_loop3A_241 = tpu.vector_load %arg7[%parallel_loop3A_239, %parallel_loop3A_240] {strides = array<i32>} : memref<514x128xf32, #tpu.memory_space<vmem>>, vector<1x16xf32>,
      %parallel_loop3A_242 = vector.shape_cast %parallel_loop3A_241 : vector<1x16xf32> to vector<16xf32>
      %parallel_loop3A_243 = arith.index_cast %parallel_loop3A_163 : i32 to index
      %parallel_loop3A_244 = arith.constant 112 : index
      %parallel_loop3A_245 = tpu.vector_load %arg10[%parallel_loop3A_243, %parallel_loop3A_244] {strides = array<i32>} : memref<128x128xf32, #tpu.memory_space<vmem>>, vector<1x16xf32>,
      %parallel_loop3A_246 = vector.shape_cast %parallel_loop3A_245 : vector<1x16xf32> to vector<16xf32>
      %parallel_loop3A_247 = vector.shape_cast %parallel_loop3A_242 : vector<16xf32> to vector<1x16xf32>
      tpu.vector_store %arg10[%parallel_loop3A_243, %parallel_loop3A_244], %parallel_loop3A_247 {strides = array<i32>} : memref<128x128xf32, #tpu.memory_space<vmem>>, vector<1x16xf32>,
    } {sc.loop_unroll_factor = 8 : i64, sc.parallel_access}
    %add3A_145 = arith.constant 25472 : i32
    %add3A_146 = arith.addi %mul3A_2, %add3A_145 : i32
    %dma_start3A_147 = arith.constant 0 : i32
    %dma_start3A_148 = tpu.memref_slice %arg4[%add3A_146, %dma_start3A_147] : memref<819200x128xf32, #tpu.memory_space<hbm>> -> memref<128x128xf32, #tpu.memory_space<hbm>>
    %dma_start3A_149 = arith.constant 0 : i32
    %dma_start3A_150 = tpu.memref_slice %arg4[%add3A_146, %dma_start3A_149] : memref<819200x128xf32, #tpu.memory_space<hbm>> -> memref<128x128xf32, #tpu.memory_space<hbm>>
    tpu.enqueue_dma source(%arg10 : memref<128x128xf32, #tpu.memory_space<vmem>>) target(%dma_start3A_150 : memref<128x128xf32, #tpu.memory_space<hbm>>) target_semaphore(%arg15 : memref<!tpu.dma_semaphore, #tpu.memory_space<semaphore_mem>>)
    %add3A_151 = arith.constant 25344 : i32
    %add3A_152 = arith.addi %mul3A_2, %add3A_151 : i32
    %dma_wait3A_153 = arith.constant 0 : i32
    %dma_wait3A_154 = tpu.memref_slice %arg4[%add3A_152, %dma_wait3A_153] : memref<819200x128xf32, #tpu.memory_space<hbm>> -> memref<128x128xf32, #tpu.memory_space<hbm>>
    %dma_wait3A_155 = arith.constant 0 : i32
    %dma_wait3A_156 = tpu.memref_slice %arg4[%add3A_152, %dma_wait3A_155] : memref<819200x128xf32, #tpu.memory_space<hbm>> -> memref<128x128xf32, #tpu.memory_space<hbm>>
    tpu.wait_dma2 semaphore(%arg14 : memref<!tpu.dma_semaphore, #tpu.memory_space<semaphore_mem>>) src(%arg9 : memref<128x128xf32, #tpu.memory_space<vmem>>) dst(%dma_wait3A_156 : memref<128x128xf32, #tpu.memory_space<hbm>>)
    %add3A_157 = arith.constant 25472 : i32
    %add3A_158 = arith.addi %mul3A_2, %add3A_157 : i32
    %dma_wait3A_159 = arith.constant 0 : i32
    %dma_wait3A_160 = tpu.memref_slice %arg4[%add3A_158, %dma_wait3A_159] : memref<819200x128xf32, #tpu.memory_space<hbm>> -> memref<128x128xf32, #tpu.memory_space<hbm>>
    %dma_wait3A_161 = arith.constant 0 : i32
    %dma_wait3A_162 = tpu.memref_slice %arg4[%add3A_158, %dma_wait3A_161] : memref<819200x128xf32, #tpu.memory_space<hbm>> -> memref<128x128xf32, #tpu.memory_space<hbm>>
    tpu.wait_dma2 semaphore(%arg15 : memref<!tpu.dma_semaphore, #tpu.memory_space<semaphore_mem>>) src(%arg10 : memref<128x128xf32, #tpu.memory_space<vmem>>) dst(%dma_wait3A_162 : memref<128x128xf32, #tpu.memory_space<hbm>>)
    return
  }
}

</mosaic_0001>

<sc_bundles>
// kernel: kernel.3.cloned.1.call-start
scs
__scs_entry_jumppad:
0x0: {  	(pc) =	sbr.rel $0x88, $3  }
0x1: {  	(tag) =	ssettag $0x0;
	lr =	simm.s32 $0x1  }
0x2: {  	[smem:$0x3F9F] =	sst lr;
	_ =	strace $0xD0000000  }
0x3: {  	_ = 	snop  }
0x4: {  	_ = 	snop  }
0x5: {  	_ = 	snop  }
0x6: {  	_ = 	snop  }
0x7: {  	_ = 	snop  }
__scs_overlays_trampoline_lowered:
0x8: {  	[smem:$0x3FAE] =	sst s0  }
0x9: {  	[smem:$0x3FAF] =	sst s1  }
0xa: {  	[smem:$0x3FB0] =	sst s2  }
0xb: {  	[smem:$0x3FB1] =	sst s3  }
0xc: {  	[smem:$0x3FB2] =	sst s4  }
0xd: {  	[smem:$0x3FB3] =	sst s5  }
0xe: {  	[smem:$0x3FB4] =	sst s6  }
0xf: {  	[smem:$0x3FB5] =	sst s7  }
0x10: {  	[smem:$0x3FB6] =	sst s8  }
0x11: {  	[smem:$0x3FB7] =	sst s9;
	s0 =	simm.s32 @!p0 $0x0  }
0x12: {  	s1 =	sld [smem:$0x3F9D];
	s0 =	simm.s32 @p0 $0x1  }
0x13: {  	[smem:$0x3FB8] =	sst s0;
	s0 =	simm.s32 @!p1 $0x0  }
0x14: {  	s2 =	sld [smem:$0x3F9C];
	s0 =	simm.s32 @p1 $0x1  }
0x15: {  	[smem:$0x3FB9] =	sst s0;
	s0 =	simm.s32 @!p2 $0x0  }
0x16: {  	s3 =	sld [smem:$0x3FDB];
	s0 =	simm.s32 @p2 $0x1  }
0x17: {  	s4 =	simm.s32 $0x1BF5;
	[smem:$0x3FBB] =	sst s0  }
0x18: {  	s0 =	sld [smem:$0x3F9E];
	_ =	swait.ge [sflag:s4], $0x0  }
0x19: {  	s7 =	sld [smem:$0x3F9F]  }
0x1a: {  	s8 =	sadd.s32 $0xFFFFE003, lr  }
0x1b: {  	s9 =	sadd.s32 $0xFFFFFEF7, lr;
	s5 =	simm.s32 $0xFFFFFFFF;
	p2 =	slt.u32 s8, $0xFFFFF086  }
0x1c: {  	p1 =	slt.u32 s9, $0xF7A;
	s5 =	simm.s32 @!p2 $0x0  }
0x1d: {  	s5 =	simm.s32 @p1 $0x1;
	p0 =	seq.s32 s7, s2  }
0x1e: {  	s7 =	smul.u32 @!p0 $0xF7A, s2;
	p2 =	seq.s32 @!p0 s5, $0x0  }
0x1f: {  	s9 =	smul.u32 $0xF7A, s1;
	s8 =	simm.s32 @!p0 $0x1BF5;
	p2 =	por !p2, p0  }
0x20: {  	[sflag:s8] =	ssyncset.s32 @!p0 $0xFFFFF086;
	s6 =	sadd.s32 @!p0 s3, s7;
	s7 =	simm.s32 @!p0 $0x108  }
0x21: {  	s3 =	sadd.s32 s3, s9;
	s6 =	sadd.s32 @!p0 $0x88, s6;
	s7 =	simm.s32 @p2 $0x1082  }
0x22: {  	[simem:s7], [sflag:s8] =	dma.local @!p0 [hbm:s6], $0xF7A  }
0x23: {  	s9 =	sor.u32 $0xD0000000, s2;
	s6 =	simm.s32 $0x108;
	_ =	swait.ge @!p0 [sflag:s8], $0x0  }
0x24: {  	s3 =	sadd.s32 $0x88, s3;
	s6 =	simm.s32 @!p1 $0x1082;
	[sflag:s4] =	ssyncset.s32 $0xFFFFF086  }
0x25: {  	[simem:s6], [sflag:s4] =	dma.local [hbm:s3], $0xF7A  }
0x26: {  	[smem:$0x3F9F] =	sst s1;
	(tag) =	ssettag s2;
	_ =	strace s9  }
0x27: {  	s1 =	sld [smem:$0x3FAF]  }
0x28: {  	s2 =	sld [smem:$0x3FB0]  }
0x29: {  	s4 =	sld [smem:$0x3FB2]  }
0x2a: {  	p0 =	seq.s32 s5, $0x0;
	s5 =	sld [smem:$0x3FB3]  }
0x2b: {  	s6 =	sld [smem:$0x3FB4]  }
0x2c: {  	s7 =	sld [smem:$0x3FB5]  }
0x2d: {  	s3 =	simm.s32 $0x108;
	s8 =	sld [smem:$0x3FB6]  }
0x2e: {  	s3 =	simm.s32 @!p0 $0x1082;
	s9 =	sld [smem:$0x3FB7]  }
0x2f: {  	lr =	sadd.s32 s0, s3;
	s0 =	sld [smem:$0x3FAE]  }
0x30: {  	s3 =	sld [smem:$0x3FB1]  }
0x31: {  	[smem:$0x3FBA] =	sst s10  }
0x32: {  	s10 =	sld [smem:$0x3FB8];
	_ =	sdelay $0x3  }
0x33: {  	p0 =	seq.s32 s10, $0x1;
	s10 =	sld [smem:$0x3FBA];
	_ =	sdelay $0x3  }
0x34: {  	[smem:$0x3FBA] =	sst s10  }
0x35: {  	s10 =	sld [smem:$0x3FB9];
	_ =	sdelay $0x3  }
0x36: {  	p1 =	seq.s32 s10, $0x1;
	s10 =	sld [smem:$0x3FBA];
	_ =	sdelay $0x3  }
0x37: {  	[smem:$0x3FBA] =	sst s10  }
0x38: {  	s10 =	sld [smem:$0x3FBB]  }
0x39: {  	_ = 	snop;
	(pc) =	sbr.ind lr, $3  }
0x3a: {  	_ = 	snop  }
0x3b: {  	_ = 	snop  }
0x3c: {  	p2 =	seq.s32 s10, $0x1;
	s10 =	sld [smem:$0x3FBA]  }
0x3d: {  	_ =	shalt  }
0x3e: {  	_ =	shalt  }
0x3f: {  	_ =	shalt  }
0x40: {  	_ =	shalt  }
0x41: {  	_ =	shalt  }
0x42: {  	_ =	shalt  }
0x43: {  	_ =	shalt  }
0x44: {  	_ =	shalt  }
0x45: {  	_ =	shalt  }
0x46: {  	_ =	shalt  }
0x47: {  	_ =	shalt  }
0x48: {  	_ =	shalt  }
0x49: {  	_ =	shalt  }
0x4a: {  	_ =	shalt  }
0x4b: {  	_ =	shalt  }
0x4c: {  	_ =	shalt  }
0x4d: {  	_ =	shalt  }
0x4e: {  	_ =	shalt  }
0x4f: {  	_ =	shalt  }
0x50: {  	_ =	shalt  }
0x51: {  	_ =	shalt  }
0x52: {  	_ =	shalt  }
0x53: {  	_ =	shalt  }
0x54: {  	_ =	shalt  }
0x55: {  	_ =	shalt  }
0x56: {  	_ =	shalt  }
0x57: {  	_ =	shalt  }
0x58: {  	_ =	shalt  }
0x59: {  	_ =	shalt  }
0x5a: {  	_ =	shalt  }
0x5b: {  	_ =	shalt  }
0x5c: {  	_ =	shalt  }
0x5d: {  	_ =	shalt  }
0x5e: {  	_ =	shalt  }
0x5f: {  	_ =	shalt  }
0x60: {  	_ =	shalt  }
0x61: {  	_ =	shalt  }
0x62: {  	_ =	shalt  }
0x63: {  	_ =	shalt  }
0x64: {  	_ =	shalt  }
0x65: {  	_ =	shalt  }
0x66: {  	_ =	shalt  }
0x67: {  	_ =	shalt  }
0x68: {  	_ =	shalt  }
0x69: {  	_ =	shalt  }
0x6a: {  	_ =	shalt  }
0x6b: {  	_ =	shalt  }
0x6c: {  	_ =	shalt  }
0x6d: {  	_ =	shalt  }
0x6e: {  	_ =	shalt  }
0x6f: {  	_ =	shalt  }
0x70: {  	_ =	shalt  }
0x71: {  	_ =	shalt  }
0x72: {  	_ =	shalt  }
0x73: {  	_ =	shalt  }
0x74: {  	_ =	shalt  }
0x75: {  	_ =	shalt  }
0x76: {  	_ =	shalt  }
0x77: {  	_ =	shalt  }
0x78: {  	_ =	shalt  }
0x79: {  	_ =	shalt  }
0x7a: {  	_ =	shalt  }
0x7b: {  	_ =	shalt  }
0x7c: {  	_ =	shalt  }
0x7d: {  	_ =	shalt  }
0x7e: {  	_ =	shalt  }
0x7f: {  	_ =	shalt  }
0x80: {  	_ =	shalt  }
0x81: {  	_ =	shalt  }
0x82: {  	_ =	shalt  }
0x83: {  	_ =	shalt  }
0x84: {  	_ =	shalt  }
0x85: {  	_ =	shalt  }
0x86: {  	_ =	shalt  }
0x87: {  	_ =	shalt  }
.Lfunc_end0:
.L_simem_size_0:
called_computation_lowered:
.L_overlay_start_0:
0x88: {  	s2 =	sld [smem:$0x3FD9]  }
0x89: {  	s3 =	sld [smem:$0x3FFE];
	_ =	sdelay $0x1  }
0x8a: {  	s1 =	srdreg.scid  }
0x8b: {  	s0 =	sand.u32 $0x1, s1  }
0x8c: {  	s18 =	sshll.u32 s0, $0xA;
	s2 =	sadd.s32 s3, s2  }
0x8d: {  	s2 =	sadd.s32 s2, s18  }
0x8e: {  	[smem:$0x3FC6] =	sst s2  }
0x8f: {  	_ = 	snop  }
0x90: {  	s2 =	sld [smem:$0x3FC9]  }
0x91: {  	s19 =	sld [smem:$0x3FC8]  }
0x92: {  	s4 =	sld [smem:$0x3FD0];
	(tm) =	ssettm $0x1  }
0x93: {  	s5 =	sld [smem:$0x3FFB];
	_ =	sdelay $0x3  }
0x94: {  	_ =	strace s5  }
0x95: {  	s5 =	sld [smem:$0x3FFC];
	_ =	sdelay $0x3  }
0x96: {  	_ =	strace s5  }
0x97: {  	s5 =	sld [smem:$0x3FFD];
	_ =	sdelay $0x3  }
0x98: {  	_ =	strace s5  }
0x99: {  	_ =	strace $0x8FFFFFFF  }
0x9a: {  	s20 =	sld [smem:$0x3FDB];
	_ =	sdelay $0x1  }
0x9b: {  	s6 =	simm.s32 $_scs_section_size  }
0x9c: {  	s7 =	simm.s32 $_size__tile_overlayer_lowered;
	s8 =	simm.s32 $_tile_overlayer_lowered  }
0x9d: {  	s23 =	simm.s32 $0x1BFF;
	s22 =	sshll.u32 s8, $0x1;
	s5 =	sadd.s32 s6, s20  }
0x9e: {  	s9 =	simm.s32 $0x0;
	s21 =	sshll.u32 s7, $0x1;
	s7 =	sadd.s32 s22, s5  }
0x9f: {  	[timem:s9], [sflag:s23] =	dma.local [hbm:s7], s21  }
0xa0: {  	_ =	swait.ge [sflag:s23], s21  }
0xa1: {  	s6 =	ssub.s32 $0x0, s21;
	[sflag:s23] =	ssyncset.done $0x0  }
0xa2: {  	[sflag:s23] =	ssyncadd.s32 s6;
	_ =	sdelay $0x1  }
0xa3: {  	s24 =	simm.s32 $0x1B8B  }
0xa4: {  	_ =	swait.ge [sflag:s24], $0x1  }
0xa5: {  	[sflag:s24] =	ssyncset.done $0x0  }
0xa6: {  	s25 =	simm.s32 $0x1B8E;
	[sflag:s24] =	ssyncadd.s32 $0xFFFFFFFF  }
0xa7: {  	s26 =	simm.s32 $execute0_lowered;
	[smem:$0x3FD2] =	sst s25  }
0xa8: {  	s6 =	sshll.u32 s26, $0x1;
	_ =	strace $0x80000046;
	[dreg:$0x1] =	wrdreg $0xFFFFFFFF  }
0xa9: {  	s28 =	simm.s32 $_size_execute0_lowered;
	s5 =	sadd.s32 s5, s6;
	[dreg:$0x0] =	wrdreg $0x0  }
0xaa: {  	s6 =	sshll.u32 s28, $0x1;
	[dreg:$0x2] =	wrdreg s5  }
0xab: {  	[dreg:$0x3] =	wrdreg s6  }
0xac: {  	[dreg:$0x4] =	wrdreg $0xC0  }
0xad: {  	_ =	task [dreg:s9], $0x5FFFF  }
0xae: {  	[dreg:$0x1] =	wrdreg $0xFFFFFFFF  }
0xaf: {  	[dreg:$0x0] =	wrdreg $0x60  }
0xb0: {  	[dreg:$0x2] =	wrdreg s2  }
0xb1: {  	[dreg:$0x3] =	wrdreg s19  }
0xb2: {  	[dreg:$0x4] =	wrdreg s4  }
0xb3: {  	[dreg:$0x5] =	wrdreg $0x0  }
0xb4: {  	[dreg:$0x6] =	wrdreg $0x10100  }
0xb5: {  	[dreg:$0x7] =	wrdreg $0x9  }
0xb6: {  	_ =	task.clear_ibuf [dreg:s9], $0x8FFFF;
	_ =	strace $0x90000046  }
0xb7: {  	s29 =	simm.s32 $0x9;
	_ =	strace $0x80000048  }
0xb8: {  	_ =	swait.ge [sflag:s29], $0x1  }
0xb9: {  	[sflag:s29] =	ssyncadd.s32 $0xFFFFFFFF  }
0xba: {  	_ =	strace $0x90000048  }
0xbb: {  	_ =	sfence  }
0xbc: {  	s30 =	sld [smem:$0x0];
	_ =	sdelay $0x2  }
0xbd: {  	s31 =	sshll.u32 s1, $0xD;
	s1 =	sshrl.u32 s1, $0x2  }
0xbe: {  	s3 =	sand.u32 $0x4000, s31;
	s1 =	sadd.s32 s1, s30  }
0xbf: {  	s0 =	sor.u32 s3, s0;
	s1 =	sshll.u32 s1, $0x11  }
0xc0: {  	s0 =	sor.u32 s1, s0  }
0xc1: {  	s0 =	sadd.s32 $0x8F2B, s0  }
0xc2: {  	[sflag:s0] =	ssyncadd.remote.s32 $0x1  }
0xc3: {  	_ =	sfence.sel $0xFFFF  }
0xc4: {  	[dreg:$0x0] =	wrdreg $0xFFFFFFFF;
	(pc) =	sbr.abs _section_cstart, $3  }
0xc5: {  	[dreg:$0x1] =	wrdreg $0xFFFFFFFF  }
0xc6: {  	_ =	task.clear_ibuf [dreg:s9], $0x2FFFF;
	_ =	strace $0x9FFFFFFF  }
0xc7: {  	(tm) =	ssettm $0x7FFFFFFF  }
tec
execute0_lowered:
.L_overlay_start_1:
0x0: {  	(tag) =	ssettag $0x1  }
0x1: {  	s0 =	rddreg [dreg:$0x0]  }
0x2: {  	s2 =	rddreg [dreg:$0x2]  }
0x3: {  	s1 =	rddreg [dreg:$0x4];
	s4 =	simm.s32 $0x0;
	s3 =	srdreg.scid  }
0x4: {  	s10 =	stileid.u32;
	[smem:$0x7FF] =	sst s4;
	s3 =	sand.u32 $0x1, s3  }
0x5: {  	s5 =	sshrl.u32 s10, $0x3;
	s7 =	sshll.u32 s10, $0x1;
	s9 =	sshll.u32 s10, $0x7  }
0x6: {  	s6 =	ssub.s32 $0x2, s3;
	s5 =	smul.u32 $0xC8000, s5;
	s3 =	sor.u32 s3, s7  }
0x7: {  	_ =	strace $0x80000047;
	s9 =	sand.u32 $0x380, s9;
	s13 =	smul.u32 $0x320000, s3  }
0x8: {  	s7 =	smul.u32 $0x6400, s3;
	[dreg:$0x6] =	wrdreg s9;
	s5 =	sshrl.u32 s5, $0x2  }
0x9: {  	s11 =	sadd.s32 s5, s1;
	[dreg:$0xb] =	wrdreg s13  }
0xa: {  	s17 =	sor.u32 $0x80, s7;
	[dreg:$0x7] =	wrdreg s11  }
0xb: {  	s8 =	sshrl.u32 s6, $0x1;
	s19 =	sor.u32 $0x100, s7;
	[dreg:$0x10] =	wrdreg s17  }
0xc: {  	s8 =	ssub.s32 s6, s8;
	s20 =	sor.u32 $0x180, s7;
	[dreg:$0x11] =	wrdreg s19  }
0xd: {  	s24 =	smax.u32 s8, $0x1;
	[dreg:$0x12] =	wrdreg s20  }
0xe: {  	s9 =	sadd.s32 s9, s11;
	s11 =	sshrl.u32 s7, $0x3;
	[dreg:$0x17] =	wrdreg s24  }
0xf: {  	s5 =	smul.u32 $0x64000, s3;
	s0 =	sadd.s32 s0, s11;
	[dreg:$0x8] =	wrdreg s9  }
0x10: {  	s14 =	sadd.s32 $0x1000, s9;
	[dreg:$0x9] =	wrdreg s0  }
0x11: {  	s12 =	sadd.s32 s2, s5;
	[dreg:$0xc] =	wrdreg s14  }
0x12: {  	s25 =	sadd.s32 $0x400, s9;
	[dreg:$0xa] =	wrdreg s12  }
0x13: {  	s26 =	sadd.s32 $0x800, s9;
	[dreg:$0x18] =	wrdreg s25  }
0x14: {  	s28 =	sadd.s32 $0xC00, s9;
	[dreg:$0x19] =	wrdreg s26  }
0x15: {  	s29 =	sadd.s32 $0x1400, s9;
	[dreg:$0x1a] =	wrdreg s28  }
0x16: {  	s30 =	sadd.s32 $0x1800, s9;
	[dreg:$0x1b] =	wrdreg s29  }
0x17: {  	s31 =	sadd.s32 $0x1C00, s9;
	[dreg:$0x1c] =	wrdreg s30  }
0x18: {  	s15 =	sadd.s32 $0x800, s12;
	[dreg:$0x1d] =	wrdreg s31  }
0x19: {  	s18 =	sshrl.u32 s13, $0x3;
	s0 =	sadd.s32 $0x1800, s12;
	[dreg:$0xd] =	wrdreg s15  }
0x1a: {  	s16 =	sadd.s32 $0x1000, s12;
	[dreg:$0xf] =	wrdreg s0;
	s0 =	sadd.s32 s2, s18  }
0x1b: {  	[dreg:$0xe] =	wrdreg s16;
	s21 =	sadd.s32 $0x62000, s0  }
0x1c: {  	p0 =	sne.s32 s10, $0x0;
	s22 =	sadd.s32 $0x62800, s0;
	[dreg:$0x13] =	wrdreg s21  }
0x1d: {  	s23 =	sadd.s32 $0x63000, s0;
	s0 =	sadd.s32 $0x63800, s0;
	[dreg:$0x14] =	wrdreg s22  }
0x1e: {  	[dreg:$0x16] =	wrdreg s0;
	s0 =	simm.s32 @!p0 $0x0  }
0x1f: {  	s1 =	simm.s32 $0x0;
	[dreg:$0x15] =	wrdreg s23;
	s0 =	simm.s32 @p0 $0x1  }
0x20: {  	s21 =	simm.s32 $0x4;
	s22 =	simm.s32 $0x5;
	[smem:$0x7FD] =	sst s0  }
.LBB2_1:
0x21: {  	s0 =	sld [smem:$0x7FD]  }
0x22: {  	[dreg:$0x1e] =	wrdreg s1  }
0x23: {  	s3 =	rddreg [dreg:$0x3]  }
0x24: {  	s2 =	rddreg [dreg:$0x1];
	p0 =	seq.s32 s0, $0x1  }
0x25: {  	s25 =	stileid.u32;
	s0 =	sshrl.u32 @!p0 s3, $0x3;
	s1 =	simm.s32 @!p0 $0x1C06  }
0x26: {  	[spmem:s0], [sflag:s1] =	dma.local @!p0 [hbm:s2], $0x2020  }
0x27: {  	s6 =	simm.s32 $0x1;
	s7 =	simm.s32 $0x80;
	s0 =	simm.s32 @!p0 $0x6  }
0x28: {  	s8 =	simm.s32 $0x10;
	s1 =	sshll.u32 s25, $0x6;
	_ =	swait.ge @!p0 [sflag:s0], $0x2020  }
0x29: {  	s26 =	sor.u32 $0x1C01, s1;
	[sflag:s0] =	ssyncset.done @!p0 $0x0;
	s30 =	rddreg [dreg:$0x8]  }
0x2a: {  	s5 =	rddreg [dreg:$0x9];
	[sflag:s0] =	ssyncadd.s32 @!p0 $0xFFFFDFE0;
	s31 =	sshrl.u32 s30, $0x3  }
0x2b: {  	[spmem:s31@s7], [sflag:s26] =	dma.strided [hbm:s5@s8], $0xC80, s6, $0x10   }
0x2c: {  	s5 =	simm.s32 $0x7410;
	s8 =	simm.s32 $0x6;
	[bflag:$0x0] =	sbarrier.arrive $0xFFFF  }
0x2d: {  	[tilespmem:s5], [sflag:$0x6] =	stream.linear.gather [spmem:s3], $0x10100, $0x38;
	[tilespmem:$0x1F810] =	vst v63  }
0x2e: {  	_ =	swait.ge [sflag:s8], $0x10100  }
0x2f: {  	[sflag:s8] =	ssyncset.done $0x0  }
0x30: {  	[sflag:s8] =	ssyncadd.s32 $0xFFFEFF00  }
0x31: {  	_ =	swait.ge [sflag:s6], $0xC80  }
0x32: {  	[sflag:s6] =	ssyncset.done $0x0  }
0x33: {  	[sflag:s6] =	ssyncadd.s32 $0xFFFFF380  }
0x34: {  	[smem:s4], [sflag:$0x2] =	stream.linear.gather [spmem:s30], $0x80, $0x38;
	[tilespmem:$0x1F810] =	vst v63  }
0x35: {  	s10 =	simm.s32 $0x100;
	s9 =	rddreg [dreg:$0x18]  }
0x36: {  	[smem:s10], [sflag:$0x2] =	stream.linear.gather [spmem:s9], $0x80, $0x38;
	[tilespmem:$0x1F810] =	vst v63  }
0x37: {  	s11 =	simm.s32 $0x200;
	s0 =	rddreg [dreg:$0x19]  }
0x38: {  	[smem:s11], [sflag:$0x2] =	stream.linear.gather [spmem:s0], $0x80, $0x38;
	[tilespmem:$0x1F810] =	vst v63  }
0x39: {  	s12 =	simm.s32 $0x300;
	s13 =	simm.s32 $0x2;
	s0 =	rddreg [dreg:$0x1a]  }
0x3a: {  	[smem:s12], [sflag:$0x2] =	stream.linear.gather [spmem:s0], $0x80, $0x38;
	[tilespmem:$0x1F810] =	vst v63  }
0x3b: {  	_ =	swait.ge [sflag:s13], $0x200  }
0x3c: {  	[sflag:s13] =	ssyncset.done $0x0  }
0x3d: {  	s14 =	rddreg [dreg:$0xc];
	[sflag:s13] =	ssyncadd.s32 $0xFFFFFE00  }
0x3e: {  	[smem:s7], [sflag:$0x3] =	stream.linear.gather [spmem:s14], $0x80, $0x38;
	[tilespmem:$0x1F810] =	vst v63  }
0x3f: {  	s15 =	simm.s32 $0x180;
	s0 =	rddreg [dreg:$0x1b]  }
0x40: {  	[smem:s15], [sflag:$0x3] =	stream.linear.gather [spmem:s0], $0x80, $0x38;
	[tilespmem:$0x1F810] =	vst v63  }
0x41: {  	s16 =	simm.s32 $0x280;
	s0 =	rddreg [dreg:$0x1c]  }
0x42: {  	[smem:s16], [sflag:$0x3] =	stream.linear.gather [spmem:s0], $0x80, $0x38;
	[tilespmem:$0x1F810] =	vst v63  }
0x43: {  	s17 =	simm.s32 $0x380;
	s0 =	rddreg [dreg:$0x1d]  }
0x44: {  	[smem:s17], [sflag:$0x3] =	stream.linear.gather [spmem:s0], $0x80, $0x38;
	[tilespmem:$0x1F810] =	vst v63  }
0x45: {  	s0 =	sld [smem:$0x7]  }
0x46: {  	s18 =	sld [smem:$0x1]  }
0x47: {  	s20 =	sld [smem:$0x2]  }
0x48: {  	s25 =	simm.s32 $0x17A10;
	s23 =	sld [smem:$0x3]  }
0x49: {  	p1 =	slt.s32 s0, $0x200;
	p2 =	sgt.s32 s0, $0x3E8;
	s24 =	sld [smem:$0x4]  }
0x4a: {  	s0 =	simm.s32 @!p1 $0x200;
	s12 =	smov.u32 s18;
	s30 =	sld [smem:$0x5]  }
0x4b: {  	s9 =	sshll.u32 s0, $0x7;
	p3 =	slt.s32 s20, $0x200;
	s13 =	smov.u32 s20  }
0x4c: {  	s31 =	sld [smem:$0x6];
	s9 =	simm.s32 @p2 $0x10080;
	p2 =	slt.s32 s18, $0x200  }
0x4d: {  	p4 =	slt.s32 s23, $0x200;
	s13 =	simm.s32 @!p3 $0x200;
	s8 =	sld [smem:$0x0];
	v0 =	vld [tilespmem:s9+$0x7410]  }
0x4e: {  	p3 =	sgt.s32 s18, $0x3E8;
	s1 =	smov.u32 s23;
	p1 =	slt.s32 s24, $0x200  }
0x4f: {  	s12 =	simm.s32 @!p2 $0x200;
	s1 =	simm.s32 @!p4 $0x200;
	s28 =	sshll.u32 s13, $0x7  }
0x50: {  	p6 =	slt.s32 s30, $0x200;
	s26 =	sshll.u32 s12, $0x7;
	s12 =	smov.u32 s30  }
0x51: {  	s3 =	sshll.u32 s1, $0x7;
	s26 =	simm.s32 @p3 $0x10080;
	p3 =	slt.s32 s31, $0x200  }
0x52: {  	s12 =	simm.s32 @!p6 $0x200;
	s6 =	smov.u32 s31;
	p2 =	slt.s32 s8, $0x200;
	v2 =	vld [tilespmem:s26+$0x7410];
	[tilespmem:s25+$0x180] =	vst v0  }
0x53: {  	p5 =	sgt.s32 s8, $0x3E8;
	s8 =	simm.s32 @!p2 $0x200;
	p2 =	sgt.s32 s20, $0x3E8;
	v0 =	vld [tilespmem:s9+$0x7420]  }
0x54: {  	s10 =	sshll.u32 s8, $0x7;
	s8 =	smov.u32 s24;
	s28 =	simm.s32 @p2 $0x10080  }
0x55: {  	s10 =	simm.s32 @p5 $0x10080;
	s8 =	simm.s32 @!p1 $0x200;
	p1 =	sgt.s32 s23, $0x3E8;
	v3 =	vld [tilespmem:s28+$0x7410]  }
0x56: {  	s29 =	sshll.u32 s12, $0x7;
	v1 =	vld [tilespmem:s10+$0x7410];
	s3 =	simm.s32 @p1 $0x10080;
	p1 =	sgt.s32 s30, $0x3E8  }
0x57: {  	s6 =	simm.s32 @!p3 $0x200;
	v4 =	vld [tilespmem:s3+$0x7410];
	s29 =	simm.s32 @p1 $0x10080;
	[tilespmem:s25+$0xFFFFFE80] =	vst v2  }
0x58: {  	s1 =	sshll.u32 s6, $0x7;
	p2 =	sgt.s32 s31, $0x3E8;
	v2 =	vld [tilespmem:s29+$0x7410];
	[tilespmem:s25+$0x190] =	vst v0  }
0x59: {  	p4 =	sgt.s32 s24, $0x3E8;
	s1 =	simm.s32 @p2 $0x10080;
	s5 =	sshll.u32 s8, $0x7;
	v0 =	vld [tilespmem:s9+$0x7430]  }
0x5a: {  	v5 =	vld [tilespmem:s1+$0x7410];
	s5 =	simm.s32 @p4 $0x10080;
	[tilespmem:s25+$0xFFFFFF00] =	vst v3  }
0x5b: {  	[tilespmem:s25+$0xFFFFFE00] =	vst v1;
	v1 =	vld [tilespmem:s5+$0x7410]  }
0x5c: {  	v3 =	vld [tilespmem:s10+$0x7420];
	[tilespmem:s25+$0xFFFFFF80] =	vst v4  }
0x5d: {  	v4 =	vld [tilespmem:s26+$0x7420];
	[tilespmem:s25+$0x80] =	vst v2  }
0x5e: {  	v2 =	vld [tilespmem:s3+$0x7420];
	[tilespmem:s25+$0x1A0] =	vst v0  }
0x5f: {  	[tilespmem:s25+$0x100] =	vst v5;
	v0 =	vld [tilespmem:s9+$0x7440]  }
0x60: {  	[tilespmem:s25+$0x0] =	vst v1  }
0x61: {  	v1 =	vld [tilespmem:s28+$0x7420];
	[tilespmem:s25+$0xFFFFFE10] =	vst v3  }
0x62: {  	v5 =	vld [tilespmem:s5+$0x7420];
	[tilespmem:s25+$0xFFFFFE90] =	vst v4  }
0x63: {  	v3 =	vld [tilespmem:s29+$0x7420];
	[tilespmem:s25+$0xFFFFFF90] =	vst v2  }
0x64: {  	v2 =	vld [tilespmem:s26+$0x7430];
	[tilespmem:s25+$0x1B0] =	vst v0  }
0x65: {  	v0 =	vld [tilespmem:s9+$0x7450]  }
0x66: {  	v4 =	vld [tilespmem:s10+$0x7430];
	[tilespmem:s25+$0xFFFFFF10] =	vst v1  }
0x67: {  	v1 =	vld [tilespmem:s1+$0x7420];
	[tilespmem:s25+$0x10] =	vst v5  }
0x68: {  	v5 =	vld [tilespmem:s28+$0x7430];
	[tilespmem:s25+$0x90] =	vst v3  }
0x69: {  	v3 =	vld [tilespmem:s3+$0x7430];
	[tilespmem:s25+$0xFFFFFEA0] =	vst v2  }
0x6a: {  	v2 =	vld [tilespmem:s29+$0x7430];
	[tilespmem:s25+$0x1C0] =	vst v0  }
0x6b: {  	[tilespmem:s25+$0xFFFFFE20] =	vst v4;
	v0 =	vld [tilespmem:s9+$0x7460]  }
0x6c: {  	[tilespmem:s25+$0x110] =	vst v1;
	v1 =	vld [tilespmem:s5+$0x7430]  }
0x6d: {  	[tilespmem:s25+$0xFFFFFF20] =	vst v5;
	v4 =	vld [tilespmem:s1+$0x7430]  }
0x6e: {  	v5 =	vld [tilespmem:s10+$0x7440];
	[tilespmem:s25+$0xFFFFFFA0] =	vst v3  }
0x6f: {  	v3 =	vld [tilespmem:s26+$0x7440];
	[tilespmem:s25+$0xA0] =	vst v2  }
0x70: {  	v2 =	vld [tilespmem:s3+$0x7440];
	[tilespmem:s25+$0x1D0] =	vst v0  }
0x71: {  	[tilespmem:s25+$0x20] =	vst v1;
	v0 =	vld [tilespmem:s9+$0x7470]  }
0x72: {  	v1 =	vld [tilespmem:s28+$0x7440];
	[tilespmem:s25+$0x120] =	vst v4  }
0x73: {  	[tilespmem:s25+$0xFFFFFE30] =	vst v5;
	v4 =	vld [tilespmem:s5+$0x7440]  }
0x74: {  	v5 =	vld [tilespmem:s29+$0x7440];
	[tilespmem:s25+$0xFFFFFEB0] =	vst v3  }
0x75: {  	v3 =	vld [tilespmem:s10+$0x7450];
	[tilespmem:s25+$0xFFFFFFB0] =	vst v2  }
0x76: {  	v2 =	vld [tilespmem:s26+$0x7450];
	[tilespmem:s25+$0x1E0] =	vst v0  }
0x77: {  	[tilespmem:s25+$0xFFFFFF30] =	vst v1;
	v0 =	vld [tilespmem:s9+$0x7480]  }
0x78: {  	v1 =	vld [tilespmem:s1+$0x7440];
	[tilespmem:s25+$0x30] =	vst v4  }
0x79: {  	v4 =	vld [tilespmem:s28+$0x7450];
	[tilespmem:s25+$0xB0] =	vst v5  }
0x7a: {  	v5 =	vld [tilespmem:s3+$0x7450];
	[tilespmem:s25+$0xFFFFFE40] =	vst v3  }
0x7b: {  	[tilespmem:s25+$0xFFFFFEC0] =	vst v2;
	v7 =	vld [tilespmem:s10+$0x7460]  }
0x7c: {  	[tilespmem:s25+$0x1F0] =	vst v0;
	v0 =	vld [tilespmem:s5+$0x7450]  }
0x7d: {  	[tilespmem:s25+$0x130] =	vst v1;
	v1 =	vld [tilespmem:s29+$0x7450]  }
0x7e: {  	v6 =	vld [tilespmem:s1+$0x7450];
	[tilespmem:s25+$0xFFFFFF40] =	vst v4  }
0x7f: {  	v4 =	vld [tilespmem:s26+$0x7460];
	[tilespmem:s25+$0xFFFFFFC0] =	vst v5  }
0x80: {  	v3 =	vld [tilespmem:s28+$0x7460];
	[tilespmem:s25+$0xFFFFFE50] =	vst v7  }
0x81: {  	v2 =	vld [tilespmem:s3+$0x7460];
	[tilespmem:s25+$0x40] =	vst v0  }
0x82: {  	s19 =	simm.s32 $0x1B810;
	[tilespmem:s25+$0xC0] =	vst v1;
	v1 =	vld [tilespmem:s5+$0x7460]  }
0x83: {  	s13 =	simm.s32 $0xC;
	s24 =	simm.s32 $0x0;
	s9 =	simm.s32 $0x17A10;
	[tilespmem:s25+$0x140] =	vst v6;
	v0 =	vld [tilespmem:s29+$0x7460]  }
.LBB2_2:
0x84: {  	s8 =	sld [smem:s13+$0x3];
	s24 =	sadd.s32 $0x8, s24;
	[tilespmem:s25+$0xFFFFFED0] =	vst v4;
	v4 =	vld [tilespmem:s1+$0x7460]  }
0x85: {  	s15 =	sld [smem:s13+$0xFFFFFFFD];
	p1 =	slt.u32 s24, $0x78;
	v5 =	vld [tilespmem:s10+$0x7470];
	[tilespmem:s25+$0xFFFFFF50] =	vst v3  }
0x86: {  	s0 =	sld [smem:s13+$0xFFFFFFFE];
	v3 =	vld [tilespmem:s26+$0x7470];
	[tilespmem:s25+$0xFFFFFFD0] =	vst v2  }
0x87: {  	s11 =	sld [smem:s13+$0xFFFFFFFF];
	p3 =	slt.s32 s8, $0x200;
	v2 =	vld [tilespmem:s28+$0x7470];
	[tilespmem:s25+$0x50] =	vst v1;
	s12 =	smov.u32 s8  }
0x88: {  	p4 =	sgt.s32 s8, $0x3E8;
	p2 =	slt.s32 s15, $0x200;
	s16 =	sld [smem:s13+$0x0]  }
0x89: {  	s12 =	simm.s32 @!p3 $0x200;
	v1 =	vld [tilespmem:s3+$0x7470];
	[tilespmem:s25+$0xD0] =	vst v0;
	s23 =	smov.u32 s15;
	p0 =	sgt.s32 s15, $0x3E8  }
0x8a: {  	s17 =	sld [smem:s13+$0x1];
	s14 =	sshll.u32 s12, $0x7;
	v0 =	vld [tilespmem:s5+$0x7470];
	[tilespmem:s25+$0x150] =	vst v4;
	p3 =	slt.s32 s0, $0x200  }
0x8b: {  	s23 =	simm.s32 @!p2 $0x200;
	s31 =	smov.u32 s0;
	s18 =	sld [smem:s13+$0x2]  }
0x8c: {  	s14 =	simm.s32 @p4 $0x10080;
	[tilespmem:s25+$0xFFFFFE60] =	vst v5;
	v4 =	vld [tilespmem:s29+$0x7470];
	p5 =	slt.s32 s11, $0x200;
	s31 =	simm.s32 @!p3 $0x200  }
0x8d: {  	s30 =	smov.u32 s11;
	p6 =	sgt.s32 s11, $0x3E8;
	s12 =	sld [smem:s13+$0xFFFFFFFC]  }
0x8e: {  	p4 =	slt.s32 s16, $0x200;
	v5 =	vld [tilespmem:s14+$0x7410];
	[tilespmem:s25+$0xFFFFFEE0] =	vst v3;
	s30 =	simm.s32 @!p5 $0x200;
	s6 =	smov.u32 s16  }
0x8f: {  	p2 =	slt.s32 s17, $0x200;
	[tilespmem:s25+$0xFFFFFF60] =	vst v2;
	v2 =	vld [tilespmem:s1+$0x7470];
	s6 =	simm.s32 @!p4 $0x200;
	s7 =	smov.u32 s17  }
0x90: {  	p3 =	slt.s32 s18, $0x200;
	v3 =	vld [tilespmem:s10+$0x7480];
	[tilespmem:s25+$0xFFFFFFE0] =	vst v1;
	s7 =	simm.s32 @!p2 $0x200;
	s8 =	smov.u32 s18  }
0x91: {  	p4 =	slt.s32 s12, $0x200;
	s8 =	simm.s32 @!p3 $0x200;
	v1 =	vld [tilespmem:s26+$0x7480];
	[tilespmem:s25+$0x60] =	vst v0;
	s10 =	smov.u32 s12  }
0x92: {  	s26 =	sshll.u32 s23, $0x7;
	s25 =	sadd.s32 $0x400, s25;
	s10 =	simm.s32 @!p4 $0x200;
	v0 =	vld [tilespmem:s28+$0x7480];
	[tilespmem:s9+$0xE0] =	vst v4  }
0x93: {  	s23 =	sshll.u32 s30, $0x7;
	s28 =	sshll.u32 s31, $0x7;
	s10 =	sshll.u32 s10, $0x7;
	[tilespmem:s25+$0x180] =	vst v5;
	v4 =	vld [tilespmem:s3+$0x7480]  }
0x94: {  	s6 =	sshll.u32 s6, $0x7;
	s7 =	sshll.u32 s7, $0x7;
	s8 =	sshll.u32 s8, $0x7;
	v5 =	vld [tilespmem:s14+$0x7420];
	[tilespmem:s9+$0x160] =	vst v2  }
0x95: {  	p5 =	sgt.s32 s0, $0x3E8;
	p2 =	sgt.s32 s17, $0x3E8;
	p4 =	sgt.s32 s12, $0x3E8;
	[tilespmem:s9+$0xFFFFFE70] =	vst v3;
	v2 =	vld [tilespmem:s5+$0x7480]  }
0x96: {  	p3 =	sgt.s32 s16, $0x3E8;
	s26 =	simm.s32 @p0 $0x10080;
	s28 =	simm.s32 @p5 $0x10080;
	[tilespmem:s9+$0xFFFFFEF0] =	vst v1;
	v1 =	vld [tilespmem:s29+$0x7480]  }
0x97: {  	s3 =	smov.u32 s23;
	s10 =	simm.s32 @p4 $0x10080;
	p4 =	sgt.s32 s18, $0x3E8;
	[tilespmem:s9+$0xFFFFFF70] =	vst v0;
	v0 =	vld [tilespmem:s1+$0x7480]  }
0x98: {  	s3 =	simm.s32 @p6 $0x10080;
	s5 =	smov.u32 s6;
	s29 =	smov.u32 s7;
	v3 =	vld [tilespmem:s10+$0x7410];
	[tilespmem:s9+$0xFFFFFFF0] =	vst v4  }
0x99: {  	s5 =	simm.s32 @p3 $0x10080;
	s29 =	simm.s32 @p2 $0x10080;
	s1 =	smov.u32 s8;
	v4 =	vld [tilespmem:s26+$0x7410];
	[tilespmem:s25+$0x190] =	vst v5  }
0x9a: {  	s1 =	simm.s32 @p4 $0x10080;
	v5 =	vld [tilespmem:s14+$0x7430];
	[tilespmem:s9+$0x70] =	vst v2  }
0x9b: {  	v2 =	vld [tilespmem:s28+$0x7410];
	[tilespmem:s9+$0xF0] =	vst v1  }
0x9c: {  	v1 =	vld [tilespmem:s3+$0x7410];
	[tilespmem:s9+$0x170] =	vst v0;
	s9 =	smov.u32 s25  }
0x9d: {  	[tilespmem:s25+$0xFFFFFE00] =	vst v3;
	v0 =	vld [tilespmem:s5+$0x7410]  }
0x9e: {  	[tilespmem:s25+$0xFFFFFE80] =	vst v4;
	v3 =	vld [tilespmem:s29+$0x7410]  }
0x9f: {  	v4 =	vld [tilespmem:s1+$0x7410];
	[tilespmem:s25+$0x1A0] =	vst v5  }
0xa0: {  	[tilespmem:s25+$0xFFFFFF00] =	vst v2;
	v2 =	vld [tilespmem:s14+$0x7440]  }
0xa1: {  	v5 =	vld [tilespmem:s10+$0x7420];
	[tilespmem:s25+$0xFFFFFF80] =	vst v1  }
0xa2: {  	v1 =	vld [tilespmem:s26+$0x7420];
	[tilespmem:s25+$0x0] =	vst v0  }
0xa3: {  	v0 =	vld [tilespmem:s28+$0x7420];
	[tilespmem:s25+$0x80] =	vst v3  }
0xa4: {  	v3 =	vld [tilespmem:s3+$0x7420];
	[tilespmem:s25+$0x100] =	vst v4  }
0xa5: {  	v4 =	vld [tilespmem:s5+$0x7420];
	[tilespmem:s25+$0x1B0] =	vst v2  }
0xa6: {  	[tilespmem:s25+$0xFFFFFE10] =	vst v5;
	v2 =	vld [tilespmem:s14+$0x7450]  }
0xa7: {  	[tilespmem:s25+$0xFFFFFE90] =	vst v1;
	v1 =	vld [tilespmem:s29+$0x7420]  }
0xa8: {  	[tilespmem:s25+$0xFFFFFF10] =	vst v0;
	v0 =	vld [tilespmem:s1+$0x7420]  }
0xa9: {  	v5 =	vld [tilespmem:s10+$0x7430];
	[tilespmem:s25+$0xFFFFFF90] =	vst v3  }
0xaa: {  	v3 =	vld [tilespmem:s26+$0x7430];
	[tilespmem:s25+$0x10] =	vst v4  }
0xab: {  	v4 =	vld [tilespmem:s28+$0x7430];
	[tilespmem:s25+$0x1C0] =	vst v2  }
0xac: {  	[tilespmem:s25+$0x90] =	vst v1;
	v1 =	vld [tilespmem:s14+$0x7460]  }
0xad: {  	v2 =	vld [tilespmem:s3+$0x7430];
	[tilespmem:s25+$0x110] =	vst v0  }
0xae: {  	[tilespmem:s25+$0xFFFFFE20] =	vst v5;
	v0 =	vld [tilespmem:s5+$0x7430]  }
0xaf: {  	[tilespmem:s25+$0xFFFFFEA0] =	vst v3;
	v3 =	vld [tilespmem:s29+$0x7430]  }
0xb0: {  	[tilespmem:s25+$0xFFFFFF20] =	vst v4;
	v4 =	vld [tilespmem:s1+$0x7430]  }
0xb1: {  	v5 =	vld [tilespmem:s10+$0x7440];
	[tilespmem:s25+$0x1D0] =	vst v1  }
0xb2: {  	[tilespmem:s25+$0xFFFFFFA0] =	vst v2;
	v1 =	vld [tilespmem:s14+$0x7470]  }
0xb3: {  	v2 =	vld [tilespmem:s26+$0x7440];
	[tilespmem:s25+$0x20] =	vst v0  }
0xb4: {  	v0 =	vld [tilespmem:s28+$0x7440];
	[tilespmem:s25+$0xA0] =	vst v3  }
0xb5: {  	v3 =	vld [tilespmem:s3+$0x7440];
	[tilespmem:s25+$0x120] =	vst v4  }
0xb6: {  	[tilespmem:s25+$0xFFFFFE30] =	vst v5;
	v4 =	vld [tilespmem:s5+$0x7440]  }
0xb7: {  	v5 =	vld [tilespmem:s29+$0x7440];
	[tilespmem:s25+$0x1E0] =	vst v1  }
0xb8: {  	[tilespmem:s25+$0xFFFFFEB0] =	vst v2;
	v1 =	vld [tilespmem:s14+$0x7480]  }
0xb9: {  	[tilespmem:s25+$0xFFFFFF30] =	vst v0;
	v0 =	vld [tilespmem:s1+$0x7440]  }
0xba: {  	v2 =	vld [tilespmem:s10+$0x7450];
	[tilespmem:s25+$0xFFFFFFB0] =	vst v3  }
0xbb: {  	v3 =	vld [tilespmem:s26+$0x7450];
	[tilespmem:s25+$0x30] =	vst v4  }
0xbc: {  	v4 =	vld [tilespmem:s28+$0x7450];
	[tilespmem:s25+$0xB0] =	vst v5  }
0xbd: {  	v5 =	vld [tilespmem:s3+$0x7450];
	[tilespmem:s25+$0x1F0] =	vst v1  }
0xbe: {  	v1 =	vld [tilespmem:s5+$0x7450];
	[tilespmem:s25+$0x130] =	vst v0  }
0xbf: {  	[tilespmem:s25+$0xFFFFFE40] =	vst v2;
	v0 =	vld [tilespmem:s29+$0x7450]  }
0xc0: {  	[tilespmem:s25+$0xFFFFFEC0] =	vst v3;
	v6 =	vld [tilespmem:s1+$0x7450]  }
0xc1: {  	v7 =	vld [tilespmem:s10+$0x7460];
	[tilespmem:s25+$0xFFFFFF40] =	vst v4  }
.Ltmp0:
0xc2: {  	v4 =	vld [tilespmem:s26+$0x7460];
	[tilespmem:s25+$0xFFFFFFC0] =	vst v5;
	(pc) =	sbr.rel @p1 .LBB2_2-.Ltmp0, $4  }
0xc3: {  	v3 =	vld [tilespmem:s28+$0x7460];
	[tilespmem:s25+$0x40] =	vst v1  }
0xc4: {  	v2 =	vld [tilespmem:s3+$0x7460];
	[tilespmem:s25+$0xC0] =	vst v0  }
0xc5: {  	v1 =	vld [tilespmem:s5+$0x7460];
	[tilespmem:s25+$0x140] =	vst v6  }
0xc6: {  	s13 =	sadd.s32 $0x8, s13;
	[tilespmem:s25+$0xFFFFFE50] =	vst v7;
	v0 =	vld [tilespmem:s29+$0x7460]  }
0xc7: {  	[tilespmem:s25+$0xFFFFFED0] =	vst v4;
	v4 =	vld [tilespmem:s1+$0x7460]  }
0xc8: {  	v5 =	vld [tilespmem:s10+$0x7470];
	[tilespmem:s25+$0xFFFFFF50] =	vst v3  }
0xc9: {  	v3 =	vld [tilespmem:s26+$0x7470];
	[tilespmem:s25+$0xFFFFFFD0] =	vst v2  }
0xca: {  	v2 =	vld [tilespmem:s28+$0x7470];
	[tilespmem:s25+$0x50] =	vst v1  }
0xcb: {  	v1 =	vld [tilespmem:s3+$0x7470];
	[tilespmem:s25+$0xD0] =	vst v0  }
0xcc: {  	v0 =	vld [tilespmem:s5+$0x7470];
	[tilespmem:s25+$0x150] =	vst v4  }
0xcd: {  	[tilespmem:s25+$0xFFFFFE60] =	vst v5;
	v4 =	vld [tilespmem:s29+$0x7470]  }
0xce: {  	[tilespmem:s25+$0xFFFFFEE0] =	vst v3;
	v3 =	vld [tilespmem:s1+$0x7470]  }
0xcf: {  	[tilespmem:s25+$0xFFFFFF60] =	vst v2;
	v2 =	vld [tilespmem:s10+$0x7480]  }
0xd0: {  	[tilespmem:s25+$0xFFFFFFE0] =	vst v1;
	v1 =	vld [tilespmem:s26+$0x7480]  }
0xd1: {  	[tilespmem:s25+$0x60] =	vst v0;
	v0 =	vld [tilespmem:s28+$0x7480]  }
0xd2: {  	[tilespmem:s9+$0xE0] =	vst v4;
	v4 =	vld [tilespmem:s3+$0x7480]  }
0xd3: {  	[tilespmem:s9+$0x160] =	vst v3;
	v3 =	vld [tilespmem:s5+$0x7480]  }
0xd4: {  	[tilespmem:s9+$0xFFFFFE70] =	vst v2;
	v2 =	vld [tilespmem:s29+$0x7480]  }
0xd5: {  	[tilespmem:s9+$0xFFFFFEF0] =	vst v1;
	v1 =	vld [tilespmem:s1+$0x7480]  }
0xd6: {  	[tilespmem:s9+$0xFFFFFF70] =	vst v0  }
0xd7: {  	[tilespmem:s9+$0xFFFFFFF0] =	vst v4  }
0xd8: {  	[tilespmem:s9+$0x70] =	vst v3  }
0xd9: {  	[tilespmem:s9+$0xF0] =	vst v2  }
0xda: {  	[tilespmem:s9+$0x170] =	vst v1  }
0xdb: {  	s23 =	simm.s32 $0x17810;
	s0 =	rddreg [dreg:$0xa]  }
0xdc: {  	[hbm4b:s0+s4] =	stream.linear.scatter [tilespmem:s23], [sflag:$0x4], $0x4000, $0x38;
	[tilespmem:$0x1F810] =	vst v63  }
0xdd: {  	s0 =	sld [smem:$0x107]  }
0xde: {  	s24 =	sld [smem:$0x101]  }
0xdf: {  	s30 =	sld [smem:$0x102]  }
0xe0: {  	s25 =	simm.s32 $0x1BA10;
	s6 =	sld [smem:$0x103];
	p0 =	slt.s32 s0, $0x200  }
0xe1: {  	p1 =	sgt.s32 s0, $0x3E8;
	s7 =	sld [smem:$0x104];
	s0 =	simm.s32 @!p0 $0x200  }
0xe2: {  	p0 =	slt.s32 s24, $0x200;
	s8 =	sld [smem:$0x105];
	s3 =	sshll.u32 s0, $0x7  }
0xe3: {  	s11 =	smov.u32 s24;
	s31 =	sld [smem:$0x106];
	s3 =	simm.s32 @p1 $0x10080  }
0xe4: {  	s11 =	simm.s32 @!p0 $0x200;
	s12 =	smov.u32 s30;
	s9 =	sld [smem:$0x100];
	v0 =	vld [tilespmem:s3+$0x7410]  }
0xe5: {  	p1 =	slt.s32 s30, $0x200;
	p2 =	slt.s32 s6, $0x200;
	s13 =	smov.u32 s6  }
0xe6: {  	s26 =	sshll.u32 s11, $0x7;
	p3 =	slt.s32 s7, $0x200;
	s12 =	simm.s32 @!p1 $0x200  }
0xe7: {  	s14 =	smov.u32 s7;
	s13 =	simm.s32 @!p2 $0x200;
	p1 =	slt.s32 s8, $0x200  }
0xe8: {  	s14 =	simm.s32 @!p3 $0x200;
	s28 =	sshll.u32 s12, $0x7;
	p0 =	slt.s32 s9, $0x200  }
0xe9: {  	p4 =	sgt.s32 s9, $0x3E8;
	s9 =	simm.s32 @!p0 $0x200;
	p0 =	sgt.s32 s24, $0x3E8;
	[tilespmem:s25+$0x180] =	vst v0  }
0xea: {  	p2 =	slt.s32 s31, $0x200;
	s1 =	smov.u32 s31;
	s26 =	simm.s32 @p0 $0x10080;
	v0 =	vld [tilespmem:s3+$0x7420]  }
0xeb: {  	s5 =	sshll.u32 s13, $0x7;
	s1 =	simm.s32 @!p2 $0x200;
	s10 =	sshll.u32 s9, $0x7;
	v2 =	vld [tilespmem:s26+$0x7410]  }
0xec: {  	s9 =	smov.u32 s8;
	p0 =	sgt.s32 s30, $0x3E8;
	s10 =	simm.s32 @p4 $0x10080  }
0xed: {  	s9 =	simm.s32 @!p1 $0x200;
	p1 =	sgt.s32 s6, $0x3E8;
	s28 =	simm.s32 @p0 $0x10080;
	v1 =	vld [tilespmem:s10+$0x7410]  }
0xee: {  	s5 =	simm.s32 @p1 $0x10080;
	v3 =	vld [tilespmem:s28+$0x7410];
	s29 =	sshll.u32 s9, $0x7;
	p1 =	sgt.s32 s8, $0x3E8  }
0xef: {  	s24 =	sshll.u32 s14, $0x7;
	p0 =	sgt.s32 s7, $0x3E8;
	v4 =	vld [tilespmem:s5+$0x7410];
	s29 =	simm.s32 @p1 $0x10080;
	[tilespmem:s25+$0x190] =	vst v0  }
0xf0: {  	s1 =	sshll.u32 s1, $0x7;
	s24 =	simm.s32 @p0 $0x10080;
	p0 =	sgt.s32 s31, $0x3E8;
	[tilespmem:s25+$0xFFFFFE80] =	vst v2;
	v2 =	vld [tilespmem:s29+$0x7410]  }
0xf1: {  	s1 =	simm.s32 @p0 $0x10080;
	v0 =	vld [tilespmem:s3+$0x7430]  }
0xf2: {  	v5 =	vld [tilespmem:s1+$0x7410];
	[tilespmem:s25+$0xFFFFFE00] =	vst v1  }
0xf3: {  	v1 =	vld [tilespmem:s24+$0x7410];
	[tilespmem:s25+$0xFFFFFF00] =	vst v3  }
0xf4: {  	v3 =	vld [tilespmem:s10+$0x7420];
	[tilespmem:s25+$0xFFFFFF80] =	vst v4  }
0xf5: {  	v4 =	vld [tilespmem:s26+$0x7420];
	[tilespmem:s25+$0x80] =	vst v2  }
0xf6: {  	v2 =	vld [tilespmem:s5+$0x7420];
	[tilespmem:s25+$0x1A0] =	vst v0  }
0xf7: {  	[tilespmem:s25+$0x100] =	vst v5;
	v0 =	vld [tilespmem:s3+$0x7440]  }
0xf8: {  	[tilespmem:s25+$0x0] =	vst v1  }
0xf9: {  	v1 =	vld [tilespmem:s28+$0x7420];
	[tilespmem:s25+$0xFFFFFE10] =	vst v3  }
0xfa: {  	v5 =	vld [tilespmem:s24+$0x7420];
	[tilespmem:s25+$0xFFFFFE90] =	vst v4  }
0xfb: {  	v3 =	vld [tilespmem:s29+$0x7420];
	[tilespmem:s25+$0xFFFFFF90] =	vst v2  }
0xfc: {  	v2 =	vld [tilespmem:s26+$0x7430];
	[tilespmem:s25+$0x1B0] =	vst v0  }
0xfd: {  	v0 =	vld [tilespmem:s3+$0x7450]  }
0xfe: {  	v4 =	vld [tilespmem:s10+$0x7430];
	[tilespmem:s25+$0xFFFFFF10] =	vst v1  }
0xff: {  	v1 =	vld [tilespmem:s1+$0x7420];
	[tilespmem:s25+$0x10] =	vst v5  }
0x100: {  	v5 =	vld [tilespmem:s28+$0x7430];
	[tilespmem:s25+$0x90] =	vst v3  }
0x101: {  	v3 =	vld [tilespmem:s5+$0x7430];
	[tilespmem:s25+$0xFFFFFEA0] =	vst v2  }
0x102: {  	v2 =	vld [tilespmem:s29+$0x7430];
	[tilespmem:s25+$0x1C0] =	vst v0  }
0x103: {  	[tilespmem:s25+$0xFFFFFE20] =	vst v4;
	v0 =	vld [tilespmem:s3+$0x7460]  }
0x104: {  	[tilespmem:s25+$0x110] =	vst v1;
	v1 =	vld [tilespmem:s24+$0x7430]  }
0x105: {  	[tilespmem:s25+$0xFFFFFF20] =	vst v5;
	v4 =	vld [tilespmem:s1+$0x7430]  }
0x106: {  	v5 =	vld [tilespmem:s10+$0x7440];
	[tilespmem:s25+$0xFFFFFFA0] =	vst v3  }
0x107: {  	v3 =	vld [tilespmem:s26+$0x7440];
	[tilespmem:s25+$0xA0] =	vst v2  }
0x108: {  	v2 =	vld [tilespmem:s5+$0x7440];
	[tilespmem:s25+$0x1D0] =	vst v0  }
0x109: {  	[tilespmem:s25+$0x20] =	vst v1;
	v0 =	vld [tilespmem:s3+$0x7470]  }
0x10a: {  	v1 =	vld [tilespmem:s28+$0x7440];
	[tilespmem:s25+$0x120] =	vst v4  }
0x10b: {  	[tilespmem:s25+$0xFFFFFE30] =	vst v5;
	v4 =	vld [tilespmem:s24+$0x7440]  }
0x10c: {  	v5 =	vld [tilespmem:s29+$0x7440];
	[tilespmem:s25+$0xFFFFFEB0] =	vst v3  }
0x10d: {  	v3 =	vld [tilespmem:s10+$0x7450];
	[tilespmem:s25+$0xFFFFFFB0] =	vst v2  }
0x10e: {  	v2 =	vld [tilespmem:s26+$0x7450];
	[tilespmem:s25+$0x1E0] =	vst v0  }
0x10f: {  	[tilespmem:s25+$0xFFFFFF30] =	vst v1;
	v0 =	vld [tilespmem:s3+$0x7480]  }
0x110: {  	v1 =	vld [tilespmem:s1+$0x7440];
	[tilespmem:s25+$0x30] =	vst v4  }
0x111: {  	v4 =	vld [tilespmem:s28+$0x7450];
	[tilespmem:s25+$0xB0] =	vst v5  }
0x112: {  	v5 =	vld [tilespmem:s5+$0x7450];
	[tilespmem:s25+$0xFFFFFE40] =	vst v3  }
0x113: {  	v7 =	vld [tilespmem:s10+$0x7460];
	[tilespmem:s25+$0xFFFFFEC0] =	vst v2  }
0x114: {  	[tilespmem:s25+$0x1F0] =	vst v0;
	v0 =	vld [tilespmem:s24+$0x7450]  }
0x115: {  	[tilespmem:s25+$0x130] =	vst v1;
	v1 =	vld [tilespmem:s29+$0x7450]  }
0x116: {  	v6 =	vld [tilespmem:s1+$0x7450];
	[tilespmem:s25+$0xFFFFFF40] =	vst v4  }
0x117: {  	v4 =	vld [tilespmem:s26+$0x7460];
	[tilespmem:s25+$0xFFFFFFC0] =	vst v5  }
0x118: {  	v3 =	vld [tilespmem:s28+$0x7460];
	[tilespmem:s25+$0xFFFFFE50] =	vst v7  }
0x119: {  	v2 =	vld [tilespmem:s5+$0x7460];
	[tilespmem:s25+$0x40] =	vst v0  }
0x11a: {  	[tilespmem:s25+$0xC0] =	vst v1;
	v1 =	vld [tilespmem:s24+$0x7460]  }
0x11b: {  	s13 =	simm.s32 $0x10F;
	s9 =	simm.s32 $0x0;
	s3 =	simm.s32 $0x1BA10;
	[tilespmem:s25+$0x140] =	vst v6;
	v0 =	vld [tilespmem:s29+$0x7460]  }
.LBB2_4:
0x11c: {  	s8 =	sld [smem:s13+$0x0];
	s9 =	sadd.s32 $0x8, s9;
	[tilespmem:s25+$0xFFFFFED0] =	vst v4;
	v4 =	vld [tilespmem:s1+$0x7460]  }
0x11d: {  	s15 =	sld [smem:s13+$0xFFFFFFFA];
	p1 =	slt.u32 s9, $0x78;
	v5 =	vld [tilespmem:s10+$0x7470];
	[tilespmem:s25+$0xFFFFFF50] =	vst v3  }
0x11e: {  	s0 =	sld [smem:s13+$0xFFFFFFFB];
	v3 =	vld [tilespmem:s26+$0x7470];
	[tilespmem:s25+$0xFFFFFFD0] =	vst v2  }
0x11f: {  	s30 =	sld [smem:s13+$0xFFFFFFFC];
	p0 =	slt.s32 s8, $0x200;
	v2 =	vld [tilespmem:s28+$0x7470];
	[tilespmem:s25+$0x50] =	vst v1;
	s11 =	smov.u32 s8  }
0x120: {  	p2 =	slt.s32 s15, $0x200;
	s6 =	sld [smem:s13+$0xFFFFFFFD];
	s11 =	simm.s32 @!p0 $0x200;
	v1 =	vld [tilespmem:s5+$0x7470];
	[tilespmem:s25+$0xD0] =	vst v0  }
0x121: {  	p0 =	sgt.s32 s8, $0x3E8;
	s12 =	smov.u32 s15;
	s7 =	sld [smem:s13+$0xFFFFFFFE]  }
0x122: {  	s14 =	sshll.u32 s11, $0x7;
	v0 =	vld [tilespmem:s24+$0x7470];
	[tilespmem:s25+$0x150] =	vst v4;
	p3 =	slt.s32 s0, $0x200;
	s12 =	simm.s32 @!p2 $0x200  }
0x123: {  	s16 =	smov.u32 s0;
	p5 =	sgt.s32 s0, $0x3E8;
	s8 =	sld [smem:s13+$0xFFFFFFFF]  }
0x124: {  	s14 =	simm.s32 @p0 $0x10080;
	[tilespmem:s25+$0xFFFFFE60] =	vst v5;
	v4 =	vld [tilespmem:s29+$0x7470];
	p0 =	slt.s32 s30, $0x200;
	s16 =	simm.s32 @!p3 $0x200  }
0x125: {  	s17 =	smov.u32 s30;
	p6 =	sgt.s32 s30, $0x3E8;
	s11 =	sld [smem:s13+$0xFFFFFFF9]  }
0x126: {  	p4 =	slt.s32 s6, $0x200;
	v5 =	vld [tilespmem:s14+$0x7410];
	[tilespmem:s25+$0xFFFFFEE0] =	vst v3;
	s17 =	simm.s32 @!p0 $0x200;
	s18 =	smov.u32 s6  }
0x127: {  	p2 =	slt.s32 s7, $0x200;
	[tilespmem:s25+$0xFFFFFF60] =	vst v2;
	v2 =	vld [tilespmem:s1+$0x7470];
	s18 =	simm.s32 @!p4 $0x200;
	s23 =	smov.u32 s7  }
0x128: {  	p0 =	slt.s32 s8, $0x200;
	v3 =	vld [tilespmem:s10+$0x7480];
	[tilespmem:s25+$0xFFFFFFE0] =	vst v1;
	s23 =	simm.s32 @!p2 $0x200;
	s31 =	smov.u32 s8  }
0x129: {  	p3 =	slt.s32 s11, $0x200;
	s31 =	simm.s32 @!p0 $0x200;
	v1 =	vld [tilespmem:s26+$0x7480];
	[tilespmem:s25+$0x60] =	vst v0;
	s10 =	smov.u32 s11  }
0x12a: {  	s26 =	sshll.u32 s12, $0x7;
	s25 =	sadd.s32 $0x400, s25;
	s10 =	simm.s32 @!p3 $0x200;
	v0 =	vld [tilespmem:s28+$0x7480];
	[tilespmem:s3+$0xE0] =	vst v4  }
0x12b: {  	s12 =	sshll.u32 s17, $0x7;
	s28 =	sshll.u32 s16, $0x7;
	s10 =	sshll.u32 s10, $0x7;
	[tilespmem:s25+$0x180] =	vst v5;
	v4 =	vld [tilespmem:s5+$0x7480]  }
0x12c: {  	s17 =	sshll.u32 s23, $0x7;
	s16 =	sshll.u32 s18, $0x7;
	s18 =	sshll.u32 s31, $0x7;
	v5 =	vld [tilespmem:s14+$0x7420];
	[tilespmem:s3+$0x160] =	vst v2  }
0x12d: {  	p4 =	sgt.s32 s15, $0x3E8;
	p2 =	sgt.s32 s7, $0x3E8;
	p0 =	sgt.s32 s11, $0x3E8;
	[tilespmem:s3+$0xFFFFFE70] =	vst v3;
	v2 =	vld [tilespmem:s24+$0x7480]  }
0x12e: {  	p3 =	sgt.s32 s6, $0x3E8;
	s26 =	simm.s32 @p4 $0x10080;
	p4 =	sgt.s32 s8, $0x3E8;
	[tilespmem:s3+$0xFFFFFEF0] =	vst v1;
	v1 =	vld [tilespmem:s29+$0x7480]  }
0x12f: {  	s28 =	simm.s32 @p5 $0x10080;
	s5 =	smov.u32 s12;
	s10 =	simm.s32 @p0 $0x10080;
	[tilespmem:s3+$0xFFFFFF70] =	vst v0;
	v0 =	vld [tilespmem:s1+$0x7480]  }
0x130: {  	s5 =	simm.s32 @p6 $0x10080;
	s24 =	smov.u32 s16;
	s29 =	smov.u32 s17;
	v3 =	vld [tilespmem:s10+$0x7410];
	[tilespmem:s3+$0xFFFFFFF0] =	vst v4  }
0x131: {  	s24 =	simm.s32 @p3 $0x10080;
	s29 =	simm.s32 @p2 $0x10080;
	s1 =	smov.u32 s18;
	v4 =	vld [tilespmem:s26+$0x7410];
	[tilespmem:s25+$0x190] =	vst v5  }
0x132: {  	s1 =	simm.s32 @p4 $0x10080;
	v5 =	vld [tilespmem:s14+$0x7430];
	[tilespmem:s3+$0x70] =	vst v2  }
0x133: {  	v2 =	vld [tilespmem:s28+$0x7410];
	[tilespmem:s3+$0xF0] =	vst v1  }
0x134: {  	v1 =	vld [tilespmem:s5+$0x7410];
	[tilespmem:s3+$0x170] =	vst v0;
	s3 =	smov.u32 s25  }
0x135: {  	[tilespmem:s25+$0xFFFFFE00] =	vst v3;
	v0 =	vld [tilespmem:s24+$0x7410]  }
0x136: {  	[tilespmem:s25+$0xFFFFFE80] =	vst v4;
	v3 =	vld [tilespmem:s29+$0x7410]  }
0x137: {  	v4 =	vld [tilespmem:s1+$0x7410];
	[tilespmem:s25+$0x1A0] =	vst v5  }
0x138: {  	[tilespmem:s25+$0xFFFFFF00] =	vst v2;
	v2 =	vld [tilespmem:s14+$0x7440]  }
0x139: {  	v5 =	vld [tilespmem:s10+$0x7420];
	[tilespmem:s25+$0xFFFFFF80] =	vst v1  }
0x13a: {  	v1 =	vld [tilespmem:s26+$0x7420];
	[tilespmem:s25+$0x0] =	vst v0  }
0x13b: {  	v0 =	vld [tilespmem:s28+$0x7420];
	[tilespmem:s25+$0x80] =	vst v3  }
0x13c: {  	v3 =	vld [tilespmem:s5+$0x7420];
	[tilespmem:s25+$0x100] =	vst v4  }
0x13d: {  	v4 =	vld [tilespmem:s24+$0x7420];
	[tilespmem:s25+$0x1B0] =	vst v2  }
0x13e: {  	[tilespmem:s25+$0xFFFFFE10] =	vst v5;
	v2 =	vld [tilespmem:s14+$0x7450]  }
0x13f: {  	[tilespmem:s25+$0xFFFFFE90] =	vst v1;
	v1 =	vld [tilespmem:s29+$0x7420]  }
0x140: {  	[tilespmem:s25+$0xFFFFFF10] =	vst v0;
	v0 =	vld [tilespmem:s1+$0x7420]  }
0x141: {  	v5 =	vld [tilespmem:s10+$0x7430];
	[tilespmem:s25+$0xFFFFFF90] =	vst v3  }
0x142: {  	v3 =	vld [tilespmem:s26+$0x7430];
	[tilespmem:s25+$0x10] =	vst v4  }
0x143: {  	v4 =	vld [tilespmem:s28+$0x7430];
	[tilespmem:s25+$0x1C0] =	vst v2  }
0x144: {  	[tilespmem:s25+$0x90] =	vst v1;
	v1 =	vld [tilespmem:s14+$0x7460]  }
0x145: {  	v2 =	vld [tilespmem:s5+$0x7430];
	[tilespmem:s25+$0x110] =	vst v0  }
0x146: {  	[tilespmem:s25+$0xFFFFFE20] =	vst v5;
	v0 =	vld [tilespmem:s24+$0x7430]  }
0x147: {  	[tilespmem:s25+$0xFFFFFEA0] =	vst v3;
	v3 =	vld [tilespmem:s29+$0x7430]  }
0x148: {  	[tilespmem:s25+$0xFFFFFF20] =	vst v4;
	v4 =	vld [tilespmem:s1+$0x7430]  }
0x149: {  	v5 =	vld [tilespmem:s10+$0x7440];
	[tilespmem:s25+$0x1D0] =	vst v1  }
0x14a: {  	[tilespmem:s25+$0xFFFFFFA0] =	vst v2;
	v1 =	vld [tilespmem:s14+$0x7470]  }
0x14b: {  	v2 =	vld [tilespmem:s26+$0x7440];
	[tilespmem:s25+$0x20] =	vst v0  }
0x14c: {  	v0 =	vld [tilespmem:s28+$0x7440];
	[tilespmem:s25+$0xA0] =	vst v3  }
0x14d: {  	v3 =	vld [tilespmem:s5+$0x7440];
	[tilespmem:s25+$0x120] =	vst v4  }
0x14e: {  	[tilespmem:s25+$0xFFFFFE30] =	vst v5;
	v4 =	vld [tilespmem:s24+$0x7440]  }
0x14f: {  	v5 =	vld [tilespmem:s29+$0x7440];
	[tilespmem:s25+$0x1E0] =	vst v1  }
0x150: {  	[tilespmem:s25+$0xFFFFFEB0] =	vst v2;
	v1 =	vld [tilespmem:s14+$0x7480]  }
0x151: {  	[tilespmem:s25+$0xFFFFFF30] =	vst v0;
	v0 =	vld [tilespmem:s1+$0x7440]  }
0x152: {  	v2 =	vld [tilespmem:s10+$0x7450];
	[tilespmem:s25+$0xFFFFFFB0] =	vst v3  }
0x153: {  	v3 =	vld [tilespmem:s26+$0x7450];
	[tilespmem:s25+$0x30] =	vst v4  }
0x154: {  	v4 =	vld [tilespmem:s28+$0x7450];
	[tilespmem:s25+$0xB0] =	vst v5  }
0x155: {  	v5 =	vld [tilespmem:s5+$0x7450];
	[tilespmem:s25+$0x1F0] =	vst v1  }
0x156: {  	v1 =	vld [tilespmem:s24+$0x7450];
	[tilespmem:s25+$0x130] =	vst v0  }
0x157: {  	[tilespmem:s25+$0xFFFFFE40] =	vst v2;
	v0 =	vld [tilespmem:s29+$0x7450]  }
0x158: {  	[tilespmem:s25+$0xFFFFFEC0] =	vst v3;
	v6 =	vld [tilespmem:s1+$0x7450]  }
0x159: {  	v7 =	vld [tilespmem:s10+$0x7460];
	[tilespmem:s25+$0xFFFFFF40] =	vst v4  }
.Ltmp1:
0x15a: {  	v4 =	vld [tilespmem:s26+$0x7460];
	[tilespmem:s25+$0xFFFFFFC0] =	vst v5;
	(pc) =	sbr.rel @p1 .LBB2_4-.Ltmp1, $4  }
0x15b: {  	v3 =	vld [tilespmem:s28+$0x7460];
	[tilespmem:s25+$0x40] =	vst v1  }
0x15c: {  	v2 =	vld [tilespmem:s5+$0x7460];
	[tilespmem:s25+$0xC0] =	vst v0  }
0x15d: {  	v1 =	vld [tilespmem:s24+$0x7460];
	[tilespmem:s25+$0x140] =	vst v6  }
0x15e: {  	s13 =	sadd.s32 $0x8, s13;
	[tilespmem:s25+$0xFFFFFE50] =	vst v7;
	v0 =	vld [tilespmem:s29+$0x7460]  }
0x15f: {  	[tilespmem:s25+$0xFFFFFED0] =	vst v4;
	v4 =	vld [tilespmem:s1+$0x7460]  }
0x160: {  	v5 =	vld [tilespmem:s10+$0x7470];
	[tilespmem:s25+$0xFFFFFF50] =	vst v3  }
0x161: {  	v3 =	vld [tilespmem:s26+$0x7470];
	[tilespmem:s25+$0xFFFFFFD0] =	vst v2  }
0x162: {  	v2 =	vld [tilespmem:s28+$0x7470];
	[tilespmem:s25+$0x50] =	vst v1  }
0x163: {  	v1 =	vld [tilespmem:s5+$0x7470];
	[tilespmem:s25+$0xD0] =	vst v0  }
0x164: {  	v0 =	vld [tilespmem:s24+$0x7470];
	[tilespmem:s25+$0x150] =	vst v4  }
0x165: {  	[tilespmem:s25+$0xFFFFFE60] =	vst v5;
	v4 =	vld [tilespmem:s29+$0x7470]  }
0x166: {  	[tilespmem:s25+$0xFFFFFEE0] =	vst v3;
	v3 =	vld [tilespmem:s1+$0x7470]  }
0x167: {  	[tilespmem:s25+$0xFFFFFF60] =	vst v2;
	v2 =	vld [tilespmem:s10+$0x7480]  }
0x168: {  	[tilespmem:s25+$0xFFFFFFE0] =	vst v1;
	v1 =	vld [tilespmem:s26+$0x7480]  }
0x169: {  	[tilespmem:s25+$0x60] =	vst v0;
	v0 =	vld [tilespmem:s28+$0x7480]  }
0x16a: {  	[tilespmem:s3+$0xE0] =	vst v4;
	v4 =	vld [tilespmem:s5+$0x7480]  }
0x16b: {  	[tilespmem:s3+$0x160] =	vst v3;
	v3 =	vld [tilespmem:s24+$0x7480]  }
0x16c: {  	[tilespmem:s3+$0xFFFFFE70] =	vst v2;
	v2 =	vld [tilespmem:s29+$0x7480]  }
0x16d: {  	[tilespmem:s3+$0xFFFFFEF0] =	vst v1;
	v1 =	vld [tilespmem:s1+$0x7480]  }
0x16e: {  	[tilespmem:s3+$0xFFFFFF70] =	vst v0  }
0x16f: {  	[tilespmem:s3+$0xFFFFFFF0] =	vst v4  }
0x170: {  	[tilespmem:s3+$0x70] =	vst v3  }
0x171: {  	[tilespmem:s3+$0xF0] =	vst v2  }
0x172: {  	[tilespmem:s3+$0x170] =	vst v1  }
0x173: {  	s0 =	rddreg [dreg:$0xd]  }
0x174: {  	[hbm4b:s0+s4] =	stream.linear.scatter [tilespmem:s19], [sflag:$0x5], $0x4000, $0x38;
	[tilespmem:$0x1F810] =	vst v63  }
0x175: {  	_ =	swait.ge [sflag:s21], $0x4000  }
0x176: {  	[sflag:s21] =	ssyncset.done $0x0  }
0x177: {  	[sflag:s21] =	ssyncadd.s32 $0xFFFFC000  }
0x178: {  	s0 =	sld [smem:$0x207]  }
0x179: {  	s24 =	sld [smem:$0x201]  }
0x17a: {  	s30 =	sld [smem:$0x202]  }
0x17b: {  	s25 =	simm.s32 $0x17A10;
	s6 =	sld [smem:$0x203];
	p0 =	slt.s32 s0, $0x200  }
0x17c: {  	p1 =	sgt.s32 s0, $0x3E8;
	s7 =	sld [smem:$0x204];
	s0 =	simm.s32 @!p0 $0x200  }
0x17d: {  	p0 =	slt.s32 s24, $0x200;
	s8 =	sld [smem:$0x205];
	s3 =	sshll.u32 s0, $0x7  }
0x17e: {  	s11 =	smov.u32 s24;
	s31 =	sld [smem:$0x206];
	s3 =	simm.s32 @p1 $0x10080  }
0x17f: {  	s11 =	simm.s32 @!p0 $0x200;
	s12 =	smov.u32 s30;
	s9 =	sld [smem:$0x200];
	v0 =	vld [tilespmem:s3+$0x7410]  }
0x180: {  	p1 =	slt.s32 s30, $0x200;
	p2 =	slt.s32 s6, $0x200;
	s13 =	smov.u32 s6  }
0x181: {  	s26 =	sshll.u32 s11, $0x7;
	p3 =	slt.s32 s7, $0x200;
	s12 =	simm.s32 @!p1 $0x200  }
0x182: {  	s14 =	smov.u32 s7;
	s13 =	simm.s32 @!p2 $0x200;
	p1 =	slt.s32 s8, $0x200  }
0x183: {  	s14 =	simm.s32 @!p3 $0x200;
	s28 =	sshll.u32 s12, $0x7;
	p0 =	slt.s32 s9, $0x200  }
0x184: {  	p4 =	sgt.s32 s9, $0x3E8;
	s9 =	simm.s32 @!p0 $0x200;
	p0 =	sgt.s32 s24, $0x3E8;
	[tilespmem:s25+$0x180] =	vst v0  }
0x185: {  	p2 =	slt.s32 s31, $0x200;
	s1 =	smov.u32 s31;
	s26 =	simm.s32 @p0 $0x10080;
	v0 =	vld [tilespmem:s3+$0x7420]  }
0x186: {  	s5 =	sshll.u32 s13, $0x7;
	s1 =	simm.s32 @!p2 $0x200;
	s10 =	sshll.u32 s9, $0x7;
	v2 =	vld [tilespmem:s26+$0x7410]  }
0x187: {  	s9 =	smov.u32 s8;
	p0 =	sgt.s32 s30, $0x3E8;
	s10 =	simm.s32 @p4 $0x10080  }
0x188: {  	s9 =	simm.s32 @!p1 $0x200;
	p1 =	sgt.s32 s6, $0x3E8;
	s28 =	simm.s32 @p0 $0x10080;
	v1 =	vld [tilespmem:s10+$0x7410]  }
0x189: {  	s5 =	simm.s32 @p1 $0x10080;
	v3 =	vld [tilespmem:s28+$0x7410];
	s29 =	sshll.u32 s9, $0x7;
	p1 =	sgt.s32 s8, $0x3E8  }
0x18a: {  	s24 =	sshll.u32 s14, $0x7;
	p0 =	sgt.s32 s7, $0x3E8;
	v4 =	vld [tilespmem:s5+$0x7410];
	s29 =	simm.s32 @p1 $0x10080;
	[tilespmem:s25+$0x190] =	vst v0  }
0x18b: {  	s1 =	sshll.u32 s1, $0x7;
	s24 =	simm.s32 @p0 $0x10080;
	p0 =	sgt.s32 s31, $0x3E8;
	[tilespmem:s25+$0xFFFFFE80] =	vst v2;
	v2 =	vld [tilespmem:s29+$0x7410]  }
0x18c: {  	s1 =	simm.s32 @p0 $0x10080;
	v0 =	vld [tilespmem:s3+$0x7430]  }
0x18d: {  	v5 =	vld [tilespmem:s1+$0x7410];
	[tilespmem:s25+$0xFFFFFE00] =	vst v1  }
0x18e: {  	v1 =	vld [tilespmem:s24+$0x7410];
	[tilespmem:s25+$0xFFFFFF00] =	vst v3  }
0x18f: {  	v3 =	vld [tilespmem:s10+$0x7420];
	[tilespmem:s25+$0xFFFFFF80] =	vst v4  }
0x190: {  	v4 =	vld [tilespmem:s26+$0x7420];
	[tilespmem:s25+$0x80] =	vst v2  }
0x191: {  	v2 =	vld [tilespmem:s5+$0x7420];
	[tilespmem:s25+$0x1A0] =	vst v0  }
0x192: {  	[tilespmem:s25+$0x100] =	vst v5;
	v0 =	vld [tilespmem:s3+$0x7440]  }
0x193: {  	[tilespmem:s25+$0x0] =	vst v1  }
0x194: {  	v1 =	vld [tilespmem:s28+$0x7420];
	[tilespmem:s25+$0xFFFFFE10] =	vst v3  }
0x195: {  	v5 =	vld [tilespmem:s24+$0x7420];
	[tilespmem:s25+$0xFFFFFE90] =	vst v4  }
0x196: {  	v3 =	vld [tilespmem:s29+$0x7420];
	[tilespmem:s25+$0xFFFFFF90] =	vst v2  }
0x197: {  	v2 =	vld [tilespmem:s26+$0x7430];
	[tilespmem:s25+$0x1B0] =	vst v0  }
0x198: {  	v0 =	vld [tilespmem:s3+$0x7450]  }
0x199: {  	v4 =	vld [tilespmem:s10+$0x7430];
	[tilespmem:s25+$0xFFFFFF10] =	vst v1  }
0x19a: {  	v1 =	vld [tilespmem:s1+$0x7420];
	[tilespmem:s25+$0x10] =	vst v5  }
0x19b: {  	v5 =	vld [tilespmem:s28+$0x7430];
	[tilespmem:s25+$0x90] =	vst v3  }
0x19c: {  	v3 =	vld [tilespmem:s5+$0x7430];
	[tilespmem:s25+$0xFFFFFEA0] =	vst v2  }
0x19d: {  	v2 =	vld [tilespmem:s29+$0x7430];
	[tilespmem:s25+$0x1C0] =	vst v0  }
0x19e: {  	[tilespmem:s25+$0xFFFFFE20] =	vst v4;
	v0 =	vld [tilespmem:s3+$0x7460]  }
0x19f: {  	[tilespmem:s25+$0x110] =	vst v1;
	v1 =	vld [tilespmem:s24+$0x7430]  }
0x1a0: {  	[tilespmem:s25+$0xFFFFFF20] =	vst v5;
	v4 =	vld [tilespmem:s1+$0x7430]  }
0x1a1: {  	v5 =	vld [tilespmem:s10+$0x7440];
	[tilespmem:s25+$0xFFFFFFA0] =	vst v3  }
0x1a2: {  	v3 =	vld [tilespmem:s26+$0x7440];
	[tilespmem:s25+$0xA0] =	vst v2  }
0x1a3: {  	v2 =	vld [tilespmem:s5+$0x7440];
	[tilespmem:s25+$0x1D0] =	vst v0  }
0x1a4: {  	[tilespmem:s25+$0x20] =	vst v1;
	v0 =	vld [tilespmem:s3+$0x7470]  }
0x1a5: {  	v1 =	vld [tilespmem:s28+$0x7440];
	[tilespmem:s25+$0x120] =	vst v4  }
0x1a6: {  	[tilespmem:s25+$0xFFFFFE30] =	vst v5;
	v4 =	vld [tilespmem:s24+$0x7440]  }
0x1a7: {  	v5 =	vld [tilespmem:s29+$0x7440];
	[tilespmem:s25+$0xFFFFFEB0] =	vst v3  }
0x1a8: {  	v3 =	vld [tilespmem:s10+$0x7450];
	[tilespmem:s25+$0xFFFFFFB0] =	vst v2  }
0x1a9: {  	v2 =	vld [tilespmem:s26+$0x7450];
	[tilespmem:s25+$0x1E0] =	vst v0  }
0x1aa: {  	[tilespmem:s25+$0xFFFFFF30] =	vst v1;
	v0 =	vld [tilespmem:s3+$0x7480]  }
0x1ab: {  	v1 =	vld [tilespmem:s1+$0x7440];
	[tilespmem:s25+$0x30] =	vst v4  }
0x1ac: {  	v4 =	vld [tilespmem:s28+$0x7450];
	[tilespmem:s25+$0xB0] =	vst v5  }
0x1ad: {  	v5 =	vld [tilespmem:s5+$0x7450];
	[tilespmem:s25+$0xFFFFFE40] =	vst v3  }
0x1ae: {  	v7 =	vld [tilespmem:s10+$0x7460];
	[tilespmem:s25+$0xFFFFFEC0] =	vst v2  }
0x1af: {  	[tilespmem:s25+$0x1F0] =	vst v0;
	v0 =	vld [tilespmem:s24+$0x7450]  }
0x1b0: {  	[tilespmem:s25+$0x130] =	vst v1;
	v1 =	vld [tilespmem:s29+$0x7450]  }
0x1b1: {  	v6 =	vld [tilespmem:s1+$0x7450];
	[tilespmem:s25+$0xFFFFFF40] =	vst v4  }
0x1b2: {  	v4 =	vld [tilespmem:s26+$0x7460];
	[tilespmem:s25+$0xFFFFFFC0] =	vst v5  }
0x1b3: {  	v3 =	vld [tilespmem:s28+$0x7460];
	[tilespmem:s25+$0xFFFFFE50] =	vst v7  }
0x1b4: {  	v2 =	vld [tilespmem:s5+$0x7460];
	[tilespmem:s25+$0x40] =	vst v0  }
0x1b5: {  	[tilespmem:s25+$0xC0] =	vst v1;
	v1 =	vld [tilespmem:s24+$0x7460]  }
0x1b6: {  	s13 =	simm.s32 $0x20F;
	s9 =	simm.s32 $0x0;
	s3 =	simm.s32 $0x17A10;
	[tilespmem:s25+$0x140] =	vst v6;
	v0 =	vld [tilespmem:s29+$0x7460]  }
.LBB2_6:
0x1b7: {  	s8 =	sld [smem:s13+$0x0];
	s9 =	sadd.s32 $0x8, s9;
	[tilespmem:s25+$0xFFFFFED0] =	vst v4;
	v4 =	vld [tilespmem:s1+$0x7460]  }
0x1b8: {  	s15 =	sld [smem:s13+$0xFFFFFFFA];
	p1 =	slt.u32 s9, $0x78;
	v5 =	vld [tilespmem:s10+$0x7470];
	[tilespmem:s25+$0xFFFFFF50] =	vst v3  }
0x1b9: {  	s0 =	sld [smem:s13+$0xFFFFFFFB];
	v3 =	vld [tilespmem:s26+$0x7470];
	[tilespmem:s25+$0xFFFFFFD0] =	vst v2  }
0x1ba: {  	s30 =	sld [smem:s13+$0xFFFFFFFC];
	p0 =	slt.s32 s8, $0x200;
	v2 =	vld [tilespmem:s28+$0x7470];
	[tilespmem:s25+$0x50] =	vst v1;
	s11 =	smov.u32 s8  }
0x1bb: {  	p2 =	slt.s32 s15, $0x200;
	s6 =	sld [smem:s13+$0xFFFFFFFD];
	s11 =	simm.s32 @!p0 $0x200;
	v1 =	vld [tilespmem:s5+$0x7470];
	[tilespmem:s25+$0xD0] =	vst v0  }
0x1bc: {  	p0 =	sgt.s32 s8, $0x3E8;
	s12 =	smov.u32 s15;
	s7 =	sld [smem:s13+$0xFFFFFFFE]  }
0x1bd: {  	s14 =	sshll.u32 s11, $0x7;
	v0 =	vld [tilespmem:s24+$0x7470];
	[tilespmem:s25+$0x150] =	vst v4;
	p3 =	slt.s32 s0, $0x200;
	s12 =	simm.s32 @!p2 $0x200  }
0x1be: {  	s16 =	smov.u32 s0;
	p5 =	sgt.s32 s0, $0x3E8;
	s8 =	sld [smem:s13+$0xFFFFFFFF]  }
0x1bf: {  	s14 =	simm.s32 @p0 $0x10080;
	[tilespmem:s25+$0xFFFFFE60] =	vst v5;
	v4 =	vld [tilespmem:s29+$0x7470];
	p0 =	slt.s32 s30, $0x200;
	s16 =	simm.s32 @!p3 $0x200  }
0x1c0: {  	s17 =	smov.u32 s30;
	p6 =	sgt.s32 s30, $0x3E8;
	s11 =	sld [smem:s13+$0xFFFFFFF9]  }
0x1c1: {  	p4 =	slt.s32 s6, $0x200;
	v5 =	vld [tilespmem:s14+$0x7410];
	[tilespmem:s25+$0xFFFFFEE0] =	vst v3;
	s17 =	simm.s32 @!p0 $0x200;
	s18 =	smov.u32 s6  }
0x1c2: {  	p2 =	slt.s32 s7, $0x200;
	[tilespmem:s25+$0xFFFFFF60] =	vst v2;
	v2 =	vld [tilespmem:s1+$0x7470];
	s18 =	simm.s32 @!p4 $0x200;
	s23 =	smov.u32 s7  }
0x1c3: {  	p0 =	slt.s32 s8, $0x200;
	v3 =	vld [tilespmem:s10+$0x7480];
	[tilespmem:s25+$0xFFFFFFE0] =	vst v1;
	s23 =	simm.s32 @!p2 $0x200;
	s31 =	smov.u32 s8  }
0x1c4: {  	p3 =	slt.s32 s11, $0x200;
	s31 =	simm.s32 @!p0 $0x200;
	v1 =	vld [tilespmem:s26+$0x7480];
	[tilespmem:s25+$0x60] =	vst v0;
	s10 =	smov.u32 s11  }
0x1c5: {  	s26 =	sshll.u32 s12, $0x7;
	s25 =	sadd.s32 $0x400, s25;
	s10 =	simm.s32 @!p3 $0x200;
	v0 =	vld [tilespmem:s28+$0x7480];
	[tilespmem:s3+$0xE0] =	vst v4  }
0x1c6: {  	s12 =	sshll.u32 s17, $0x7;
	s28 =	sshll.u32 s16, $0x7;
	s10 =	sshll.u32 s10, $0x7;
	[tilespmem:s25+$0x180] =	vst v5;
	v4 =	vld [tilespmem:s5+$0x7480]  }
0x1c7: {  	s17 =	sshll.u32 s23, $0x7;
	s16 =	sshll.u32 s18, $0x7;
	s18 =	sshll.u32 s31, $0x7;
	v5 =	vld [tilespmem:s14+$0x7420];
	[tilespmem:s3+$0x160] =	vst v2  }
0x1c8: {  	p4 =	sgt.s32 s15, $0x3E8;
	p2 =	sgt.s32 s7, $0x3E8;
	p0 =	sgt.s32 s11, $0x3E8;
	[tilespmem:s3+$0xFFFFFE70] =	vst v3;
	v2 =	vld [tilespmem:s24+$0x7480]  }
0x1c9: {  	p3 =	sgt.s32 s6, $0x3E8;
	s26 =	simm.s32 @p4 $0x10080;
	p4 =	sgt.s32 s8, $0x3E8;
	[tilespmem:s3+$0xFFFFFEF0] =	vst v1;
	v1 =	vld [tilespmem:s29+$0x7480]  }
0x1ca: {  	s28 =	simm.s32 @p5 $0x10080;
	s5 =	smov.u32 s12;
	s10 =	simm.s32 @p0 $0x10080;
	[tilespmem:s3+$0xFFFFFF70] =	vst v0;
	v0 =	vld [tilespmem:s1+$0x7480]  }
0x1cb: {  	s5 =	simm.s32 @p6 $0x10080;
	s24 =	smov.u32 s16;
	s29 =	smov.u32 s17;
	v3 =	vld [tilespmem:s10+$0x7410];
	[tilespmem:s3+$0xFFFFFFF0] =	vst v4  }
0x1cc: {  	s24 =	simm.s32 @p3 $0x10080;
	s29 =	simm.s32 @p2 $0x10080;
	s1 =	smov.u32 s18;
	v4 =	vld [tilespmem:s26+$0x7410];
	[tilespmem:s25+$0x190] =	vst v5  }
0x1cd: {  	s1 =	simm.s32 @p4 $0x10080;
	v5 =	vld [tilespmem:s14+$0x7430];
	[tilespmem:s3+$0x70] =	vst v2  }
0x1ce: {  	v2 =	vld [tilespmem:s28+$0x7410];
	[tilespmem:s3+$0xF0] =	vst v1  }
0x1cf: {  	v1 =	vld [tilespmem:s5+$0x7410];
	[tilespmem:s3+$0x170] =	vst v0;
	s3 =	smov.u32 s25  }
0x1d0: {  	[tilespmem:s25+$0xFFFFFE00] =	vst v3;
	v0 =	vld [tilespmem:s24+$0x7410]  }
0x1d1: {  	[tilespmem:s25+$0xFFFFFE80] =	vst v4;
	v3 =	vld [tilespmem:s29+$0x7410]  }
0x1d2: {  	v4 =	vld [tilespmem:s1+$0x7410];
	[tilespmem:s25+$0x1A0] =	vst v5  }
0x1d3: {  	[tilespmem:s25+$0xFFFFFF00] =	vst v2;
	v2 =	vld [tilespmem:s14+$0x7440]  }
0x1d4: {  	v5 =	vld [tilespmem:s10+$0x7420];
	[tilespmem:s25+$0xFFFFFF80] =	vst v1  }
0x1d5: {  	v1 =	vld [tilespmem:s26+$0x7420];
	[tilespmem:s25+$0x0] =	vst v0  }
0x1d6: {  	v0 =	vld [tilespmem:s28+$0x7420];
	[tilespmem:s25+$0x80] =	vst v3  }
0x1d7: {  	v3 =	vld [tilespmem:s5+$0x7420];
	[tilespmem:s25+$0x100] =	vst v4  }
0x1d8: {  	v4 =	vld [tilespmem:s24+$0x7420];
	[tilespmem:s25+$0x1B0] =	vst v2  }
0x1d9: {  	[tilespmem:s25+$0xFFFFFE10] =	vst v5;
	v2 =	vld [tilespmem:s14+$0x7450]  }
0x1da: {  	[tilespmem:s25+$0xFFFFFE90] =	vst v1;
	v1 =	vld [tilespmem:s29+$0x7420]  }
0x1db: {  	[tilespmem:s25+$0xFFFFFF10] =	vst v0;
	v0 =	vld [tilespmem:s1+$0x7420]  }
0x1dc: {  	v5 =	vld [tilespmem:s10+$0x7430];
	[tilespmem:s25+$0xFFFFFF90] =	vst v3  }
0x1dd: {  	v3 =	vld [tilespmem:s26+$0x7430];
	[tilespmem:s25+$0x10] =	vst v4  }
0x1de: {  	v4 =	vld [tilespmem:s28+$0x7430];
	[tilespmem:s25+$0x1C0] =	vst v2  }
0x1df: {  	[tilespmem:s25+$0x90] =	vst v1;
	v1 =	vld [tilespmem:s14+$0x7460]  }
0x1e0: {  	v2 =	vld [tilespmem:s5+$0x7430];
	[tilespmem:s25+$0x110] =	vst v0  }
0x1e1: {  	[tilespmem:s25+$0xFFFFFE20] =	vst v5;
	v0 =	vld [tilespmem:s24+$0x7430]  }
0x1e2: {  	[tilespmem:s25+$0xFFFFFEA0] =	vst v3;
	v3 =	vld [tilespmem:s29+$0x7430]  }
0x1e3: {  	[tilespmem:s25+$0xFFFFFF20] =	vst v4;
	v4 =	vld [tilespmem:s1+$0x7430]  }
0x1e4: {  	v5 =	vld [tilespmem:s10+$0x7440];
	[tilespmem:s25+$0x1D0] =	vst v1  }
0x1e5: {  	[tilespmem:s25+$0xFFFFFFA0] =	vst v2;
	v1 =	vld [tilespmem:s14+$0x7470]  }
0x1e6: {  	v2 =	vld [tilespmem:s26+$0x7440];
	[tilespmem:s25+$0x20] =	vst v0  }
0x1e7: {  	v0 =	vld [tilespmem:s28+$0x7440];
	[tilespmem:s25+$0xA0] =	vst v3  }
0x1e8: {  	v3 =	vld [tilespmem:s5+$0x7440];
	[tilespmem:s25+$0x120] =	vst v4  }
0x1e9: {  	[tilespmem:s25+$0xFFFFFE30] =	vst v5;
	v4 =	vld [tilespmem:s24+$0x7440]  }
0x1ea: {  	v5 =	vld [tilespmem:s29+$0x7440];
	[tilespmem:s25+$0x1E0] =	vst v1  }
0x1eb: {  	[tilespmem:s25+$0xFFFFFEB0] =	vst v2;
	v1 =	vld [tilespmem:s14+$0x7480]  }
0x1ec: {  	[tilespmem:s25+$0xFFFFFF30] =	vst v0;
	v0 =	vld [tilespmem:s1+$0x7440]  }
0x1ed: {  	v2 =	vld [tilespmem:s10+$0x7450];
	[tilespmem:s25+$0xFFFFFFB0] =	vst v3  }
0x1ee: {  	v3 =	vld [tilespmem:s26+$0x7450];
	[tilespmem:s25+$0x30] =	vst v4  }
0x1ef: {  	v4 =	vld [tilespmem:s28+$0x7450];
	[tilespmem:s25+$0xB0] =	vst v5  }
0x1f0: {  	v5 =	vld [tilespmem:s5+$0x7450];
	[tilespmem:s25+$0x1F0] =	vst v1  }
0x1f1: {  	v1 =	vld [tilespmem:s24+$0x7450];
	[tilespmem:s25+$0x130] =	vst v0  }
0x1f2: {  	[tilespmem:s25+$0xFFFFFE40] =	vst v2;
	v0 =	vld [tilespmem:s29+$0x7450]  }
0x1f3: {  	[tilespmem:s25+$0xFFFFFEC0] =	vst v3;
	v6 =	vld [tilespmem:s1+$0x7450]  }
0x1f4: {  	v7 =	vld [tilespmem:s10+$0x7460];
	[tilespmem:s25+$0xFFFFFF40] =	vst v4  }
.Ltmp2:
0x1f5: {  	v4 =	vld [tilespmem:s26+$0x7460];
	[tilespmem:s25+$0xFFFFFFC0] =	vst v5;
	(pc) =	sbr.rel @p1 .LBB2_6-.Ltmp2, $4  }
0x1f6: {  	v3 =	vld [tilespmem:s28+$0x7460];
	[tilespmem:s25+$0x40] =	vst v1  }
0x1f7: {  	v2 =	vld [tilespmem:s5+$0x7460];
	[tilespmem:s25+$0xC0] =	vst v0  }
0x1f8: {  	v1 =	vld [tilespmem:s24+$0x7460];
	[tilespmem:s25+$0x140] =	vst v6  }
0x1f9: {  	s13 =	sadd.s32 $0x8, s13;
	[tilespmem:s25+$0xFFFFFE50] =	vst v7;
	v0 =	vld [tilespmem:s29+$0x7460]  }
0x1fa: {  	[tilespmem:s25+$0xFFFFFED0] =	vst v4;
	v4 =	vld [tilespmem:s1+$0x7460]  }
0x1fb: {  	v5 =	vld [tilespmem:s10+$0x7470];
	[tilespmem:s25+$0xFFFFFF50] =	vst v3  }
0x1fc: {  	v3 =	vld [tilespmem:s26+$0x7470];
	[tilespmem:s25+$0xFFFFFFD0] =	vst v2  }
0x1fd: {  	v2 =	vld [tilespmem:s28+$0x7470];
	[tilespmem:s25+$0x50] =	vst v1  }
0x1fe: {  	v1 =	vld [tilespmem:s5+$0x7470];
	[tilespmem:s25+$0xD0] =	vst v0  }
0x1ff: {  	v0 =	vld [tilespmem:s24+$0x7470];
	[tilespmem:s25+$0x150] =	vst v4  }
0x200: {  	[tilespmem:s25+$0xFFFFFE60] =	vst v5;
	v4 =	vld [tilespmem:s29+$0x7470]  }
0x201: {  	[tilespmem:s25+$0xFFFFFEE0] =	vst v3;
	v3 =	vld [tilespmem:s1+$0x7470]  }
0x202: {  	[tilespmem:s25+$0xFFFFFF60] =	vst v2;
	v2 =	vld [tilespmem:s10+$0x7480]  }
0x203: {  	[tilespmem:s25+$0xFFFFFFE0] =	vst v1;
	v1 =	vld [tilespmem:s26+$0x7480]  }
0x204: {  	[tilespmem:s25+$0x60] =	vst v0;
	v0 =	vld [tilespmem:s28+$0x7480]  }
0x205: {  	[tilespmem:s3+$0xE0] =	vst v4;
	v4 =	vld [tilespmem:s5+$0x7480]  }
0x206: {  	[tilespmem:s3+$0x160] =	vst v3;
	v3 =	vld [tilespmem:s24+$0x7480]  }
0x207: {  	[tilespmem:s3+$0xFFFFFE70] =	vst v2;
	v2 =	vld [tilespmem:s29+$0x7480]  }
0x208: {  	[tilespmem:s3+$0xFFFFFEF0] =	vst v1;
	v1 =	vld [tilespmem:s1+$0x7480]  }
0x209: {  	[tilespmem:s3+$0xFFFFFF70] =	vst v0  }
0x20a: {  	[tilespmem:s3+$0xFFFFFFF0] =	vst v4  }
0x20b: {  	[tilespmem:s3+$0x70] =	vst v3  }
0x20c: {  	[tilespmem:s3+$0xF0] =	vst v2  }
0x20d: {  	[tilespmem:s3+$0x170] =	vst v1  }
0x20e: {  	s23 =	simm.s32 $0x17810;
	s0 =	rddreg [dreg:$0xe]  }
0x20f: {  	[hbm4b:s0+s4] =	stream.linear.scatter [tilespmem:s23], [sflag:$0x4], $0x4000, $0x38;
	[tilespmem:$0x1F810] =	vst v63  }
0x210: {  	_ =	swait.ge [sflag:s22], $0x4000  }
0x211: {  	[sflag:s22] =	ssyncset.done $0x0  }
0x212: {  	[sflag:s22] =	ssyncadd.s32 $0xFFFFC000  }
0x213: {  	s0 =	sld [smem:$0x307]  }
0x214: {  	s24 =	sld [smem:$0x301]  }
0x215: {  	s30 =	sld [smem:$0x302]  }
0x216: {  	s25 =	simm.s32 $0x1BA10;
	s6 =	sld [smem:$0x303];
	p0 =	slt.s32 s0, $0x200  }
0x217: {  	p1 =	sgt.s32 s0, $0x3E8;
	s7 =	sld [smem:$0x304];
	s0 =	simm.s32 @!p0 $0x200  }
0x218: {  	p0 =	slt.s32 s24, $0x200;
	s8 =	sld [smem:$0x305];
	s3 =	sshll.u32 s0, $0x7  }
0x219: {  	s11 =	smov.u32 s24;
	s31 =	sld [smem:$0x306];
	s3 =	simm.s32 @p1 $0x10080  }
0x21a: {  	s11 =	simm.s32 @!p0 $0x200;
	s12 =	smov.u32 s30;
	s9 =	sld [smem:$0x300];
	v0 =	vld [tilespmem:s3+$0x7410]  }
0x21b: {  	p1 =	slt.s32 s30, $0x200;
	p2 =	slt.s32 s6, $0x200;
	s13 =	smov.u32 s6  }
0x21c: {  	s26 =	sshll.u32 s11, $0x7;
	p3 =	slt.s32 s7, $0x200;
	s12 =	simm.s32 @!p1 $0x200  }
0x21d: {  	s14 =	smov.u32 s7;
	s13 =	simm.s32 @!p2 $0x200;
	p1 =	slt.s32 s8, $0x200  }
0x21e: {  	s14 =	simm.s32 @!p3 $0x200;
	s28 =	sshll.u32 s12, $0x7;
	p0 =	slt.s32 s9, $0x200  }
0x21f: {  	p4 =	sgt.s32 s9, $0x3E8;
	s9 =	simm.s32 @!p0 $0x200;
	p0 =	sgt.s32 s24, $0x3E8;
	[tilespmem:s25+$0x180] =	vst v0  }
0x220: {  	p2 =	slt.s32 s31, $0x200;
	s1 =	smov.u32 s31;
	s26 =	simm.s32 @p0 $0x10080;
	v0 =	vld [tilespmem:s3+$0x7420]  }
0x221: {  	s5 =	sshll.u32 s13, $0x7;
	s1 =	simm.s32 @!p2 $0x200;
	s10 =	sshll.u32 s9, $0x7;
	v2 =	vld [tilespmem:s26+$0x7410]  }
0x222: {  	s9 =	smov.u32 s8;
	p0 =	sgt.s32 s30, $0x3E8;
	s10 =	simm.s32 @p4 $0x10080  }
0x223: {  	s9 =	simm.s32 @!p1 $0x200;
	p1 =	sgt.s32 s6, $0x3E8;
	s28 =	simm.s32 @p0 $0x10080;
	v1 =	vld [tilespmem:s10+$0x7410]  }
0x224: {  	s5 =	simm.s32 @p1 $0x10080;
	v3 =	vld [tilespmem:s28+$0x7410];
	s29 =	sshll.u32 s9, $0x7;
	p1 =	sgt.s32 s8, $0x3E8  }
0x225: {  	s24 =	sshll.u32 s14, $0x7;
	p0 =	sgt.s32 s7, $0x3E8;
	v4 =	vld [tilespmem:s5+$0x7410];
	s29 =	simm.s32 @p1 $0x10080;
	[tilespmem:s25+$0x190] =	vst v0  }
0x226: {  	s1 =	sshll.u32 s1, $0x7;
	s24 =	simm.s32 @p0 $0x10080;
	p0 =	sgt.s32 s31, $0x3E8;
	[tilespmem:s25+$0xFFFFFE80] =	vst v2;
	v2 =	vld [tilespmem:s29+$0x7410]  }
0x227: {  	s1 =	simm.s32 @p0 $0x10080;
	v0 =	vld [tilespmem:s3+$0x7430]  }
0x228: {  	v5 =	vld [tilespmem:s1+$0x7410];
	[tilespmem:s25+$0xFFFFFE00] =	vst v1  }
0x229: {  	v1 =	vld [tilespmem:s24+$0x7410];
	[tilespmem:s25+$0xFFFFFF00] =	vst v3  }
0x22a: {  	v3 =	vld [tilespmem:s10+$0x7420];
	[tilespmem:s25+$0xFFFFFF80] =	vst v4  }
0x22b: {  	v4 =	vld [tilespmem:s26+$0x7420];
	[tilespmem:s25+$0x80] =	vst v2  }
0x22c: {  	v2 =	vld [tilespmem:s5+$0x7420];
	[tilespmem:s25+$0x1A0] =	vst v0  }
0x22d: {  	[tilespmem:s25+$0x100] =	vst v5;
	v0 =	vld [tilespmem:s3+$0x7440]  }
0x22e: {  	[tilespmem:s25+$0x0] =	vst v1  }
0x22f: {  	v1 =	vld [tilespmem:s28+$0x7420];
	[tilespmem:s25+$0xFFFFFE10] =	vst v3  }
0x230: {  	v5 =	vld [tilespmem:s24+$0x7420];
	[tilespmem:s25+$0xFFFFFE90] =	vst v4  }
0x231: {  	v3 =	vld [tilespmem:s29+$0x7420];
	[tilespmem:s25+$0xFFFFFF90] =	vst v2  }
0x232: {  	v2 =	vld [tilespmem:s26+$0x7430];
	[tilespmem:s25+$0x1B0] =	vst v0  }
0x233: {  	v0 =	vld [tilespmem:s3+$0x7450]  }
0x234: {  	v4 =	vld [tilespmem:s10+$0x7430];
	[tilespmem:s25+$0xFFFFFF10] =	vst v1  }
0x235: {  	v1 =	vld [tilespmem:s1+$0x7420];
	[tilespmem:s25+$0x10] =	vst v5  }
0x236: {  	v5 =	vld [tilespmem:s28+$0x7430];
	[tilespmem:s25+$0x90] =	vst v3  }
0x237: {  	v3 =	vld [tilespmem:s5+$0x7430];
	[tilespmem:s25+$0xFFFFFEA0] =	vst v2  }
0x238: {  	v2 =	vld [tilespmem:s29+$0x7430];
	[tilespmem:s25+$0x1C0] =	vst v0  }
0x239: {  	[tilespmem:s25+$0xFFFFFE20] =	vst v4;
	v0 =	vld [tilespmem:s3+$0x7460]  }
0x23a: {  	[tilespmem:s25+$0x110] =	vst v1;
	v1 =	vld [tilespmem:s24+$0x7430]  }
0x23b: {  	[tilespmem:s25+$0xFFFFFF20] =	vst v5;
	v4 =	vld [tilespmem:s1+$0x7430]  }
0x23c: {  	v5 =	vld [tilespmem:s10+$0x7440];
	[tilespmem:s25+$0xFFFFFFA0] =	vst v3  }
0x23d: {  	v3 =	vld [tilespmem:s26+$0x7440];
	[tilespmem:s25+$0xA0] =	vst v2  }
0x23e: {  	v2 =	vld [tilespmem:s5+$0x7440];
	[tilespmem:s25+$0x1D0] =	vst v0  }
0x23f: {  	[tilespmem:s25+$0x20] =	vst v1;
	v0 =	vld [tilespmem:s3+$0x7470]  }
0x240: {  	v1 =	vld [tilespmem:s28+$0x7440];
	[tilespmem:s25+$0x120] =	vst v4  }
0x241: {  	[tilespmem:s25+$0xFFFFFE30] =	vst v5;
	v4 =	vld [tilespmem:s24+$0x7440]  }
0x242: {  	v5 =	vld [tilespmem:s29+$0x7440];
	[tilespmem:s25+$0xFFFFFEB0] =	vst v3  }
0x243: {  	v3 =	vld [tilespmem:s10+$0x7450];
	[tilespmem:s25+$0xFFFFFFB0] =	vst v2  }
0x244: {  	v2 =	vld [tilespmem:s26+$0x7450];
	[tilespmem:s25+$0x1E0] =	vst v0  }
0x245: {  	[tilespmem:s25+$0xFFFFFF30] =	vst v1;
	v0 =	vld [tilespmem:s3+$0x7480]  }
0x246: {  	v1 =	vld [tilespmem:s1+$0x7440];
	[tilespmem:s25+$0x30] =	vst v4  }
0x247: {  	v4 =	vld [tilespmem:s28+$0x7450];
	[tilespmem:s25+$0xB0] =	vst v5  }
0x248: {  	v5 =	vld [tilespmem:s5+$0x7450];
	[tilespmem:s25+$0xFFFFFE40] =	vst v3  }
0x249: {  	v7 =	vld [tilespmem:s10+$0x7460];
	[tilespmem:s25+$0xFFFFFEC0] =	vst v2  }
0x24a: {  	[tilespmem:s25+$0x1F0] =	vst v0;
	v0 =	vld [tilespmem:s24+$0x7450]  }
0x24b: {  	[tilespmem:s25+$0x130] =	vst v1;
	v1 =	vld [tilespmem:s29+$0x7450]  }
0x24c: {  	v6 =	vld [tilespmem:s1+$0x7450];
	[tilespmem:s25+$0xFFFFFF40] =	vst v4  }
0x24d: {  	v4 =	vld [tilespmem:s26+$0x7460];
	[tilespmem:s25+$0xFFFFFFC0] =	vst v5  }
0x24e: {  	v3 =	vld [tilespmem:s28+$0x7460];
	[tilespmem:s25+$0xFFFFFE50] =	vst v7  }
0x24f: {  	v2 =	vld [tilespmem:s5+$0x7460];
	[tilespmem:s25+$0x40] =	vst v0  }
0x250: {  	[tilespmem:s25+$0xC0] =	vst v1;
	v1 =	vld [tilespmem:s24+$0x7460]  }
0x251: {  	s13 =	simm.s32 $0x30F;
	s9 =	simm.s32 $0x0;
	s3 =	simm.s32 $0x1BA10;
	[tilespmem:s25+$0x140] =	vst v6;
	v0 =	vld [tilespmem:s29+$0x7460]  }
.LBB2_8:
0x252: {  	s8 =	sld [smem:s13+$0x0];
	s9 =	sadd.s32 $0x8, s9;
	[tilespmem:s25+$0xFFFFFED0] =	vst v4;
	v4 =	vld [tilespmem:s1+$0x7460]  }
0x253: {  	s15 =	sld [smem:s13+$0xFFFFFFFA];
	p1 =	slt.u32 s9, $0x78;
	v5 =	vld [tilespmem:s10+$0x7470];
	[tilespmem:s25+$0xFFFFFF50] =	vst v3  }
0x254: {  	s0 =	sld [smem:s13+$0xFFFFFFFB];
	v3 =	vld [tilespmem:s26+$0x7470];
	[tilespmem:s25+$0xFFFFFFD0] =	vst v2  }
0x255: {  	s30 =	sld [smem:s13+$0xFFFFFFFC];
	p0 =	slt.s32 s8, $0x200;
	v2 =	vld [tilespmem:s28+$0x7470];
	[tilespmem:s25+$0x50] =	vst v1;
	s11 =	smov.u32 s8  }
0x256: {  	p2 =	slt.s32 s15, $0x200;
	s6 =	sld [smem:s13+$0xFFFFFFFD];
	s11 =	simm.s32 @!p0 $0x200;
	v1 =	vld [tilespmem:s5+$0x7470];
	[tilespmem:s25+$0xD0] =	vst v0  }
0x257: {  	p0 =	sgt.s32 s8, $0x3E8;
	s12 =	smov.u32 s15;
	s7 =	sld [smem:s13+$0xFFFFFFFE]  }
0x258: {  	s14 =	sshll.u32 s11, $0x7;
	v0 =	vld [tilespmem:s24+$0x7470];
	[tilespmem:s25+$0x150] =	vst v4;
	p3 =	slt.s32 s0, $0x200;
	s12 =	simm.s32 @!p2 $0x200  }
0x259: {  	s16 =	smov.u32 s0;
	p5 =	sgt.s32 s0, $0x3E8;
	s8 =	sld [smem:s13+$0xFFFFFFFF]  }
0x25a: {  	s14 =	simm.s32 @p0 $0x10080;
	[tilespmem:s25+$0xFFFFFE60] =	vst v5;
	v4 =	vld [tilespmem:s29+$0x7470];
	p0 =	slt.s32 s30, $0x200;
	s16 =	simm.s32 @!p3 $0x200  }
0x25b: {  	s17 =	smov.u32 s30;
	p6 =	sgt.s32 s30, $0x3E8;
	s11 =	sld [smem:s13+$0xFFFFFFF9]  }
0x25c: {  	p4 =	slt.s32 s6, $0x200;
	v5 =	vld [tilespmem:s14+$0x7410];
	[tilespmem:s25+$0xFFFFFEE0] =	vst v3;
	s17 =	simm.s32 @!p0 $0x200;
	s18 =	smov.u32 s6  }
0x25d: {  	p2 =	slt.s32 s7, $0x200;
	[tilespmem:s25+$0xFFFFFF60] =	vst v2;
	v2 =	vld [tilespmem:s1+$0x7470];
	s18 =	simm.s32 @!p4 $0x200;
	s23 =	smov.u32 s7  }
0x25e: {  	p0 =	slt.s32 s8, $0x200;
	v3 =	vld [tilespmem:s10+$0x7480];
	[tilespmem:s25+$0xFFFFFFE0] =	vst v1;
	s23 =	simm.s32 @!p2 $0x200;
	s31 =	smov.u32 s8  }
0x25f: {  	p3 =	slt.s32 s11, $0x200;
	s31 =	simm.s32 @!p0 $0x200;
	v1 =	vld [tilespmem:s26+$0x7480];
	[tilespmem:s25+$0x60] =	vst v0;
	s10 =	smov.u32 s11  }
0x260: {  	s26 =	sshll.u32 s12, $0x7;
	s25 =	sadd.s32 $0x400, s25;
	s10 =	simm.s32 @!p3 $0x200;
	v0 =	vld [tilespmem:s28+$0x7480];
	[tilespmem:s3+$0xE0] =	vst v4  }
0x261: {  	s12 =	sshll.u32 s17, $0x7;
	s28 =	sshll.u32 s16, $0x7;
	s10 =	sshll.u32 s10, $0x7;
	[tilespmem:s25+$0x180] =	vst v5;
	v4 =	vld [tilespmem:s5+$0x7480]  }
0x262: {  	s17 =	sshll.u32 s23, $0x7;
	s16 =	sshll.u32 s18, $0x7;
	s18 =	sshll.u32 s31, $0x7;
	v5 =	vld [tilespmem:s14+$0x7420];
	[tilespmem:s3+$0x160] =	vst v2  }
0x263: {  	p4 =	sgt.s32 s15, $0x3E8;
	p2 =	sgt.s32 s7, $0x3E8;
	p0 =	sgt.s32 s11, $0x3E8;
	[tilespmem:s3+$0xFFFFFE70] =	vst v3;
	v2 =	vld [tilespmem:s24+$0x7480]  }
0x264: {  	p3 =	sgt.s32 s6, $0x3E8;
	s26 =	simm.s32 @p4 $0x10080;
	p4 =	sgt.s32 s8, $0x3E8;
	[tilespmem:s3+$0xFFFFFEF0] =	vst v1;
	v1 =	vld [tilespmem:s29+$0x7480]  }
0x265: {  	s28 =	simm.s32 @p5 $0x10080;
	s5 =	smov.u32 s12;
	s10 =	simm.s32 @p0 $0x10080;
	[tilespmem:s3+$0xFFFFFF70] =	vst v0;
	v0 =	vld [tilespmem:s1+$0x7480]  }
0x266: {  	s5 =	simm.s32 @p6 $0x10080;
	s24 =	smov.u32 s16;
	s29 =	smov.u32 s17;
	v3 =	vld [tilespmem:s10+$0x7410];
	[tilespmem:s3+$0xFFFFFFF0] =	vst v4  }
0x267: {  	s24 =	simm.s32 @p3 $0x10080;
	s29 =	simm.s32 @p2 $0x10080;
	s1 =	smov.u32 s18;
	v4 =	vld [tilespmem:s26+$0x7410];
	[tilespmem:s25+$0x190] =	vst v5  }
0x268: {  	s1 =	simm.s32 @p4 $0x10080;
	v5 =	vld [tilespmem:s14+$0x7430];
	[tilespmem:s3+$0x70] =	vst v2  }
0x269: {  	v2 =	vld [tilespmem:s28+$0x7410];
	[tilespmem:s3+$0xF0] =	vst v1  }
0x26a: {  	v1 =	vld [tilespmem:s5+$0x7410];
	[tilespmem:s3+$0x170] =	vst v0;
	s3 =	smov.u32 s25  }
0x26b: {  	[tilespmem:s25+$0xFFFFFE00] =	vst v3;
	v0 =	vld [tilespmem:s24+$0x7410]  }
0x26c: {  	[tilespmem:s25+$0xFFFFFE80] =	vst v4;
	v3 =	vld [tilespmem:s29+$0x7410]  }
0x26d: {  	v4 =	vld [tilespmem:s1+$0x7410];
	[tilespmem:s25+$0x1A0] =	vst v5  }
0x26e: {  	[tilespmem:s25+$0xFFFFFF00] =	vst v2;
	v2 =	vld [tilespmem:s14+$0x7440]  }
0x26f: {  	v5 =	vld [tilespmem:s10+$0x7420];
	[tilespmem:s25+$0xFFFFFF80] =	vst v1  }
0x270: {  	v1 =	vld [tilespmem:s26+$0x7420];
	[tilespmem:s25+$0x0] =	vst v0  }
0x271: {  	v0 =	vld [tilespmem:s28+$0x7420];
	[tilespmem:s25+$0x80] =	vst v3  }
0x272: {  	v3 =	vld [tilespmem:s5+$0x7420];
	[tilespmem:s25+$0x100] =	vst v4  }
0x273: {  	v4 =	vld [tilespmem:s24+$0x7420];
	[tilespmem:s25+$0x1B0] =	vst v2  }
0x274: {  	[tilespmem:s25+$0xFFFFFE10] =	vst v5;
	v2 =	vld [tilespmem:s14+$0x7450]  }
0x275: {  	[tilespmem:s25+$0xFFFFFE90] =	vst v1;
	v1 =	vld [tilespmem:s29+$0x7420]  }
0x276: {  	[tilespmem:s25+$0xFFFFFF10] =	vst v0;
	v0 =	vld [tilespmem:s1+$0x7420]  }
0x277: {  	v5 =	vld [tilespmem:s10+$0x7430];
	[tilespmem:s25+$0xFFFFFF90] =	vst v3  }
0x278: {  	v3 =	vld [tilespmem:s26+$0x7430];
	[tilespmem:s25+$0x10] =	vst v4  }
0x279: {  	v4 =	vld [tilespmem:s28+$0x7430];
	[tilespmem:s25+$0x1C0] =	vst v2  }
0x27a: {  	[tilespmem:s25+$0x90] =	vst v1;
	v1 =	vld [tilespmem:s14+$0x7460]  }
0x27b: {  	v2 =	vld [tilespmem:s5+$0x7430];
	[tilespmem:s25+$0x110] =	vst v0  }
0x27c: {  	[tilespmem:s25+$0xFFFFFE20] =	vst v5;
	v0 =	vld [tilespmem:s24+$0x7430]  }
0x27d: {  	[tilespmem:s25+$0xFFFFFEA0] =	vst v3;
	v3 =	vld [tilespmem:s29+$0x7430]  }
0x27e: {  	[tilespmem:s25+$0xFFFFFF20] =	vst v4;
	v4 =	vld [tilespmem:s1+$0x7430]  }
0x27f: {  	v5 =	vld [tilespmem:s10+$0x7440];
	[tilespmem:s25+$0x1D0] =	vst v1  }
0x280: {  	[tilespmem:s25+$0xFFFFFFA0] =	vst v2;
	v1 =	vld [tilespmem:s14+$0x7470]  }
0x281: {  	v2 =	vld [tilespmem:s26+$0x7440];
	[tilespmem:s25+$0x20] =	vst v0  }
0x282: {  	v0 =	vld [tilespmem:s28+$0x7440];
	[tilespmem:s25+$0xA0] =	vst v3  }
0x283: {  	v3 =	vld [tilespmem:s5+$0x7440];
	[tilespmem:s25+$0x120] =	vst v4  }
0x284: {  	[tilespmem:s25+$0xFFFFFE30] =	vst v5;
	v4 =	vld [tilespmem:s24+$0x7440]  }
0x285: {  	v5 =	vld [tilespmem:s29+$0x7440];
	[tilespmem:s25+$0x1E0] =	vst v1  }
0x286: {  	[tilespmem:s25+$0xFFFFFEB0] =	vst v2;
	v1 =	vld [tilespmem:s14+$0x7480]  }
0x287: {  	[tilespmem:s25+$0xFFFFFF30] =	vst v0;
	v0 =	vld [tilespmem:s1+$0x7440]  }
0x288: {  	v2 =	vld [tilespmem:s10+$0x7450];
	[tilespmem:s25+$0xFFFFFFB0] =	vst v3  }
0x289: {  	v3 =	vld [tilespmem:s26+$0x7450];
	[tilespmem:s25+$0x30] =	vst v4  }
0x28a: {  	v4 =	vld [tilespmem:s28+$0x7450];
	[tilespmem:s25+$0xB0] =	vst v5  }
0x28b: {  	v5 =	vld [tilespmem:s5+$0x7450];
	[tilespmem:s25+$0x1F0] =	vst v1  }
0x28c: {  	v1 =	vld [tilespmem:s24+$0x7450];
	[tilespmem:s25+$0x130] =	vst v0  }
0x28d: {  	[tilespmem:s25+$0xFFFFFE40] =	vst v2;
	v0 =	vld [tilespmem:s29+$0x7450]  }
0x28e: {  	[tilespmem:s25+$0xFFFFFEC0] =	vst v3;
	v6 =	vld [tilespmem:s1+$0x7450]  }
0x28f: {  	v7 =	vld [tilespmem:s10+$0x7460];
	[tilespmem:s25+$0xFFFFFF40] =	vst v4  }
.Ltmp3:
0x290: {  	v4 =	vld [tilespmem:s26+$0x7460];
	[tilespmem:s25+$0xFFFFFFC0] =	vst v5;
	(pc) =	sbr.rel @p1 .LBB2_8-.Ltmp3, $4  }
0x291: {  	v3 =	vld [tilespmem:s28+$0x7460];
	[tilespmem:s25+$0x40] =	vst v1  }
0x292: {  	v2 =	vld [tilespmem:s5+$0x7460];
	[tilespmem:s25+$0xC0] =	vst v0  }
0x293: {  	v1 =	vld [tilespmem:s24+$0x7460];
	[tilespmem:s25+$0x140] =	vst v6  }
0x294: {  	s13 =	sadd.s32 $0x8, s13;
	[tilespmem:s25+$0xFFFFFE50] =	vst v7;
	v0 =	vld [tilespmem:s29+$0x7460]  }
0x295: {  	[tilespmem:s25+$0xFFFFFED0] =	vst v4;
	v50 =	vld [tilespmem:s1+$0x7460]  }
0x296: {  	v5 =	vld [tilespmem:s10+$0x7470];
	[tilespmem:s25+$0xFFFFFF50] =	vst v3  }
0x297: {  	v51 =	vld [tilespmem:s26+$0x7470];
	[tilespmem:s25+$0xFFFFFFD0] =	vst v2  }
0x298: {  	v52 =	vld [tilespmem:s28+$0x7470];
	[tilespmem:s25+$0x50] =	vst v1  }
0x299: {  	v53 =	vld [tilespmem:s5+$0x7470];
	[tilespmem:s25+$0xD0] =	vst v0  }
0x29a: {  	v54 =	vld [tilespmem:s24+$0x7470];
	[tilespmem:s25+$0x150] =	vst v50  }
0x29b: {  	[tilespmem:s25+$0xFFFFFE60] =	vst v5;
	v55 =	vld [tilespmem:s29+$0x7470]  }
0x29c: {  	[tilespmem:s25+$0xFFFFFEE0] =	vst v51;
	v56 =	vld [tilespmem:s1+$0x7470]  }
0x29d: {  	v57 =	vld [tilespmem:s10+$0x7480];
	[tilespmem:s25+$0xFFFFFF60] =	vst v52  }
0x29e: {  	v58 =	vld [tilespmem:s26+$0x7480];
	[tilespmem:s25+$0xFFFFFFE0] =	vst v53  }
0x29f: {  	v59 =	vld [tilespmem:s28+$0x7480];
	[tilespmem:s25+$0x60] =	vst v54  }
0x2a0: {  	v60 =	vld [tilespmem:s5+$0x7480];
	[tilespmem:s3+$0xE0] =	vst v55  }
0x2a1: {  	v61 =	vld [tilespmem:s24+$0x7480];
	[tilespmem:s3+$0x160] =	vst v56  }
0x2a2: {  	[tilespmem:s3+$0xFFFFFE70] =	vst v57;
	v62 =	vld [tilespmem:s29+$0x7480]  }
0x2a3: {  	[tilespmem:s3+$0xFFFFFEF0] =	vst v58;
	v63 =	vld [tilespmem:s1+$0x7480]  }
0x2a4: {  	[tilespmem:s3+$0xFFFFFF70] =	vst v59  }
0x2a5: {  	[tilespmem:s3+$0xFFFFFFF0] =	vst v60  }
0x2a6: {  	[tilespmem:s3+$0x70] =	vst v61  }
0x2a7: {  	[tilespmem:s3+$0xF0] =	vst v62  }
0x2a8: {  	[tilespmem:s3+$0x170] =	vst v63  }
0x2a9: {  	s31 =	simm.s32 $0x1B810;
	s25 =	simm.s32 $0x0;
	s0 =	rddreg [dreg:$0xf]  }
0x2aa: {  	[hbm4b:s0+s25] =	stream.linear.scatter [tilespmem:s31], [sflag:$0x5], $0x4000, $0x38;
	[tilespmem:$0x1F810] =	vst v63  }
0x2ab: {  	_ =	swait.ge [sflag:s21], $0x4000  }
0x2ac: {  	[sflag:s21] =	ssyncset.done $0x0  }
0x2ad: {  	[sflag:s21] =	ssyncadd.s32 $0xFFFFC000  }
.LBB2_10:
0x2ae: {  	s28 =	sshll.u32 s25, $0x1  }
0x2af: {  	s1 =	simm.s32 $0x3;
	s26 =	sadd.s32 $0x2, s28  }
0x2b0: {  	_ =	swait.ge [sflag:s1], $0x200;
	s0 =	sshll.u32 s26, $0xC  }
0x2b1: {  	[sflag:s1] =	ssyncset.done $0x0;
	s16 =	rddreg [dreg:$0x8];
	s0 =	sand.u32 $0x3FFFE000, s0  }
0x2b2: {  	s2 =	simm.s32 $0x0;
	[sflag:s1] =	ssyncadd.s32 $0xFFFFFE00;
	s0 =	sadd.s32 s0, s16  }
0x2b3: {  	[smem:s2], [sflag:$0x2] =	stream.linear.gather [spmem:s0], $0x80, $0x38;
	[tilespmem:$0x1F810] =	vst v63  }
0x2b4: {  	s17 =	simm.s32 $0x100;
	s1 =	sadd.s32 $0x400, s0  }
0x2b5: {  	[smem:s17], [sflag:$0x2] =	stream.linear.gather [spmem:s1], $0x80, $0x38;
	[tilespmem:$0x1F810] =	vst v63  }
0x2b6: {  	s19 =	simm.s32 $0x200;
	s18 =	sadd.s32 $0x800, s0  }
0x2b7: {  	[smem:s19], [sflag:$0x2] =	stream.linear.gather [spmem:s18], $0x80, $0x38;
	[tilespmem:$0x1F810] =	vst v63  }
0x2b8: {  	s20 =	simm.s32 $0x300;
	s0 =	sadd.s32 $0xC00, s0  }
0x2b9: {  	[smem:s20], [sflag:$0x2] =	stream.linear.gather [spmem:s0], $0x80, $0x38;
	[tilespmem:$0x1F810] =	vst v63  }
0x2ba: {  	s0 =	sld [smem:$0x87]  }
0x2bb: {  	s3 =	sld [smem:$0x81]  }
0x2bc: {  	s5 =	sld [smem:$0x82]  }
0x2bd: {  	s29 =	simm.s32 $0x17A10;
	s6 =	sld [smem:$0x83];
	p0 =	slt.s32 s0, $0x200  }
0x2be: {  	p1 =	sgt.s32 s0, $0x3E8;
	s7 =	sld [smem:$0x84];
	s0 =	simm.s32 @!p0 $0x200  }
0x2bf: {  	p0 =	slt.s32 s3, $0x200;
	s8 =	sld [smem:$0x85];
	s9 =	sshll.u32 s0, $0x7  }
0x2c0: {  	s10 =	smov.u32 s3;
	s23 =	sld [smem:$0x86];
	s9 =	simm.s32 @p1 $0x10080  }
0x2c1: {  	s10 =	simm.s32 @!p0 $0x200;
	s11 =	smov.u32 s5;
	s1 =	sld [smem:$0x80];
	v0 =	vld [tilespmem:s9+$0x7410]  }
0x2c2: {  	p1 =	slt.s32 s5, $0x200;
	p2 =	slt.s32 s6, $0x200;
	s12 =	smov.u32 s6  }
0x2c3: {  	s30 =	sshll.u32 s10, $0x7;
	p3 =	slt.s32 s7, $0x200;
	s11 =	simm.s32 @!p1 $0x200  }
0x2c4: {  	s13 =	smov.u32 s7;
	s12 =	simm.s32 @!p2 $0x200;
	p1 =	slt.s32 s8, $0x200  }
0x2c5: {  	s13 =	simm.s32 @!p3 $0x200;
	s14 =	smov.u32 s8;
	p0 =	slt.s32 s1, $0x200  }
0x2c6: {  	p4 =	sgt.s32 s1, $0x3E8;
	s1 =	simm.s32 @!p0 $0x200;
	p0 =	sgt.s32 s3, $0x3E8;
	[tilespmem:s29+$0x180] =	vst v0  }
0x2c7: {  	s10 =	sshll.u32 s11, $0x7;
	p2 =	slt.s32 s23, $0x200;
	s30 =	simm.s32 @p0 $0x10080;
	v0 =	vld [tilespmem:s9+$0x7420]  }
0x2c8: {  	s14 =	simm.s32 @!p1 $0x200;
	p1 =	sgt.s32 s6, $0x3E8;
	s3 =	sshll.u32 s12, $0x7;
	v2 =	vld [tilespmem:s30+$0x7410]  }
0x2c9: {  	s15 =	smov.u32 s23;
	s1 =	sshll.u32 s1, $0x7;
	s3 =	simm.s32 @p1 $0x10080  }
0x2ca: {  	s15 =	simm.s32 @!p2 $0x200;
	p0 =	sgt.s32 s5, $0x3E8;
	s1 =	simm.s32 @p4 $0x10080;
	v4 =	vld [tilespmem:s3+$0x7410]  }
0x2cb: {  	s24 =	sshll.u32 s14, $0x7;
	p1 =	sgt.s32 s8, $0x3E8;
	s10 =	simm.s32 @p0 $0x10080;
	v1 =	vld [tilespmem:s1+$0x7410]  }
0x2cc: {  	s5 =	sshll.u32 s13, $0x7;
	p0 =	sgt.s32 s7, $0x3E8;
	s24 =	simm.s32 @p1 $0x10080;
	v3 =	vld [tilespmem:s10+$0x7410];
	[tilespmem:s29+$0x190] =	vst v0  }
0x2cd: {  	s31 =	sshll.u32 s15, $0x7;
	s5 =	simm.s32 @p0 $0x10080;
	p0 =	sgt.s32 s23, $0x3E8;
	[tilespmem:s29+$0xFFFFFE80] =	vst v2;
	v2 =	vld [tilespmem:s24+$0x7410]  }
0x2ce: {  	s31 =	simm.s32 @p0 $0x10080;
	v0 =	vld [tilespmem:s9+$0x7430]  }
0x2cf: {  	v5 =	vld [tilespmem:s31+$0x7410];
	[tilespmem:s29+$0xFFFFFF80] =	vst v4  }
0x2d0: {  	[tilespmem:s29+$0xFFFFFE00] =	vst v1;
	v1 =	vld [tilespmem:s5+$0x7410]  }
0x2d1: {  	[tilespmem:s29+$0xFFFFFF00] =	vst v3;
	v4 =	vld [tilespmem:s30+$0x7420]  }
0x2d2: {  	v3 =	vld [tilespmem:s1+$0x7420];
	[tilespmem:s29+$0x80] =	vst v2  }
0x2d3: {  	v2 =	vld [tilespmem:s3+$0x7420];
	[tilespmem:s29+$0x1A0] =	vst v0  }
0x2d4: {  	[tilespmem:s29+$0x100] =	vst v5;
	v0 =	vld [tilespmem:s9+$0x7440]  }
0x2d5: {  	[tilespmem:s29+$0x0] =	vst v1  }
0x2d6: {  	v1 =	vld [tilespmem:s10+$0x7420];
	[tilespmem:s29+$0xFFFFFE90] =	vst v4  }
0x2d7: {  	v5 =	vld [tilespmem:s5+$0x7420];
	[tilespmem:s29+$0xFFFFFE10] =	vst v3  }
0x2d8: {  	v3 =	vld [tilespmem:s24+$0x7420];
	[tilespmem:s29+$0xFFFFFF90] =	vst v2  }
0x2d9: {  	v2 =	vld [tilespmem:s30+$0x7430];
	[tilespmem:s29+$0x1B0] =	vst v0  }
0x2da: {  	v0 =	vld [tilespmem:s9+$0x7450]  }
0x2db: {  	v4 =	vld [tilespmem:s1+$0x7430];
	[tilespmem:s29+$0xFFFFFF10] =	vst v1  }
0x2dc: {  	v1 =	vld [tilespmem:s31+$0x7420];
	[tilespmem:s29+$0x10] =	vst v5  }
0x2dd: {  	v5 =	vld [tilespmem:s10+$0x7430];
	[tilespmem:s29+$0x90] =	vst v3  }
0x2de: {  	v3 =	vld [tilespmem:s3+$0x7430];
	[tilespmem:s29+$0xFFFFFEA0] =	vst v2  }
0x2df: {  	v2 =	vld [tilespmem:s24+$0x7430];
	[tilespmem:s29+$0x1C0] =	vst v0  }
0x2e0: {  	[tilespmem:s29+$0xFFFFFE20] =	vst v4;
	v0 =	vld [tilespmem:s9+$0x7460]  }
0x2e1: {  	[tilespmem:s29+$0x110] =	vst v1;
	v1 =	vld [tilespmem:s5+$0x7430]  }
0x2e2: {  	[tilespmem:s29+$0xFFFFFF20] =	vst v5;
	v4 =	vld [tilespmem:s31+$0x7430]  }
0x2e3: {  	v5 =	vld [tilespmem:s1+$0x7440];
	[tilespmem:s29+$0xFFFFFFA0] =	vst v3  }
0x2e4: {  	v3 =	vld [tilespmem:s30+$0x7440];
	[tilespmem:s29+$0xA0] =	vst v2  }
0x2e5: {  	v2 =	vld [tilespmem:s3+$0x7440];
	[tilespmem:s29+$0x1D0] =	vst v0  }
0x2e6: {  	[tilespmem:s29+$0x20] =	vst v1;
	v0 =	vld [tilespmem:s9+$0x7470]  }
0x2e7: {  	v1 =	vld [tilespmem:s10+$0x7440];
	[tilespmem:s29+$0x120] =	vst v4  }
0x2e8: {  	[tilespmem:s29+$0xFFFFFE30] =	vst v5;
	v4 =	vld [tilespmem:s5+$0x7440]  }
0x2e9: {  	v5 =	vld [tilespmem:s24+$0x7440];
	[tilespmem:s29+$0xFFFFFEB0] =	vst v3  }
0x2ea: {  	v3 =	vld [tilespmem:s1+$0x7450];
	[tilespmem:s29+$0xFFFFFFB0] =	vst v2  }
0x2eb: {  	v2 =	vld [tilespmem:s30+$0x7450];
	[tilespmem:s29+$0x1E0] =	vst v0  }
0x2ec: {  	[tilespmem:s29+$0xFFFFFF30] =	vst v1;
	v0 =	vld [tilespmem:s9+$0x7480]  }
0x2ed: {  	v1 =	vld [tilespmem:s31+$0x7440];
	[tilespmem:s29+$0x30] =	vst v4  }
0x2ee: {  	v4 =	vld [tilespmem:s10+$0x7450];
	[tilespmem:s29+$0xB0] =	vst v5  }
0x2ef: {  	v5 =	vld [tilespmem:s3+$0x7450];
	[tilespmem:s29+$0xFFFFFE40] =	vst v3  }
0x2f0: {  	v7 =	vld [tilespmem:s1+$0x7460];
	[tilespmem:s29+$0xFFFFFEC0] =	vst v2  }
0x2f1: {  	[tilespmem:s29+$0x1F0] =	vst v0;
	v0 =	vld [tilespmem:s5+$0x7450]  }
0x2f2: {  	[tilespmem:s29+$0x130] =	vst v1;
	v1 =	vld [tilespmem:s24+$0x7450]  }
0x2f3: {  	v6 =	vld [tilespmem:s31+$0x7450];
	[tilespmem:s29+$0xFFFFFF40] =	vst v4  }
0x2f4: {  	v4 =	vld [tilespmem:s30+$0x7460];
	[tilespmem:s29+$0xFFFFFFC0] =	vst v5  }
0x2f5: {  	v3 =	vld [tilespmem:s10+$0x7460];
	[tilespmem:s29+$0xFFFFFE50] =	vst v7  }
0x2f6: {  	v2 =	vld [tilespmem:s3+$0x7460];
	[tilespmem:s29+$0x40] =	vst v0  }
0x2f7: {  	s4 =	simm.s32 $0x1B810;
	s21 =	simm.s32 $0x0;
	[tilespmem:s29+$0xC0] =	vst v1;
	v1 =	vld [tilespmem:s5+$0x7460]  }
0x2f8: {  	s14 =	simm.s32 $0x8F;
	s13 =	simm.s32 $0x0;
	s9 =	simm.s32 $0x17A10;
	[tilespmem:s29+$0x140] =	vst v6;
	v0 =	vld [tilespmem:s24+$0x7460]  }
.LBB2_11:
0x2f9: {  	s11 =	sld [smem:s14+$0x0];
	s13 =	sadd.s32 $0x8, s13;
	[tilespmem:s29+$0xFFFFFED0] =	vst v4;
	v4 =	vld [tilespmem:s31+$0x7460]  }
0x2fa: {  	s0 =	sld [smem:s14+$0xFFFFFFFA];
	p1 =	slt.u32 s13, $0x78;
	v5 =	vld [tilespmem:s1+$0x7470];
	[tilespmem:s29+$0xFFFFFF50] =	vst v3  }
0x2fb: {  	s6 =	sld [smem:s14+$0xFFFFFFFB];
	v3 =	vld [tilespmem:s30+$0x7470];
	[tilespmem:s29+$0xFFFFFFD0] =	vst v2  }
0x2fc: {  	s7 =	sld [smem:s14+$0xFFFFFFFC];
	p0 =	slt.s32 s11, $0x200;
	v2 =	vld [tilespmem:s10+$0x7470];
	[tilespmem:s29+$0x50] =	vst v1;
	s15 =	smov.u32 s11  }
0x2fd: {  	p2 =	slt.s32 s0, $0x200;
	s19 =	sld [smem:s14+$0xFFFFFFFD];
	s15 =	simm.s32 @!p0 $0x200;
	v1 =	vld [tilespmem:s3+$0x7470];
	[tilespmem:s29+$0xD0] =	vst v0  }
0x2fe: {  	p0 =	sgt.s32 s11, $0x3E8;
	s16 =	smov.u32 s0;
	s20 =	sld [smem:s14+$0xFFFFFFFE]  }
0x2ff: {  	s15 =	sshll.u32 s15, $0x7;
	v0 =	vld [tilespmem:s5+$0x7470];
	[tilespmem:s29+$0x150] =	vst v4;
	p3 =	slt.s32 s6, $0x200;
	s16 =	simm.s32 @!p2 $0x200  }
0x300: {  	s17 =	smov.u32 s6;
	p5 =	sgt.s32 s6, $0x3E8;
	s2 =	sld [smem:s14+$0xFFFFFFFF]  }
0x301: {  	s15 =	simm.s32 @p0 $0x10080;
	[tilespmem:s29+$0xFFFFFE60] =	vst v5;
	v4 =	vld [tilespmem:s24+$0x7470];
	p0 =	slt.s32 s7, $0x200;
	s17 =	simm.s32 @!p3 $0x200  }
0x302: {  	s18 =	smov.u32 s7;
	p6 =	sgt.s32 s7, $0x3E8;
	s11 =	sld [smem:s14+$0xFFFFFFF9]  }
0x303: {  	p4 =	slt.s32 s19, $0x200;
	v5 =	vld [tilespmem:s15+$0x7410];
	[tilespmem:s29+$0xFFFFFEE0] =	vst v3;
	s18 =	simm.s32 @!p0 $0x200;
	s8 =	smov.u32 s19  }
0x304: {  	p2 =	slt.s32 s20, $0x200;
	[tilespmem:s29+$0xFFFFFF60] =	vst v2;
	v2 =	vld [tilespmem:s31+$0x7470];
	s8 =	simm.s32 @!p4 $0x200;
	s12 =	smov.u32 s20  }
0x305: {  	p0 =	slt.s32 s2, $0x200;
	v3 =	vld [tilespmem:s1+$0x7480];
	[tilespmem:s29+$0xFFFFFFE0] =	vst v1;
	s12 =	simm.s32 @!p2 $0x200;
	s23 =	smov.u32 s2  }
0x306: {  	p3 =	slt.s32 s11, $0x200;
	s23 =	simm.s32 @!p0 $0x200;
	v1 =	vld [tilespmem:s30+$0x7480];
	[tilespmem:s29+$0x60] =	vst v0;
	s1 =	smov.u32 s11  }
0x307: {  	s30 =	sshll.u32 s16, $0x7;
	s29 =	sadd.s32 $0x400, s29;
	s1 =	simm.s32 @!p3 $0x200;
	v0 =	vld [tilespmem:s10+$0x7480];
	[tilespmem:s9+$0xE0] =	vst v4  }
0x308: {  	s16 =	sshll.u32 s18, $0x7;
	s10 =	sshll.u32 s17, $0x7;
	s1 =	sshll.u32 s1, $0x7;
	[tilespmem:s29+$0x180] =	vst v5;
	v4 =	vld [tilespmem:s3+$0x7480]  }
0x309: {  	s8 =	sshll.u32 s8, $0x7;
	s12 =	sshll.u32 s12, $0x7;
	s17 =	sshll.u32 s23, $0x7;
	v5 =	vld [tilespmem:s15+$0x7420];
	[tilespmem:s9+$0x160] =	vst v2  }
0x30a: {  	p4 =	sgt.s32 s0, $0x3E8;
	p2 =	sgt.s32 s20, $0x3E8;
	p0 =	sgt.s32 s11, $0x3E8;
	[tilespmem:s9+$0xFFFFFE70] =	vst v3;
	v2 =	vld [tilespmem:s5+$0x7480]  }
0x30b: {  	p3 =	sgt.s32 s19, $0x3E8;
	s30 =	simm.s32 @p4 $0x10080;
	p4 =	sgt.s32 s2, $0x3E8;
	[tilespmem:s9+$0xFFFFFEF0] =	vst v1;
	v1 =	vld [tilespmem:s24+$0x7480]  }
0x30c: {  	s10 =	simm.s32 @p5 $0x10080;
	s3 =	smov.u32 s16;
	s1 =	simm.s32 @p0 $0x10080;
	[tilespmem:s9+$0xFFFFFF70] =	vst v0;
	v0 =	vld [tilespmem:s31+$0x7480]  }
0x30d: {  	s3 =	simm.s32 @p6 $0x10080;
	s5 =	smov.u32 s8;
	s24 =	smov.u32 s12;
	v3 =	vld [tilespmem:s1+$0x7410];
	[tilespmem:s9+$0xFFFFFFF0] =	vst v4  }
0x30e: {  	s5 =	simm.s32 @p3 $0x10080;
	s24 =	simm.s32 @p2 $0x10080;
	s31 =	smov.u32 s17;
	v4 =	vld [tilespmem:s30+$0x7410];
	[tilespmem:s29+$0x190] =	vst v5  }
0x30f: {  	s31 =	simm.s32 @p4 $0x10080;
	v5 =	vld [tilespmem:s15+$0x7430];
	[tilespmem:s9+$0x70] =	vst v2  }
0x310: {  	v2 =	vld [tilespmem:s10+$0x7410];
	[tilespmem:s9+$0xF0] =	vst v1  }
0x311: {  	v1 =	vld [tilespmem:s3+$0x7410];
	[tilespmem:s9+$0x170] =	vst v0;
	s9 =	smov.u32 s29  }
0x312: {  	[tilespmem:s29+$0xFFFFFE00] =	vst v3;
	v0 =	vld [tilespmem:s5+$0x7410]  }
0x313: {  	[tilespmem:s29+$0xFFFFFE80] =	vst v4;
	v3 =	vld [tilespmem:s24+$0x7410]  }
0x314: {  	v4 =	vld [tilespmem:s31+$0x7410];
	[tilespmem:s29+$0x1A0] =	vst v5  }
0x315: {  	[tilespmem:s29+$0xFFFFFF00] =	vst v2;
	v2 =	vld [tilespmem:s15+$0x7440]  }
0x316: {  	v5 =	vld [tilespmem:s1+$0x7420];
	[tilespmem:s29+$0xFFFFFF80] =	vst v1  }
0x317: {  	v1 =	vld [tilespmem:s30+$0x7420];
	[tilespmem:s29+$0x0] =	vst v0  }
0x318: {  	v0 =	vld [tilespmem:s10+$0x7420];
	[tilespmem:s29+$0x80] =	vst v3  }
0x319: {  	v3 =	vld [tilespmem:s3+$0x7420];
	[tilespmem:s29+$0x100] =	vst v4  }
0x31a: {  	v4 =	vld [tilespmem:s5+$0x7420];
	[tilespmem:s29+$0x1B0] =	vst v2  }
0x31b: {  	[tilespmem:s29+$0xFFFFFE10] =	vst v5;
	v2 =	vld [tilespmem:s15+$0x7450]  }
0x31c: {  	[tilespmem:s29+$0xFFFFFE90] =	vst v1;
	v1 =	vld [tilespmem:s24+$0x7420]  }
0x31d: {  	[tilespmem:s29+$0xFFFFFF10] =	vst v0;
	v0 =	vld [tilespmem:s31+$0x7420]  }
0x31e: {  	v5 =	vld [tilespmem:s1+$0x7430];
	[tilespmem:s29+$0xFFFFFF90] =	vst v3  }
0x31f: {  	v3 =	vld [tilespmem:s30+$0x7430];
	[tilespmem:s29+$0x10] =	vst v4  }
0x320: {  	v4 =	vld [tilespmem:s10+$0x7430];
	[tilespmem:s29+$0x1C0] =	vst v2  }
0x321: {  	[tilespmem:s29+$0x90] =	vst v1;
	v1 =	vld [tilespmem:s15+$0x7460]  }
0x322: {  	v2 =	vld [tilespmem:s3+$0x7430];
	[tilespmem:s29+$0x110] =	vst v0  }
0x323: {  	[tilespmem:s29+$0xFFFFFE20] =	vst v5;
	v0 =	vld [tilespmem:s5+$0x7430]  }
0x324: {  	[tilespmem:s29+$0xFFFFFEA0] =	vst v3;
	v3 =	vld [tilespmem:s24+$0x7430]  }
0x325: {  	[tilespmem:s29+$0xFFFFFF20] =	vst v4;
	v4 =	vld [tilespmem:s31+$0x7430]  }
0x326: {  	v5 =	vld [tilespmem:s1+$0x7440];
	[tilespmem:s29+$0x1D0] =	vst v1  }
0x327: {  	[tilespmem:s29+$0xFFFFFFA0] =	vst v2;
	v1 =	vld [tilespmem:s15+$0x7470]  }
0x328: {  	v2 =	vld [tilespmem:s30+$0x7440];
	[tilespmem:s29+$0x20] =	vst v0  }
0x329: {  	v0 =	vld [tilespmem:s10+$0x7440];
	[tilespmem:s29+$0xA0] =	vst v3  }
0x32a: {  	v3 =	vld [tilespmem:s3+$0x7440];
	[tilespmem:s29+$0x120] =	vst v4  }
0x32b: {  	[tilespmem:s29+$0xFFFFFE30] =	vst v5;
	v4 =	vld [tilespmem:s5+$0x7440]  }
0x32c: {  	v5 =	vld [tilespmem:s24+$0x7440];
	[tilespmem:s29+$0x1E0] =	vst v1  }
0x32d: {  	[tilespmem:s29+$0xFFFFFEB0] =	vst v2;
	v1 =	vld [tilespmem:s15+$0x7480]  }
0x32e: {  	[tilespmem:s29+$0xFFFFFF30] =	vst v0;
	v0 =	vld [tilespmem:s31+$0x7440]  }
0x32f: {  	v2 =	vld [tilespmem:s1+$0x7450];
	[tilespmem:s29+$0xFFFFFFB0] =	vst v3  }
0x330: {  	v3 =	vld [tilespmem:s30+$0x7450];
	[tilespmem:s29+$0x30] =	vst v4  }
0x331: {  	v4 =	vld [tilespmem:s10+$0x7450];
	[tilespmem:s29+$0xB0] =	vst v5  }
0x332: {  	v5 =	vld [tilespmem:s3+$0x7450];
	[tilespmem:s29+$0x1F0] =	vst v1  }
0x333: {  	v1 =	vld [tilespmem:s5+$0x7450];
	[tilespmem:s29+$0x130] =	vst v0  }
0x334: {  	[tilespmem:s29+$0xFFFFFE40] =	vst v2;
	v0 =	vld [tilespmem:s24+$0x7450]  }
0x335: {  	[tilespmem:s29+$0xFFFFFEC0] =	vst v3;
	v6 =	vld [tilespmem:s31+$0x7450]  }
0x336: {  	v7 =	vld [tilespmem:s1+$0x7460];
	[tilespmem:s29+$0xFFFFFF40] =	vst v4  }
.Ltmp4:
0x337: {  	v4 =	vld [tilespmem:s30+$0x7460];
	[tilespmem:s29+$0xFFFFFFC0] =	vst v5;
	(pc) =	sbr.rel @p1 .LBB2_11-.Ltmp4, $4  }
0x338: {  	v3 =	vld [tilespmem:s10+$0x7460];
	[tilespmem:s29+$0x40] =	vst v1  }
0x339: {  	v2 =	vld [tilespmem:s3+$0x7460];
	[tilespmem:s29+$0xC0] =	vst v0  }
0x33a: {  	v1 =	vld [tilespmem:s5+$0x7460];
	[tilespmem:s29+$0x140] =	vst v6  }
0x33b: {  	s14 =	sadd.s32 $0x8, s14;
	[tilespmem:s29+$0xFFFFFE50] =	vst v7;
	v0 =	vld [tilespmem:s24+$0x7460]  }
0x33c: {  	[tilespmem:s29+$0xFFFFFED0] =	vst v4;
	v4 =	vld [tilespmem:s31+$0x7460]  }
0x33d: {  	v5 =	vld [tilespmem:s1+$0x7470];
	[tilespmem:s29+$0xFFFFFF50] =	vst v3  }
0x33e: {  	v3 =	vld [tilespmem:s30+$0x7470];
	[tilespmem:s29+$0xFFFFFFD0] =	vst v2  }
0x33f: {  	v2 =	vld [tilespmem:s10+$0x7470];
	[tilespmem:s29+$0x50] =	vst v1  }
0x340: {  	v1 =	vld [tilespmem:s3+$0x7470];
	[tilespmem:s29+$0xD0] =	vst v0  }
0x341: {  	v0 =	vld [tilespmem:s5+$0x7470];
	[tilespmem:s29+$0x150] =	vst v4  }
0x342: {  	[tilespmem:s29+$0xFFFFFE60] =	vst v5;
	v4 =	vld [tilespmem:s24+$0x7470]  }
0x343: {  	[tilespmem:s29+$0xFFFFFEE0] =	vst v3;
	v3 =	vld [tilespmem:s31+$0x7470]  }
0x344: {  	[tilespmem:s29+$0xFFFFFF60] =	vst v2;
	v2 =	vld [tilespmem:s1+$0x7480]  }
0x345: {  	[tilespmem:s29+$0xFFFFFFE0] =	vst v1;
	v1 =	vld [tilespmem:s30+$0x7480]  }
0x346: {  	[tilespmem:s29+$0x60] =	vst v0;
	v0 =	vld [tilespmem:s10+$0x7480]  }
0x347: {  	[tilespmem:s9+$0xE0] =	vst v4;
	v4 =	vld [tilespmem:s3+$0x7480]  }
0x348: {  	[tilespmem:s9+$0x160] =	vst v3;
	v3 =	vld [tilespmem:s5+$0x7480]  }
0x349: {  	[tilespmem:s9+$0xFFFFFE70] =	vst v2  }
0x34a: {  	[tilespmem:s9+$0xFFFFFEF0] =	vst v1  }
0x34b: {  	v2 =	vld [tilespmem:s24+$0x7480];
	[tilespmem:s9+$0xFFFFFF70] =	vst v0  }
0x34c: {  	v1 =	vld [tilespmem:s31+$0x7480];
	[tilespmem:s9+$0xFFFFFFF0] =	vst v4  }
0x34d: {  	s28 =	sor.u32 $0x1, s28;
	[tilespmem:s9+$0x70] =	vst v3  }
0x34e: {  	s0 =	sshll.u32 s28, $0x10;
	s17 =	rddreg [dreg:$0xb]  }
0x34f: {  	s0 =	sadd.s32 s17, s0  }
0x350: {  	s18 =	rddreg [dreg:$0x2];
	[tilespmem:s9+$0xF0] =	vst v2;
	s0 =	sshrl.u32 s0, $0x3  }
0x351: {  	s19 =	simm.s32 $0x17810;
	[tilespmem:s9+$0x170] =	vst v1;
	s0 =	sadd.s32 s18, s0  }
0x352: {  	[hbm4b:s0+s21] =	stream.linear.scatter [tilespmem:s19], [sflag:$0x4], $0x4000, $0x38;
	[tilespmem:$0x1F810] =	vst v63  }
0x353: {  	_ =	swait.ge [sflag:s22], $0x4000  }
0x354: {  	[sflag:s22] =	ssyncset.done $0x0  }
0x355: {  	[sflag:s22] =	ssyncadd.s32 $0xFFFFC000  }
0x356: {  	s0 =	sld [smem:$0x187]  }
0x357: {  	s2 =	sld [smem:$0x181]  }
0x358: {  	s20 =	sld [smem:$0x182]  }
0x359: {  	s29 =	simm.s32 $0x1BA10;
	s21 =	sld [smem:$0x183];
	p0 =	slt.s32 s0, $0x200  }
0x35a: {  	p1 =	sgt.s32 s0, $0x3E8;
	s6 =	sld [smem:$0x184];
	s0 =	simm.s32 @!p0 $0x200  }
0x35b: {  	p0 =	slt.s32 s2, $0x200;
	s7 =	sld [smem:$0x185];
	s9 =	sshll.u32 s0, $0x7  }
0x35c: {  	s8 =	smov.u32 s2;
	s23 =	sld [smem:$0x186];
	s9 =	simm.s32 @p1 $0x10080  }
0x35d: {  	s8 =	simm.s32 @!p0 $0x200;
	s10 =	smov.u32 s20;
	s1 =	sld [smem:$0x180];
	v0 =	vld [tilespmem:s9+$0x7410]  }
0x35e: {  	p1 =	slt.s32 s20, $0x200;
	p2 =	slt.s32 s21, $0x200;
	s11 =	smov.u32 s21  }
0x35f: {  	s30 =	sshll.u32 s8, $0x7;
	p3 =	slt.s32 s6, $0x200;
	s10 =	simm.s32 @!p1 $0x200  }
0x360: {  	s12 =	smov.u32 s6;
	s11 =	simm.s32 @!p2 $0x200;
	p1 =	slt.s32 s7, $0x200  }
0x361: {  	s12 =	simm.s32 @!p3 $0x200;
	s13 =	smov.u32 s7;
	p0 =	slt.s32 s1, $0x200  }
0x362: {  	p4 =	sgt.s32 s1, $0x3E8;
	s1 =	simm.s32 @!p0 $0x200;
	p0 =	sgt.s32 s2, $0x3E8;
	[tilespmem:s29+$0x180] =	vst v0  }
0x363: {  	s10 =	sshll.u32 s10, $0x7;
	s3 =	sshll.u32 s11, $0x7;
	s30 =	simm.s32 @p0 $0x10080;
	v0 =	vld [tilespmem:s9+$0x7420]  }
0x364: {  	p2 =	slt.s32 s23, $0x200;
	s13 =	simm.s32 @!p1 $0x200;
	p1 =	sgt.s32 s21, $0x3E8;
	v2 =	vld [tilespmem:s30+$0x7410]  }
0x365: {  	s5 =	sshll.u32 s12, $0x7;
	s3 =	simm.s32 @p1 $0x10080;
	s1 =	sshll.u32 s1, $0x7  }
0x366: {  	s31 =	sshll.u32 s13, $0x7;
	v4 =	vld [tilespmem:s3+$0x7410];
	p0 =	sgt.s32 s20, $0x3E8;
	s1 =	simm.s32 @p4 $0x10080  }
0x367: {  	p1 =	sgt.s32 s7, $0x3E8;
	s2 =	smov.u32 s23;
	s10 =	simm.s32 @p0 $0x10080;
	v1 =	vld [tilespmem:s1+$0x7410]  }
0x368: {  	s31 =	simm.s32 @p1 $0x10080;
	s2 =	simm.s32 @!p2 $0x200;
	p0 =	sgt.s32 s6, $0x3E8;
	v3 =	vld [tilespmem:s10+$0x7410];
	[tilespmem:s29+$0x190] =	vst v0  }
0x369: {  	s24 =	sshll.u32 s2, $0x7;
	s5 =	simm.s32 @p0 $0x10080;
	p0 =	sgt.s32 s23, $0x3E8;
	[tilespmem:s29+$0xFFFFFE80] =	vst v2;
	v2 =	vld [tilespmem:s31+$0x7410]  }
0x36a: {  	s24 =	simm.s32 @p0 $0x10080;
	v0 =	vld [tilespmem:s9+$0x7430]  }
0x36b: {  	v5 =	vld [tilespmem:s24+$0x7410];
	[tilespmem:s29+$0xFFFFFF80] =	vst v4  }
0x36c: {  	[tilespmem:s29+$0xFFFFFE00] =	vst v1;
	v1 =	vld [tilespmem:s5+$0x7410]  }
0x36d: {  	[tilespmem:s29+$0xFFFFFF00] =	vst v3;
	v4 =	vld [tilespmem:s30+$0x7420]  }
0x36e: {  	v3 =	vld [tilespmem:s1+$0x7420];
	[tilespmem:s29+$0x80] =	vst v2  }
0x36f: {  	v2 =	vld [tilespmem:s3+$0x7420];
	[tilespmem:s29+$0x1A0] =	vst v0  }
0x370: {  	[tilespmem:s29+$0x100] =	vst v5;
	v0 =	vld [tilespmem:s9+$0x7440]  }
0x371: {  	[tilespmem:s29+$0x0] =	vst v1  }
0x372: {  	v1 =	vld [tilespmem:s10+$0x7420];
	[tilespmem:s29+$0xFFFFFE90] =	vst v4  }
0x373: {  	v5 =	vld [tilespmem:s5+$0x7420];
	[tilespmem:s29+$0xFFFFFE10] =	vst v3  }
0x374: {  	v3 =	vld [tilespmem:s31+$0x7420];
	[tilespmem:s29+$0xFFFFFF90] =	vst v2  }
0x375: {  	v2 =	vld [tilespmem:s30+$0x7430];
	[tilespmem:s29+$0x1B0] =	vst v0  }
0x376: {  	v0 =	vld [tilespmem:s9+$0x7450]  }
0x377: {  	v4 =	vld [tilespmem:s1+$0x7430];
	[tilespmem:s29+$0xFFFFFF10] =	vst v1  }
0x378: {  	v1 =	vld [tilespmem:s24+$0x7420];
	[tilespmem:s29+$0x10] =	vst v5  }
0x379: {  	v5 =	vld [tilespmem:s10+$0x7430];
	[tilespmem:s29+$0x90] =	vst v3  }
0x37a: {  	v3 =	vld [tilespmem:s3+$0x7430];
	[tilespmem:s29+$0xFFFFFEA0] =	vst v2  }
0x37b: {  	v2 =	vld [tilespmem:s31+$0x7430];
	[tilespmem:s29+$0x1C0] =	vst v0  }
0x37c: {  	[tilespmem:s29+$0xFFFFFE20] =	vst v4;
	v0 =	vld [tilespmem:s9+$0x7460]  }
0x37d: {  	[tilespmem:s29+$0x110] =	vst v1;
	v1 =	vld [tilespmem:s5+$0x7430]  }
0x37e: {  	[tilespmem:s29+$0xFFFFFF20] =	vst v5;
	v4 =	vld [tilespmem:s24+$0x7430]  }
0x37f: {  	v5 =	vld [tilespmem:s1+$0x7440];
	[tilespmem:s29+$0xFFFFFFA0] =	vst v3  }
0x380: {  	v3 =	vld [tilespmem:s30+$0x7440];
	[tilespmem:s29+$0xA0] =	vst v2  }
0x381: {  	v2 =	vld [tilespmem:s3+$0x7440];
	[tilespmem:s29+$0x1D0] =	vst v0  }
0x382: {  	[tilespmem:s29+$0x20] =	vst v1;
	v0 =	vld [tilespmem:s9+$0x7470]  }
0x383: {  	v1 =	vld [tilespmem:s10+$0x7440];
	[tilespmem:s29+$0x120] =	vst v4  }
0x384: {  	[tilespmem:s29+$0xFFFFFE30] =	vst v5;
	v4 =	vld [tilespmem:s5+$0x7440]  }
0x385: {  	v5 =	vld [tilespmem:s31+$0x7440];
	[tilespmem:s29+$0xFFFFFEB0] =	vst v3  }
0x386: {  	v3 =	vld [tilespmem:s1+$0x7450];
	[tilespmem:s29+$0xFFFFFFB0] =	vst v2  }
0x387: {  	v2 =	vld [tilespmem:s30+$0x7450];
	[tilespmem:s29+$0x1E0] =	vst v0  }
0x388: {  	[tilespmem:s29+$0xFFFFFF30] =	vst v1;
	v0 =	vld [tilespmem:s9+$0x7480]  }
0x389: {  	v1 =	vld [tilespmem:s24+$0x7440];
	[tilespmem:s29+$0x30] =	vst v4  }
0x38a: {  	v4 =	vld [tilespmem:s10+$0x7450];
	[tilespmem:s29+$0xB0] =	vst v5  }
0x38b: {  	v5 =	vld [tilespmem:s3+$0x7450];
	[tilespmem:s29+$0xFFFFFE40] =	vst v3  }
0x38c: {  	v7 =	vld [tilespmem:s1+$0x7460];
	[tilespmem:s29+$0xFFFFFEC0] =	vst v2  }
0x38d: {  	[tilespmem:s29+$0x1F0] =	vst v0;
	v0 =	vld [tilespmem:s5+$0x7450]  }
0x38e: {  	[tilespmem:s29+$0x130] =	vst v1;
	v1 =	vld [tilespmem:s31+$0x7450]  }
0x38f: {  	v6 =	vld [tilespmem:s24+$0x7450];
	[tilespmem:s29+$0xFFFFFF40] =	vst v4  }
0x390: {  	v4 =	vld [tilespmem:s30+$0x7460];
	[tilespmem:s29+$0xFFFFFFC0] =	vst v5  }
0x391: {  	v3 =	vld [tilespmem:s10+$0x7460];
	[tilespmem:s29+$0xFFFFFE50] =	vst v7  }
0x392: {  	v2 =	vld [tilespmem:s3+$0x7460];
	[tilespmem:s29+$0x40] =	vst v0  }
0x393: {  	[tilespmem:s29+$0xC0] =	vst v1;
	v1 =	vld [tilespmem:s5+$0x7460]  }
0x394: {  	s14 =	simm.s32 $0x18F;
	s13 =	simm.s32 $0x0;
	s9 =	simm.s32 $0x1BA10;
	[tilespmem:s29+$0x140] =	vst v6;
	v0 =	vld [tilespmem:s31+$0x7460]  }
.LBB2_13:
0x395: {  	s2 =	sld [smem:s14+$0x0];
	s13 =	sadd.s32 $0x8, s13;
	[tilespmem:s29+$0xFFFFFED0] =	vst v4;
	v4 =	vld [tilespmem:s24+$0x7460]  }
0x396: {  	s0 =	sld [smem:s14+$0xFFFFFFFA];
	p1 =	slt.u32 s13, $0x78;
	v5 =	vld [tilespmem:s1+$0x7470];
	[tilespmem:s29+$0xFFFFFF50] =	vst v3  }
0x397: {  	s6 =	sld [smem:s14+$0xFFFFFFFB];
	v3 =	vld [tilespmem:s30+$0x7470];
	[tilespmem:s29+$0xFFFFFFD0] =	vst v2  }
0x398: {  	s7 =	sld [smem:s14+$0xFFFFFFFC];
	p0 =	slt.s32 s2, $0x200;
	v2 =	vld [tilespmem:s10+$0x7470];
	[tilespmem:s29+$0x50] =	vst v1;
	s11 =	smov.u32 s2  }
0x399: {  	p2 =	slt.s32 s0, $0x200;
	s8 =	sld [smem:s14+$0xFFFFFFFD];
	s11 =	simm.s32 @!p0 $0x200;
	v1 =	vld [tilespmem:s3+$0x7470];
	[tilespmem:s29+$0xD0] =	vst v0  }
0x39a: {  	p0 =	sgt.s32 s2, $0x3E8;
	s12 =	sld [smem:s14+$0xFFFFFFFE];
	s15 =	sshll.u32 s11, $0x7  }
0x39b: {  	v0 =	vld [tilespmem:s5+$0x7470];
	[tilespmem:s29+$0x150] =	vst v4;
	p3 =	slt.s32 s6, $0x200;
	s11 =	smov.u32 s0;
	s16 =	smov.u32 s6  }
0x39c: {  	p5 =	sgt.s32 s6, $0x3E8;
	s23 =	sld [smem:s14+$0xFFFFFFFF];
	s15 =	simm.s32 @p0 $0x10080  }
0x39d: {  	[tilespmem:s29+$0xFFFFFE60] =	vst v5;
	v4 =	vld [tilespmem:s31+$0x7470];
	p0 =	slt.s32 s7, $0x200;
	s11 =	simm.s32 @!p2 $0x200;
	s16 =	simm.s32 @!p3 $0x200  }
0x39e: {  	s17 =	smov.u32 s7;
	p6 =	sgt.s32 s7, $0x3E8;
	s2 =	sld [smem:s14+$0xFFFFFFF9]  }
0x39f: {  	p4 =	slt.s32 s8, $0x200;
	v5 =	vld [tilespmem:s15+$0x7410];
	[tilespmem:s29+$0xFFFFFEE0] =	vst v3;
	s17 =	simm.s32 @!p0 $0x200;
	s18 =	smov.u32 s8  }
0x3a0: {  	p2 =	slt.s32 s12, $0x200;
	[tilespmem:s29+$0xFFFFFF60] =	vst v2;
	v2 =	vld [tilespmem:s24+$0x7470];
	s18 =	simm.s32 @!p4 $0x200;
	s19 =	smov.u32 s12  }
0x3a1: {  	p0 =	slt.s32 s23, $0x200;
	v3 =	vld [tilespmem:s1+$0x7480];
	[tilespmem:s29+$0xFFFFFFE0] =	vst v1;
	s19 =	simm.s32 @!p2 $0x200;
	s20 =	smov.u32 s23  }
0x3a2: {  	p3 =	slt.s32 s2, $0x200;
	s20 =	simm.s32 @!p0 $0x200;
	v1 =	vld [tilespmem:s30+$0x7480];
	[tilespmem:s29+$0x60] =	vst v0;
	s1 =	smov.u32 s2  }
0x3a3: {  	s30 =	sshll.u32 s11, $0x7;
	s29 =	sadd.s32 $0x400, s29;
	s1 =	simm.s32 @!p3 $0x200;
	v0 =	vld [tilespmem:s10+$0x7480];
	[tilespmem:s9+$0xE0] =	vst v4  }
0x3a4: {  	s11 =	sshll.u32 s17, $0x7;
	s10 =	sshll.u32 s16, $0x7;
	s1 =	sshll.u32 s1, $0x7;
	[tilespmem:s29+$0x180] =	vst v5;
	v4 =	vld [tilespmem:s3+$0x7480]  }
0x3a5: {  	s17 =	sshll.u32 s19, $0x7;
	s16 =	sshll.u32 s18, $0x7;
	s18 =	sshll.u32 s20, $0x7;
	v5 =	vld [tilespmem:s15+$0x7420];
	[tilespmem:s9+$0x160] =	vst v2  }
0x3a6: {  	p4 =	sgt.s32 s0, $0x3E8;
	p2 =	sgt.s32 s12, $0x3E8;
	p0 =	sgt.s32 s2, $0x3E8;
	[tilespmem:s9+$0xFFFFFE70] =	vst v3;
	v2 =	vld [tilespmem:s5+$0x7480]  }
0x3a7: {  	p3 =	sgt.s32 s8, $0x3E8;
	s30 =	simm.s32 @p4 $0x10080;
	p4 =	sgt.s32 s23, $0x3E8;
	[tilespmem:s9+$0xFFFFFEF0] =	vst v1;
	v1 =	vld [tilespmem:s31+$0x7480]  }
0x3a8: {  	s10 =	simm.s32 @p5 $0x10080;
	s3 =	smov.u32 s11;
	s1 =	simm.s32 @p0 $0x10080;
	[tilespmem:s9+$0xFFFFFF70] =	vst v0;
	v0 =	vld [tilespmem:s24+$0x7480]  }
0x3a9: {  	s3 =	simm.s32 @p6 $0x10080;
	s5 =	smov.u32 s16;
	s31 =	smov.u32 s17;
	v3 =	vld [tilespmem:s1+$0x7410];
	[tilespmem:s9+$0xFFFFFFF0] =	vst v4  }
0x3aa: {  	s5 =	simm.s32 @p3 $0x10080;
	s31 =	simm.s32 @p2 $0x10080;
	s24 =	smov.u32 s18;
	v4 =	vld [tilespmem:s30+$0x7410];
	[tilespmem:s29+$0x190] =	vst v5  }
0x3ab: {  	s24 =	simm.s32 @p4 $0x10080;
	v5 =	vld [tilespmem:s15+$0x7430];
	[tilespmem:s9+$0x70] =	vst v2  }
0x3ac: {  	v2 =	vld [tilespmem:s10+$0x7410];
	[tilespmem:s9+$0xF0] =	vst v1  }
0x3ad: {  	v1 =	vld [tilespmem:s3+$0x7410];
	[tilespmem:s9+$0x170] =	vst v0;
	s9 =	smov.u32 s29  }
0x3ae: {  	[tilespmem:s29+$0xFFFFFE00] =	vst v3;
	v0 =	vld [tilespmem:s5+$0x7410]  }
0x3af: {  	[tilespmem:s29+$0xFFFFFE80] =	vst v4;
	v3 =	vld [tilespmem:s31+$0x7410]  }
0x3b0: {  	v4 =	vld [tilespmem:s24+$0x7410];
	[tilespmem:s29+$0x1A0] =	vst v5  }
0x3b1: {  	[tilespmem:s29+$0xFFFFFF00] =	vst v2;
	v2 =	vld [tilespmem:s15+$0x7440]  }
0x3b2: {  	v5 =	vld [tilespmem:s1+$0x7420];
	[tilespmem:s29+$0xFFFFFF80] =	vst v1  }
0x3b3: {  	v1 =	vld [tilespmem:s30+$0x7420];
	[tilespmem:s29+$0x0] =	vst v0  }
0x3b4: {  	v0 =	vld [tilespmem:s10+$0x7420];
	[tilespmem:s29+$0x80] =	vst v3  }
0x3b5: {  	v3 =	vld [tilespmem:s3+$0x7420];
	[tilespmem:s29+$0x100] =	vst v4  }
0x3b6: {  	v4 =	vld [tilespmem:s5+$0x7420];
	[tilespmem:s29+$0x1B0] =	vst v2  }
0x3b7: {  	[tilespmem:s29+$0xFFFFFE10] =	vst v5;
	v2 =	vld [tilespmem:s15+$0x7450]  }
0x3b8: {  	[tilespmem:s29+$0xFFFFFE90] =	vst v1;
	v1 =	vld [tilespmem:s31+$0x7420]  }
0x3b9: {  	[tilespmem:s29+$0xFFFFFF10] =	vst v0;
	v0 =	vld [tilespmem:s24+$0x7420]  }
0x3ba: {  	v5 =	vld [tilespmem:s1+$0x7430];
	[tilespmem:s29+$0xFFFFFF90] =	vst v3  }
0x3bb: {  	v3 =	vld [tilespmem:s30+$0x7430];
	[tilespmem:s29+$0x10] =	vst v4  }
0x3bc: {  	v4 =	vld [tilespmem:s10+$0x7430];
	[tilespmem:s29+$0x1C0] =	vst v2  }
0x3bd: {  	[tilespmem:s29+$0x90] =	vst v1;
	v1 =	vld [tilespmem:s15+$0x7460]  }
0x3be: {  	v2 =	vld [tilespmem:s3+$0x7430];
	[tilespmem:s29+$0x110] =	vst v0  }
0x3bf: {  	[tilespmem:s29+$0xFFFFFE20] =	vst v5;
	v0 =	vld [tilespmem:s5+$0x7430]  }
0x3c0: {  	[tilespmem:s29+$0xFFFFFEA0] =	vst v3;
	v3 =	vld [tilespmem:s31+$0x7430]  }
0x3c1: {  	[tilespmem:s29+$0xFFFFFF20] =	vst v4;
	v4 =	vld [tilespmem:s24+$0x7430]  }
0x3c2: {  	v5 =	vld [tilespmem:s1+$0x7440];
	[tilespmem:s29+$0x1D0] =	vst v1  }
0x3c3: {  	[tilespmem:s29+$0xFFFFFFA0] =	vst v2;
	v1 =	vld [tilespmem:s15+$0x7470]  }
0x3c4: {  	v2 =	vld [tilespmem:s30+$0x7440];
	[tilespmem:s29+$0x20] =	vst v0  }
0x3c5: {  	v0 =	vld [tilespmem:s10+$0x7440];
	[tilespmem:s29+$0xA0] =	vst v3  }
0x3c6: {  	v3 =	vld [tilespmem:s3+$0x7440];
	[tilespmem:s29+$0x120] =	vst v4  }
0x3c7: {  	[tilespmem:s29+$0xFFFFFE30] =	vst v5;
	v4 =	vld [tilespmem:s5+$0x7440]  }
0x3c8: {  	v5 =	vld [tilespmem:s31+$0x7440];
	[tilespmem:s29+$0x1E0] =	vst v1  }
0x3c9: {  	[tilespmem:s29+$0xFFFFFEB0] =	vst v2;
	v1 =	vld [tilespmem:s15+$0x7480]  }
0x3ca: {  	[tilespmem:s29+$0xFFFFFF30] =	vst v0;
	v0 =	vld [tilespmem:s24+$0x7440]  }
0x3cb: {  	v2 =	vld [tilespmem:s1+$0x7450];
	[tilespmem:s29+$0xFFFFFFB0] =	vst v3  }
0x3cc: {  	v3 =	vld [tilespmem:s30+$0x7450];
	[tilespmem:s29+$0x30] =	vst v4  }
0x3cd: {  	v4 =	vld [tilespmem:s10+$0x7450];
	[tilespmem:s29+$0xB0] =	vst v5  }
0x3ce: {  	v5 =	vld [tilespmem:s3+$0x7450];
	[tilespmem:s29+$0x1F0] =	vst v1  }
0x3cf: {  	v1 =	vld [tilespmem:s5+$0x7450];
	[tilespmem:s29+$0x130] =	vst v0  }
0x3d0: {  	[tilespmem:s29+$0xFFFFFE40] =	vst v2;
	v0 =	vld [tilespmem:s31+$0x7450]  }
0x3d1: {  	[tilespmem:s29+$0xFFFFFEC0] =	vst v3;
	v6 =	vld [tilespmem:s24+$0x7450]  }
0x3d2: {  	v7 =	vld [tilespmem:s1+$0x7460];
	[tilespmem:s29+$0xFFFFFF40] =	vst v4  }
.Ltmp5:
0x3d3: {  	v4 =	vld [tilespmem:s30+$0x7460];
	[tilespmem:s29+$0xFFFFFFC0] =	vst v5;
	(pc) =	sbr.rel @p1 .LBB2_13-.Ltmp5, $4  }
0x3d4: {  	v3 =	vld [tilespmem:s10+$0x7460];
	[tilespmem:s29+$0x40] =	vst v1  }
0x3d5: {  	v2 =	vld [tilespmem:s3+$0x7460];
	[tilespmem:s29+$0xC0] =	vst v0  }
0x3d6: {  	v1 =	vld [tilespmem:s5+$0x7460];
	[tilespmem:s29+$0x140] =	vst v6  }
0x3d7: {  	s14 =	sadd.s32 $0x8, s14;
	[tilespmem:s29+$0xFFFFFE50] =	vst v7;
	v0 =	vld [tilespmem:s31+$0x7460]  }
0x3d8: {  	[tilespmem:s29+$0xFFFFFED0] =	vst v4;
	v4 =	vld [tilespmem:s24+$0x7460]  }
0x3d9: {  	v5 =	vld [tilespmem:s1+$0x7470];
	[tilespmem:s29+$0xFFFFFF50] =	vst v3  }
0x3da: {  	v3 =	vld [tilespmem:s30+$0x7470];
	[tilespmem:s29+$0xFFFFFFD0] =	vst v2  }
0x3db: {  	v2 =	vld [tilespmem:s10+$0x7470];
	[tilespmem:s29+$0x50] =	vst v1  }
0x3dc: {  	v1 =	vld [tilespmem:s3+$0x7470];
	[tilespmem:s29+$0xD0] =	vst v0  }
0x3dd: {  	v0 =	vld [tilespmem:s5+$0x7470];
	[tilespmem:s29+$0x150] =	vst v4  }
0x3de: {  	[tilespmem:s29+$0xFFFFFE60] =	vst v5;
	v4 =	vld [tilespmem:s31+$0x7470]  }
0x3df: {  	[tilespmem:s29+$0xFFFFFEE0] =	vst v3;
	v3 =	vld [tilespmem:s24+$0x7470]  }
0x3e0: {  	[tilespmem:s29+$0xFFFFFF60] =	vst v2;
	v2 =	vld [tilespmem:s1+$0x7480]  }
0x3e1: {  	[tilespmem:s29+$0xFFFFFFE0] =	vst v1;
	v1 =	vld [tilespmem:s30+$0x7480]  }
0x3e2: {  	[tilespmem:s29+$0x60] =	vst v0;
	v0 =	vld [tilespmem:s10+$0x7480]  }
0x3e3: {  	[tilespmem:s9+$0xE0] =	vst v4;
	v4 =	vld [tilespmem:s3+$0x7480]  }
0x3e4: {  	[tilespmem:s9+$0x160] =	vst v3;
	v3 =	vld [tilespmem:s5+$0x7480]  }
0x3e5: {  	[tilespmem:s9+$0xFFFFFE70] =	vst v2  }
0x3e6: {  	[tilespmem:s9+$0xFFFFFEF0] =	vst v1  }
0x3e7: {  	v2 =	vld [tilespmem:s31+$0x7480];
	[tilespmem:s9+$0xFFFFFF70] =	vst v0  }
0x3e8: {  	v1 =	vld [tilespmem:s24+$0x7480];
	[tilespmem:s9+$0xFFFFFFF0] =	vst v4  }
0x3e9: {  	[tilespmem:s9+$0x70] =	vst v3  }
0x3ea: {  	s28 =	sshll.u32 s28, $0x9;
	s0 =	rddreg [dreg:$0x10]  }
0x3eb: {  	s0 =	sadd.s32 s28, s0  }
0x3ec: {  	s17 =	rddreg [dreg:$0x2];
	[tilespmem:s9+$0xF0] =	vst v2;
	s0 =	sshll.u32 s0, $0x4  }
0x3ed: {  	s18 =	simm.s32 $0x0;
	s21 =	simm.s32 $0x4;
	[tilespmem:s9+$0x170] =	vst v1;
	s0 =	sadd.s32 s17, s0  }
0x3ee: {  	[hbm4b:s0+s18] =	stream.linear.scatter [tilespmem:s4], [sflag:$0x5], $0x4000, $0x38;
	[tilespmem:$0x1F810] =	vst v63  }
0x3ef: {  	_ =	swait.ge [sflag:s21], $0x4000  }
0x3f0: {  	[sflag:s21] =	ssyncset.done $0x0  }
0x3f1: {  	[sflag:s21] =	ssyncadd.s32 $0xFFFFC000  }
0x3f2: {  	s0 =	sld [smem:$0x287]  }
0x3f3: {  	s2 =	sld [smem:$0x281]  }
0x3f4: {  	s19 =	sld [smem:$0x282]  }
0x3f5: {  	s29 =	simm.s32 $0x17A10;
	s20 =	sld [smem:$0x283];
	p0 =	slt.s32 s0, $0x200  }
0x3f6: {  	p1 =	sgt.s32 s0, $0x3E8;
	s6 =	sld [smem:$0x284];
	s0 =	simm.s32 @!p0 $0x200  }
0x3f7: {  	p0 =	slt.s32 s2, $0x200;
	s7 =	sld [smem:$0x285];
	s9 =	sshll.u32 s0, $0x7  }
0x3f8: {  	s8 =	smov.u32 s2;
	s23 =	sld [smem:$0x286];
	s9 =	simm.s32 @p1 $0x10080  }
0x3f9: {  	s8 =	simm.s32 @!p0 $0x200;
	s10 =	smov.u32 s19;
	s1 =	sld [smem:$0x280];
	v0 =	vld [tilespmem:s9+$0x7410]  }
0x3fa: {  	p1 =	slt.s32 s19, $0x200;
	p2 =	slt.s32 s20, $0x200;
	s11 =	smov.u32 s20  }
0x3fb: {  	s30 =	sshll.u32 s8, $0x7;
	p3 =	slt.s32 s6, $0x200;
	s10 =	simm.s32 @!p1 $0x200  }
0x3fc: {  	s12 =	smov.u32 s6;
	s11 =	simm.s32 @!p2 $0x200;
	p1 =	slt.s32 s7, $0x200  }
0x3fd: {  	s12 =	simm.s32 @!p3 $0x200;
	s13 =	smov.u32 s7;
	p0 =	slt.s32 s1, $0x200  }
0x3fe: {  	p4 =	sgt.s32 s1, $0x3E8;
	s1 =	simm.s32 @!p0 $0x200;
	p0 =	sgt.s32 s2, $0x3E8;
	[tilespmem:s29+$0x180] =	vst v0  }
0x3ff: {  	s10 =	sshll.u32 s10, $0x7;
	s3 =	sshll.u32 s11, $0x7;
	s30 =	simm.s32 @p0 $0x10080;
	v0 =	vld [tilespmem:s9+$0x7420]  }
0x400: {  	p2 =	slt.s32 s23, $0x200;
	s13 =	simm.s32 @!p1 $0x200;
	p1 =	sgt.s32 s20, $0x3E8;
	v2 =	vld [tilespmem:s30+$0x7410]  }
0x401: {  	s5 =	sshll.u32 s12, $0x7;
	s3 =	simm.s32 @p1 $0x10080;
	s1 =	sshll.u32 s1, $0x7  }
0x402: {  	s31 =	sshll.u32 s13, $0x7;
	v4 =	vld [tilespmem:s3+$0x7410];
	p0 =	sgt.s32 s19, $0x3E8;
	s1 =	simm.s32 @p4 $0x10080  }
0x403: {  	p1 =	sgt.s32 s7, $0x3E8;
	s2 =	smov.u32 s23;
	s10 =	simm.s32 @p0 $0x10080;
	v1 =	vld [tilespmem:s1+$0x7410]  }
0x404: {  	s31 =	simm.s32 @p1 $0x10080;
	s2 =	simm.s32 @!p2 $0x200;
	p0 =	sgt.s32 s6, $0x3E8;
	v3 =	vld [tilespmem:s10+$0x7410];
	[tilespmem:s29+$0x190] =	vst v0  }
0x405: {  	s24 =	sshll.u32 s2, $0x7;
	s5 =	simm.s32 @p0 $0x10080;
	p0 =	sgt.s32 s23, $0x3E8;
	[tilespmem:s29+$0xFFFFFE80] =	vst v2;
	v2 =	vld [tilespmem:s31+$0x7410]  }
0x406: {  	s24 =	simm.s32 @p0 $0x10080;
	v0 =	vld [tilespmem:s9+$0x7430]  }
0x407: {  	v5 =	vld [tilespmem:s24+$0x7410];
	[tilespmem:s29+$0xFFFFFF80] =	vst v4  }
0x408: {  	[tilespmem:s29+$0xFFFFFE00] =	vst v1;
	v1 =	vld [tilespmem:s5+$0x7410]  }
0x409: {  	[tilespmem:s29+$0xFFFFFF00] =	vst v3;
	v4 =	vld [tilespmem:s30+$0x7420]  }
0x40a: {  	v3 =	vld [tilespmem:s1+$0x7420];
	[tilespmem:s29+$0x80] =	vst v2  }
0x40b: {  	v2 =	vld [tilespmem:s3+$0x7420];
	[tilespmem:s29+$0x1A0] =	vst v0  }
0x40c: {  	[tilespmem:s29+$0x100] =	vst v5;
	v0 =	vld [tilespmem:s9+$0x7440]  }
0x40d: {  	[tilespmem:s29+$0x0] =	vst v1  }
0x40e: {  	v1 =	vld [tilespmem:s10+$0x7420];
	[tilespmem:s29+$0xFFFFFE90] =	vst v4  }
0x40f: {  	v5 =	vld [tilespmem:s5+$0x7420];
	[tilespmem:s29+$0xFFFFFE10] =	vst v3  }
0x410: {  	v3 =	vld [tilespmem:s31+$0x7420];
	[tilespmem:s29+$0xFFFFFF90] =	vst v2  }
0x411: {  	v2 =	vld [tilespmem:s30+$0x7430];
	[tilespmem:s29+$0x1B0] =	vst v0  }
0x412: {  	v0 =	vld [tilespmem:s9+$0x7450]  }
0x413: {  	v4 =	vld [tilespmem:s1+$0x7430];
	[tilespmem:s29+$0xFFFFFF10] =	vst v1  }
0x414: {  	v1 =	vld [tilespmem:s24+$0x7420];
	[tilespmem:s29+$0x10] =	vst v5  }
0x415: {  	v5 =	vld [tilespmem:s10+$0x7430];
	[tilespmem:s29+$0x90] =	vst v3  }
0x416: {  	v3 =	vld [tilespmem:s3+$0x7430];
	[tilespmem:s29+$0xFFFFFEA0] =	vst v2  }
0x417: {  	v2 =	vld [tilespmem:s31+$0x7430];
	[tilespmem:s29+$0x1C0] =	vst v0  }
0x418: {  	[tilespmem:s29+$0xFFFFFE20] =	vst v4;
	v0 =	vld [tilespmem:s9+$0x7460]  }
0x419: {  	[tilespmem:s29+$0x110] =	vst v1;
	v1 =	vld [tilespmem:s5+$0x7430]  }
0x41a: {  	[tilespmem:s29+$0xFFFFFF20] =	vst v5;
	v4 =	vld [tilespmem:s24+$0x7430]  }
0x41b: {  	v5 =	vld [tilespmem:s1+$0x7440];
	[tilespmem:s29+$0xFFFFFFA0] =	vst v3  }
0x41c: {  	v3 =	vld [tilespmem:s30+$0x7440];
	[tilespmem:s29+$0xA0] =	vst v2  }
0x41d: {  	v2 =	vld [tilespmem:s3+$0x7440];
	[tilespmem:s29+$0x1D0] =	vst v0  }
0x41e: {  	[tilespmem:s29+$0x20] =	vst v1;
	v0 =	vld [tilespmem:s9+$0x7470]  }
0x41f: {  	v1 =	vld [tilespmem:s10+$0x7440];
	[tilespmem:s29+$0x120] =	vst v4  }
0x420: {  	[tilespmem:s29+$0xFFFFFE30] =	vst v5;
	v4 =	vld [tilespmem:s5+$0x7440]  }
0x421: {  	v5 =	vld [tilespmem:s31+$0x7440];
	[tilespmem:s29+$0xFFFFFEB0] =	vst v3  }
0x422: {  	v3 =	vld [tilespmem:s1+$0x7450];
	[tilespmem:s29+$0xFFFFFFB0] =	vst v2  }
0x423: {  	v2 =	vld [tilespmem:s30+$0x7450];
	[tilespmem:s29+$0x1E0] =	vst v0  }
0x424: {  	[tilespmem:s29+$0xFFFFFF30] =	vst v1;
	v0 =	vld [tilespmem:s9+$0x7480]  }
0x425: {  	v1 =	vld [tilespmem:s24+$0x7440];
	[tilespmem:s29+$0x30] =	vst v4  }
0x426: {  	v4 =	vld [tilespmem:s10+$0x7450];
	[tilespmem:s29+$0xB0] =	vst v5  }
0x427: {  	v5 =	vld [tilespmem:s3+$0x7450];
	[tilespmem:s29+$0xFFFFFE40] =	vst v3  }
0x428: {  	v7 =	vld [tilespmem:s1+$0x7460];
	[tilespmem:s29+$0xFFFFFEC0] =	vst v2  }
0x429: {  	[tilespmem:s29+$0x1F0] =	vst v0;
	v0 =	vld [tilespmem:s5+$0x7450]  }
0x42a: {  	[tilespmem:s29+$0x130] =	vst v1;
	v1 =	vld [tilespmem:s31+$0x7450]  }
0x42b: {  	v6 =	vld [tilespmem:s24+$0x7450];
	[tilespmem:s29+$0xFFFFFF40] =	vst v4  }
0x42c: {  	v4 =	vld [tilespmem:s30+$0x7460];
	[tilespmem:s29+$0xFFFFFFC0] =	vst v5  }
0x42d: {  	v3 =	vld [tilespmem:s10+$0x7460];
	[tilespmem:s29+$0xFFFFFE50] =	vst v7  }
0x42e: {  	v2 =	vld [tilespmem:s3+$0x7460];
	[tilespmem:s29+$0x40] =	vst v0  }
0x42f: {  	s14 =	simm.s32 $0x28F;
	[tilespmem:s29+$0xC0] =	vst v1;
	v1 =	vld [tilespmem:s5+$0x7460]  }
0x430: {  	s4 =	simm.s32 $0x0;
	s13 =	simm.s32 $0x0;
	s9 =	simm.s32 $0x17A10;
	[tilespmem:s29+$0x140] =	vst v6;
	v0 =	vld [tilespmem:s31+$0x7460]  }
.LBB2_15:
0x431: {  	s2 =	sld [smem:s14+$0x0];
	s13 =	sadd.s32 $0x8, s13;
	[tilespmem:s29+$0xFFFFFED0] =	vst v4;
	v4 =	vld [tilespmem:s24+$0x7460]  }
0x432: {  	s0 =	sld [smem:s14+$0xFFFFFFFA];
	p1 =	slt.u32 s13, $0x78;
	v5 =	vld [tilespmem:s1+$0x7470];
	[tilespmem:s29+$0xFFFFFF50] =	vst v3  }
0x433: {  	s6 =	sld [smem:s14+$0xFFFFFFFB];
	v3 =	vld [tilespmem:s30+$0x7470];
	[tilespmem:s29+$0xFFFFFFD0] =	vst v2  }
0x434: {  	s7 =	sld [smem:s14+$0xFFFFFFFC];
	p0 =	slt.s32 s2, $0x200;
	v2 =	vld [tilespmem:s10+$0x7470];
	[tilespmem:s29+$0x50] =	vst v1;
	s11 =	smov.u32 s2  }
0x435: {  	p2 =	slt.s32 s0, $0x200;
	s8 =	sld [smem:s14+$0xFFFFFFFD];
	s11 =	simm.s32 @!p0 $0x200;
	v1 =	vld [tilespmem:s3+$0x7470];
	[tilespmem:s29+$0xD0] =	vst v0  }
0x436: {  	p0 =	sgt.s32 s2, $0x3E8;
	s12 =	sld [smem:s14+$0xFFFFFFFE];
	s15 =	sshll.u32 s11, $0x7  }
0x437: {  	v0 =	vld [tilespmem:s5+$0x7470];
	[tilespmem:s29+$0x150] =	vst v4;
	p3 =	slt.s32 s6, $0x200;
	s11 =	smov.u32 s0;
	s16 =	smov.u32 s6  }
0x438: {  	p5 =	sgt.s32 s6, $0x3E8;
	s23 =	sld [smem:s14+$0xFFFFFFFF];
	s15 =	simm.s32 @p0 $0x10080  }
0x439: {  	[tilespmem:s29+$0xFFFFFE60] =	vst v5;
	v4 =	vld [tilespmem:s31+$0x7470];
	p0 =	slt.s32 s7, $0x200;
	s11 =	simm.s32 @!p2 $0x200;
	s16 =	simm.s32 @!p3 $0x200  }
0x43a: {  	s17 =	smov.u32 s7;
	p6 =	sgt.s32 s7, $0x3E8;
	s2 =	sld [smem:s14+$0xFFFFFFF9]  }
0x43b: {  	p4 =	slt.s32 s8, $0x200;
	v5 =	vld [tilespmem:s15+$0x7410];
	[tilespmem:s29+$0xFFFFFEE0] =	vst v3;
	s17 =	simm.s32 @!p0 $0x200;
	s18 =	smov.u32 s8  }
0x43c: {  	p2 =	slt.s32 s12, $0x200;
	[tilespmem:s29+$0xFFFFFF60] =	vst v2;
	v2 =	vld [tilespmem:s24+$0x7470];
	s18 =	simm.s32 @!p4 $0x200;
	s19 =	smov.u32 s12  }
0x43d: {  	p0 =	slt.s32 s23, $0x200;
	v3 =	vld [tilespmem:s1+$0x7480];
	[tilespmem:s29+$0xFFFFFFE0] =	vst v1;
	s19 =	simm.s32 @!p2 $0x200;
	s20 =	smov.u32 s23  }
0x43e: {  	p3 =	slt.s32 s2, $0x200;
	s20 =	simm.s32 @!p0 $0x200;
	v1 =	vld [tilespmem:s30+$0x7480];
	[tilespmem:s29+$0x60] =	vst v0;
	s1 =	smov.u32 s2  }
0x43f: {  	s30 =	sshll.u32 s11, $0x7;
	s29 =	sadd.s32 $0x400, s29;
	s1 =	simm.s32 @!p3 $0x200;
	v0 =	vld [tilespmem:s10+$0x7480];
	[tilespmem:s9+$0xE0] =	vst v4  }
0x440: {  	s11 =	sshll.u32 s17, $0x7;
	s10 =	sshll.u32 s16, $0x7;
	s1 =	sshll.u32 s1, $0x7;
	[tilespmem:s29+$0x180] =	vst v5;
	v4 =	vld [tilespmem:s3+$0x7480]  }
0x441: {  	s17 =	sshll.u32 s19, $0x7;
	s16 =	sshll.u32 s18, $0x7;
	s18 =	sshll.u32 s20, $0x7;
	v5 =	vld [tilespmem:s15+$0x7420];
	[tilespmem:s9+$0x160] =	vst v2  }
0x442: {  	p4 =	sgt.s32 s0, $0x3E8;
	p2 =	sgt.s32 s12, $0x3E8;
	p0 =	sgt.s32 s2, $0x3E8;
	[tilespmem:s9+$0xFFFFFE70] =	vst v3;
	v2 =	vld [tilespmem:s5+$0x7480]  }
0x443: {  	p3 =	sgt.s32 s8, $0x3E8;
	s30 =	simm.s32 @p4 $0x10080;
	p4 =	sgt.s32 s23, $0x3E8;
	[tilespmem:s9+$0xFFFFFEF0] =	vst v1;
	v1 =	vld [tilespmem:s31+$0x7480]  }
0x444: {  	s10 =	simm.s32 @p5 $0x10080;
	s3 =	smov.u32 s11;
	s1 =	simm.s32 @p0 $0x10080;
	[tilespmem:s9+$0xFFFFFF70] =	vst v0;
	v0 =	vld [tilespmem:s24+$0x7480]  }
0x445: {  	s3 =	simm.s32 @p6 $0x10080;
	s5 =	smov.u32 s16;
	s31 =	smov.u32 s17;
	v3 =	vld [tilespmem:s1+$0x7410];
	[tilespmem:s9+$0xFFFFFFF0] =	vst v4  }
0x446: {  	s5 =	simm.s32 @p3 $0x10080;
	s31 =	simm.s32 @p2 $0x10080;
	s24 =	smov.u32 s18;
	v4 =	vld [tilespmem:s30+$0x7410];
	[tilespmem:s29+$0x190] =	vst v5  }
0x447: {  	s24 =	simm.s32 @p4 $0x10080;
	v5 =	vld [tilespmem:s15+$0x7430];
	[tilespmem:s9+$0x70] =	vst v2  }
0x448: {  	v2 =	vld [tilespmem:s10+$0x7410];
	[tilespmem:s9+$0xF0] =	vst v1  }
0x449: {  	v1 =	vld [tilespmem:s3+$0x7410];
	[tilespmem:s9+$0x170] =	vst v0;
	s9 =	smov.u32 s29  }
0x44a: {  	[tilespmem:s29+$0xFFFFFE00] =	vst v3;
	v0 =	vld [tilespmem:s5+$0x7410]  }
0x44b: {  	[tilespmem:s29+$0xFFFFFE80] =	vst v4;
	v3 =	vld [tilespmem:s31+$0x7410]  }
0x44c: {  	v4 =	vld [tilespmem:s24+$0x7410];
	[tilespmem:s29+$0x1A0] =	vst v5  }
0x44d: {  	[tilespmem:s29+$0xFFFFFF00] =	vst v2;
	v2 =	vld [tilespmem:s15+$0x7440]  }
0x44e: {  	v5 =	vld [tilespmem:s1+$0x7420];
	[tilespmem:s29+$0xFFFFFF80] =	vst v1  }
0x44f: {  	v1 =	vld [tilespmem:s30+$0x7420];
	[tilespmem:s29+$0x0] =	vst v0  }
0x450: {  	v0 =	vld [tilespmem:s10+$0x7420];
	[tilespmem:s29+$0x80] =	vst v3  }
0x451: {  	v3 =	vld [tilespmem:s3+$0x7420];
	[tilespmem:s29+$0x100] =	vst v4  }
0x452: {  	v4 =	vld [tilespmem:s5+$0x7420];
	[tilespmem:s29+$0x1B0] =	vst v2  }
0x453: {  	[tilespmem:s29+$0xFFFFFE10] =	vst v5;
	v2 =	vld [tilespmem:s15+$0x7450]  }
0x454: {  	[tilespmem:s29+$0xFFFFFE90] =	vst v1;
	v1 =	vld [tilespmem:s31+$0x7420]  }
0x455: {  	[tilespmem:s29+$0xFFFFFF10] =	vst v0;
	v0 =	vld [tilespmem:s24+$0x7420]  }
0x456: {  	v5 =	vld [tilespmem:s1+$0x7430];
	[tilespmem:s29+$0xFFFFFF90] =	vst v3  }
0x457: {  	v3 =	vld [tilespmem:s30+$0x7430];
	[tilespmem:s29+$0x10] =	vst v4  }
0x458: {  	v4 =	vld [tilespmem:s10+$0x7430];
	[tilespmem:s29+$0x1C0] =	vst v2  }
0x459: {  	[tilespmem:s29+$0x90] =	vst v1;
	v1 =	vld [tilespmem:s15+$0x7460]  }
0x45a: {  	v2 =	vld [tilespmem:s3+$0x7430];
	[tilespmem:s29+$0x110] =	vst v0  }
0x45b: {  	[tilespmem:s29+$0xFFFFFE20] =	vst v5;
	v0 =	vld [tilespmem:s5+$0x7430]  }
0x45c: {  	[tilespmem:s29+$0xFFFFFEA0] =	vst v3;
	v3 =	vld [tilespmem:s31+$0x7430]  }
0x45d: {  	[tilespmem:s29+$0xFFFFFF20] =	vst v4;
	v4 =	vld [tilespmem:s24+$0x7430]  }
0x45e: {  	v5 =	vld [tilespmem:s1+$0x7440];
	[tilespmem:s29+$0x1D0] =	vst v1  }
0x45f: {  	[tilespmem:s29+$0xFFFFFFA0] =	vst v2;
	v1 =	vld [tilespmem:s15+$0x7470]  }
0x460: {  	v2 =	vld [tilespmem:s30+$0x7440];
	[tilespmem:s29+$0x20] =	vst v0  }
0x461: {  	v0 =	vld [tilespmem:s10+$0x7440];
	[tilespmem:s29+$0xA0] =	vst v3  }
0x462: {  	v3 =	vld [tilespmem:s3+$0x7440];
	[tilespmem:s29+$0x120] =	vst v4  }
0x463: {  	[tilespmem:s29+$0xFFFFFE30] =	vst v5;
	v4 =	vld [tilespmem:s5+$0x7440]  }
0x464: {  	v5 =	vld [tilespmem:s31+$0x7440];
	[tilespmem:s29+$0x1E0] =	vst v1  }
0x465: {  	[tilespmem:s29+$0xFFFFFEB0] =	vst v2;
	v1 =	vld [tilespmem:s15+$0x7480]  }
0x466: {  	[tilespmem:s29+$0xFFFFFF30] =	vst v0;
	v0 =	vld [tilespmem:s24+$0x7440]  }
0x467: {  	v2 =	vld [tilespmem:s1+$0x7450];
	[tilespmem:s29+$0xFFFFFFB0] =	vst v3  }
0x468: {  	v3 =	vld [tilespmem:s30+$0x7450];
	[tilespmem:s29+$0x30] =	vst v4  }
0x469: {  	v4 =	vld [tilespmem:s10+$0x7450];
	[tilespmem:s29+$0xB0] =	vst v5  }
0x46a: {  	v5 =	vld [tilespmem:s3+$0x7450];
	[tilespmem:s29+$0x1F0] =	vst v1  }
0x46b: {  	v1 =	vld [tilespmem:s5+$0x7450];
	[tilespmem:s29+$0x130] =	vst v0  }
0x46c: {  	[tilespmem:s29+$0xFFFFFE40] =	vst v2;
	v0 =	vld [tilespmem:s31+$0x7450]  }
0x46d: {  	[tilespmem:s29+$0xFFFFFEC0] =	vst v3;
	v6 =	vld [tilespmem:s24+$0x7450]  }
0x46e: {  	v7 =	vld [tilespmem:s1+$0x7460];
	[tilespmem:s29+$0xFFFFFF40] =	vst v4  }
.Ltmp6:
0x46f: {  	v4 =	vld [tilespmem:s30+$0x7460];
	[tilespmem:s29+$0xFFFFFFC0] =	vst v5;
	(pc) =	sbr.rel @p1 .LBB2_15-.Ltmp6, $4  }
0x470: {  	v3 =	vld [tilespmem:s10+$0x7460];
	[tilespmem:s29+$0x40] =	vst v1  }
0x471: {  	v2 =	vld [tilespmem:s3+$0x7460];
	[tilespmem:s29+$0xC0] =	vst v0  }
0x472: {  	v1 =	vld [tilespmem:s5+$0x7460];
	[tilespmem:s29+$0x140] =	vst v6  }
0x473: {  	s14 =	sadd.s32 $0x8, s14;
	[tilespmem:s29+$0xFFFFFE50] =	vst v7;
	v0 =	vld [tilespmem:s31+$0x7460]  }
0x474: {  	[tilespmem:s29+$0xFFFFFED0] =	vst v4;
	v4 =	vld [tilespmem:s24+$0x7460]  }
0x475: {  	v5 =	vld [tilespmem:s1+$0x7470];
	[tilespmem:s29+$0xFFFFFF50] =	vst v3  }
0x476: {  	v3 =	vld [tilespmem:s30+$0x7470];
	[tilespmem:s29+$0xFFFFFFD0] =	vst v2  }
0x477: {  	v2 =	vld [tilespmem:s10+$0x7470];
	[tilespmem:s29+$0x50] =	vst v1  }
0x478: {  	v1 =	vld [tilespmem:s3+$0x7470];
	[tilespmem:s29+$0xD0] =	vst v0  }
0x479: {  	v0 =	vld [tilespmem:s5+$0x7470];
	[tilespmem:s29+$0x150] =	vst v4  }
0x47a: {  	[tilespmem:s29+$0xFFFFFE60] =	vst v5;
	v4 =	vld [tilespmem:s31+$0x7470]  }
0x47b: {  	[tilespmem:s29+$0xFFFFFEE0] =	vst v3;
	v3 =	vld [tilespmem:s24+$0x7470]  }
0x47c: {  	[tilespmem:s29+$0xFFFFFF60] =	vst v2;
	v2 =	vld [tilespmem:s1+$0x7480]  }
0x47d: {  	[tilespmem:s29+$0xFFFFFFE0] =	vst v1;
	v1 =	vld [tilespmem:s30+$0x7480]  }
0x47e: {  	[tilespmem:s29+$0x60] =	vst v0;
	v0 =	vld [tilespmem:s10+$0x7480]  }
0x47f: {  	[tilespmem:s9+$0xE0] =	vst v4;
	v4 =	vld [tilespmem:s3+$0x7480]  }
0x480: {  	[tilespmem:s9+$0x160] =	vst v3;
	v3 =	vld [tilespmem:s5+$0x7480]  }
0x481: {  	[tilespmem:s9+$0xFFFFFE70] =	vst v2  }
0x482: {  	[tilespmem:s9+$0xFFFFFEF0] =	vst v1  }
0x483: {  	v2 =	vld [tilespmem:s31+$0x7480];
	[tilespmem:s9+$0xFFFFFF70] =	vst v0  }
0x484: {  	v1 =	vld [tilespmem:s24+$0x7480];
	[tilespmem:s9+$0xFFFFFFF0] =	vst v4  }
0x485: {  	[tilespmem:s9+$0x70] =	vst v3  }
0x486: {  	s0 =	rddreg [dreg:$0x11]  }
0x487: {  	s0 =	sadd.s32 s28, s0  }
0x488: {  	s17 =	rddreg [dreg:$0x2];
	[tilespmem:s9+$0xF0] =	vst v2;
	s0 =	sshll.u32 s0, $0x4  }
0x489: {  	s18 =	simm.s32 $0x17810;
	[tilespmem:s9+$0x170] =	vst v1;
	s0 =	sadd.s32 s17, s0  }
0x48a: {  	[hbm4b:s0+s4] =	stream.linear.scatter [tilespmem:s18], [sflag:$0x4], $0x4000, $0x38;
	[tilespmem:$0x1F810] =	vst v63  }
0x48b: {  	_ =	swait.ge [sflag:s22], $0x4000  }
0x48c: {  	[sflag:s22] =	ssyncset.done $0x0  }
0x48d: {  	[sflag:s22] =	ssyncadd.s32 $0xFFFFC000  }
0x48e: {  	s0 =	sld [smem:$0x387]  }
0x48f: {  	s2 =	sld [smem:$0x381]  }
0x490: {  	s19 =	sld [smem:$0x382]  }
0x491: {  	s29 =	simm.s32 $0x1BA10;
	s20 =	sld [smem:$0x383];
	p0 =	slt.s32 s0, $0x200  }
0x492: {  	p1 =	sgt.s32 s0, $0x3E8;
	s6 =	sld [smem:$0x384];
	s0 =	simm.s32 @!p0 $0x200  }
0x493: {  	p0 =	slt.s32 s2, $0x200;
	s7 =	sld [smem:$0x385];
	s9 =	sshll.u32 s0, $0x7  }
0x494: {  	s8 =	smov.u32 s2;
	s23 =	sld [smem:$0x386];
	s9 =	simm.s32 @p1 $0x10080  }
0x495: {  	s8 =	simm.s32 @!p0 $0x200;
	s10 =	smov.u32 s19;
	s1 =	sld [smem:$0x380];
	v0 =	vld [tilespmem:s9+$0x7410]  }
0x496: {  	p1 =	slt.s32 s19, $0x200;
	p2 =	slt.s32 s20, $0x200;
	s11 =	smov.u32 s20  }
0x497: {  	s30 =	sshll.u32 s8, $0x7;
	p3 =	slt.s32 s6, $0x200;
	s10 =	simm.s32 @!p1 $0x200  }
0x498: {  	s12 =	smov.u32 s6;
	s11 =	simm.s32 @!p2 $0x200;
	p1 =	slt.s32 s7, $0x200  }
0x499: {  	s12 =	simm.s32 @!p3 $0x200;
	s13 =	smov.u32 s7;
	p0 =	slt.s32 s1, $0x200  }
0x49a: {  	p4 =	sgt.s32 s1, $0x3E8;
	s1 =	simm.s32 @!p0 $0x200;
	p0 =	sgt.s32 s2, $0x3E8;
	[tilespmem:s29+$0x180] =	vst v0  }
0x49b: {  	s10 =	sshll.u32 s10, $0x7;
	s3 =	sshll.u32 s11, $0x7;
	s30 =	simm.s32 @p0 $0x10080;
	v0 =	vld [tilespmem:s9+$0x7420]  }
0x49c: {  	p2 =	slt.s32 s23, $0x200;
	s13 =	simm.s32 @!p1 $0x200;
	p1 =	sgt.s32 s20, $0x3E8;
	v2 =	vld [tilespmem:s30+$0x7410]  }
0x49d: {  	s5 =	sshll.u32 s12, $0x7;
	s3 =	simm.s32 @p1 $0x10080;
	s1 =	sshll.u32 s1, $0x7  }
0x49e: {  	s31 =	sshll.u32 s13, $0x7;
	v4 =	vld [tilespmem:s3+$0x7410];
	p0 =	sgt.s32 s19, $0x3E8;
	s1 =	simm.s32 @p4 $0x10080  }
0x49f: {  	p1 =	sgt.s32 s7, $0x3E8;
	s2 =	smov.u32 s23;
	s10 =	simm.s32 @p0 $0x10080;
	v1 =	vld [tilespmem:s1+$0x7410]  }
0x4a0: {  	s31 =	simm.s32 @p1 $0x10080;
	s2 =	simm.s32 @!p2 $0x200;
	p0 =	sgt.s32 s6, $0x3E8;
	v3 =	vld [tilespmem:s10+$0x7410];
	[tilespmem:s29+$0x190] =	vst v0  }
0x4a1: {  	s24 =	sshll.u32 s2, $0x7;
	s5 =	simm.s32 @p0 $0x10080;
	p0 =	sgt.s32 s23, $0x3E8;
	[tilespmem:s29+$0xFFFFFE80] =	vst v2;
	v2 =	vld [tilespmem:s31+$0x7410]  }
0x4a2: {  	s24 =	simm.s32 @p0 $0x10080;
	v0 =	vld [tilespmem:s9+$0x7430]  }
0x4a3: {  	v5 =	vld [tilespmem:s24+$0x7410];
	[tilespmem:s29+$0xFFFFFF80] =	vst v4  }
0x4a4: {  	[tilespmem:s29+$0xFFFFFE00] =	vst v1;
	v1 =	vld [tilespmem:s5+$0x7410]  }
0x4a5: {  	[tilespmem:s29+$0xFFFFFF00] =	vst v3;
	v4 =	vld [tilespmem:s30+$0x7420]  }
0x4a6: {  	v3 =	vld [tilespmem:s1+$0x7420];
	[tilespmem:s29+$0x80] =	vst v2  }
0x4a7: {  	v2 =	vld [tilespmem:s3+$0x7420];
	[tilespmem:s29+$0x1A0] =	vst v0  }
0x4a8: {  	[tilespmem:s29+$0x100] =	vst v5;
	v0 =	vld [tilespmem:s9+$0x7440]  }
0x4a9: {  	[tilespmem:s29+$0x0] =	vst v1  }
0x4aa: {  	v1 =	vld [tilespmem:s10+$0x7420];
	[tilespmem:s29+$0xFFFFFE90] =	vst v4  }
0x4ab: {  	v5 =	vld [tilespmem:s5+$0x7420];
	[tilespmem:s29+$0xFFFFFE10] =	vst v3  }
0x4ac: {  	v3 =	vld [tilespmem:s31+$0x7420];
	[tilespmem:s29+$0xFFFFFF90] =	vst v2  }
0x4ad: {  	v2 =	vld [tilespmem:s30+$0x7430];
	[tilespmem:s29+$0x1B0] =	vst v0  }
0x4ae: {  	v0 =	vld [tilespmem:s9+$0x7450]  }
0x4af: {  	v4 =	vld [tilespmem:s1+$0x7430];
	[tilespmem:s29+$0xFFFFFF10] =	vst v1  }
0x4b0: {  	v1 =	vld [tilespmem:s24+$0x7420];
	[tilespmem:s29+$0x10] =	vst v5  }
0x4b1: {  	v5 =	vld [tilespmem:s10+$0x7430];
	[tilespmem:s29+$0x90] =	vst v3  }
0x4b2: {  	v3 =	vld [tilespmem:s3+$0x7430];
	[tilespmem:s29+$0xFFFFFEA0] =	vst v2  }
0x4b3: {  	v2 =	vld [tilespmem:s31+$0x7430];
	[tilespmem:s29+$0x1C0] =	vst v0  }
0x4b4: {  	[tilespmem:s29+$0xFFFFFE20] =	vst v4;
	v0 =	vld [tilespmem:s9+$0x7460]  }
0x4b5: {  	[tilespmem:s29+$0x110] =	vst v1;
	v1 =	vld [tilespmem:s5+$0x7430]  }
0x4b6: {  	[tilespmem:s29+$0xFFFFFF20] =	vst v5;
	v4 =	vld [tilespmem:s24+$0x7430]  }
0x4b7: {  	v5 =	vld [tilespmem:s1+$0x7440];
	[tilespmem:s29+$0xFFFFFFA0] =	vst v3  }
0x4b8: {  	v3 =	vld [tilespmem:s30+$0x7440];
	[tilespmem:s29+$0xA0] =	vst v2  }
0x4b9: {  	v2 =	vld [tilespmem:s3+$0x7440];
	[tilespmem:s29+$0x1D0] =	vst v0  }
0x4ba: {  	[tilespmem:s29+$0x20] =	vst v1;
	v0 =	vld [tilespmem:s9+$0x7470]  }
0x4bb: {  	v1 =	vld [tilespmem:s10+$0x7440];
	[tilespmem:s29+$0x120] =	vst v4  }
0x4bc: {  	[tilespmem:s29+$0xFFFFFE30] =	vst v5;
	v4 =	vld [tilespmem:s5+$0x7440]  }
0x4bd: {  	v5 =	vld [tilespmem:s31+$0x7440];
	[tilespmem:s29+$0xFFFFFEB0] =	vst v3  }
0x4be: {  	v3 =	vld [tilespmem:s1+$0x7450];
	[tilespmem:s29+$0xFFFFFFB0] =	vst v2  }
0x4bf: {  	v2 =	vld [tilespmem:s30+$0x7450];
	[tilespmem:s29+$0x1E0] =	vst v0  }
0x4c0: {  	[tilespmem:s29+$0xFFFFFF30] =	vst v1;
	v0 =	vld [tilespmem:s9+$0x7480]  }
0x4c1: {  	v1 =	vld [tilespmem:s24+$0x7440];
	[tilespmem:s29+$0x30] =	vst v4  }
0x4c2: {  	v4 =	vld [tilespmem:s10+$0x7450];
	[tilespmem:s29+$0xB0] =	vst v5  }
0x4c3: {  	v5 =	vld [tilespmem:s3+$0x7450];
	[tilespmem:s29+$0xFFFFFE40] =	vst v3  }
0x4c4: {  	v7 =	vld [tilespmem:s1+$0x7460];
	[tilespmem:s29+$0xFFFFFEC0] =	vst v2  }
0x4c5: {  	[tilespmem:s29+$0x1F0] =	vst v0;
	v0 =	vld [tilespmem:s5+$0x7450]  }
0x4c6: {  	[tilespmem:s29+$0x130] =	vst v1;
	v1 =	vld [tilespmem:s31+$0x7450]  }
0x4c7: {  	v6 =	vld [tilespmem:s24+$0x7450];
	[tilespmem:s29+$0xFFFFFF40] =	vst v4  }
0x4c8: {  	v4 =	vld [tilespmem:s30+$0x7460];
	[tilespmem:s29+$0xFFFFFFC0] =	vst v5  }
0x4c9: {  	v3 =	vld [tilespmem:s10+$0x7460];
	[tilespmem:s29+$0xFFFFFE50] =	vst v7  }
0x4ca: {  	v2 =	vld [tilespmem:s3+$0x7460];
	[tilespmem:s29+$0x40] =	vst v0  }
0x4cb: {  	[tilespmem:s29+$0xC0] =	vst v1;
	v1 =	vld [tilespmem:s5+$0x7460]  }
0x4cc: {  	s14 =	simm.s32 $0x38F;
	s13 =	simm.s32 $0x0;
	s9 =	simm.s32 $0x1BA10;
	[tilespmem:s29+$0x140] =	vst v6;
	v0 =	vld [tilespmem:s31+$0x7460]  }
.LBB2_17:
0x4cd: {  	s2 =	sld [smem:s14+$0x0];
	s13 =	sadd.s32 $0x8, s13;
	[tilespmem:s29+$0xFFFFFED0] =	vst v4;
	v4 =	vld [tilespmem:s24+$0x7460]  }
0x4ce: {  	s0 =	sld [smem:s14+$0xFFFFFFFA];
	p1 =	slt.u32 s13, $0x78;
	v5 =	vld [tilespmem:s1+$0x7470];
	[tilespmem:s29+$0xFFFFFF50] =	vst v3  }
0x4cf: {  	s6 =	sld [smem:s14+$0xFFFFFFFB];
	v3 =	vld [tilespmem:s30+$0x7470];
	[tilespmem:s29+$0xFFFFFFD0] =	vst v2  }
0x4d0: {  	s7 =	sld [smem:s14+$0xFFFFFFFC];
	p0 =	slt.s32 s2, $0x200;
	v2 =	vld [tilespmem:s10+$0x7470];
	[tilespmem:s29+$0x50] =	vst v1;
	s11 =	smov.u32 s2  }
0x4d1: {  	p2 =	slt.s32 s0, $0x200;
	s8 =	sld [smem:s14+$0xFFFFFFFD];
	s11 =	simm.s32 @!p0 $0x200;
	v1 =	vld [tilespmem:s3+$0x7470];
	[tilespmem:s29+$0xD0] =	vst v0  }
0x4d2: {  	p0 =	sgt.s32 s2, $0x3E8;
	s12 =	sld [smem:s14+$0xFFFFFFFE];
	s15 =	sshll.u32 s11, $0x7  }
0x4d3: {  	v0 =	vld [tilespmem:s5+$0x7470];
	[tilespmem:s29+$0x150] =	vst v4;
	p3 =	slt.s32 s6, $0x200;
	s11 =	smov.u32 s0;
	s16 =	smov.u32 s6  }
0x4d4: {  	p5 =	sgt.s32 s6, $0x3E8;
	s23 =	sld [smem:s14+$0xFFFFFFFF];
	s15 =	simm.s32 @p0 $0x10080  }
0x4d5: {  	[tilespmem:s29+$0xFFFFFE60] =	vst v5;
	v4 =	vld [tilespmem:s31+$0x7470];
	p0 =	slt.s32 s7, $0x200;
	s11 =	simm.s32 @!p2 $0x200;
	s16 =	simm.s32 @!p3 $0x200  }
0x4d6: {  	s17 =	smov.u32 s7;
	p6 =	sgt.s32 s7, $0x3E8;
	s2 =	sld [smem:s14+$0xFFFFFFF9]  }
0x4d7: {  	p4 =	slt.s32 s8, $0x200;
	v5 =	vld [tilespmem:s15+$0x7410];
	[tilespmem:s29+$0xFFFFFEE0] =	vst v3;
	s17 =	simm.s32 @!p0 $0x200;
	s18 =	smov.u32 s8  }
0x4d8: {  	p2 =	slt.s32 s12, $0x200;
	[tilespmem:s29+$0xFFFFFF60] =	vst v2;
	v2 =	vld [tilespmem:s24+$0x7470];
	s18 =	simm.s32 @!p4 $0x200;
	s19 =	smov.u32 s12  }
0x4d9: {  	p0 =	slt.s32 s23, $0x200;
	v3 =	vld [tilespmem:s1+$0x7480];
	[tilespmem:s29+$0xFFFFFFE0] =	vst v1;
	s19 =	simm.s32 @!p2 $0x200;
	s20 =	smov.u32 s23  }
0x4da: {  	p3 =	slt.s32 s2, $0x200;
	s20 =	simm.s32 @!p0 $0x200;
	v1 =	vld [tilespmem:s30+$0x7480];
	[tilespmem:s29+$0x60] =	vst v0;
	s1 =	smov.u32 s2  }
0x4db: {  	s30 =	sshll.u32 s11, $0x7;
	s29 =	sadd.s32 $0x400, s29;
	s1 =	simm.s32 @!p3 $0x200;
	v0 =	vld [tilespmem:s10+$0x7480];
	[tilespmem:s9+$0xE0] =	vst v4  }
0x4dc: {  	s11 =	sshll.u32 s17, $0x7;
	s10 =	sshll.u32 s16, $0x7;
	s1 =	sshll.u32 s1, $0x7;
	[tilespmem:s29+$0x180] =	vst v5;
	v4 =	vld [tilespmem:s3+$0x7480]  }
0x4dd: {  	s17 =	sshll.u32 s19, $0x7;
	s16 =	sshll.u32 s18, $0x7;
	s18 =	sshll.u32 s20, $0x7;
	v5 =	vld [tilespmem:s15+$0x7420];
	[tilespmem:s9+$0x160] =	vst v2  }
0x4de: {  	p4 =	sgt.s32 s0, $0x3E8;
	p2 =	sgt.s32 s12, $0x3E8;
	p0 =	sgt.s32 s2, $0x3E8;
	[tilespmem:s9+$0xFFFFFE70] =	vst v3;
	v2 =	vld [tilespmem:s5+$0x7480]  }
0x4df: {  	p3 =	sgt.s32 s8, $0x3E8;
	s30 =	simm.s32 @p4 $0x10080;
	p4 =	sgt.s32 s23, $0x3E8;
	[tilespmem:s9+$0xFFFFFEF0] =	vst v1;
	v1 =	vld [tilespmem:s31+$0x7480]  }
0x4e0: {  	s10 =	simm.s32 @p5 $0x10080;
	s3 =	smov.u32 s11;
	s1 =	simm.s32 @p0 $0x10080;
	[tilespmem:s9+$0xFFFFFF70] =	vst v0;
	v0 =	vld [tilespmem:s24+$0x7480]  }
0x4e1: {  	s3 =	simm.s32 @p6 $0x10080;
	s5 =	smov.u32 s16;
	s31 =	smov.u32 s17;
	v3 =	vld [tilespmem:s1+$0x7410];
	[tilespmem:s9+$0xFFFFFFF0] =	vst v4  }
0x4e2: {  	s5 =	simm.s32 @p3 $0x10080;
	s31 =	simm.s32 @p2 $0x10080;
	s24 =	smov.u32 s18;
	v4 =	vld [tilespmem:s30+$0x7410];
	[tilespmem:s29+$0x190] =	vst v5  }
0x4e3: {  	s24 =	simm.s32 @p4 $0x10080;
	v5 =	vld [tilespmem:s15+$0x7430];
	[tilespmem:s9+$0x70] =	vst v2  }
0x4e4: {  	v2 =	vld [tilespmem:s10+$0x7410];
	[tilespmem:s9+$0xF0] =	vst v1  }
0x4e5: {  	v1 =	vld [tilespmem:s3+$0x7410];
	[tilespmem:s9+$0x170] =	vst v0;
	s9 =	smov.u32 s29  }
0x4e6: {  	[tilespmem:s29+$0xFFFFFE00] =	vst v3;
	v0 =	vld [tilespmem:s5+$0x7410]  }
0x4e7: {  	[tilespmem:s29+$0xFFFFFE80] =	vst v4;
	v3 =	vld [tilespmem:s31+$0x7410]  }
0x4e8: {  	v4 =	vld [tilespmem:s24+$0x7410];
	[tilespmem:s29+$0x1A0] =	vst v5  }
0x4e9: {  	[tilespmem:s29+$0xFFFFFF00] =	vst v2;
	v2 =	vld [tilespmem:s15+$0x7440]  }
0x4ea: {  	v5 =	vld [tilespmem:s1+$0x7420];
	[tilespmem:s29+$0xFFFFFF80] =	vst v1  }
0x4eb: {  	v1 =	vld [tilespmem:s30+$0x7420];
	[tilespmem:s29+$0x0] =	vst v0  }
0x4ec: {  	v0 =	vld [tilespmem:s10+$0x7420];
	[tilespmem:s29+$0x80] =	vst v3  }
0x4ed: {  	v3 =	vld [tilespmem:s3+$0x7420];
	[tilespmem:s29+$0x100] =	vst v4  }
0x4ee: {  	v4 =	vld [tilespmem:s5+$0x7420];
	[tilespmem:s29+$0x1B0] =	vst v2  }
0x4ef: {  	[tilespmem:s29+$0xFFFFFE10] =	vst v5;
	v2 =	vld [tilespmem:s15+$0x7450]  }
0x4f0: {  	[tilespmem:s29+$0xFFFFFE90] =	vst v1;
	v1 =	vld [tilespmem:s31+$0x7420]  }
0x4f1: {  	[tilespmem:s29+$0xFFFFFF10] =	vst v0;
	v0 =	vld [tilespmem:s24+$0x7420]  }
0x4f2: {  	v5 =	vld [tilespmem:s1+$0x7430];
	[tilespmem:s29+$0xFFFFFF90] =	vst v3  }
0x4f3: {  	v3 =	vld [tilespmem:s30+$0x7430];
	[tilespmem:s29+$0x10] =	vst v4  }
0x4f4: {  	v4 =	vld [tilespmem:s10+$0x7430];
	[tilespmem:s29+$0x1C0] =	vst v2  }
0x4f5: {  	[tilespmem:s29+$0x90] =	vst v1;
	v1 =	vld [tilespmem:s15+$0x7460]  }
0x4f6: {  	v2 =	vld [tilespmem:s3+$0x7430];
	[tilespmem:s29+$0x110] =	vst v0  }
0x4f7: {  	[tilespmem:s29+$0xFFFFFE20] =	vst v5;
	v0 =	vld [tilespmem:s5+$0x7430]  }
0x4f8: {  	[tilespmem:s29+$0xFFFFFEA0] =	vst v3;
	v3 =	vld [tilespmem:s31+$0x7430]  }
0x4f9: {  	[tilespmem:s29+$0xFFFFFF20] =	vst v4;
	v4 =	vld [tilespmem:s24+$0x7430]  }
0x4fa: {  	v5 =	vld [tilespmem:s1+$0x7440];
	[tilespmem:s29+$0x1D0] =	vst v1  }
0x4fb: {  	[tilespmem:s29+$0xFFFFFFA0] =	vst v2;
	v1 =	vld [tilespmem:s15+$0x7470]  }
0x4fc: {  	v2 =	vld [tilespmem:s30+$0x7440];
	[tilespmem:s29+$0x20] =	vst v0  }
0x4fd: {  	v0 =	vld [tilespmem:s10+$0x7440];
	[tilespmem:s29+$0xA0] =	vst v3  }
0x4fe: {  	v3 =	vld [tilespmem:s3+$0x7440];
	[tilespmem:s29+$0x120] =	vst v4  }
0x4ff: {  	[tilespmem:s29+$0xFFFFFE30] =	vst v5;
	v4 =	vld [tilespmem:s5+$0x7440]  }
0x500: {  	v5 =	vld [tilespmem:s31+$0x7440];
	[tilespmem:s29+$0x1E0] =	vst v1  }
0x501: {  	[tilespmem:s29+$0xFFFFFEB0] =	vst v2;
	v1 =	vld [tilespmem:s15+$0x7480]  }
0x502: {  	[tilespmem:s29+$0xFFFFFF30] =	vst v0;
	v0 =	vld [tilespmem:s24+$0x7440]  }
0x503: {  	v2 =	vld [tilespmem:s1+$0x7450];
	[tilespmem:s29+$0xFFFFFFB0] =	vst v3  }
0x504: {  	v3 =	vld [tilespmem:s30+$0x7450];
	[tilespmem:s29+$0x30] =	vst v4  }
0x505: {  	v4 =	vld [tilespmem:s10+$0x7450];
	[tilespmem:s29+$0xB0] =	vst v5  }
0x506: {  	v5 =	vld [tilespmem:s3+$0x7450];
	[tilespmem:s29+$0x1F0] =	vst v1  }
0x507: {  	v1 =	vld [tilespmem:s5+$0x7450];
	[tilespmem:s29+$0x130] =	vst v0  }
0x508: {  	[tilespmem:s29+$0xFFFFFE40] =	vst v2;
	v0 =	vld [tilespmem:s31+$0x7450]  }
0x509: {  	[tilespmem:s29+$0xFFFFFEC0] =	vst v3;
	v6 =	vld [tilespmem:s24+$0x7450]  }
0x50a: {  	v7 =	vld [tilespmem:s1+$0x7460];
	[tilespmem:s29+$0xFFFFFF40] =	vst v4  }
.Ltmp7:
0x50b: {  	v4 =	vld [tilespmem:s30+$0x7460];
	[tilespmem:s29+$0xFFFFFFC0] =	vst v5;
	(pc) =	sbr.rel @p1 .LBB2_17-.Ltmp7, $4  }
0x50c: {  	v3 =	vld [tilespmem:s10+$0x7460];
	[tilespmem:s29+$0x40] =	vst v1  }
0x50d: {  	v2 =	vld [tilespmem:s3+$0x7460];
	[tilespmem:s29+$0xC0] =	vst v0  }
0x50e: {  	v1 =	vld [tilespmem:s5+$0x7460];
	[tilespmem:s29+$0x140] =	vst v6  }
0x50f: {  	s14 =	sadd.s32 $0x8, s14;
	[tilespmem:s29+$0xFFFFFE50] =	vst v7;
	v0 =	vld [tilespmem:s31+$0x7460]  }
0x510: {  	[tilespmem:s29+$0xFFFFFED0] =	vst v4;
	v4 =	vld [tilespmem:s24+$0x7460]  }
0x511: {  	v5 =	vld [tilespmem:s1+$0x7470];
	[tilespmem:s29+$0xFFFFFF50] =	vst v3  }
0x512: {  	v3 =	vld [tilespmem:s30+$0x7470];
	[tilespmem:s29+$0xFFFFFFD0] =	vst v2  }
0x513: {  	v2 =	vld [tilespmem:s10+$0x7470];
	[tilespmem:s29+$0x50] =	vst v1  }
0x514: {  	v1 =	vld [tilespmem:s3+$0x7470];
	[tilespmem:s29+$0xD0] =	vst v0  }
0x515: {  	v0 =	vld [tilespmem:s5+$0x7470];
	[tilespmem:s29+$0x150] =	vst v4  }
0x516: {  	[tilespmem:s29+$0xFFFFFE60] =	vst v5;
	v4 =	vld [tilespmem:s31+$0x7470]  }
0x517: {  	[tilespmem:s29+$0xFFFFFEE0] =	vst v3;
	v3 =	vld [tilespmem:s24+$0x7470]  }
0x518: {  	[tilespmem:s29+$0xFFFFFF60] =	vst v2;
	v2 =	vld [tilespmem:s1+$0x7480]  }
0x519: {  	[tilespmem:s29+$0xFFFFFFE0] =	vst v1;
	v1 =	vld [tilespmem:s30+$0x7480]  }
0x51a: {  	[tilespmem:s29+$0x60] =	vst v0;
	v0 =	vld [tilespmem:s10+$0x7480]  }
0x51b: {  	[tilespmem:s9+$0xE0] =	vst v4;
	v4 =	vld [tilespmem:s3+$0x7480]  }
0x51c: {  	[tilespmem:s9+$0x160] =	vst v3;
	v3 =	vld [tilespmem:s5+$0x7480]  }
0x51d: {  	[tilespmem:s9+$0xFFFFFE70] =	vst v2  }
0x51e: {  	[tilespmem:s9+$0xFFFFFEF0] =	vst v1  }
0x51f: {  	v2 =	vld [tilespmem:s31+$0x7480];
	[tilespmem:s9+$0xFFFFFF70] =	vst v0  }
0x520: {  	v1 =	vld [tilespmem:s24+$0x7480];
	[tilespmem:s9+$0xFFFFFFF0] =	vst v4  }
0x521: {  	[tilespmem:s9+$0x70] =	vst v3  }
0x522: {  	s0 =	rddreg [dreg:$0x12]  }
0x523: {  	s0 =	sadd.s32 s28, s0  }
0x524: {  	s5 =	rddreg [dreg:$0x2];
	[tilespmem:s9+$0xF0] =	vst v2;
	s0 =	sshll.u32 s0, $0x4  }
0x525: {  	s6 =	simm.s32 $0x4;
	s31 =	simm.s32 $0x1B810;
	[tilespmem:s9+$0x170] =	vst v1;
	s0 =	sadd.s32 s5, s0  }
0x526: {  	[hbm4b:s0+s4] =	stream.linear.scatter [tilespmem:s31], [sflag:$0x5], $0x4000, $0x38;
	[tilespmem:$0x1F810] =	vst v63  }
0x527: {  	_ =	swait.ge [sflag:s6], $0x4000  }
0x528: {  	[sflag:s6] =	ssyncset.done $0x0  }
0x529: {  	s2 =	simm.s32 $0x2;
	[sflag:s6] =	ssyncadd.s32 $0xFFFFC000  }
0x52a: {  	s7 =	sshll.u32 s25, $0xD;
	_ =	swait.ge [sflag:s2], $0x200  }
0x52b: {  	s8 =	sand.u32 $0x3FFFE000, s7;
	s9 =	rddreg [dreg:$0x7]  }
0x52c: {  	s10 =	rddreg [dreg:$0x6];
	s0 =	sadd.s32 s8, s9  }
0x52d: {  	[sflag:s2] =	ssyncset.done $0x0;
	s0 =	sadd.s32 s10, s0  }
0x52e: {  	s11 =	simm.s32 $0x80;
	[sflag:s2] =	ssyncadd.s32 $0xFFFFFE00;
	s1 =	sadd.s32 $0x3000, s0  }
0x52f: {  	[smem:s11], [sflag:$0x3] =	stream.linear.gather [spmem:s1], $0x80, $0x38;
	[tilespmem:$0x1F810] =	vst v63  }
0x530: {  	s13 =	simm.s32 $0x180;
	s12 =	sadd.s32 $0x3400, s0  }
0x531: {  	[smem:s13], [sflag:$0x3] =	stream.linear.gather [spmem:s12], $0x80, $0x38;
	[tilespmem:$0x1F810] =	vst v63  }
0x532: {  	s15 =	simm.s32 $0x280;
	s14 =	sadd.s32 $0x3800, s0  }
0x533: {  	[smem:s15], [sflag:$0x3] =	stream.linear.gather [spmem:s14], $0x80, $0x38;
	[tilespmem:$0x1F810] =	vst v63  }
0x534: {  	s16 =	simm.s32 $0x380;
	s0 =	sadd.s32 $0x3C00, s0  }
0x535: {  	[smem:s16], [sflag:$0x3] =	stream.linear.gather [spmem:s0], $0x80, $0x38;
	[tilespmem:$0x1F810] =	vst v63  }
0x536: {  	s0 =	sld [smem:$0x7]  }
0x537: {  	s17 =	sld [smem:$0x1]  }
0x538: {  	s28 =	simm.s32 $0x17A10;
	s18 =	sld [smem:$0x2]  }
0x539: {  	s19 =	sld [smem:$0x3];
	p0 =	slt.s32 s0, $0x200;
	p1 =	sgt.s32 s0, $0x3E8  }
0x53a: {  	s20 =	sld [smem:$0x4];
	s0 =	simm.s32 @!p0 $0x200;
	p0 =	slt.s32 s17, $0x200  }
0x53b: {  	s8 =	smov.u32 s17;
	s6 =	sld [smem:$0x5];
	s9 =	sshll.u32 s0, $0x7  }
0x53c: {  	p5 =	sgt.s32 s17, $0x3E8;
	s23 =	sld [smem:$0x6];
	s9 =	simm.s32 @p1 $0x10080  }
0x53d: {  	p2 =	slt.s32 s18, $0x200;
	s10 =	smov.u32 s18;
	s7 =	sld [smem:$0x0];
	v0 =	vld [tilespmem:s9+$0x7410]  }
0x53e: {  	s8 =	simm.s32 @!p0 $0x200;
	p3 =	slt.s32 s19, $0x200;
	s10 =	simm.s32 @!p2 $0x200  }
0x53f: {  	s1 =	smov.u32 s19;
	p2 =	sgt.s32 s18, $0x3E8;
	s29 =	sshll.u32 s8, $0x7  }
0x540: {  	p1 =	slt.s32 s20, $0x200;
	s1 =	simm.s32 @!p3 $0x200;
	s2 =	smov.u32 s20  }
0x541: {  	s29 =	simm.s32 @p5 $0x10080;
	s10 =	sshll.u32 s10, $0x7;
	s2 =	simm.s32 @!p1 $0x200  }
0x542: {  	p1 =	sgt.s32 s19, $0x3E8;
	v2 =	vld [tilespmem:s29+$0x7410];
	s3 =	sshll.u32 s1, $0x7;
	p0 =	slt.s32 s7, $0x200;
	[tilespmem:s28+$0x180] =	vst v0  }
0x543: {  	s3 =	simm.s32 @p1 $0x10080;
	p4 =	sgt.s32 s7, $0x3E8;
	s7 =	simm.s32 @!p0 $0x200;
	v0 =	vld [tilespmem:s9+$0x7420]  }
0x544: {  	p0 =	slt.s32 s6, $0x200;
	s30 =	sshll.u32 s7, $0x7;
	s7 =	smov.u32 s6  }
0x545: {  	s10 =	simm.s32 @p2 $0x10080;
	v4 =	vld [tilespmem:s3+$0x7410];
	s7 =	simm.s32 @!p0 $0x200  }
0x546: {  	v3 =	vld [tilespmem:s10+$0x7410];
	p1 =	sgt.s32 s6, $0x3E8;
	s30 =	simm.s32 @p4 $0x10080;
	s24 =	sshll.u32 s7, $0x7  }
0x547: {  	p3 =	slt.s32 s23, $0x200;
	s8 =	smov.u32 s23;
	[tilespmem:s28+$0xFFFFFE80] =	vst v2;
	v1 =	vld [tilespmem:s30+$0x7410];
	s24 =	simm.s32 @p1 $0x10080  }
0x548: {  	s5 =	sshll.u32 s2, $0x7;
	s8 =	simm.s32 @!p3 $0x200;
	p0 =	sgt.s32 s20, $0x3E8;
	v2 =	vld [tilespmem:s24+$0x7410];
	[tilespmem:s28+$0x190] =	vst v0  }
0x549: {  	s1 =	sshll.u32 s8, $0x7;
	s5 =	simm.s32 @p0 $0x10080;
	p0 =	sgt.s32 s23, $0x3E8;
	v0 =	vld [tilespmem:s9+$0x7430]  }
0x54a: {  	s1 =	simm.s32 @p0 $0x10080;
	[tilespmem:s28+$0xFFFFFF80] =	vst v4;
	v4 =	vld [tilespmem:s29+$0x7420]  }
0x54b: {  	[tilespmem:s28+$0xFFFFFF00] =	vst v3;
	v5 =	vld [tilespmem:s1+$0x7410]  }
0x54c: {  	[tilespmem:s28+$0xFFFFFE00] =	vst v1;
	v1 =	vld [tilespmem:s5+$0x7410]  }
0x54d: {  	v3 =	vld [tilespmem:s30+$0x7420];
	[tilespmem:s28+$0x80] =	vst v2  }
0x54e: {  	v2 =	vld [tilespmem:s3+$0x7420];
	[tilespmem:s28+$0x1A0] =	vst v0  }
0x54f: {  	[tilespmem:s28+$0xFFFFFE90] =	vst v4;
	v0 =	vld [tilespmem:s9+$0x7440]  }
0x550: {  	[tilespmem:s28+$0x100] =	vst v5  }
0x551: {  	[tilespmem:s28+$0x0] =	vst v1;
	v1 =	vld [tilespmem:s10+$0x7420]  }
0x552: {  	v5 =	vld [tilespmem:s5+$0x7420];
	[tilespmem:s28+$0xFFFFFE10] =	vst v3  }
0x553: {  	v3 =	vld [tilespmem:s24+$0x7420];
	[tilespmem:s28+$0xFFFFFF90] =	vst v2  }
0x554: {  	v2 =	vld [tilespmem:s29+$0x7430];
	[tilespmem:s28+$0x1B0] =	vst v0  }
0x555: {  	v0 =	vld [tilespmem:s9+$0x7450]  }
0x556: {  	v4 =	vld [tilespmem:s30+$0x7430];
	[tilespmem:s28+$0xFFFFFF10] =	vst v1  }
0x557: {  	v1 =	vld [tilespmem:s1+$0x7420];
	[tilespmem:s28+$0x10] =	vst v5  }
0x558: {  	v5 =	vld [tilespmem:s10+$0x7430];
	[tilespmem:s28+$0x90] =	vst v3  }
0x559: {  	v3 =	vld [tilespmem:s3+$0x7430];
	[tilespmem:s28+$0xFFFFFEA0] =	vst v2  }
0x55a: {  	v2 =	vld [tilespmem:s24+$0x7430];
	[tilespmem:s28+$0x1C0] =	vst v0  }
0x55b: {  	[tilespmem:s28+$0xFFFFFE20] =	vst v4;
	v0 =	vld [tilespmem:s9+$0x7460]  }
0x55c: {  	[tilespmem:s28+$0x110] =	vst v1;
	v1 =	vld [tilespmem:s5+$0x7430]  }
0x55d: {  	[tilespmem:s28+$0xFFFFFF20] =	vst v5;
	v4 =	vld [tilespmem:s1+$0x7430]  }
0x55e: {  	v5 =	vld [tilespmem:s30+$0x7440];
	[tilespmem:s28+$0xFFFFFFA0] =	vst v3  }
0x55f: {  	v3 =	vld [tilespmem:s29+$0x7440];
	[tilespmem:s28+$0xA0] =	vst v2  }
0x560: {  	v2 =	vld [tilespmem:s3+$0x7440];
	[tilespmem:s28+$0x1D0] =	vst v0  }
0x561: {  	[tilespmem:s28+$0x20] =	vst v1;
	v0 =	vld [tilespmem:s9+$0x7470]  }
0x562: {  	v1 =	vld [tilespmem:s10+$0x7440];
	[tilespmem:s28+$0x120] =	vst v4  }
0x563: {  	[tilespmem:s28+$0xFFFFFE30] =	vst v5;
	v4 =	vld [tilespmem:s5+$0x7440]  }
0x564: {  	v5 =	vld [tilespmem:s24+$0x7440];
	[tilespmem:s28+$0xFFFFFEB0] =	vst v3  }
0x565: {  	v3 =	vld [tilespmem:s30+$0x7450];
	[tilespmem:s28+$0xFFFFFFB0] =	vst v2  }
0x566: {  	v2 =	vld [tilespmem:s29+$0x7450];
	[tilespmem:s28+$0x1E0] =	vst v0  }
0x567: {  	[tilespmem:s28+$0xFFFFFF30] =	vst v1;
	v0 =	vld [tilespmem:s9+$0x7480]  }
0x568: {  	v1 =	vld [tilespmem:s1+$0x7440];
	[tilespmem:s28+$0x30] =	vst v4  }
0x569: {  	v4 =	vld [tilespmem:s10+$0x7450];
	[tilespmem:s28+$0xB0] =	vst v5  }
0x56a: {  	v5 =	vld [tilespmem:s3+$0x7450];
	[tilespmem:s28+$0xFFFFFE40] =	vst v3  }
0x56b: {  	[tilespmem:s28+$0xFFFFFEC0] =	vst v2;
	v7 =	vld [tilespmem:s30+$0x7460]  }
0x56c: {  	[tilespmem:s28+$0x1F0] =	vst v0;
	v0 =	vld [tilespmem:s5+$0x7450]  }
0x56d: {  	[tilespmem:s28+$0x130] =	vst v1;
	v1 =	vld [tilespmem:s24+$0x7450]  }
0x56e: {  	v6 =	vld [tilespmem:s1+$0x7450];
	[tilespmem:s28+$0xFFFFFF40] =	vst v4  }
0x56f: {  	v4 =	vld [tilespmem:s29+$0x7460];
	[tilespmem:s28+$0xFFFFFFC0] =	vst v5  }
0x570: {  	v3 =	vld [tilespmem:s10+$0x7460];
	[tilespmem:s28+$0xFFFFFE50] =	vst v7  }
0x571: {  	v2 =	vld [tilespmem:s3+$0x7460];
	[tilespmem:s28+$0x40] =	vst v0  }
0x572: {  	[tilespmem:s28+$0xC0] =	vst v1;
	v1 =	vld [tilespmem:s5+$0x7460]  }
0x573: {  	s13 =	simm.s32 $0x0;
	s14 =	simm.s32 $0xC;
	s9 =	simm.s32 $0x17A10;
	[tilespmem:s28+$0x140] =	vst v6;
	v0 =	vld [tilespmem:s24+$0x7460]  }
.LBB2_19:
0x574: {  	s2 =	sld [smem:s14+$0x3];
	s13 =	sadd.s32 $0x8, s13;
	[tilespmem:s28+$0xFFFFFED0] =	vst v4;
	v4 =	vld [tilespmem:s1+$0x7460]  }
0x575: {  	s0 =	sld [smem:s14+$0xFFFFFFFD];
	p1 =	slt.u32 s13, $0x78;
	v5 =	vld [tilespmem:s30+$0x7470];
	[tilespmem:s28+$0xFFFFFF50] =	vst v3  }
0x576: {  	s6 =	sld [smem:s14+$0xFFFFFFFE];
	v3 =	vld [tilespmem:s29+$0x7470];
	[tilespmem:s28+$0xFFFFFFD0] =	vst v2  }
0x577: {  	s7 =	sld [smem:s14+$0xFFFFFFFF];
	p0 =	slt.s32 s2, $0x200;
	v2 =	vld [tilespmem:s10+$0x7470];
	[tilespmem:s28+$0x50] =	vst v1;
	s11 =	smov.u32 s2  }
0x578: {  	p2 =	slt.s32 s0, $0x200;
	s8 =	sld [smem:s14+$0x0];
	s11 =	simm.s32 @!p0 $0x200;
	v1 =	vld [tilespmem:s3+$0x7470];
	[tilespmem:s28+$0xD0] =	vst v0  }
0x579: {  	p0 =	sgt.s32 s2, $0x3E8;
	s12 =	sld [smem:s14+$0x1];
	s15 =	sshll.u32 s11, $0x7  }
0x57a: {  	v0 =	vld [tilespmem:s5+$0x7470];
	[tilespmem:s28+$0x150] =	vst v4;
	p3 =	slt.s32 s6, $0x200;
	s11 =	smov.u32 s0;
	s16 =	smov.u32 s6  }
0x57b: {  	p5 =	sgt.s32 s6, $0x3E8;
	s23 =	sld [smem:s14+$0x2];
	s15 =	simm.s32 @p0 $0x10080  }
0x57c: {  	[tilespmem:s28+$0xFFFFFE60] =	vst v5;
	v4 =	vld [tilespmem:s24+$0x7470];
	p0 =	slt.s32 s7, $0x200;
	s11 =	simm.s32 @!p2 $0x200;
	s16 =	simm.s32 @!p3 $0x200  }
0x57d: {  	s17 =	smov.u32 s7;
	p6 =	sgt.s32 s7, $0x3E8;
	s2 =	sld [smem:s14+$0xFFFFFFFC]  }
0x57e: {  	p4 =	slt.s32 s8, $0x200;
	v5 =	vld [tilespmem:s15+$0x7410];
	[tilespmem:s28+$0xFFFFFEE0] =	vst v3;
	s17 =	simm.s32 @!p0 $0x200;
	s18 =	smov.u32 s8  }
0x57f: {  	p2 =	slt.s32 s12, $0x200;
	[tilespmem:s28+$0xFFFFFF60] =	vst v2;
	v2 =	vld [tilespmem:s1+$0x7470];
	s18 =	simm.s32 @!p4 $0x200;
	s19 =	smov.u32 s12  }
0x580: {  	p0 =	slt.s32 s23, $0x200;
	v3 =	vld [tilespmem:s30+$0x7480];
	[tilespmem:s28+$0xFFFFFFE0] =	vst v1;
	s19 =	simm.s32 @!p2 $0x200;
	s20 =	smov.u32 s23  }
0x581: {  	p3 =	slt.s32 s2, $0x200;
	s20 =	simm.s32 @!p0 $0x200;
	v1 =	vld [tilespmem:s29+$0x7480];
	[tilespmem:s28+$0x60] =	vst v0;
	s30 =	smov.u32 s2  }
0x582: {  	s29 =	sshll.u32 s11, $0x7;
	s28 =	sadd.s32 $0x400, s28;
	s30 =	simm.s32 @!p3 $0x200;
	v0 =	vld [tilespmem:s10+$0x7480];
	[tilespmem:s9+$0xE0] =	vst v4  }
0x583: {  	s11 =	sshll.u32 s17, $0x7;
	s10 =	sshll.u32 s16, $0x7;
	s30 =	sshll.u32 s30, $0x7;
	[tilespmem:s28+$0x180] =	vst v5;
	v4 =	vld [tilespmem:s3+$0x7480]  }
0x584: {  	s17 =	sshll.u32 s19, $0x7;
	s16 =	sshll.u32 s18, $0x7;
	s18 =	sshll.u32 s20, $0x7;
	v5 =	vld [tilespmem:s15+$0x7420];
	[tilespmem:s9+$0x160] =	vst v2  }
0x585: {  	p4 =	sgt.s32 s0, $0x3E8;
	p2 =	sgt.s32 s12, $0x3E8;
	p0 =	sgt.s32 s2, $0x3E8;
	[tilespmem:s9+$0xFFFFFE70] =	vst v3;
	v2 =	vld [tilespmem:s5+$0x7480]  }
0x586: {  	p3 =	sgt.s32 s8, $0x3E8;
	s29 =	simm.s32 @p4 $0x10080;
	p4 =	sgt.s32 s23, $0x3E8;
	[tilespmem:s9+$0xFFFFFEF0] =	vst v1;
	v1 =	vld [tilespmem:s24+$0x7480]  }
0x587: {  	s10 =	simm.s32 @p5 $0x10080;
	s3 =	smov.u32 s11;
	s30 =	simm.s32 @p0 $0x10080;
	[tilespmem:s9+$0xFFFFFF70] =	vst v0;
	v0 =	vld [tilespmem:s1+$0x7480]  }
0x588: {  	s3 =	simm.s32 @p6 $0x10080;
	s5 =	smov.u32 s16;
	s24 =	smov.u32 s17;
	v3 =	vld [tilespmem:s30+$0x7410];
	[tilespmem:s9+$0xFFFFFFF0] =	vst v4  }
0x589: {  	s5 =	simm.s32 @p3 $0x10080;
	s24 =	simm.s32 @p2 $0x10080;
	s1 =	smov.u32 s18;
	v4 =	vld [tilespmem:s29+$0x7410];
	[tilespmem:s28+$0x190] =	vst v5  }
0x58a: {  	s1 =	simm.s32 @p4 $0x10080;
	v5 =	vld [tilespmem:s15+$0x7430];
	[tilespmem:s9+$0x70] =	vst v2  }
0x58b: {  	v2 =	vld [tilespmem:s10+$0x7410];
	[tilespmem:s9+$0xF0] =	vst v1  }
0x58c: {  	v1 =	vld [tilespmem:s3+$0x7410];
	[tilespmem:s9+$0x170] =	vst v0;
	s9 =	smov.u32 s28  }
0x58d: {  	[tilespmem:s28+$0xFFFFFE00] =	vst v3;
	v0 =	vld [tilespmem:s5+$0x7410]  }
0x58e: {  	[tilespmem:s28+$0xFFFFFE80] =	vst v4;
	v3 =	vld [tilespmem:s24+$0x7410]  }
0x58f: {  	v4 =	vld [tilespmem:s1+$0x7410];
	[tilespmem:s28+$0x1A0] =	vst v5  }
0x590: {  	[tilespmem:s28+$0xFFFFFF00] =	vst v2;
	v2 =	vld [tilespmem:s15+$0x7440]  }
0x591: {  	v5 =	vld [tilespmem:s30+$0x7420];
	[tilespmem:s28+$0xFFFFFF80] =	vst v1  }
0x592: {  	v1 =	vld [tilespmem:s29+$0x7420];
	[tilespmem:s28+$0x0] =	vst v0  }
0x593: {  	v0 =	vld [tilespmem:s10+$0x7420];
	[tilespmem:s28+$0x80] =	vst v3  }
0x594: {  	v3 =	vld [tilespmem:s3+$0x7420];
	[tilespmem:s28+$0x100] =	vst v4  }
0x595: {  	v4 =	vld [tilespmem:s5+$0x7420];
	[tilespmem:s28+$0x1B0] =	vst v2  }
0x596: {  	[tilespmem:s28+$0xFFFFFE10] =	vst v5;
	v2 =	vld [tilespmem:s15+$0x7450]  }
0x597: {  	[tilespmem:s28+$0xFFFFFE90] =	vst v1;
	v1 =	vld [tilespmem:s24+$0x7420]  }
0x598: {  	[tilespmem:s28+$0xFFFFFF10] =	vst v0;
	v0 =	vld [tilespmem:s1+$0x7420]  }
0x599: {  	v5 =	vld [tilespmem:s30+$0x7430];
	[tilespmem:s28+$0xFFFFFF90] =	vst v3  }
0x59a: {  	v3 =	vld [tilespmem:s29+$0x7430];
	[tilespmem:s28+$0x10] =	vst v4  }
0x59b: {  	v4 =	vld [tilespmem:s10+$0x7430];
	[tilespmem:s28+$0x1C0] =	vst v2  }
0x59c: {  	[tilespmem:s28+$0x90] =	vst v1;
	v1 =	vld [tilespmem:s15+$0x7460]  }
0x59d: {  	v2 =	vld [tilespmem:s3+$0x7430];
	[tilespmem:s28+$0x110] =	vst v0  }
0x59e: {  	[tilespmem:s28+$0xFFFFFE20] =	vst v5;
	v0 =	vld [tilespmem:s5+$0x7430]  }
0x59f: {  	[tilespmem:s28+$0xFFFFFEA0] =	vst v3;
	v3 =	vld [tilespmem:s24+$0x7430]  }
0x5a0: {  	[tilespmem:s28+$0xFFFFFF20] =	vst v4;
	v4 =	vld [tilespmem:s1+$0x7430]  }
0x5a1: {  	v5 =	vld [tilespmem:s30+$0x7440];
	[tilespmem:s28+$0x1D0] =	vst v1  }
0x5a2: {  	[tilespmem:s28+$0xFFFFFFA0] =	vst v2;
	v1 =	vld [tilespmem:s15+$0x7470]  }
0x5a3: {  	v2 =	vld [tilespmem:s29+$0x7440];
	[tilespmem:s28+$0x20] =	vst v0  }
0x5a4: {  	v0 =	vld [tilespmem:s10+$0x7440];
	[tilespmem:s28+$0xA0] =	vst v3  }
0x5a5: {  	v3 =	vld [tilespmem:s3+$0x7440];
	[tilespmem:s28+$0x120] =	vst v4  }
0x5a6: {  	[tilespmem:s28+$0xFFFFFE30] =	vst v5;
	v4 =	vld [tilespmem:s5+$0x7440]  }
0x5a7: {  	v5 =	vld [tilespmem:s24+$0x7440];
	[tilespmem:s28+$0x1E0] =	vst v1  }
0x5a8: {  	[tilespmem:s28+$0xFFFFFEB0] =	vst v2;
	v1 =	vld [tilespmem:s15+$0x7480]  }
0x5a9: {  	[tilespmem:s28+$0xFFFFFF30] =	vst v0;
	v0 =	vld [tilespmem:s1+$0x7440]  }
0x5aa: {  	v2 =	vld [tilespmem:s30+$0x7450];
	[tilespmem:s28+$0xFFFFFFB0] =	vst v3  }
0x5ab: {  	v3 =	vld [tilespmem:s29+$0x7450];
	[tilespmem:s28+$0x30] =	vst v4  }
0x5ac: {  	v4 =	vld [tilespmem:s10+$0x7450];
	[tilespmem:s28+$0xB0] =	vst v5  }
0x5ad: {  	v5 =	vld [tilespmem:s3+$0x7450];
	[tilespmem:s28+$0x1F0] =	vst v1  }
0x5ae: {  	v1 =	vld [tilespmem:s5+$0x7450];
	[tilespmem:s28+$0x130] =	vst v0  }
0x5af: {  	[tilespmem:s28+$0xFFFFFE40] =	vst v2;
	v0 =	vld [tilespmem:s24+$0x7450]  }
0x5b0: {  	[tilespmem:s28+$0xFFFFFEC0] =	vst v3;
	v6 =	vld [tilespmem:s1+$0x7450]  }
0x5b1: {  	v7 =	vld [tilespmem:s30+$0x7460];
	[tilespmem:s28+$0xFFFFFF40] =	vst v4  }
.Ltmp8:
0x5b2: {  	v4 =	vld [tilespmem:s29+$0x7460];
	[tilespmem:s28+$0xFFFFFFC0] =	vst v5;
	(pc) =	sbr.rel @p1 .LBB2_19-.Ltmp8, $4  }
0x5b3: {  	v3 =	vld [tilespmem:s10+$0x7460];
	[tilespmem:s28+$0x40] =	vst v1  }
0x5b4: {  	v2 =	vld [tilespmem:s3+$0x7460];
	[tilespmem:s28+$0xC0] =	vst v0  }
0x5b5: {  	v1 =	vld [tilespmem:s5+$0x7460];
	[tilespmem:s28+$0x140] =	vst v6  }
0x5b6: {  	s14 =	sadd.s32 $0x8, s14;
	[tilespmem:s28+$0xFFFFFE50] =	vst v7;
	v0 =	vld [tilespmem:s24+$0x7460]  }
0x5b7: {  	[tilespmem:s28+$0xFFFFFED0] =	vst v4;
	v4 =	vld [tilespmem:s1+$0x7460]  }
0x5b8: {  	v5 =	vld [tilespmem:s30+$0x7470];
	[tilespmem:s28+$0xFFFFFF50] =	vst v3  }
0x5b9: {  	v3 =	vld [tilespmem:s29+$0x7470];
	[tilespmem:s28+$0xFFFFFFD0] =	vst v2  }
0x5ba: {  	v2 =	vld [tilespmem:s10+$0x7470];
	[tilespmem:s28+$0x50] =	vst v1  }
0x5bb: {  	v1 =	vld [tilespmem:s3+$0x7470];
	[tilespmem:s28+$0xD0] =	vst v0  }
0x5bc: {  	v0 =	vld [tilespmem:s5+$0x7470];
	[tilespmem:s28+$0x150] =	vst v4  }
0x5bd: {  	[tilespmem:s28+$0xFFFFFE60] =	vst v5;
	v4 =	vld [tilespmem:s24+$0x7470]  }
0x5be: {  	[tilespmem:s28+$0xFFFFFEE0] =	vst v3;
	v3 =	vld [tilespmem:s1+$0x7470]  }
0x5bf: {  	[tilespmem:s28+$0xFFFFFF60] =	vst v2;
	v2 =	vld [tilespmem:s30+$0x7480]  }
0x5c0: {  	[tilespmem:s28+$0xFFFFFFE0] =	vst v1;
	v1 =	vld [tilespmem:s29+$0x7480]  }
0x5c1: {  	[tilespmem:s28+$0x60] =	vst v0;
	v0 =	vld [tilespmem:s10+$0x7480]  }
0x5c2: {  	[tilespmem:s9+$0xE0] =	vst v4;
	v4 =	vld [tilespmem:s3+$0x7480]  }
0x5c3: {  	[tilespmem:s9+$0x160] =	vst v3;
	v3 =	vld [tilespmem:s5+$0x7480]  }
0x5c4: {  	[tilespmem:s9+$0xFFFFFE70] =	vst v2  }
0x5c5: {  	[tilespmem:s9+$0xFFFFFEF0] =	vst v1  }
0x5c6: {  	v2 =	vld [tilespmem:s24+$0x7480];
	[tilespmem:s9+$0xFFFFFF70] =	vst v0  }
0x5c7: {  	v1 =	vld [tilespmem:s1+$0x7480];
	[tilespmem:s9+$0xFFFFFFF0] =	vst v4  }
0x5c8: {  	[tilespmem:s9+$0x70] =	vst v3  }
0x5c9: {  	s0 =	sshll.u32 s26, $0x10;
	s16 =	rddreg [dreg:$0xb]  }
0x5ca: {  	s0 =	sadd.s32 s16, s0  }
0x5cb: {  	s17 =	rddreg [dreg:$0x2];
	[tilespmem:s9+$0xF0] =	vst v2;
	s0 =	sshrl.u32 s0, $0x3  }
0x5cc: {  	s18 =	simm.s32 $0x17810;
	[tilespmem:s9+$0x170] =	vst v1;
	s0 =	sadd.s32 s17, s0  }
0x5cd: {  	[hbm4b:s0+s4] =	stream.linear.scatter [tilespmem:s18], [sflag:$0x4], $0x4000, $0x38;
	[tilespmem:$0x1F810] =	vst v63  }
0x5ce: {  	_ =	swait.ge [sflag:s22], $0x4000  }
0x5cf: {  	[sflag:s22] =	ssyncset.done $0x0  }
0x5d0: {  	[sflag:s22] =	ssyncadd.s32 $0xFFFFC000  }
0x5d1: {  	s0 =	sld [smem:$0x107]  }
0x5d2: {  	s2 =	sld [smem:$0x101]  }
0x5d3: {  	s19 =	sld [smem:$0x102]  }
0x5d4: {  	s28 =	simm.s32 $0x1BA10;
	s20 =	sld [smem:$0x103];
	p0 =	slt.s32 s0, $0x200  }
0x5d5: {  	p1 =	sgt.s32 s0, $0x3E8;
	s6 =	sld [smem:$0x104];
	s0 =	simm.s32 @!p0 $0x200  }
0x5d6: {  	p0 =	slt.s32 s2, $0x200;
	s7 =	sld [smem:$0x105];
	s9 =	sshll.u32 s0, $0x7  }
0x5d7: {  	s8 =	smov.u32 s2;
	s23 =	sld [smem:$0x106];
	s9 =	simm.s32 @p1 $0x10080  }
0x5d8: {  	s8 =	simm.s32 @!p0 $0x200;
	s10 =	smov.u32 s19;
	s1 =	sld [smem:$0x100];
	v0 =	vld [tilespmem:s9+$0x7410]  }
0x5d9: {  	p1 =	slt.s32 s19, $0x200;
	p2 =	slt.s32 s20, $0x200;
	s11 =	smov.u32 s20  }
0x5da: {  	s29 =	sshll.u32 s8, $0x7;
	p3 =	slt.s32 s6, $0x200;
	s10 =	simm.s32 @!p1 $0x200  }
0x5db: {  	s12 =	smov.u32 s6;
	s11 =	simm.s32 @!p2 $0x200;
	p1 =	slt.s32 s7, $0x200  }
0x5dc: {  	s12 =	simm.s32 @!p3 $0x200;
	s13 =	smov.u32 s7;
	p0 =	slt.s32 s1, $0x200  }
0x5dd: {  	p4 =	sgt.s32 s1, $0x3E8;
	s1 =	simm.s32 @!p0 $0x200;
	p0 =	sgt.s32 s2, $0x3E8;
	[tilespmem:s28+$0x180] =	vst v0  }
0x5de: {  	s10 =	sshll.u32 s10, $0x7;
	s3 =	sshll.u32 s11, $0x7;
	s29 =	simm.s32 @p0 $0x10080;
	v0 =	vld [tilespmem:s9+$0x7420]  }
0x5df: {  	p2 =	slt.s32 s23, $0x200;
	s13 =	simm.s32 @!p1 $0x200;
	p1 =	sgt.s32 s20, $0x3E8;
	v2 =	vld [tilespmem:s29+$0x7410]  }
0x5e0: {  	s5 =	sshll.u32 s12, $0x7;
	s3 =	simm.s32 @p1 $0x10080;
	s1 =	sshll.u32 s1, $0x7  }
0x5e1: {  	s30 =	sshll.u32 s13, $0x7;
	v4 =	vld [tilespmem:s3+$0x7410];
	p0 =	sgt.s32 s19, $0x3E8;
	s1 =	simm.s32 @p4 $0x10080  }
0x5e2: {  	p1 =	sgt.s32 s7, $0x3E8;
	s2 =	smov.u32 s23;
	s10 =	simm.s32 @p0 $0x10080;
	v1 =	vld [tilespmem:s1+$0x7410]  }
0x5e3: {  	s30 =	simm.s32 @p1 $0x10080;
	s2 =	simm.s32 @!p2 $0x200;
	p0 =	sgt.s32 s6, $0x3E8;
	v3 =	vld [tilespmem:s10+$0x7410];
	[tilespmem:s28+$0x190] =	vst v0  }
0x5e4: {  	s24 =	sshll.u32 s2, $0x7;
	s5 =	simm.s32 @p0 $0x10080;
	p0 =	sgt.s32 s23, $0x3E8;
	[tilespmem:s28+$0xFFFFFE80] =	vst v2;
	v2 =	vld [tilespmem:s30+$0x7410]  }
0x5e5: {  	s24 =	simm.s32 @p0 $0x10080;
	v0 =	vld [tilespmem:s9+$0x7430]  }
0x5e6: {  	v5 =	vld [tilespmem:s24+$0x7410];
	[tilespmem:s28+$0xFFFFFF80] =	vst v4  }
0x5e7: {  	[tilespmem:s28+$0xFFFFFE00] =	vst v1;
	v1 =	vld [tilespmem:s5+$0x7410]  }
0x5e8: {  	[tilespmem:s28+$0xFFFFFF00] =	vst v3;
	v4 =	vld [tilespmem:s29+$0x7420]  }
0x5e9: {  	v3 =	vld [tilespmem:s1+$0x7420];
	[tilespmem:s28+$0x80] =	vst v2  }
0x5ea: {  	v2 =	vld [tilespmem:s3+$0x7420];
	[tilespmem:s28+$0x1A0] =	vst v0  }
0x5eb: {  	[tilespmem:s28+$0x100] =	vst v5;
	v0 =	vld [tilespmem:s9+$0x7440]  }
0x5ec: {  	[tilespmem:s28+$0x0] =	vst v1  }
0x5ed: {  	v1 =	vld [tilespmem:s10+$0x7420];
	[tilespmem:s28+$0xFFFFFE90] =	vst v4  }
0x5ee: {  	v5 =	vld [tilespmem:s5+$0x7420];
	[tilespmem:s28+$0xFFFFFE10] =	vst v3  }
0x5ef: {  	v3 =	vld [tilespmem:s30+$0x7420];
	[tilespmem:s28+$0xFFFFFF90] =	vst v2  }
0x5f0: {  	v2 =	vld [tilespmem:s29+$0x7430];
	[tilespmem:s28+$0x1B0] =	vst v0  }
0x5f1: {  	v0 =	vld [tilespmem:s9+$0x7450]  }
0x5f2: {  	v4 =	vld [tilespmem:s1+$0x7430];
	[tilespmem:s28+$0xFFFFFF10] =	vst v1  }
0x5f3: {  	v1 =	vld [tilespmem:s24+$0x7420];
	[tilespmem:s28+$0x10] =	vst v5  }
0x5f4: {  	v5 =	vld [tilespmem:s10+$0x7430];
	[tilespmem:s28+$0x90] =	vst v3  }
0x5f5: {  	v3 =	vld [tilespmem:s3+$0x7430];
	[tilespmem:s28+$0xFFFFFEA0] =	vst v2  }
0x5f6: {  	v2 =	vld [tilespmem:s30+$0x7430];
	[tilespmem:s28+$0x1C0] =	vst v0  }
0x5f7: {  	[tilespmem:s28+$0xFFFFFE20] =	vst v4;
	v0 =	vld [tilespmem:s9+$0x7460]  }
0x5f8: {  	[tilespmem:s28+$0x110] =	vst v1;
	v1 =	vld [tilespmem:s5+$0x7430]  }
0x5f9: {  	[tilespmem:s28+$0xFFFFFF20] =	vst v5;
	v4 =	vld [tilespmem:s24+$0x7430]  }
0x5fa: {  	v5 =	vld [tilespmem:s1+$0x7440];
	[tilespmem:s28+$0xFFFFFFA0] =	vst v3  }
0x5fb: {  	v3 =	vld [tilespmem:s29+$0x7440];
	[tilespmem:s28+$0xA0] =	vst v2  }
0x5fc: {  	v2 =	vld [tilespmem:s3+$0x7440];
	[tilespmem:s28+$0x1D0] =	vst v0  }
0x5fd: {  	[tilespmem:s28+$0x20] =	vst v1;
	v0 =	vld [tilespmem:s9+$0x7470]  }
0x5fe: {  	v1 =	vld [tilespmem:s10+$0x7440];
	[tilespmem:s28+$0x120] =	vst v4  }
0x5ff: {  	[tilespmem:s28+$0xFFFFFE30] =	vst v5;
	v4 =	vld [tilespmem:s5+$0x7440]  }
0x600: {  	v5 =	vld [tilespmem:s30+$0x7440];
	[tilespmem:s28+$0xFFFFFEB0] =	vst v3  }
0x601: {  	v3 =	vld [tilespmem:s1+$0x7450];
	[tilespmem:s28+$0xFFFFFFB0] =	vst v2  }
0x602: {  	v2 =	vld [tilespmem:s29+$0x7450];
	[tilespmem:s28+$0x1E0] =	vst v0  }
0x603: {  	[tilespmem:s28+$0xFFFFFF30] =	vst v1;
	v0 =	vld [tilespmem:s9+$0x7480]  }
0x604: {  	v1 =	vld [tilespmem:s24+$0x7440];
	[tilespmem:s28+$0x30] =	vst v4  }
0x605: {  	v4 =	vld [tilespmem:s10+$0x7450];
	[tilespmem:s28+$0xB0] =	vst v5  }
0x606: {  	v5 =	vld [tilespmem:s3+$0x7450];
	[tilespmem:s28+$0xFFFFFE40] =	vst v3  }
0x607: {  	v7 =	vld [tilespmem:s1+$0x7460];
	[tilespmem:s28+$0xFFFFFEC0] =	vst v2  }
0x608: {  	[tilespmem:s28+$0x1F0] =	vst v0;
	v0 =	vld [tilespmem:s5+$0x7450]  }
0x609: {  	[tilespmem:s28+$0x130] =	vst v1;
	v1 =	vld [tilespmem:s30+$0x7450]  }
0x60a: {  	v6 =	vld [tilespmem:s24+$0x7450];
	[tilespmem:s28+$0xFFFFFF40] =	vst v4  }
0x60b: {  	v4 =	vld [tilespmem:s29+$0x7460];
	[tilespmem:s28+$0xFFFFFFC0] =	vst v5  }
0x60c: {  	v3 =	vld [tilespmem:s10+$0x7460];
	[tilespmem:s28+$0xFFFFFE50] =	vst v7  }
0x60d: {  	v2 =	vld [tilespmem:s3+$0x7460];
	[tilespmem:s28+$0x40] =	vst v0  }
0x60e: {  	[tilespmem:s28+$0xC0] =	vst v1;
	v1 =	vld [tilespmem:s5+$0x7460]  }
0x60f: {  	s14 =	simm.s32 $0x10F;
	s13 =	simm.s32 $0x0;
	s9 =	simm.s32 $0x1BA10;
	[tilespmem:s28+$0x140] =	vst v6;
	v0 =	vld [tilespmem:s30+$0x7460]  }
.LBB2_21:
0x610: {  	s2 =	sld [smem:s14+$0x0];
	s13 =	sadd.s32 $0x8, s13;
	[tilespmem:s28+$0xFFFFFED0] =	vst v4;
	v4 =	vld [tilespmem:s24+$0x7460]  }
0x611: {  	s0 =	sld [smem:s14+$0xFFFFFFFA];
	p1 =	slt.u32 s13, $0x78;
	v5 =	vld [tilespmem:s1+$0x7470];
	[tilespmem:s28+$0xFFFFFF50] =	vst v3  }
0x612: {  	s6 =	sld [smem:s14+$0xFFFFFFFB];
	v3 =	vld [tilespmem:s29+$0x7470];
	[tilespmem:s28+$0xFFFFFFD0] =	vst v2  }
0x613: {  	s7 =	sld [smem:s14+$0xFFFFFFFC];
	p0 =	slt.s32 s2, $0x200;
	v2 =	vld [tilespmem:s10+$0x7470];
	[tilespmem:s28+$0x50] =	vst v1;
	s11 =	smov.u32 s2  }
0x614: {  	p2 =	slt.s32 s0, $0x200;
	s8 =	sld [smem:s14+$0xFFFFFFFD];
	s11 =	simm.s32 @!p0 $0x200;
	v1 =	vld [tilespmem:s3+$0x7470];
	[tilespmem:s28+$0xD0] =	vst v0  }
0x615: {  	p0 =	sgt.s32 s2, $0x3E8;
	s12 =	sld [smem:s14+$0xFFFFFFFE];
	s15 =	sshll.u32 s11, $0x7  }
0x616: {  	v0 =	vld [tilespmem:s5+$0x7470];
	[tilespmem:s28+$0x150] =	vst v4;
	p3 =	slt.s32 s6, $0x200;
	s11 =	smov.u32 s0;
	s16 =	smov.u32 s6  }
0x617: {  	p5 =	sgt.s32 s6, $0x3E8;
	s23 =	sld [smem:s14+$0xFFFFFFFF];
	s15 =	simm.s32 @p0 $0x10080  }
0x618: {  	[tilespmem:s28+$0xFFFFFE60] =	vst v5;
	v4 =	vld [tilespmem:s30+$0x7470];
	p0 =	slt.s32 s7, $0x200;
	s11 =	simm.s32 @!p2 $0x200;
	s16 =	simm.s32 @!p3 $0x200  }
0x619: {  	s17 =	smov.u32 s7;
	p6 =	sgt.s32 s7, $0x3E8;
	s2 =	sld [smem:s14+$0xFFFFFFF9]  }
0x61a: {  	p4 =	slt.s32 s8, $0x200;
	v5 =	vld [tilespmem:s15+$0x7410];
	[tilespmem:s28+$0xFFFFFEE0] =	vst v3;
	s17 =	simm.s32 @!p0 $0x200;
	s18 =	smov.u32 s8  }
0x61b: {  	p2 =	slt.s32 s12, $0x200;
	[tilespmem:s28+$0xFFFFFF60] =	vst v2;
	v2 =	vld [tilespmem:s24+$0x7470];
	s18 =	simm.s32 @!p4 $0x200;
	s19 =	smov.u32 s12  }
0x61c: {  	p0 =	slt.s32 s23, $0x200;
	v3 =	vld [tilespmem:s1+$0x7480];
	[tilespmem:s28+$0xFFFFFFE0] =	vst v1;
	s19 =	simm.s32 @!p2 $0x200;
	s20 =	smov.u32 s23  }
0x61d: {  	p3 =	slt.s32 s2, $0x200;
	s20 =	simm.s32 @!p0 $0x200;
	v1 =	vld [tilespmem:s29+$0x7480];
	[tilespmem:s28+$0x60] =	vst v0;
	s1 =	smov.u32 s2  }
0x61e: {  	s29 =	sshll.u32 s11, $0x7;
	s28 =	sadd.s32 $0x400, s28;
	s1 =	simm.s32 @!p3 $0x200;
	v0 =	vld [tilespmem:s10+$0x7480];
	[tilespmem:s9+$0xE0] =	vst v4  }
0x61f: {  	s11 =	sshll.u32 s17, $0x7;
	s10 =	sshll.u32 s16, $0x7;
	s1 =	sshll.u32 s1, $0x7;
	[tilespmem:s28+$0x180] =	vst v5;
	v4 =	vld [tilespmem:s3+$0x7480]  }
0x620: {  	s17 =	sshll.u32 s19, $0x7;
	s16 =	sshll.u32 s18, $0x7;
	s18 =	sshll.u32 s20, $0x7;
	v5 =	vld [tilespmem:s15+$0x7420];
	[tilespmem:s9+$0x160] =	vst v2  }
0x621: {  	p4 =	sgt.s32 s0, $0x3E8;
	p2 =	sgt.s32 s12, $0x3E8;
	p0 =	sgt.s32 s2, $0x3E8;
	[tilespmem:s9+$0xFFFFFE70] =	vst v3;
	v2 =	vld [tilespmem:s5+$0x7480]  }
0x622: {  	p3 =	sgt.s32 s8, $0x3E8;
	s29 =	simm.s32 @p4 $0x10080;
	p4 =	sgt.s32 s23, $0x3E8;
	[tilespmem:s9+$0xFFFFFEF0] =	vst v1;
	v1 =	vld [tilespmem:s30+$0x7480]  }
0x623: {  	s10 =	simm.s32 @p5 $0x10080;
	s3 =	smov.u32 s11;
	s1 =	simm.s32 @p0 $0x10080;
	[tilespmem:s9+$0xFFFFFF70] =	vst v0;
	v0 =	vld [tilespmem:s24+$0x7480]  }
0x624: {  	s3 =	simm.s32 @p6 $0x10080;
	s5 =	smov.u32 s16;
	s30 =	smov.u32 s17;
	v3 =	vld [tilespmem:s1+$0x7410];
	[tilespmem:s9+$0xFFFFFFF0] =	vst v4  }
0x625: {  	s5 =	simm.s32 @p3 $0x10080;
	s30 =	simm.s32 @p2 $0x10080;
	s24 =	smov.u32 s18;
	v4 =	vld [tilespmem:s29+$0x7410];
	[tilespmem:s28+$0x190] =	vst v5  }
0x626: {  	s24 =	simm.s32 @p4 $0x10080;
	v5 =	vld [tilespmem:s15+$0x7430];
	[tilespmem:s9+$0x70] =	vst v2  }
0x627: {  	v2 =	vld [tilespmem:s10+$0x7410];
	[tilespmem:s9+$0xF0] =	vst v1  }
0x628: {  	v1 =	vld [tilespmem:s3+$0x7410];
	[tilespmem:s9+$0x170] =	vst v0;
	s9 =	smov.u32 s28  }
0x629: {  	[tilespmem:s28+$0xFFFFFE00] =	vst v3;
	v0 =	vld [tilespmem:s5+$0x7410]  }
0x62a: {  	[tilespmem:s28+$0xFFFFFE80] =	vst v4;
	v3 =	vld [tilespmem:s30+$0x7410]  }
0x62b: {  	v4 =	vld [tilespmem:s24+$0x7410];
	[tilespmem:s28+$0x1A0] =	vst v5  }
0x62c: {  	[tilespmem:s28+$0xFFFFFF00] =	vst v2;
	v2 =	vld [tilespmem:s15+$0x7440]  }
0x62d: {  	v5 =	vld [tilespmem:s1+$0x7420];
	[tilespmem:s28+$0xFFFFFF80] =	vst v1  }
0x62e: {  	v1 =	vld [tilespmem:s29+$0x7420];
	[tilespmem:s28+$0x0] =	vst v0  }
0x62f: {  	v0 =	vld [tilespmem:s10+$0x7420];
	[tilespmem:s28+$0x80] =	vst v3  }
0x630: {  	v3 =	vld [tilespmem:s3+$0x7420];
	[tilespmem:s28+$0x100] =	vst v4  }
0x631: {  	v4 =	vld [tilespmem:s5+$0x7420];
	[tilespmem:s28+$0x1B0] =	vst v2  }
0x632: {  	[tilespmem:s28+$0xFFFFFE10] =	vst v5;
	v2 =	vld [tilespmem:s15+$0x7450]  }
0x633: {  	[tilespmem:s28+$0xFFFFFE90] =	vst v1;
	v1 =	vld [tilespmem:s30+$0x7420]  }
0x634: {  	[tilespmem:s28+$0xFFFFFF10] =	vst v0;
	v0 =	vld [tilespmem:s24+$0x7420]  }
0x635: {  	v5 =	vld [tilespmem:s1+$0x7430];
	[tilespmem:s28+$0xFFFFFF90] =	vst v3  }
0x636: {  	v3 =	vld [tilespmem:s29+$0x7430];
	[tilespmem:s28+$0x10] =	vst v4  }
0x637: {  	v4 =	vld [tilespmem:s10+$0x7430];
	[tilespmem:s28+$0x1C0] =	vst v2  }
0x638: {  	[tilespmem:s28+$0x90] =	vst v1;
	v1 =	vld [tilespmem:s15+$0x7460]  }
0x639: {  	v2 =	vld [tilespmem:s3+$0x7430];
	[tilespmem:s28+$0x110] =	vst v0  }
0x63a: {  	[tilespmem:s28+$0xFFFFFE20] =	vst v5;
	v0 =	vld [tilespmem:s5+$0x7430]  }
0x63b: {  	[tilespmem:s28+$0xFFFFFEA0] =	vst v3;
	v3 =	vld [tilespmem:s30+$0x7430]  }
0x63c: {  	[tilespmem:s28+$0xFFFFFF20] =	vst v4;
	v4 =	vld [tilespmem:s24+$0x7430]  }
0x63d: {  	v5 =	vld [tilespmem:s1+$0x7440];
	[tilespmem:s28+$0x1D0] =	vst v1  }
0x63e: {  	[tilespmem:s28+$0xFFFFFFA0] =	vst v2;
	v1 =	vld [tilespmem:s15+$0x7470]  }
0x63f: {  	v2 =	vld [tilespmem:s29+$0x7440];
	[tilespmem:s28+$0x20] =	vst v0  }
0x640: {  	v0 =	vld [tilespmem:s10+$0x7440];
	[tilespmem:s28+$0xA0] =	vst v3  }
0x641: {  	v3 =	vld [tilespmem:s3+$0x7440];
	[tilespmem:s28+$0x120] =	vst v4  }
0x642: {  	[tilespmem:s28+$0xFFFFFE30] =	vst v5;
	v4 =	vld [tilespmem:s5+$0x7440]  }
0x643: {  	v5 =	vld [tilespmem:s30+$0x7440];
	[tilespmem:s28+$0x1E0] =	vst v1  }
0x644: {  	[tilespmem:s28+$0xFFFFFEB0] =	vst v2;
	v1 =	vld [tilespmem:s15+$0x7480]  }
0x645: {  	[tilespmem:s28+$0xFFFFFF30] =	vst v0;
	v0 =	vld [tilespmem:s24+$0x7440]  }
0x646: {  	v2 =	vld [tilespmem:s1+$0x7450];
	[tilespmem:s28+$0xFFFFFFB0] =	vst v3  }
0x647: {  	v3 =	vld [tilespmem:s29+$0x7450];
	[tilespmem:s28+$0x30] =	vst v4  }
0x648: {  	v4 =	vld [tilespmem:s10+$0x7450];
	[tilespmem:s28+$0xB0] =	vst v5  }
0x649: {  	v5 =	vld [tilespmem:s3+$0x7450];
	[tilespmem:s28+$0x1F0] =	vst v1  }
0x64a: {  	v1 =	vld [tilespmem:s5+$0x7450];
	[tilespmem:s28+$0x130] =	vst v0  }
0x64b: {  	[tilespmem:s28+$0xFFFFFE40] =	vst v2;
	v0 =	vld [tilespmem:s30+$0x7450]  }
0x64c: {  	[tilespmem:s28+$0xFFFFFEC0] =	vst v3;
	v6 =	vld [tilespmem:s24+$0x7450]  }
0x64d: {  	v7 =	vld [tilespmem:s1+$0x7460];
	[tilespmem:s28+$0xFFFFFF40] =	vst v4  }
.Ltmp9:
0x64e: {  	v4 =	vld [tilespmem:s29+$0x7460];
	[tilespmem:s28+$0xFFFFFFC0] =	vst v5;
	(pc) =	sbr.rel @p1 .LBB2_21-.Ltmp9, $4  }
0x64f: {  	v3 =	vld [tilespmem:s10+$0x7460];
	[tilespmem:s28+$0x40] =	vst v1  }
0x650: {  	v2 =	vld [tilespmem:s3+$0x7460];
	[tilespmem:s28+$0xC0] =	vst v0  }
0x651: {  	v1 =	vld [tilespmem:s5+$0x7460];
	[tilespmem:s28+$0x140] =	vst v6  }
0x652: {  	s14 =	sadd.s32 $0x8, s14;
	[tilespmem:s28+$0xFFFFFE50] =	vst v7;
	v0 =	vld [tilespmem:s30+$0x7460]  }
0x653: {  	[tilespmem:s28+$0xFFFFFED0] =	vst v4;
	v4 =	vld [tilespmem:s24+$0x7460]  }
0x654: {  	v5 =	vld [tilespmem:s1+$0x7470];
	[tilespmem:s28+$0xFFFFFF50] =	vst v3  }
0x655: {  	v3 =	vld [tilespmem:s29+$0x7470];
	[tilespmem:s28+$0xFFFFFFD0] =	vst v2  }
0x656: {  	v2 =	vld [tilespmem:s10+$0x7470];
	[tilespmem:s28+$0x50] =	vst v1  }
0x657: {  	v1 =	vld [tilespmem:s3+$0x7470];
	[tilespmem:s28+$0xD0] =	vst v0  }
0x658: {  	v0 =	vld [tilespmem:s5+$0x7470];
	[tilespmem:s28+$0x150] =	vst v4  }
0x659: {  	[tilespmem:s28+$0xFFFFFE60] =	vst v5;
	v4 =	vld [tilespmem:s30+$0x7470]  }
0x65a: {  	[tilespmem:s28+$0xFFFFFEE0] =	vst v3;
	v3 =	vld [tilespmem:s24+$0x7470]  }
0x65b: {  	[tilespmem:s28+$0xFFFFFF60] =	vst v2;
	v2 =	vld [tilespmem:s1+$0x7480]  }
0x65c: {  	[tilespmem:s28+$0xFFFFFFE0] =	vst v1;
	v1 =	vld [tilespmem:s29+$0x7480]  }
0x65d: {  	[tilespmem:s28+$0x60] =	vst v0;
	v0 =	vld [tilespmem:s10+$0x7480]  }
0x65e: {  	[tilespmem:s9+$0xE0] =	vst v4;
	v4 =	vld [tilespmem:s3+$0x7480]  }
0x65f: {  	[tilespmem:s9+$0x160] =	vst v3;
	v3 =	vld [tilespmem:s5+$0x7480]  }
0x660: {  	[tilespmem:s9+$0xFFFFFE70] =	vst v2  }
0x661: {  	[tilespmem:s9+$0xFFFFFEF0] =	vst v1  }
0x662: {  	v2 =	vld [tilespmem:s30+$0x7480];
	[tilespmem:s9+$0xFFFFFF70] =	vst v0  }
0x663: {  	v1 =	vld [tilespmem:s24+$0x7480];
	[tilespmem:s9+$0xFFFFFFF0] =	vst v4  }
0x664: {  	[tilespmem:s9+$0x70] =	vst v3  }
0x665: {  	s26 =	sshll.u32 s26, $0x9;
	s0 =	rddreg [dreg:$0x10]  }
0x666: {  	s0 =	sadd.s32 s26, s0  }
0x667: {  	s18 =	rddreg [dreg:$0x2];
	[tilespmem:s9+$0xF0] =	vst v2;
	s0 =	sshll.u32 s0, $0x4  }
0x668: {  	[tilespmem:s9+$0x170] =	vst v1;
	s0 =	sadd.s32 s18, s0  }
0x669: {  	[hbm4b:s0+s4] =	stream.linear.scatter [tilespmem:s31], [sflag:$0x5], $0x4000, $0x38;
	[tilespmem:$0x1F810] =	vst v63  }
0x66a: {  	_ =	swait.ge [sflag:s21], $0x4000  }
0x66b: {  	[sflag:s21] =	ssyncset.done $0x0  }
0x66c: {  	[sflag:s21] =	ssyncadd.s32 $0xFFFFC000  }
0x66d: {  	s0 =	sld [smem:$0x207]  }
0x66e: {  	s2 =	sld [smem:$0x201]  }
0x66f: {  	s19 =	sld [smem:$0x202]  }
0x670: {  	s28 =	simm.s32 $0x17A10;
	s20 =	sld [smem:$0x203];
	p0 =	slt.s32 s0, $0x200  }
0x671: {  	p1 =	sgt.s32 s0, $0x3E8;
	s6 =	sld [smem:$0x204];
	s0 =	simm.s32 @!p0 $0x200  }
0x672: {  	p0 =	slt.s32 s2, $0x200;
	s7 =	sld [smem:$0x205];
	s9 =	sshll.u32 s0, $0x7  }
0x673: {  	s8 =	smov.u32 s2;
	s23 =	sld [smem:$0x206];
	s9 =	simm.s32 @p1 $0x10080  }
0x674: {  	s8 =	simm.s32 @!p0 $0x200;
	s10 =	smov.u32 s19;
	s1 =	sld [smem:$0x200];
	v0 =	vld [tilespmem:s9+$0x7410]  }
0x675: {  	p1 =	slt.s32 s19, $0x200;
	p2 =	slt.s32 s20, $0x200;
	s11 =	smov.u32 s20  }
0x676: {  	s29 =	sshll.u32 s8, $0x7;
	p3 =	slt.s32 s6, $0x200;
	s10 =	simm.s32 @!p1 $0x200  }
0x677: {  	s12 =	smov.u32 s6;
	s11 =	simm.s32 @!p2 $0x200;
	p1 =	slt.s32 s7, $0x200  }
0x678: {  	s12 =	simm.s32 @!p3 $0x200;
	s13 =	smov.u32 s7;
	p0 =	slt.s32 s1, $0x200  }
0x679: {  	p4 =	sgt.s32 s1, $0x3E8;
	s1 =	simm.s32 @!p0 $0x200;
	p0 =	sgt.s32 s2, $0x3E8;
	[tilespmem:s28+$0x180] =	vst v0  }
0x67a: {  	s10 =	sshll.u32 s10, $0x7;
	s3 =	sshll.u32 s11, $0x7;
	s29 =	simm.s32 @p0 $0x10080;
	v0 =	vld [tilespmem:s9+$0x7420]  }
0x67b: {  	p2 =	slt.s32 s23, $0x200;
	s13 =	simm.s32 @!p1 $0x200;
	p1 =	sgt.s32 s20, $0x3E8;
	v2 =	vld [tilespmem:s29+$0x7410]  }
0x67c: {  	s5 =	sshll.u32 s12, $0x7;
	s3 =	simm.s32 @p1 $0x10080;
	s1 =	sshll.u32 s1, $0x7  }
0x67d: {  	s30 =	sshll.u32 s13, $0x7;
	v4 =	vld [tilespmem:s3+$0x7410];
	p0 =	sgt.s32 s19, $0x3E8;
	s1 =	simm.s32 @p4 $0x10080  }
0x67e: {  	p1 =	sgt.s32 s7, $0x3E8;
	s2 =	smov.u32 s23;
	s10 =	simm.s32 @p0 $0x10080;
	v1 =	vld [tilespmem:s1+$0x7410]  }
0x67f: {  	s30 =	simm.s32 @p1 $0x10080;
	s2 =	simm.s32 @!p2 $0x200;
	p0 =	sgt.s32 s6, $0x3E8;
	v3 =	vld [tilespmem:s10+$0x7410];
	[tilespmem:s28+$0x190] =	vst v0  }
0x680: {  	s24 =	sshll.u32 s2, $0x7;
	s5 =	simm.s32 @p0 $0x10080;
	p0 =	sgt.s32 s23, $0x3E8;
	[tilespmem:s28+$0xFFFFFE80] =	vst v2;
	v2 =	vld [tilespmem:s30+$0x7410]  }
0x681: {  	s24 =	simm.s32 @p0 $0x10080;
	v0 =	vld [tilespmem:s9+$0x7430]  }
0x682: {  	v5 =	vld [tilespmem:s24+$0x7410];
	[tilespmem:s28+$0xFFFFFF80] =	vst v4  }
0x683: {  	[tilespmem:s28+$0xFFFFFE00] =	vst v1;
	v1 =	vld [tilespmem:s5+$0x7410]  }
0x684: {  	[tilespmem:s28+$0xFFFFFF00] =	vst v3;
	v4 =	vld [tilespmem:s29+$0x7420]  }
0x685: {  	v3 =	vld [tilespmem:s1+$0x7420];
	[tilespmem:s28+$0x80] =	vst v2  }
0x686: {  	v2 =	vld [tilespmem:s3+$0x7420];
	[tilespmem:s28+$0x1A0] =	vst v0  }
0x687: {  	[tilespmem:s28+$0x100] =	vst v5;
	v0 =	vld [tilespmem:s9+$0x7440]  }
0x688: {  	[tilespmem:s28+$0x0] =	vst v1  }
0x689: {  	v1 =	vld [tilespmem:s10+$0x7420];
	[tilespmem:s28+$0xFFFFFE90] =	vst v4  }
0x68a: {  	v5 =	vld [tilespmem:s5+$0x7420];
	[tilespmem:s28+$0xFFFFFE10] =	vst v3  }
0x68b: {  	v3 =	vld [tilespmem:s30+$0x7420];
	[tilespmem:s28+$0xFFFFFF90] =	vst v2  }
0x68c: {  	v2 =	vld [tilespmem:s29+$0x7430];
	[tilespmem:s28+$0x1B0] =	vst v0  }
0x68d: {  	v0 =	vld [tilespmem:s9+$0x7450]  }
0x68e: {  	v4 =	vld [tilespmem:s1+$0x7430];
	[tilespmem:s28+$0xFFFFFF10] =	vst v1  }
0x68f: {  	v1 =	vld [tilespmem:s24+$0x7420];
	[tilespmem:s28+$0x10] =	vst v5  }
0x690: {  	v5 =	vld [tilespmem:s10+$0x7430];
	[tilespmem:s28+$0x90] =	vst v3  }
0x691: {  	v3 =	vld [tilespmem:s3+$0x7430];
	[tilespmem:s28+$0xFFFFFEA0] =	vst v2  }
0x692: {  	v2 =	vld [tilespmem:s30+$0x7430];
	[tilespmem:s28+$0x1C0] =	vst v0  }
0x693: {  	[tilespmem:s28+$0xFFFFFE20] =	vst v4;
	v0 =	vld [tilespmem:s9+$0x7460]  }
0x694: {  	[tilespmem:s28+$0x110] =	vst v1;
	v1 =	vld [tilespmem:s5+$0x7430]  }
0x695: {  	[tilespmem:s28+$0xFFFFFF20] =	vst v5;
	v4 =	vld [tilespmem:s24+$0x7430]  }
0x696: {  	v5 =	vld [tilespmem:s1+$0x7440];
	[tilespmem:s28+$0xFFFFFFA0] =	vst v3  }
0x697: {  	v3 =	vld [tilespmem:s29+$0x7440];
	[tilespmem:s28+$0xA0] =	vst v2  }
0x698: {  	v2 =	vld [tilespmem:s3+$0x7440];
	[tilespmem:s28+$0x1D0] =	vst v0  }
0x699: {  	[tilespmem:s28+$0x20] =	vst v1;
	v0 =	vld [tilespmem:s9+$0x7470]  }
0x69a: {  	v1 =	vld [tilespmem:s10+$0x7440];
	[tilespmem:s28+$0x120] =	vst v4  }
0x69b: {  	[tilespmem:s28+$0xFFFFFE30] =	vst v5;
	v4 =	vld [tilespmem:s5+$0x7440]  }
0x69c: {  	v5 =	vld [tilespmem:s30+$0x7440];
	[tilespmem:s28+$0xFFFFFEB0] =	vst v3  }
0x69d: {  	v3 =	vld [tilespmem:s1+$0x7450];
	[tilespmem:s28+$0xFFFFFFB0] =	vst v2  }
0x69e: {  	v2 =	vld [tilespmem:s29+$0x7450];
	[tilespmem:s28+$0x1E0] =	vst v0  }
0x69f: {  	[tilespmem:s28+$0xFFFFFF30] =	vst v1;
	v0 =	vld [tilespmem:s9+$0x7480]  }
0x6a0: {  	v1 =	vld [tilespmem:s24+$0x7440];
	[tilespmem:s28+$0x30] =	vst v4  }
0x6a1: {  	v4 =	vld [tilespmem:s10+$0x7450];
	[tilespmem:s28+$0xB0] =	vst v5  }
0x6a2: {  	v5 =	vld [tilespmem:s3+$0x7450];
	[tilespmem:s28+$0xFFFFFE40] =	vst v3  }
0x6a3: {  	v7 =	vld [tilespmem:s1+$0x7460];
	[tilespmem:s28+$0xFFFFFEC0] =	vst v2  }
0x6a4: {  	[tilespmem:s28+$0x1F0] =	vst v0;
	v0 =	vld [tilespmem:s5+$0x7450]  }
0x6a5: {  	[tilespmem:s28+$0x130] =	vst v1;
	v1 =	vld [tilespmem:s30+$0x7450]  }
0x6a6: {  	v6 =	vld [tilespmem:s24+$0x7450];
	[tilespmem:s28+$0xFFFFFF40] =	vst v4  }
0x6a7: {  	v4 =	vld [tilespmem:s29+$0x7460];
	[tilespmem:s28+$0xFFFFFFC0] =	vst v5  }
0x6a8: {  	v3 =	vld [tilespmem:s10+$0x7460];
	[tilespmem:s28+$0xFFFFFE50] =	vst v7  }
0x6a9: {  	v2 =	vld [tilespmem:s3+$0x7460];
	[tilespmem:s28+$0x40] =	vst v0  }
0x6aa: {  	[tilespmem:s28+$0xC0] =	vst v1;
	v1 =	vld [tilespmem:s5+$0x7460]  }
0x6ab: {  	s14 =	simm.s32 $0x20F;
	s13 =	simm.s32 $0x0;
	s9 =	simm.s32 $0x17A10;
	[tilespmem:s28+$0x140] =	vst v6;
	v0 =	vld [tilespmem:s30+$0x7460]  }
.LBB2_23:
0x6ac: {  	s2 =	sld [smem:s14+$0x0];
	s13 =	sadd.s32 $0x8, s13;
	[tilespmem:s28+$0xFFFFFED0] =	vst v4;
	v4 =	vld [tilespmem:s24+$0x7460]  }
0x6ad: {  	s0 =	sld [smem:s14+$0xFFFFFFFA];
	p1 =	slt.u32 s13, $0x78;
	v5 =	vld [tilespmem:s1+$0x7470];
	[tilespmem:s28+$0xFFFFFF50] =	vst v3  }
0x6ae: {  	s6 =	sld [smem:s14+$0xFFFFFFFB];
	v3 =	vld [tilespmem:s29+$0x7470];
	[tilespmem:s28+$0xFFFFFFD0] =	vst v2  }
0x6af: {  	s7 =	sld [smem:s14+$0xFFFFFFFC];
	p0 =	slt.s32 s2, $0x200;
	v2 =	vld [tilespmem:s10+$0x7470];
	[tilespmem:s28+$0x50] =	vst v1;
	s11 =	smov.u32 s2  }
0x6b0: {  	p2 =	slt.s32 s0, $0x200;
	s8 =	sld [smem:s14+$0xFFFFFFFD];
	s11 =	simm.s32 @!p0 $0x200;
	v1 =	vld [tilespmem:s3+$0x7470];
	[tilespmem:s28+$0xD0] =	vst v0  }
0x6b1: {  	p0 =	sgt.s32 s2, $0x3E8;
	s12 =	sld [smem:s14+$0xFFFFFFFE];
	s15 =	sshll.u32 s11, $0x7  }
0x6b2: {  	v0 =	vld [tilespmem:s5+$0x7470];
	[tilespmem:s28+$0x150] =	vst v4;
	p3 =	slt.s32 s6, $0x200;
	s11 =	smov.u32 s0;
	s16 =	smov.u32 s6  }
0x6b3: {  	p5 =	sgt.s32 s6, $0x3E8;
	s23 =	sld [smem:s14+$0xFFFFFFFF];
	s15 =	simm.s32 @p0 $0x10080  }
0x6b4: {  	[tilespmem:s28+$0xFFFFFE60] =	vst v5;
	v4 =	vld [tilespmem:s30+$0x7470];
	p0 =	slt.s32 s7, $0x200;
	s11 =	simm.s32 @!p2 $0x200;
	s16 =	simm.s32 @!p3 $0x200  }
0x6b5: {  	s17 =	smov.u32 s7;
	p6 =	sgt.s32 s7, $0x3E8;
	s2 =	sld [smem:s14+$0xFFFFFFF9]  }
0x6b6: {  	p4 =	slt.s32 s8, $0x200;
	v5 =	vld [tilespmem:s15+$0x7410];
	[tilespmem:s28+$0xFFFFFEE0] =	vst v3;
	s17 =	simm.s32 @!p0 $0x200;
	s18 =	smov.u32 s8  }
0x6b7: {  	p2 =	slt.s32 s12, $0x200;
	[tilespmem:s28+$0xFFFFFF60] =	vst v2;
	v2 =	vld [tilespmem:s24+$0x7470];
	s18 =	simm.s32 @!p4 $0x200;
	s19 =	smov.u32 s12  }
0x6b8: {  	p0 =	slt.s32 s23, $0x200;
	v3 =	vld [tilespmem:s1+$0x7480];
	[tilespmem:s28+$0xFFFFFFE0] =	vst v1;
	s19 =	simm.s32 @!p2 $0x200;
	s20 =	smov.u32 s23  }
0x6b9: {  	p3 =	slt.s32 s2, $0x200;
	s20 =	simm.s32 @!p0 $0x200;
	v1 =	vld [tilespmem:s29+$0x7480];
	[tilespmem:s28+$0x60] =	vst v0;
	s1 =	smov.u32 s2  }
0x6ba: {  	s29 =	sshll.u32 s11, $0x7;
	s28 =	sadd.s32 $0x400, s28;
	s1 =	simm.s32 @!p3 $0x200;
	v0 =	vld [tilespmem:s10+$0x7480];
	[tilespmem:s9+$0xE0] =	vst v4  }
0x6bb: {  	s11 =	sshll.u32 s17, $0x7;
	s10 =	sshll.u32 s16, $0x7;
	s1 =	sshll.u32 s1, $0x7;
	[tilespmem:s28+$0x180] =	vst v5;
	v4 =	vld [tilespmem:s3+$0x7480]  }
0x6bc: {  	s17 =	sshll.u32 s19, $0x7;
	s16 =	sshll.u32 s18, $0x7;
	s18 =	sshll.u32 s20, $0x7;
	v5 =	vld [tilespmem:s15+$0x7420];
	[tilespmem:s9+$0x160] =	vst v2  }
0x6bd: {  	p4 =	sgt.s32 s0, $0x3E8;
	p2 =	sgt.s32 s12, $0x3E8;
	p0 =	sgt.s32 s2, $0x3E8;
	[tilespmem:s9+$0xFFFFFE70] =	vst v3;
	v2 =	vld [tilespmem:s5+$0x7480]  }
0x6be: {  	p3 =	sgt.s32 s8, $0x3E8;
	s29 =	simm.s32 @p4 $0x10080;
	p4 =	sgt.s32 s23, $0x3E8;
	[tilespmem:s9+$0xFFFFFEF0] =	vst v1;
	v1 =	vld [tilespmem:s30+$0x7480]  }
0x6bf: {  	s10 =	simm.s32 @p5 $0x10080;
	s3 =	smov.u32 s11;
	s1 =	simm.s32 @p0 $0x10080;
	[tilespmem:s9+$0xFFFFFF70] =	vst v0;
	v0 =	vld [tilespmem:s24+$0x7480]  }
0x6c0: {  	s3 =	simm.s32 @p6 $0x10080;
	s5 =	smov.u32 s16;
	s30 =	smov.u32 s17;
	v3 =	vld [tilespmem:s1+$0x7410];
	[tilespmem:s9+$0xFFFFFFF0] =	vst v4  }
0x6c1: {  	s5 =	simm.s32 @p3 $0x10080;
	s30 =	simm.s32 @p2 $0x10080;
	s24 =	smov.u32 s18;
	v4 =	vld [tilespmem:s29+$0x7410];
	[tilespmem:s28+$0x190] =	vst v5  }
0x6c2: {  	s24 =	simm.s32 @p4 $0x10080;
	v5 =	vld [tilespmem:s15+$0x7430];
	[tilespmem:s9+$0x70] =	vst v2  }
0x6c3: {  	v2 =	vld [tilespmem:s10+$0x7410];
	[tilespmem:s9+$0xF0] =	vst v1  }
0x6c4: {  	v1 =	vld [tilespmem:s3+$0x7410];
	[tilespmem:s9+$0x170] =	vst v0;
	s9 =	smov.u32 s28  }
0x6c5: {  	[tilespmem:s28+$0xFFFFFE00] =	vst v3;
	v0 =	vld [tilespmem:s5+$0x7410]  }
0x6c6: {  	[tilespmem:s28+$0xFFFFFE80] =	vst v4;
	v3 =	vld [tilespmem:s30+$0x7410]  }
0x6c7: {  	v4 =	vld [tilespmem:s24+$0x7410];
	[tilespmem:s28+$0x1A0] =	vst v5  }
0x6c8: {  	[tilespmem:s28+$0xFFFFFF00] =	vst v2;
	v2 =	vld [tilespmem:s15+$0x7440]  }
0x6c9: {  	v5 =	vld [tilespmem:s1+$0x7420];
	[tilespmem:s28+$0xFFFFFF80] =	vst v1  }
0x6ca: {  	v1 =	vld [tilespmem:s29+$0x7420];
	[tilespmem:s28+$0x0] =	vst v0  }
0x6cb: {  	v0 =	vld [tilespmem:s10+$0x7420];
	[tilespmem:s28+$0x80] =	vst v3  }
0x6cc: {  	v3 =	vld [tilespmem:s3+$0x7420];
	[tilespmem:s28+$0x100] =	vst v4  }
0x6cd: {  	v4 =	vld [tilespmem:s5+$0x7420];
	[tilespmem:s28+$0x1B0] =	vst v2  }
0x6ce: {  	[tilespmem:s28+$0xFFFFFE10] =	vst v5;
	v2 =	vld [tilespmem:s15+$0x7450]  }
0x6cf: {  	[tilespmem:s28+$0xFFFFFE90] =	vst v1;
	v1 =	vld [tilespmem:s30+$0x7420]  }
0x6d0: {  	[tilespmem:s28+$0xFFFFFF10] =	vst v0;
	v0 =	vld [tilespmem:s24+$0x7420]  }
0x6d1: {  	v5 =	vld [tilespmem:s1+$0x7430];
	[tilespmem:s28+$0xFFFFFF90] =	vst v3  }
0x6d2: {  	v3 =	vld [tilespmem:s29+$0x7430];
	[tilespmem:s28+$0x10] =	vst v4  }
0x6d3: {  	v4 =	vld [tilespmem:s10+$0x7430];
	[tilespmem:s28+$0x1C0] =	vst v2  }
0x6d4: {  	[tilespmem:s28+$0x90] =	vst v1;
	v1 =	vld [tilespmem:s15+$0x7460]  }
0x6d5: {  	v2 =	vld [tilespmem:s3+$0x7430];
	[tilespmem:s28+$0x110] =	vst v0  }
0x6d6: {  	[tilespmem:s28+$0xFFFFFE20] =	vst v5;
	v0 =	vld [tilespmem:s5+$0x7430]  }
0x6d7: {  	[tilespmem:s28+$0xFFFFFEA0] =	vst v3;
	v3 =	vld [tilespmem:s30+$0x7430]  }
0x6d8: {  	[tilespmem:s28+$0xFFFFFF20] =	vst v4;
	v4 =	vld [tilespmem:s24+$0x7430]  }
0x6d9: {  	v5 =	vld [tilespmem:s1+$0x7440];
	[tilespmem:s28+$0x1D0] =	vst v1  }
0x6da: {  	[tilespmem:s28+$0xFFFFFFA0] =	vst v2;
	v1 =	vld [tilespmem:s15+$0x7470]  }
0x6db: {  	v2 =	vld [tilespmem:s29+$0x7440];
	[tilespmem:s28+$0x20] =	vst v0  }
0x6dc: {  	v0 =	vld [tilespmem:s10+$0x7440];
	[tilespmem:s28+$0xA0] =	vst v3  }
0x6dd: {  	v3 =	vld [tilespmem:s3+$0x7440];
	[tilespmem:s28+$0x120] =	vst v4  }
0x6de: {  	[tilespmem:s28+$0xFFFFFE30] =	vst v5;
	v4 =	vld [tilespmem:s5+$0x7440]  }
0x6df: {  	v5 =	vld [tilespmem:s30+$0x7440];
	[tilespmem:s28+$0x1E0] =	vst v1  }
0x6e0: {  	[tilespmem:s28+$0xFFFFFEB0] =	vst v2;
	v1 =	vld [tilespmem:s15+$0x7480]  }
0x6e1: {  	[tilespmem:s28+$0xFFFFFF30] =	vst v0;
	v0 =	vld [tilespmem:s24+$0x7440]  }
0x6e2: {  	v2 =	vld [tilespmem:s1+$0x7450];
	[tilespmem:s28+$0xFFFFFFB0] =	vst v3  }
0x6e3: {  	v3 =	vld [tilespmem:s29+$0x7450];
	[tilespmem:s28+$0x30] =	vst v4  }
0x6e4: {  	v4 =	vld [tilespmem:s10+$0x7450];
	[tilespmem:s28+$0xB0] =	vst v5  }
0x6e5: {  	v5 =	vld [tilespmem:s3+$0x7450];
	[tilespmem:s28+$0x1F0] =	vst v1  }
0x6e6: {  	v1 =	vld [tilespmem:s5+$0x7450];
	[tilespmem:s28+$0x130] =	vst v0  }
0x6e7: {  	[tilespmem:s28+$0xFFFFFE40] =	vst v2;
	v0 =	vld [tilespmem:s30+$0x7450]  }
0x6e8: {  	[tilespmem:s28+$0xFFFFFEC0] =	vst v3;
	v6 =	vld [tilespmem:s24+$0x7450]  }
0x6e9: {  	v7 =	vld [tilespmem:s1+$0x7460];
	[tilespmem:s28+$0xFFFFFF40] =	vst v4  }
.Ltmp10:
0x6ea: {  	v4 =	vld [tilespmem:s29+$0x7460];
	[tilespmem:s28+$0xFFFFFFC0] =	vst v5;
	(pc) =	sbr.rel @p1 .LBB2_23-.Ltmp10, $4  }
0x6eb: {  	v3 =	vld [tilespmem:s10+$0x7460];
	[tilespmem:s28+$0x40] =	vst v1  }
0x6ec: {  	v2 =	vld [tilespmem:s3+$0x7460];
	[tilespmem:s28+$0xC0] =	vst v0  }
0x6ed: {  	v1 =	vld [tilespmem:s5+$0x7460];
	[tilespmem:s28+$0x140] =	vst v6  }
0x6ee: {  	s14 =	sadd.s32 $0x8, s14;
	[tilespmem:s28+$0xFFFFFE50] =	vst v7;
	v0 =	vld [tilespmem:s30+$0x7460]  }
0x6ef: {  	[tilespmem:s28+$0xFFFFFED0] =	vst v4;
	v4 =	vld [tilespmem:s24+$0x7460]  }
0x6f0: {  	v5 =	vld [tilespmem:s1+$0x7470];
	[tilespmem:s28+$0xFFFFFF50] =	vst v3  }
0x6f1: {  	v3 =	vld [tilespmem:s29+$0x7470];
	[tilespmem:s28+$0xFFFFFFD0] =	vst v2  }
0x6f2: {  	v2 =	vld [tilespmem:s10+$0x7470];
	[tilespmem:s28+$0x50] =	vst v1  }
0x6f3: {  	v1 =	vld [tilespmem:s3+$0x7470];
	[tilespmem:s28+$0xD0] =	vst v0  }
0x6f4: {  	v0 =	vld [tilespmem:s5+$0x7470];
	[tilespmem:s28+$0x150] =	vst v4  }
0x6f5: {  	[tilespmem:s28+$0xFFFFFE60] =	vst v5;
	v4 =	vld [tilespmem:s30+$0x7470]  }
0x6f6: {  	[tilespmem:s28+$0xFFFFFEE0] =	vst v3;
	v3 =	vld [tilespmem:s24+$0x7470]  }
0x6f7: {  	[tilespmem:s28+$0xFFFFFF60] =	vst v2;
	v2 =	vld [tilespmem:s1+$0x7480]  }
0x6f8: {  	[tilespmem:s28+$0xFFFFFFE0] =	vst v1;
	v1 =	vld [tilespmem:s29+$0x7480]  }
0x6f9: {  	[tilespmem:s28+$0x60] =	vst v0;
	v0 =	vld [tilespmem:s10+$0x7480]  }
0x6fa: {  	[tilespmem:s9+$0xE0] =	vst v4;
	v4 =	vld [tilespmem:s3+$0x7480]  }
0x6fb: {  	[tilespmem:s9+$0x160] =	vst v3;
	v3 =	vld [tilespmem:s5+$0x7480]  }
0x6fc: {  	[tilespmem:s9+$0xFFFFFE70] =	vst v2  }
0x6fd: {  	[tilespmem:s9+$0xFFFFFEF0] =	vst v1  }
0x6fe: {  	v2 =	vld [tilespmem:s30+$0x7480];
	[tilespmem:s9+$0xFFFFFF70] =	vst v0  }
0x6ff: {  	v1 =	vld [tilespmem:s24+$0x7480];
	[tilespmem:s9+$0xFFFFFFF0] =	vst v4  }
0x700: {  	[tilespmem:s9+$0x70] =	vst v3  }
0x701: {  	s0 =	rddreg [dreg:$0x11]  }
0x702: {  	s0 =	sadd.s32 s26, s0  }
0x703: {  	s17 =	rddreg [dreg:$0x2];
	[tilespmem:s9+$0xF0] =	vst v2;
	s0 =	sshll.u32 s0, $0x4  }
0x704: {  	s18 =	simm.s32 $0x17810;
	[tilespmem:s9+$0x170] =	vst v1;
	s0 =	sadd.s32 s17, s0  }
0x705: {  	[hbm4b:s0+s4] =	stream.linear.scatter [tilespmem:s18], [sflag:$0x4], $0x4000, $0x38;
	[tilespmem:$0x1F810] =	vst v63  }
0x706: {  	_ =	swait.ge [sflag:s22], $0x4000  }
0x707: {  	[sflag:s22] =	ssyncset.done $0x0  }
0x708: {  	[sflag:s22] =	ssyncadd.s32 $0xFFFFC000  }
0x709: {  	s0 =	sld [smem:$0x307]  }
0x70a: {  	s2 =	sld [smem:$0x301]  }
0x70b: {  	s19 =	sld [smem:$0x302]  }
0x70c: {  	s28 =	simm.s32 $0x1BA10;
	s20 =	sld [smem:$0x303];
	p0 =	slt.s32 s0, $0x200  }
0x70d: {  	p1 =	sgt.s32 s0, $0x3E8;
	s6 =	sld [smem:$0x304];
	s0 =	simm.s32 @!p0 $0x200  }
0x70e: {  	p0 =	slt.s32 s2, $0x200;
	s7 =	sld [smem:$0x305];
	s9 =	sshll.u32 s0, $0x7  }
0x70f: {  	s8 =	smov.u32 s2;
	s23 =	sld [smem:$0x306];
	s9 =	simm.s32 @p1 $0x10080  }
0x710: {  	s8 =	simm.s32 @!p0 $0x200;
	s10 =	smov.u32 s19;
	s1 =	sld [smem:$0x300];
	v0 =	vld [tilespmem:s9+$0x7410]  }
0x711: {  	p1 =	slt.s32 s19, $0x200;
	p2 =	slt.s32 s20, $0x200;
	s11 =	smov.u32 s20  }
0x712: {  	s29 =	sshll.u32 s8, $0x7;
	p3 =	slt.s32 s6, $0x200;
	s10 =	simm.s32 @!p1 $0x200  }
0x713: {  	s12 =	smov.u32 s6;
	s11 =	simm.s32 @!p2 $0x200;
	p1 =	slt.s32 s7, $0x200  }
0x714: {  	s12 =	simm.s32 @!p3 $0x200;
	s13 =	smov.u32 s7;
	p0 =	slt.s32 s1, $0x200  }
0x715: {  	p4 =	sgt.s32 s1, $0x3E8;
	s1 =	simm.s32 @!p0 $0x200;
	p0 =	sgt.s32 s2, $0x3E8;
	[tilespmem:s28+$0x180] =	vst v0  }
0x716: {  	s10 =	sshll.u32 s10, $0x7;
	s3 =	sshll.u32 s11, $0x7;
	s29 =	simm.s32 @p0 $0x10080;
	v0 =	vld [tilespmem:s9+$0x7420]  }
0x717: {  	p2 =	slt.s32 s23, $0x200;
	s13 =	simm.s32 @!p1 $0x200;
	p1 =	sgt.s32 s20, $0x3E8;
	v2 =	vld [tilespmem:s29+$0x7410]  }
0x718: {  	s5 =	sshll.u32 s12, $0x7;
	s3 =	simm.s32 @p1 $0x10080;
	s1 =	sshll.u32 s1, $0x7  }
0x719: {  	s30 =	sshll.u32 s13, $0x7;
	v4 =	vld [tilespmem:s3+$0x7410];
	p0 =	sgt.s32 s19, $0x3E8;
	s1 =	simm.s32 @p4 $0x10080  }
0x71a: {  	p1 =	sgt.s32 s7, $0x3E8;
	s2 =	smov.u32 s23;
	s10 =	simm.s32 @p0 $0x10080;
	v1 =	vld [tilespmem:s1+$0x7410]  }
0x71b: {  	s30 =	simm.s32 @p1 $0x10080;
	s2 =	simm.s32 @!p2 $0x200;
	p0 =	sgt.s32 s6, $0x3E8;
	v3 =	vld [tilespmem:s10+$0x7410];
	[tilespmem:s28+$0x190] =	vst v0  }
0x71c: {  	s24 =	sshll.u32 s2, $0x7;
	s5 =	simm.s32 @p0 $0x10080;
	p0 =	sgt.s32 s23, $0x3E8;
	[tilespmem:s28+$0xFFFFFE80] =	vst v2;
	v2 =	vld [tilespmem:s30+$0x7410]  }
0x71d: {  	s24 =	simm.s32 @p0 $0x10080;
	v0 =	vld [tilespmem:s9+$0x7430]  }
0x71e: {  	v5 =	vld [tilespmem:s24+$0x7410];
	[tilespmem:s28+$0xFFFFFF80] =	vst v4  }
0x71f: {  	[tilespmem:s28+$0xFFFFFE00] =	vst v1;
	v1 =	vld [tilespmem:s5+$0x7410]  }
0x720: {  	[tilespmem:s28+$0xFFFFFF00] =	vst v3;
	v4 =	vld [tilespmem:s29+$0x7420]  }
0x721: {  	v3 =	vld [tilespmem:s1+$0x7420];
	[tilespmem:s28+$0x80] =	vst v2  }
0x722: {  	v2 =	vld [tilespmem:s3+$0x7420];
	[tilespmem:s28+$0x1A0] =	vst v0  }
0x723: {  	[tilespmem:s28+$0x100] =	vst v5;
	v0 =	vld [tilespmem:s9+$0x7440]  }
0x724: {  	[tilespmem:s28+$0x0] =	vst v1  }
0x725: {  	v1 =	vld [tilespmem:s10+$0x7420];
	[tilespmem:s28+$0xFFFFFE90] =	vst v4  }
0x726: {  	v5 =	vld [tilespmem:s5+$0x7420];
	[tilespmem:s28+$0xFFFFFE10] =	vst v3  }
0x727: {  	v3 =	vld [tilespmem:s30+$0x7420];
	[tilespmem:s28+$0xFFFFFF90] =	vst v2  }
0x728: {  	v2 =	vld [tilespmem:s29+$0x7430];
	[tilespmem:s28+$0x1B0] =	vst v0  }
0x729: {  	v0 =	vld [tilespmem:s9+$0x7450]  }
0x72a: {  	v4 =	vld [tilespmem:s1+$0x7430];
	[tilespmem:s28+$0xFFFFFF10] =	vst v1  }
0x72b: {  	v1 =	vld [tilespmem:s24+$0x7420];
	[tilespmem:s28+$0x10] =	vst v5  }
0x72c: {  	v5 =	vld [tilespmem:s10+$0x7430];
	[tilespmem:s28+$0x90] =	vst v3  }
0x72d: {  	v3 =	vld [tilespmem:s3+$0x7430];
	[tilespmem:s28+$0xFFFFFEA0] =	vst v2  }
0x72e: {  	v2 =	vld [tilespmem:s30+$0x7430];
	[tilespmem:s28+$0x1C0] =	vst v0  }
0x72f: {  	[tilespmem:s28+$0xFFFFFE20] =	vst v4;
	v0 =	vld [tilespmem:s9+$0x7460]  }
0x730: {  	[tilespmem:s28+$0x110] =	vst v1;
	v1 =	vld [tilespmem:s5+$0x7430]  }
0x731: {  	[tilespmem:s28+$0xFFFFFF20] =	vst v5;
	v4 =	vld [tilespmem:s24+$0x7430]  }
0x732: {  	v5 =	vld [tilespmem:s1+$0x7440];
	[tilespmem:s28+$0xFFFFFFA0] =	vst v3  }
0x733: {  	v3 =	vld [tilespmem:s29+$0x7440];
	[tilespmem:s28+$0xA0] =	vst v2  }
0x734: {  	v2 =	vld [tilespmem:s3+$0x7440];
	[tilespmem:s28+$0x1D0] =	vst v0  }
0x735: {  	[tilespmem:s28+$0x20] =	vst v1;
	v0 =	vld [tilespmem:s9+$0x7470]  }
0x736: {  	v1 =	vld [tilespmem:s10+$0x7440];
	[tilespmem:s28+$0x120] =	vst v4  }
0x737: {  	[tilespmem:s28+$0xFFFFFE30] =	vst v5;
	v4 =	vld [tilespmem:s5+$0x7440]  }
0x738: {  	v5 =	vld [tilespmem:s30+$0x7440];
	[tilespmem:s28+$0xFFFFFEB0] =	vst v3  }
0x739: {  	v3 =	vld [tilespmem:s1+$0x7450];
	[tilespmem:s28+$0xFFFFFFB0] =	vst v2  }
0x73a: {  	v2 =	vld [tilespmem:s29+$0x7450];
	[tilespmem:s28+$0x1E0] =	vst v0  }
0x73b: {  	[tilespmem:s28+$0xFFFFFF30] =	vst v1;
	v0 =	vld [tilespmem:s9+$0x7480]  }
0x73c: {  	v1 =	vld [tilespmem:s24+$0x7440];
	[tilespmem:s28+$0x30] =	vst v4  }
0x73d: {  	v4 =	vld [tilespmem:s10+$0x7450];
	[tilespmem:s28+$0xB0] =	vst v5  }
0x73e: {  	v5 =	vld [tilespmem:s3+$0x7450];
	[tilespmem:s28+$0xFFFFFE40] =	vst v3  }
0x73f: {  	v7 =	vld [tilespmem:s1+$0x7460];
	[tilespmem:s28+$0xFFFFFEC0] =	vst v2  }
0x740: {  	[tilespmem:s28+$0x1F0] =	vst v0;
	v0 =	vld [tilespmem:s5+$0x7450]  }
0x741: {  	[tilespmem:s28+$0x130] =	vst v1;
	v1 =	vld [tilespmem:s30+$0x7450]  }
0x742: {  	v6 =	vld [tilespmem:s24+$0x7450];
	[tilespmem:s28+$0xFFFFFF40] =	vst v4  }
0x743: {  	v4 =	vld [tilespmem:s29+$0x7460];
	[tilespmem:s28+$0xFFFFFFC0] =	vst v5  }
0x744: {  	v3 =	vld [tilespmem:s10+$0x7460];
	[tilespmem:s28+$0xFFFFFE50] =	vst v7  }
0x745: {  	v2 =	vld [tilespmem:s3+$0x7460];
	[tilespmem:s28+$0x40] =	vst v0  }
0x746: {  	[tilespmem:s28+$0xC0] =	vst v1;
	v1 =	vld [tilespmem:s5+$0x7460]  }
0x747: {  	s14 =	simm.s32 $0x30F;
	s13 =	simm.s32 $0x0;
	s9 =	simm.s32 $0x1BA10;
	[tilespmem:s28+$0x140] =	vst v6;
	v0 =	vld [tilespmem:s30+$0x7460]  }
.LBB2_25:
0x748: {  	s2 =	sld [smem:s14+$0x0];
	s13 =	sadd.s32 $0x8, s13;
	[tilespmem:s28+$0xFFFFFED0] =	vst v4;
	v4 =	vld [tilespmem:s24+$0x7460]  }
0x749: {  	s0 =	sld [smem:s14+$0xFFFFFFFA];
	p1 =	slt.u32 s13, $0x78;
	v5 =	vld [tilespmem:s1+$0x7470];
	[tilespmem:s28+$0xFFFFFF50] =	vst v3  }
0x74a: {  	s6 =	sld [smem:s14+$0xFFFFFFFB];
	v3 =	vld [tilespmem:s29+$0x7470];
	[tilespmem:s28+$0xFFFFFFD0] =	vst v2  }
0x74b: {  	s7 =	sld [smem:s14+$0xFFFFFFFC];
	p0 =	slt.s32 s2, $0x200;
	v2 =	vld [tilespmem:s10+$0x7470];
	[tilespmem:s28+$0x50] =	vst v1;
	s11 =	smov.u32 s2  }
0x74c: {  	p2 =	slt.s32 s0, $0x200;
	s8 =	sld [smem:s14+$0xFFFFFFFD];
	s11 =	simm.s32 @!p0 $0x200;
	v1 =	vld [tilespmem:s3+$0x7470];
	[tilespmem:s28+$0xD0] =	vst v0  }
0x74d: {  	p0 =	sgt.s32 s2, $0x3E8;
	s12 =	sld [smem:s14+$0xFFFFFFFE];
	s15 =	sshll.u32 s11, $0x7  }
0x74e: {  	v0 =	vld [tilespmem:s5+$0x7470];
	[tilespmem:s28+$0x150] =	vst v4;
	p3 =	slt.s32 s6, $0x200;
	s11 =	smov.u32 s0;
	s16 =	smov.u32 s6  }
0x74f: {  	p5 =	sgt.s32 s6, $0x3E8;
	s23 =	sld [smem:s14+$0xFFFFFFFF];
	s15 =	simm.s32 @p0 $0x10080  }
0x750: {  	[tilespmem:s28+$0xFFFFFE60] =	vst v5;
	v4 =	vld [tilespmem:s30+$0x7470];
	p0 =	slt.s32 s7, $0x200;
	s11 =	simm.s32 @!p2 $0x200;
	s16 =	simm.s32 @!p3 $0x200  }
0x751: {  	s17 =	smov.u32 s7;
	p6 =	sgt.s32 s7, $0x3E8;
	s2 =	sld [smem:s14+$0xFFFFFFF9]  }
0x752: {  	p4 =	slt.s32 s8, $0x200;
	v5 =	vld [tilespmem:s15+$0x7410];
	[tilespmem:s28+$0xFFFFFEE0] =	vst v3;
	s17 =	simm.s32 @!p0 $0x200;
	s18 =	smov.u32 s8  }
0x753: {  	p2 =	slt.s32 s12, $0x200;
	[tilespmem:s28+$0xFFFFFF60] =	vst v2;
	v2 =	vld [tilespmem:s24+$0x7470];
	s18 =	simm.s32 @!p4 $0x200;
	s19 =	smov.u32 s12  }
0x754: {  	p0 =	slt.s32 s23, $0x200;
	v3 =	vld [tilespmem:s1+$0x7480];
	[tilespmem:s28+$0xFFFFFFE0] =	vst v1;
	s19 =	simm.s32 @!p2 $0x200;
	s20 =	smov.u32 s23  }
0x755: {  	p3 =	slt.s32 s2, $0x200;
	s20 =	simm.s32 @!p0 $0x200;
	v1 =	vld [tilespmem:s29+$0x7480];
	[tilespmem:s28+$0x60] =	vst v0;
	s1 =	smov.u32 s2  }
0x756: {  	s29 =	sshll.u32 s11, $0x7;
	s28 =	sadd.s32 $0x400, s28;
	s1 =	simm.s32 @!p3 $0x200;
	v0 =	vld [tilespmem:s10+$0x7480];
	[tilespmem:s9+$0xE0] =	vst v4  }
0x757: {  	s11 =	sshll.u32 s17, $0x7;
	s10 =	sshll.u32 s16, $0x7;
	s1 =	sshll.u32 s1, $0x7;
	[tilespmem:s28+$0x180] =	vst v5;
	v4 =	vld [tilespmem:s3+$0x7480]  }
0x758: {  	s17 =	sshll.u32 s19, $0x7;
	s16 =	sshll.u32 s18, $0x7;
	s18 =	sshll.u32 s20, $0x7;
	v5 =	vld [tilespmem:s15+$0x7420];
	[tilespmem:s9+$0x160] =	vst v2  }
0x759: {  	p4 =	sgt.s32 s0, $0x3E8;
	p2 =	sgt.s32 s12, $0x3E8;
	p0 =	sgt.s32 s2, $0x3E8;
	[tilespmem:s9+$0xFFFFFE70] =	vst v3;
	v2 =	vld [tilespmem:s5+$0x7480]  }
0x75a: {  	p3 =	sgt.s32 s8, $0x3E8;
	s29 =	simm.s32 @p4 $0x10080;
	p4 =	sgt.s32 s23, $0x3E8;
	[tilespmem:s9+$0xFFFFFEF0] =	vst v1;
	v1 =	vld [tilespmem:s30+$0x7480]  }
0x75b: {  	s10 =	simm.s32 @p5 $0x10080;
	s3 =	smov.u32 s11;
	s1 =	simm.s32 @p0 $0x10080;
	[tilespmem:s9+$0xFFFFFF70] =	vst v0;
	v0 =	vld [tilespmem:s24+$0x7480]  }
0x75c: {  	s3 =	simm.s32 @p6 $0x10080;
	s5 =	smov.u32 s16;
	s30 =	smov.u32 s17;
	v3 =	vld [tilespmem:s1+$0x7410];
	[tilespmem:s9+$0xFFFFFFF0] =	vst v4  }
0x75d: {  	s5 =	simm.s32 @p3 $0x10080;
	s30 =	simm.s32 @p2 $0x10080;
	s24 =	smov.u32 s18;
	v4 =	vld [tilespmem:s29+$0x7410];
	[tilespmem:s28+$0x190] =	vst v5  }
0x75e: {  	s24 =	simm.s32 @p4 $0x10080;
	v5 =	vld [tilespmem:s15+$0x7430];
	[tilespmem:s9+$0x70] =	vst v2  }
0x75f: {  	v2 =	vld [tilespmem:s10+$0x7410];
	[tilespmem:s9+$0xF0] =	vst v1  }
0x760: {  	v1 =	vld [tilespmem:s3+$0x7410];
	[tilespmem:s9+$0x170] =	vst v0;
	s9 =	smov.u32 s28  }
0x761: {  	[tilespmem:s28+$0xFFFFFE00] =	vst v3;
	v0 =	vld [tilespmem:s5+$0x7410]  }
0x762: {  	[tilespmem:s28+$0xFFFFFE80] =	vst v4;
	v3 =	vld [tilespmem:s30+$0x7410]  }
0x763: {  	v4 =	vld [tilespmem:s24+$0x7410];
	[tilespmem:s28+$0x1A0] =	vst v5  }
0x764: {  	[tilespmem:s28+$0xFFFFFF00] =	vst v2;
	v2 =	vld [tilespmem:s15+$0x7440]  }
0x765: {  	v5 =	vld [tilespmem:s1+$0x7420];
	[tilespmem:s28+$0xFFFFFF80] =	vst v1  }
0x766: {  	v1 =	vld [tilespmem:s29+$0x7420];
	[tilespmem:s28+$0x0] =	vst v0  }
0x767: {  	v0 =	vld [tilespmem:s10+$0x7420];
	[tilespmem:s28+$0x80] =	vst v3  }
0x768: {  	v3 =	vld [tilespmem:s3+$0x7420];
	[tilespmem:s28+$0x100] =	vst v4  }
0x769: {  	v4 =	vld [tilespmem:s5+$0x7420];
	[tilespmem:s28+$0x1B0] =	vst v2  }
0x76a: {  	[tilespmem:s28+$0xFFFFFE10] =	vst v5;
	v2 =	vld [tilespmem:s15+$0x7450]  }
0x76b: {  	[tilespmem:s28+$0xFFFFFE90] =	vst v1;
	v1 =	vld [tilespmem:s30+$0x7420]  }
0x76c: {  	[tilespmem:s28+$0xFFFFFF10] =	vst v0;
	v0 =	vld [tilespmem:s24+$0x7420]  }
0x76d: {  	v5 =	vld [tilespmem:s1+$0x7430];
	[tilespmem:s28+$0xFFFFFF90] =	vst v3  }
0x76e: {  	v3 =	vld [tilespmem:s29+$0x7430];
	[tilespmem:s28+$0x10] =	vst v4  }
0x76f: {  	v4 =	vld [tilespmem:s10+$0x7430];
	[tilespmem:s28+$0x1C0] =	vst v2  }
0x770: {  	[tilespmem:s28+$0x90] =	vst v1;
	v1 =	vld [tilespmem:s15+$0x7460]  }
0x771: {  	v2 =	vld [tilespmem:s3+$0x7430];
	[tilespmem:s28+$0x110] =	vst v0  }
0x772: {  	[tilespmem:s28+$0xFFFFFE20] =	vst v5;
	v0 =	vld [tilespmem:s5+$0x7430]  }
0x773: {  	[tilespmem:s28+$0xFFFFFEA0] =	vst v3;
	v3 =	vld [tilespmem:s30+$0x7430]  }
0x774: {  	[tilespmem:s28+$0xFFFFFF20] =	vst v4;
	v4 =	vld [tilespmem:s24+$0x7430]  }
0x775: {  	v5 =	vld [tilespmem:s1+$0x7440];
	[tilespmem:s28+$0x1D0] =	vst v1  }
0x776: {  	[tilespmem:s28+$0xFFFFFFA0] =	vst v2;
	v1 =	vld [tilespmem:s15+$0x7470]  }
0x777: {  	v2 =	vld [tilespmem:s29+$0x7440];
	[tilespmem:s28+$0x20] =	vst v0  }
0x778: {  	v0 =	vld [tilespmem:s10+$0x7440];
	[tilespmem:s28+$0xA0] =	vst v3  }
0x779: {  	v3 =	vld [tilespmem:s3+$0x7440];
	[tilespmem:s28+$0x120] =	vst v4  }
0x77a: {  	[tilespmem:s28+$0xFFFFFE30] =	vst v5;
	v4 =	vld [tilespmem:s5+$0x7440]  }
0x77b: {  	v5 =	vld [tilespmem:s30+$0x7440];
	[tilespmem:s28+$0x1E0] =	vst v1  }
0x77c: {  	[tilespmem:s28+$0xFFFFFEB0] =	vst v2;
	v1 =	vld [tilespmem:s15+$0x7480]  }
0x77d: {  	[tilespmem:s28+$0xFFFFFF30] =	vst v0;
	v0 =	vld [tilespmem:s24+$0x7440]  }
0x77e: {  	v2 =	vld [tilespmem:s1+$0x7450];
	[tilespmem:s28+$0xFFFFFFB0] =	vst v3  }
0x77f: {  	v3 =	vld [tilespmem:s29+$0x7450];
	[tilespmem:s28+$0x30] =	vst v4  }
0x780: {  	v4 =	vld [tilespmem:s10+$0x7450];
	[tilespmem:s28+$0xB0] =	vst v5  }
0x781: {  	v5 =	vld [tilespmem:s3+$0x7450];
	[tilespmem:s28+$0x1F0] =	vst v1  }
0x782: {  	v1 =	vld [tilespmem:s5+$0x7450];
	[tilespmem:s28+$0x130] =	vst v0  }
0x783: {  	[tilespmem:s28+$0xFFFFFE40] =	vst v2;
	v0 =	vld [tilespmem:s30+$0x7450]  }
0x784: {  	[tilespmem:s28+$0xFFFFFEC0] =	vst v3;
	v6 =	vld [tilespmem:s24+$0x7450]  }
0x785: {  	v7 =	vld [tilespmem:s1+$0x7460];
	[tilespmem:s28+$0xFFFFFF40] =	vst v4  }
.Ltmp11:
0x786: {  	v4 =	vld [tilespmem:s29+$0x7460];
	[tilespmem:s28+$0xFFFFFFC0] =	vst v5;
	(pc) =	sbr.rel @p1 .LBB2_25-.Ltmp11, $4  }
0x787: {  	v3 =	vld [tilespmem:s10+$0x7460];
	[tilespmem:s28+$0x40] =	vst v1  }
0x788: {  	v2 =	vld [tilespmem:s3+$0x7460];
	[tilespmem:s28+$0xC0] =	vst v0  }
0x789: {  	v1 =	vld [tilespmem:s5+$0x7460];
	[tilespmem:s28+$0x140] =	vst v6  }
0x78a: {  	s14 =	sadd.s32 $0x8, s14;
	[tilespmem:s28+$0xFFFFFE50] =	vst v7;
	v0 =	vld [tilespmem:s30+$0x7460]  }
0x78b: {  	[tilespmem:s28+$0xFFFFFED0] =	vst v4;
	v50 =	vld [tilespmem:s24+$0x7460]  }
0x78c: {  	v5 =	vld [tilespmem:s1+$0x7470];
	[tilespmem:s28+$0xFFFFFF50] =	vst v3  }
0x78d: {  	v51 =	vld [tilespmem:s29+$0x7470];
	[tilespmem:s28+$0xFFFFFFD0] =	vst v2  }
0x78e: {  	v52 =	vld [tilespmem:s10+$0x7470];
	[tilespmem:s28+$0x50] =	vst v1  }
0x78f: {  	v53 =	vld [tilespmem:s3+$0x7470];
	[tilespmem:s28+$0xD0] =	vst v0  }
0x790: {  	v54 =	vld [tilespmem:s5+$0x7470];
	[tilespmem:s28+$0x150] =	vst v50  }
0x791: {  	[tilespmem:s28+$0xFFFFFE60] =	vst v5;
	v55 =	vld [tilespmem:s30+$0x7470]  }
0x792: {  	[tilespmem:s28+$0xFFFFFEE0] =	vst v51;
	v56 =	vld [tilespmem:s24+$0x7470]  }
0x793: {  	v57 =	vld [tilespmem:s1+$0x7480];
	[tilespmem:s28+$0xFFFFFF60] =	vst v52  }
0x794: {  	v58 =	vld [tilespmem:s29+$0x7480];
	[tilespmem:s28+$0xFFFFFFE0] =	vst v53  }
0x795: {  	v59 =	vld [tilespmem:s10+$0x7480];
	[tilespmem:s28+$0x60] =	vst v54  }
0x796: {  	v60 =	vld [tilespmem:s3+$0x7480];
	[tilespmem:s9+$0xE0] =	vst v55  }
0x797: {  	v61 =	vld [tilespmem:s5+$0x7480];
	[tilespmem:s9+$0x160] =	vst v56  }
0x798: {  	[tilespmem:s9+$0xFFFFFE70] =	vst v57  }
0x799: {  	[tilespmem:s9+$0xFFFFFEF0] =	vst v58  }
0x79a: {  	v62 =	vld [tilespmem:s30+$0x7480];
	[tilespmem:s9+$0xFFFFFF70] =	vst v59  }
0x79b: {  	v63 =	vld [tilespmem:s24+$0x7480];
	[tilespmem:s9+$0xFFFFFFF0] =	vst v60  }
0x79c: {  	[tilespmem:s9+$0x70] =	vst v61  }
0x79d: {  	s0 =	rddreg [dreg:$0x12]  }
0x79e: {  	s25 =	sadd.s32 $0x1, s25;
	s0 =	sadd.s32 s26, s0  }
0x79f: {  	p0 =	sne.s32 s25, $0x18;
	s30 =	rddreg [dreg:$0x2];
	[tilespmem:s9+$0xF0] =	vst v62;
	s0 =	sshll.u32 s0, $0x4  }
.Ltmp12:
0x7a0: {  	[tilespmem:s9+$0x170] =	vst v63;
	s0 =	sadd.s32 s30, s0;
	(pc) =	sbr.rel @p0 .LBB2_10-.Ltmp12, $4  }
0x7a1: {  	[hbm4b:s0+s4] =	stream.linear.scatter [tilespmem:s31], [sflag:$0x5], $0x4000, $0x38;
	[tilespmem:$0x1F810] =	vst v63  }
0x7a2: {  	_ =	swait.ge [sflag:s21], $0x4000  }
0x7a3: {  	[sflag:s21] =	ssyncset.done $0x0  }
0x7a4: {  	[sflag:s21] =	ssyncadd.s32 $0xFFFFC000  }
0x7a5: {  	s0 =	simm.s32 $0x3  }
0x7a6: {  	_ =	swait.ge [sflag:s0], $0x200  }
0x7a7: {  	[sflag:s0] =	ssyncset.done $0x0  }
0x7a8: {  	[sflag:s0] =	ssyncadd.s32 $0xFFFFFE00  }
0x7a9: {  	s0 =	sld [smem:$0x87]  }
0x7aa: {  	s2 =	sld [smem:$0x81]  }
0x7ab: {  	s3 =	sld [smem:$0x82]  }
0x7ac: {  	s25 =	simm.s32 $0x17A10;
	s5 =	sld [smem:$0x83];
	p0 =	slt.s32 s0, $0x200  }
0x7ad: {  	p1 =	sgt.s32 s0, $0x3E8;
	s6 =	sld [smem:$0x84];
	s0 =	simm.s32 @!p0 $0x200  }
0x7ae: {  	p0 =	slt.s32 s2, $0x200;
	s7 =	sld [smem:$0x85];
	s9 =	sshll.u32 s0, $0x7  }
0x7af: {  	s8 =	smov.u32 s2;
	s30 =	sld [smem:$0x86];
	s9 =	simm.s32 @p1 $0x10080  }
0x7b0: {  	s8 =	simm.s32 @!p0 $0x200;
	s10 =	smov.u32 s3;
	s1 =	sld [smem:$0x80];
	v0 =	vld [tilespmem:s9+$0x7410]  }
0x7b1: {  	p1 =	slt.s32 s3, $0x200;
	p2 =	slt.s32 s5, $0x200;
	s11 =	smov.u32 s5  }
0x7b2: {  	s26 =	sshll.u32 s8, $0x7;
	p3 =	slt.s32 s6, $0x200;
	s10 =	simm.s32 @!p1 $0x200  }
0x7b3: {  	s12 =	smov.u32 s6;
	s11 =	simm.s32 @!p2 $0x200;
	p1 =	slt.s32 s7, $0x200  }
0x7b4: {  	s12 =	simm.s32 @!p3 $0x200;
	s13 =	smov.u32 s7;
	p0 =	slt.s32 s1, $0x200  }
0x7b5: {  	p4 =	sgt.s32 s1, $0x3E8;
	s1 =	simm.s32 @!p0 $0x200;
	p0 =	sgt.s32 s2, $0x3E8;
	[tilespmem:s25+$0x180] =	vst v0  }
0x7b6: {  	s10 =	sshll.u32 s10, $0x7;
	p2 =	slt.s32 s30, $0x200;
	s26 =	simm.s32 @p0 $0x10080;
	v0 =	vld [tilespmem:s9+$0x7420]  }
0x7b7: {  	s13 =	simm.s32 @!p1 $0x200;
	p1 =	sgt.s32 s5, $0x3E8;
	s1 =	sshll.u32 s1, $0x7;
	v2 =	vld [tilespmem:s26+$0x7410]  }
0x7b8: {  	s5 =	sshll.u32 s12, $0x7;
	p0 =	sgt.s32 s3, $0x3E8;
	s1 =	simm.s32 @p4 $0x10080  }
0x7b9: {  	s28 =	sshll.u32 s13, $0x7;
	s3 =	sshll.u32 s11, $0x7;
	s10 =	simm.s32 @p0 $0x10080;
	v1 =	vld [tilespmem:s1+$0x7410]  }
0x7ba: {  	s2 =	smov.u32 s30;
	s3 =	simm.s32 @p1 $0x10080;
	p1 =	sgt.s32 s7, $0x3E8;
	v3 =	vld [tilespmem:s10+$0x7410]  }
0x7bb: {  	s2 =	simm.s32 @!p2 $0x200;
	p0 =	sgt.s32 s6, $0x3E8;
	v4 =	vld [tilespmem:s3+$0x7410];
	s28 =	simm.s32 @p1 $0x10080;
	[tilespmem:s25+$0x190] =	vst v0  }
0x7bc: {  	s24 =	sshll.u32 s2, $0x7;
	s5 =	simm.s32 @p0 $0x10080;
	p0 =	sgt.s32 s30, $0x3E8;
	[tilespmem:s25+$0xFFFFFE80] =	vst v2;
	v2 =	vld [tilespmem:s28+$0x7410]  }
0x7bd: {  	s24 =	simm.s32 @p0 $0x10080;
	v0 =	vld [tilespmem:s9+$0x7430]  }
0x7be: {  	v5 =	vld [tilespmem:s24+$0x7410];
	[tilespmem:s25+$0xFFFFFE00] =	vst v1  }
0x7bf: {  	v1 =	vld [tilespmem:s5+$0x7410];
	[tilespmem:s25+$0xFFFFFF00] =	vst v3  }
0x7c0: {  	[tilespmem:s25+$0xFFFFFF80] =	vst v4;
	v4 =	vld [tilespmem:s26+$0x7420]  }
0x7c1: {  	v3 =	vld [tilespmem:s1+$0x7420];
	[tilespmem:s25+$0x80] =	vst v2  }
0x7c2: {  	v2 =	vld [tilespmem:s3+$0x7420];
	[tilespmem:s25+$0x1A0] =	vst v0  }
0x7c3: {  	[tilespmem:s25+$0x100] =	vst v5;
	v0 =	vld [tilespmem:s9+$0x7440]  }
0x7c4: {  	[tilespmem:s25+$0x0] =	vst v1  }
0x7c5: {  	v1 =	vld [tilespmem:s10+$0x7420];
	[tilespmem:s25+$0xFFFFFE90] =	vst v4  }
0x7c6: {  	v5 =	vld [tilespmem:s5+$0x7420];
	[tilespmem:s25+$0xFFFFFE10] =	vst v3  }
0x7c7: {  	v3 =	vld [tilespmem:s28+$0x7420];
	[tilespmem:s25+$0xFFFFFF90] =	vst v2  }
0x7c8: {  	v2 =	vld [tilespmem:s26+$0x7430];
	[tilespmem:s25+$0x1B0] =	vst v0  }
0x7c9: {  	v0 =	vld [tilespmem:s9+$0x7450]  }
0x7ca: {  	v4 =	vld [tilespmem:s1+$0x7430];
	[tilespmem:s25+$0xFFFFFF10] =	vst v1  }
0x7cb: {  	v1 =	vld [tilespmem:s24+$0x7420];
	[tilespmem:s25+$0x10] =	vst v5  }
0x7cc: {  	v5 =	vld [tilespmem:s10+$0x7430];
	[tilespmem:s25+$0x90] =	vst v3  }
0x7cd: {  	v3 =	vld [tilespmem:s3+$0x7430];
	[tilespmem:s25+$0xFFFFFEA0] =	vst v2  }
0x7ce: {  	v2 =	vld [tilespmem:s28+$0x7430];
	[tilespmem:s25+$0x1C0] =	vst v0  }
0x7cf: {  	[tilespmem:s25+$0xFFFFFE20] =	vst v4;
	v0 =	vld [tilespmem:s9+$0x7460]  }
0x7d0: {  	[tilespmem:s25+$0x110] =	vst v1;
	v1 =	vld [tilespmem:s5+$0x7430]  }
0x7d1: {  	[tilespmem:s25+$0xFFFFFF20] =	vst v5;
	v4 =	vld [tilespmem:s24+$0x7430]  }
0x7d2: {  	v5 =	vld [tilespmem:s1+$0x7440];
	[tilespmem:s25+$0xFFFFFFA0] =	vst v3  }
0x7d3: {  	v3 =	vld [tilespmem:s26+$0x7440];
	[tilespmem:s25+$0xA0] =	vst v2  }
0x7d4: {  	v2 =	vld [tilespmem:s3+$0x7440];
	[tilespmem:s25+$0x1D0] =	vst v0  }
0x7d5: {  	[tilespmem:s25+$0x20] =	vst v1;
	v0 =	vld [tilespmem:s9+$0x7470]  }
0x7d6: {  	v1 =	vld [tilespmem:s10+$0x7440];
	[tilespmem:s25+$0x120] =	vst v4  }
0x7d7: {  	[tilespmem:s25+$0xFFFFFE30] =	vst v5;
	v4 =	vld [tilespmem:s5+$0x7440]  }
0x7d8: {  	v5 =	vld [tilespmem:s28+$0x7440];
	[tilespmem:s25+$0xFFFFFEB0] =	vst v3  }
0x7d9: {  	v3 =	vld [tilespmem:s1+$0x7450];
	[tilespmem:s25+$0xFFFFFFB0] =	vst v2  }
0x7da: {  	v2 =	vld [tilespmem:s26+$0x7450];
	[tilespmem:s25+$0x1E0] =	vst v0  }
0x7db: {  	[tilespmem:s25+$0xFFFFFF30] =	vst v1;
	v0 =	vld [tilespmem:s9+$0x7480]  }
0x7dc: {  	v1 =	vld [tilespmem:s24+$0x7440];
	[tilespmem:s25+$0x30] =	vst v4  }
0x7dd: {  	v4 =	vld [tilespmem:s10+$0x7450];
	[tilespmem:s25+$0xB0] =	vst v5  }
0x7de: {  	v5 =	vld [tilespmem:s3+$0x7450];
	[tilespmem:s25+$0xFFFFFE40] =	vst v3  }
0x7df: {  	v7 =	vld [tilespmem:s1+$0x7460];
	[tilespmem:s25+$0xFFFFFEC0] =	vst v2  }
0x7e0: {  	[tilespmem:s25+$0x1F0] =	vst v0;
	v0 =	vld [tilespmem:s5+$0x7450]  }
0x7e1: {  	[tilespmem:s25+$0x130] =	vst v1;
	v1 =	vld [tilespmem:s28+$0x7450]  }
0x7e2: {  	v6 =	vld [tilespmem:s24+$0x7450];
	[tilespmem:s25+$0xFFFFFF40] =	vst v4  }
0x7e3: {  	v4 =	vld [tilespmem:s26+$0x7460];
	[tilespmem:s25+$0xFFFFFFC0] =	vst v5  }
0x7e4: {  	v3 =	vld [tilespmem:s10+$0x7460];
	[tilespmem:s25+$0xFFFFFE50] =	vst v7  }
0x7e5: {  	v2 =	vld [tilespmem:s3+$0x7460];
	[tilespmem:s25+$0x40] =	vst v0  }
0x7e6: {  	[tilespmem:s25+$0xC0] =	vst v1;
	v1 =	vld [tilespmem:s5+$0x7460]  }
0x7e7: {  	s14 =	simm.s32 $0x8F;
	s13 =	simm.s32 $0x0;
	s9 =	simm.s32 $0x17A10;
	[tilespmem:s25+$0x140] =	vst v6;
	v0 =	vld [tilespmem:s28+$0x7460]  }
.LBB2_28:
0x7e8: {  	s2 =	sld [smem:s14+$0x0];
	s13 =	sadd.s32 $0x8, s13;
	[tilespmem:s25+$0xFFFFFED0] =	vst v4;
	v4 =	vld [tilespmem:s24+$0x7460]  }
0x7e9: {  	s0 =	sld [smem:s14+$0xFFFFFFFA];
	p1 =	slt.u32 s13, $0x78;
	v5 =	vld [tilespmem:s1+$0x7470];
	[tilespmem:s25+$0xFFFFFF50] =	vst v3  }
0x7ea: {  	s6 =	sld [smem:s14+$0xFFFFFFFB];
	v3 =	vld [tilespmem:s26+$0x7470];
	[tilespmem:s25+$0xFFFFFFD0] =	vst v2  }
0x7eb: {  	s7 =	sld [smem:s14+$0xFFFFFFFC];
	p0 =	slt.s32 s2, $0x200;
	v2 =	vld [tilespmem:s10+$0x7470];
	[tilespmem:s25+$0x50] =	vst v1;
	s11 =	smov.u32 s2  }
0x7ec: {  	p2 =	slt.s32 s0, $0x200;
	s8 =	sld [smem:s14+$0xFFFFFFFD];
	s11 =	simm.s32 @!p0 $0x200;
	v1 =	vld [tilespmem:s3+$0x7470];
	[tilespmem:s25+$0xD0] =	vst v0  }
0x7ed: {  	p0 =	sgt.s32 s2, $0x3E8;
	s12 =	sld [smem:s14+$0xFFFFFFFE];
	s15 =	sshll.u32 s11, $0x7  }
0x7ee: {  	v0 =	vld [tilespmem:s5+$0x7470];
	[tilespmem:s25+$0x150] =	vst v4;
	p3 =	slt.s32 s6, $0x200;
	s11 =	smov.u32 s0;
	s16 =	smov.u32 s6  }
0x7ef: {  	p5 =	sgt.s32 s6, $0x3E8;
	s23 =	sld [smem:s14+$0xFFFFFFFF];
	s15 =	simm.s32 @p0 $0x10080  }
0x7f0: {  	[tilespmem:s25+$0xFFFFFE60] =	vst v5;
	v4 =	vld [tilespmem:s28+$0x7470];
	p0 =	slt.s32 s7, $0x200;
	s11 =	simm.s32 @!p2 $0x200;
	s16 =	simm.s32 @!p3 $0x200  }
0x7f1: {  	s17 =	smov.u32 s7;
	p6 =	sgt.s32 s7, $0x3E8;
	s2 =	sld [smem:s14+$0xFFFFFFF9]  }
0x7f2: {  	p4 =	slt.s32 s8, $0x200;
	v5 =	vld [tilespmem:s15+$0x7410];
	[tilespmem:s25+$0xFFFFFEE0] =	vst v3;
	s17 =	simm.s32 @!p0 $0x200;
	s18 =	smov.u32 s8  }
0x7f3: {  	p2 =	slt.s32 s12, $0x200;
	[tilespmem:s25+$0xFFFFFF60] =	vst v2;
	v2 =	vld [tilespmem:s24+$0x7470];
	s18 =	simm.s32 @!p4 $0x200;
	s19 =	smov.u32 s12  }
0x7f4: {  	p0 =	slt.s32 s23, $0x200;
	v3 =	vld [tilespmem:s1+$0x7480];
	[tilespmem:s25+$0xFFFFFFE0] =	vst v1;
	s19 =	simm.s32 @!p2 $0x200;
	s20 =	smov.u32 s23  }
0x7f5: {  	p3 =	slt.s32 s2, $0x200;
	s20 =	simm.s32 @!p0 $0x200;
	v1 =	vld [tilespmem:s26+$0x7480];
	[tilespmem:s25+$0x60] =	vst v0;
	s1 =	smov.u32 s2  }
0x7f6: {  	s26 =	sshll.u32 s11, $0x7;
	s25 =	sadd.s32 $0x400, s25;
	s1 =	simm.s32 @!p3 $0x200;
	v0 =	vld [tilespmem:s10+$0x7480];
	[tilespmem:s9+$0xE0] =	vst v4  }
0x7f7: {  	s11 =	sshll.u32 s17, $0x7;
	s10 =	sshll.u32 s16, $0x7;
	s1 =	sshll.u32 s1, $0x7;
	[tilespmem:s25+$0x180] =	vst v5;
	v4 =	vld [tilespmem:s3+$0x7480]  }
0x7f8: {  	s17 =	sshll.u32 s19, $0x7;
	s16 =	sshll.u32 s18, $0x7;
	s18 =	sshll.u32 s20, $0x7;
	v5 =	vld [tilespmem:s15+$0x7420];
	[tilespmem:s9+$0x160] =	vst v2  }
0x7f9: {  	p4 =	sgt.s32 s0, $0x3E8;
	p2 =	sgt.s32 s12, $0x3E8;
	p0 =	sgt.s32 s2, $0x3E8;
	[tilespmem:s9+$0xFFFFFE70] =	vst v3;
	v2 =	vld [tilespmem:s5+$0x7480]  }
0x7fa: {  	p3 =	sgt.s32 s8, $0x3E8;
	s26 =	simm.s32 @p4 $0x10080;
	p4 =	sgt.s32 s23, $0x3E8;
	[tilespmem:s9+$0xFFFFFEF0] =	vst v1;
	v1 =	vld [tilespmem:s28+$0x7480]  }
0x7fb: {  	s10 =	simm.s32 @p5 $0x10080;
	s3 =	smov.u32 s11;
	s1 =	simm.s32 @p0 $0x10080;
	[tilespmem:s9+$0xFFFFFF70] =	vst v0;
	v0 =	vld [tilespmem:s24+$0x7480]  }
0x7fc: {  	s3 =	simm.s32 @p6 $0x10080;
	s5 =	smov.u32 s16;
	s28 =	smov.u32 s17;
	v3 =	vld [tilespmem:s1+$0x7410];
	[tilespmem:s9+$0xFFFFFFF0] =	vst v4  }
0x7fd: {  	s5 =	simm.s32 @p3 $0x10080;
	s28 =	simm.s32 @p2 $0x10080;
	s24 =	smov.u32 s18;
	v4 =	vld [tilespmem:s26+$0x7410];
	[tilespmem:s25+$0x190] =	vst v5  }
0x7fe: {  	s24 =	simm.s32 @p4 $0x10080;
	v5 =	vld [tilespmem:s15+$0x7430];
	[tilespmem:s9+$0x70] =	vst v2  }
0x7ff: {  	v2 =	vld [tilespmem:s10+$0x7410];
	[tilespmem:s9+$0xF0] =	vst v1  }
0x800: {  	v1 =	vld [tilespmem:s3+$0x7410];
	[tilespmem:s9+$0x170] =	vst v0;
	s9 =	smov.u32 s25  }
0x801: {  	[tilespmem:s25+$0xFFFFFE00] =	vst v3;
	v0 =	vld [tilespmem:s5+$0x7410]  }
0x802: {  	[tilespmem:s25+$0xFFFFFE80] =	vst v4;
	v3 =	vld [tilespmem:s28+$0x7410]  }
0x803: {  	v4 =	vld [tilespmem:s24+$0x7410];
	[tilespmem:s25+$0x1A0] =	vst v5  }
0x804: {  	[tilespmem:s25+$0xFFFFFF00] =	vst v2;
	v2 =	vld [tilespmem:s15+$0x7440]  }
0x805: {  	v5 =	vld [tilespmem:s1+$0x7420];
	[tilespmem:s25+$0xFFFFFF80] =	vst v1  }
0x806: {  	v1 =	vld [tilespmem:s26+$0x7420];
	[tilespmem:s25+$0x0] =	vst v0  }
0x807: {  	v0 =	vld [tilespmem:s10+$0x7420];
	[tilespmem:s25+$0x80] =	vst v3  }
0x808: {  	v3 =	vld [tilespmem:s3+$0x7420];
	[tilespmem:s25+$0x100] =	vst v4  }
0x809: {  	v4 =	vld [tilespmem:s5+$0x7420];
	[tilespmem:s25+$0x1B0] =	vst v2  }
0x80a: {  	[tilespmem:s25+$0xFFFFFE10] =	vst v5;
	v2 =	vld [tilespmem:s15+$0x7450]  }
0x80b: {  	[tilespmem:s25+$0xFFFFFE90] =	vst v1;
	v1 =	vld [tilespmem:s28+$0x7420]  }
0x80c: {  	[tilespmem:s25+$0xFFFFFF10] =	vst v0;
	v0 =	vld [tilespmem:s24+$0x7420]  }
0x80d: {  	v5 =	vld [tilespmem:s1+$0x7430];
	[tilespmem:s25+$0xFFFFFF90] =	vst v3  }
0x80e: {  	v3 =	vld [tilespmem:s26+$0x7430];
	[tilespmem:s25+$0x10] =	vst v4  }
0x80f: {  	v4 =	vld [tilespmem:s10+$0x7430];
	[tilespmem:s25+$0x1C0] =	vst v2  }
0x810: {  	[tilespmem:s25+$0x90] =	vst v1;
	v1 =	vld [tilespmem:s15+$0x7460]  }
0x811: {  	v2 =	vld [tilespmem:s3+$0x7430];
	[tilespmem:s25+$0x110] =	vst v0  }
0x812: {  	[tilespmem:s25+$0xFFFFFE20] =	vst v5;
	v0 =	vld [tilespmem:s5+$0x7430]  }
0x813: {  	[tilespmem:s25+$0xFFFFFEA0] =	vst v3;
	v3 =	vld [tilespmem:s28+$0x7430]  }
0x814: {  	[tilespmem:s25+$0xFFFFFF20] =	vst v4;
	v4 =	vld [tilespmem:s24+$0x7430]  }
0x815: {  	v5 =	vld [tilespmem:s1+$0x7440];
	[tilespmem:s25+$0x1D0] =	vst v1  }
0x816: {  	[tilespmem:s25+$0xFFFFFFA0] =	vst v2;
	v1 =	vld [tilespmem:s15+$0x7470]  }
0x817: {  	v2 =	vld [tilespmem:s26+$0x7440];
	[tilespmem:s25+$0x20] =	vst v0  }
0x818: {  	v0 =	vld [tilespmem:s10+$0x7440];
	[tilespmem:s25+$0xA0] =	vst v3  }
0x819: {  	v3 =	vld [tilespmem:s3+$0x7440];
	[tilespmem:s25+$0x120] =	vst v4  }
0x81a: {  	[tilespmem:s25+$0xFFFFFE30] =	vst v5;
	v4 =	vld [tilespmem:s5+$0x7440]  }
0x81b: {  	v5 =	vld [tilespmem:s28+$0x7440];
	[tilespmem:s25+$0x1E0] =	vst v1  }
0x81c: {  	[tilespmem:s25+$0xFFFFFEB0] =	vst v2;
	v1 =	vld [tilespmem:s15+$0x7480]  }
0x81d: {  	[tilespmem:s25+$0xFFFFFF30] =	vst v0;
	v0 =	vld [tilespmem:s24+$0x7440]  }
0x81e: {  	v2 =	vld [tilespmem:s1+$0x7450];
	[tilespmem:s25+$0xFFFFFFB0] =	vst v3  }
0x81f: {  	v3 =	vld [tilespmem:s26+$0x7450];
	[tilespmem:s25+$0x30] =	vst v4  }
0x820: {  	v4 =	vld [tilespmem:s10+$0x7450];
	[tilespmem:s25+$0xB0] =	vst v5  }
0x821: {  	v5 =	vld [tilespmem:s3+$0x7450];
	[tilespmem:s25+$0x1F0] =	vst v1  }
0x822: {  	v1 =	vld [tilespmem:s5+$0x7450];
	[tilespmem:s25+$0x130] =	vst v0  }
0x823: {  	[tilespmem:s25+$0xFFFFFE40] =	vst v2;
	v0 =	vld [tilespmem:s28+$0x7450]  }
0x824: {  	[tilespmem:s25+$0xFFFFFEC0] =	vst v3;
	v6 =	vld [tilespmem:s24+$0x7450]  }
0x825: {  	v7 =	vld [tilespmem:s1+$0x7460];
	[tilespmem:s25+$0xFFFFFF40] =	vst v4  }
.Ltmp13:
0x826: {  	v4 =	vld [tilespmem:s26+$0x7460];
	[tilespmem:s25+$0xFFFFFFC0] =	vst v5;
	(pc) =	sbr.rel @p1 .LBB2_28-.Ltmp13, $4  }
0x827: {  	v3 =	vld [tilespmem:s10+$0x7460];
	[tilespmem:s25+$0x40] =	vst v1  }
0x828: {  	v2 =	vld [tilespmem:s3+$0x7460];
	[tilespmem:s25+$0xC0] =	vst v0  }
0x829: {  	v1 =	vld [tilespmem:s5+$0x7460];
	[tilespmem:s25+$0x140] =	vst v6  }
0x82a: {  	s14 =	sadd.s32 $0x8, s14;
	[tilespmem:s25+$0xFFFFFE50] =	vst v7;
	v0 =	vld [tilespmem:s28+$0x7460]  }
0x82b: {  	[tilespmem:s25+$0xFFFFFED0] =	vst v4;
	v4 =	vld [tilespmem:s24+$0x7460]  }
0x82c: {  	v5 =	vld [tilespmem:s1+$0x7470];
	[tilespmem:s25+$0xFFFFFF50] =	vst v3  }
0x82d: {  	v3 =	vld [tilespmem:s26+$0x7470];
	[tilespmem:s25+$0xFFFFFFD0] =	vst v2  }
0x82e: {  	v2 =	vld [tilespmem:s10+$0x7470];
	[tilespmem:s25+$0x50] =	vst v1  }
0x82f: {  	v1 =	vld [tilespmem:s3+$0x7470];
	[tilespmem:s25+$0xD0] =	vst v0  }
0x830: {  	v0 =	vld [tilespmem:s5+$0x7470];
	[tilespmem:s25+$0x150] =	vst v4  }
0x831: {  	[tilespmem:s25+$0xFFFFFE60] =	vst v5;
	v4 =	vld [tilespmem:s28+$0x7470]  }
0x832: {  	[tilespmem:s25+$0xFFFFFEE0] =	vst v3;
	v3 =	vld [tilespmem:s24+$0x7470]  }
0x833: {  	[tilespmem:s25+$0xFFFFFF60] =	vst v2;
	v2 =	vld [tilespmem:s1+$0x7480]  }
0x834: {  	[tilespmem:s25+$0xFFFFFFE0] =	vst v1;
	v1 =	vld [tilespmem:s26+$0x7480]  }
0x835: {  	[tilespmem:s25+$0x60] =	vst v0;
	v0 =	vld [tilespmem:s10+$0x7480]  }
0x836: {  	[tilespmem:s9+$0xE0] =	vst v4;
	v4 =	vld [tilespmem:s3+$0x7480]  }
0x837: {  	[tilespmem:s9+$0x160] =	vst v3;
	v3 =	vld [tilespmem:s5+$0x7480]  }
0x838: {  	[tilespmem:s9+$0xFFFFFE70] =	vst v2;
	v2 =	vld [tilespmem:s28+$0x7480]  }
0x839: {  	[tilespmem:s9+$0xFFFFFEF0] =	vst v1;
	v1 =	vld [tilespmem:s24+$0x7480]  }
0x83a: {  	[tilespmem:s9+$0xFFFFFF70] =	vst v0  }
0x83b: {  	[tilespmem:s9+$0xFFFFFFF0] =	vst v4  }
0x83c: {  	[tilespmem:s9+$0x70] =	vst v3  }
0x83d: {  	[tilespmem:s9+$0xF0] =	vst v2  }
0x83e: {  	[tilespmem:s9+$0x170] =	vst v1  }
0x83f: {  	s23 =	simm.s32 $0x17810;
	s0 =	rddreg [dreg:$0x13]  }
0x840: {  	[hbm4b:s0+s4] =	stream.linear.scatter [tilespmem:s23], [sflag:$0x4], $0x4000, $0x38;
	[tilespmem:$0x1F810] =	vst v63  }
0x841: {  	_ =	swait.ge [sflag:s22], $0x4000  }
0x842: {  	[sflag:s22] =	ssyncset.done $0x0  }
0x843: {  	[sflag:s22] =	ssyncadd.s32 $0xFFFFC000  }
0x844: {  	s0 =	sld [smem:$0x187]  }
0x845: {  	s2 =	sld [smem:$0x181]  }
0x846: {  	s24 =	sld [smem:$0x182]  }
0x847: {  	s25 =	simm.s32 $0x1BA10;
	s29 =	sld [smem:$0x183];
	p0 =	slt.s32 s0, $0x200  }
0x848: {  	p1 =	sgt.s32 s0, $0x3E8;
	s6 =	sld [smem:$0x184];
	s0 =	simm.s32 @!p0 $0x200  }
0x849: {  	p0 =	slt.s32 s2, $0x200;
	s7 =	sld [smem:$0x185];
	s9 =	sshll.u32 s0, $0x7  }
0x84a: {  	s8 =	smov.u32 s2;
	s30 =	sld [smem:$0x186];
	s9 =	simm.s32 @p1 $0x10080  }
0x84b: {  	s8 =	simm.s32 @!p0 $0x200;
	s10 =	smov.u32 s24;
	s1 =	sld [smem:$0x180];
	v0 =	vld [tilespmem:s9+$0x7410]  }
0x84c: {  	p1 =	slt.s32 s24, $0x200;
	p2 =	slt.s32 s29, $0x200;
	s11 =	smov.u32 s29  }
0x84d: {  	s26 =	sshll.u32 s8, $0x7;
	p3 =	slt.s32 s6, $0x200;
	s10 =	simm.s32 @!p1 $0x200  }
0x84e: {  	s12 =	smov.u32 s6;
	s11 =	simm.s32 @!p2 $0x200;
	p1 =	slt.s32 s7, $0x200  }
0x84f: {  	s12 =	simm.s32 @!p3 $0x200;
	s13 =	smov.u32 s7;
	p0 =	slt.s32 s1, $0x200  }
0x850: {  	p4 =	sgt.s32 s1, $0x3E8;
	s1 =	simm.s32 @!p0 $0x200;
	p0 =	sgt.s32 s2, $0x3E8;
	[tilespmem:s25+$0x180] =	vst v0  }
0x851: {  	s10 =	sshll.u32 s10, $0x7;
	s3 =	sshll.u32 s11, $0x7;
	s26 =	simm.s32 @p0 $0x10080;
	v0 =	vld [tilespmem:s9+$0x7420]  }
0x852: {  	p2 =	slt.s32 s30, $0x200;
	s13 =	simm.s32 @!p1 $0x200;
	p1 =	sgt.s32 s29, $0x3E8;
	v2 =	vld [tilespmem:s26+$0x7410]  }
0x853: {  	s5 =	sshll.u32 s12, $0x7;
	s3 =	simm.s32 @p1 $0x10080;
	s1 =	sshll.u32 s1, $0x7  }
0x854: {  	s28 =	sshll.u32 s13, $0x7;
	v4 =	vld [tilespmem:s3+$0x7410];
	p0 =	sgt.s32 s24, $0x3E8;
	s1 =	simm.s32 @p4 $0x10080  }
0x855: {  	p1 =	sgt.s32 s7, $0x3E8;
	s2 =	smov.u32 s30;
	s10 =	simm.s32 @p0 $0x10080;
	v1 =	vld [tilespmem:s1+$0x7410]  }
0x856: {  	s28 =	simm.s32 @p1 $0x10080;
	s2 =	simm.s32 @!p2 $0x200;
	p0 =	sgt.s32 s6, $0x3E8;
	v3 =	vld [tilespmem:s10+$0x7410];
	[tilespmem:s25+$0x190] =	vst v0  }
0x857: {  	s24 =	sshll.u32 s2, $0x7;
	s5 =	simm.s32 @p0 $0x10080;
	p0 =	sgt.s32 s30, $0x3E8;
	[tilespmem:s25+$0xFFFFFE80] =	vst v2;
	v2 =	vld [tilespmem:s28+$0x7410]  }
0x858: {  	s24 =	simm.s32 @p0 $0x10080;
	v0 =	vld [tilespmem:s9+$0x7430]  }
0x859: {  	v5 =	vld [tilespmem:s24+$0x7410];
	[tilespmem:s25+$0xFFFFFF80] =	vst v4  }
0x85a: {  	[tilespmem:s25+$0xFFFFFE00] =	vst v1;
	v1 =	vld [tilespmem:s5+$0x7410]  }
0x85b: {  	[tilespmem:s25+$0xFFFFFF00] =	vst v3;
	v4 =	vld [tilespmem:s26+$0x7420]  }
0x85c: {  	v3 =	vld [tilespmem:s1+$0x7420];
	[tilespmem:s25+$0x80] =	vst v2  }
0x85d: {  	v2 =	vld [tilespmem:s3+$0x7420];
	[tilespmem:s25+$0x1A0] =	vst v0  }
0x85e: {  	[tilespmem:s25+$0x100] =	vst v5;
	v0 =	vld [tilespmem:s9+$0x7440]  }
0x85f: {  	[tilespmem:s25+$0x0] =	vst v1  }
0x860: {  	v1 =	vld [tilespmem:s10+$0x7420];
	[tilespmem:s25+$0xFFFFFE90] =	vst v4  }
0x861: {  	v5 =	vld [tilespmem:s5+$0x7420];
	[tilespmem:s25+$0xFFFFFE10] =	vst v3  }
0x862: {  	v3 =	vld [tilespmem:s28+$0x7420];
	[tilespmem:s25+$0xFFFFFF90] =	vst v2  }
0x863: {  	v2 =	vld [tilespmem:s26+$0x7430];
	[tilespmem:s25+$0x1B0] =	vst v0  }
0x864: {  	v0 =	vld [tilespmem:s9+$0x7450]  }
0x865: {  	v4 =	vld [tilespmem:s1+$0x7430];
	[tilespmem:s25+$0xFFFFFF10] =	vst v1  }
0x866: {  	v1 =	vld [tilespmem:s24+$0x7420];
	[tilespmem:s25+$0x10] =	vst v5  }
0x867: {  	v5 =	vld [tilespmem:s10+$0x7430];
	[tilespmem:s25+$0x90] =	vst v3  }
0x868: {  	v3 =	vld [tilespmem:s3+$0x7430];
	[tilespmem:s25+$0xFFFFFEA0] =	vst v2  }
0x869: {  	v2 =	vld [tilespmem:s28+$0x7430];
	[tilespmem:s25+$0x1C0] =	vst v0  }
0x86a: {  	[tilespmem:s25+$0xFFFFFE20] =	vst v4;
	v0 =	vld [tilespmem:s9+$0x7460]  }
0x86b: {  	[tilespmem:s25+$0x110] =	vst v1;
	v1 =	vld [tilespmem:s5+$0x7430]  }
0x86c: {  	[tilespmem:s25+$0xFFFFFF20] =	vst v5;
	v4 =	vld [tilespmem:s24+$0x7430]  }
0x86d: {  	v5 =	vld [tilespmem:s1+$0x7440];
	[tilespmem:s25+$0xFFFFFFA0] =	vst v3  }
0x86e: {  	v3 =	vld [tilespmem:s26+$0x7440];
	[tilespmem:s25+$0xA0] =	vst v2  }
0x86f: {  	v2 =	vld [tilespmem:s3+$0x7440];
	[tilespmem:s25+$0x1D0] =	vst v0  }
0x870: {  	[tilespmem:s25+$0x20] =	vst v1;
	v0 =	vld [tilespmem:s9+$0x7470]  }
0x871: {  	v1 =	vld [tilespmem:s10+$0x7440];
	[tilespmem:s25+$0x120] =	vst v4  }
0x872: {  	[tilespmem:s25+$0xFFFFFE30] =	vst v5;
	v4 =	vld [tilespmem:s5+$0x7440]  }
0x873: {  	v5 =	vld [tilespmem:s28+$0x7440];
	[tilespmem:s25+$0xFFFFFEB0] =	vst v3  }
0x874: {  	v3 =	vld [tilespmem:s1+$0x7450];
	[tilespmem:s25+$0xFFFFFFB0] =	vst v2  }
0x875: {  	v2 =	vld [tilespmem:s26+$0x7450];
	[tilespmem:s25+$0x1E0] =	vst v0  }
0x876: {  	[tilespmem:s25+$0xFFFFFF30] =	vst v1;
	v0 =	vld [tilespmem:s9+$0x7480]  }
0x877: {  	v1 =	vld [tilespmem:s24+$0x7440];
	[tilespmem:s25+$0x30] =	vst v4  }
0x878: {  	v4 =	vld [tilespmem:s10+$0x7450];
	[tilespmem:s25+$0xB0] =	vst v5  }
0x879: {  	v5 =	vld [tilespmem:s3+$0x7450];
	[tilespmem:s25+$0xFFFFFE40] =	vst v3  }
0x87a: {  	v7 =	vld [tilespmem:s1+$0x7460];
	[tilespmem:s25+$0xFFFFFEC0] =	vst v2  }
0x87b: {  	[tilespmem:s25+$0x1F0] =	vst v0;
	v0 =	vld [tilespmem:s5+$0x7450]  }
0x87c: {  	[tilespmem:s25+$0x130] =	vst v1;
	v1 =	vld [tilespmem:s28+$0x7450]  }
0x87d: {  	v6 =	vld [tilespmem:s24+$0x7450];
	[tilespmem:s25+$0xFFFFFF40] =	vst v4  }
0x87e: {  	v4 =	vld [tilespmem:s26+$0x7460];
	[tilespmem:s25+$0xFFFFFFC0] =	vst v5  }
0x87f: {  	v3 =	vld [tilespmem:s10+$0x7460];
	[tilespmem:s25+$0xFFFFFE50] =	vst v7  }
0x880: {  	v2 =	vld [tilespmem:s3+$0x7460];
	[tilespmem:s25+$0x40] =	vst v0  }
0x881: {  	[tilespmem:s25+$0xC0] =	vst v1;
	v1 =	vld [tilespmem:s5+$0x7460]  }
0x882: {  	s14 =	simm.s32 $0x18F;
	s13 =	simm.s32 $0x0;
	s9 =	simm.s32 $0x1BA10;
	[tilespmem:s25+$0x140] =	vst v6;
	v0 =	vld [tilespmem:s28+$0x7460]  }
.LBB2_30:
0x883: {  	s2 =	sld [smem:s14+$0x0];
	s13 =	sadd.s32 $0x8, s13;
	[tilespmem:s25+$0xFFFFFED0] =	vst v4;
	v4 =	vld [tilespmem:s24+$0x7460]  }
0x884: {  	s0 =	sld [smem:s14+$0xFFFFFFFA];
	p1 =	slt.u32 s13, $0x78;
	v5 =	vld [tilespmem:s1+$0x7470];
	[tilespmem:s25+$0xFFFFFF50] =	vst v3  }
0x885: {  	s6 =	sld [smem:s14+$0xFFFFFFFB];
	v3 =	vld [tilespmem:s26+$0x7470];
	[tilespmem:s25+$0xFFFFFFD0] =	vst v2  }
0x886: {  	s7 =	sld [smem:s14+$0xFFFFFFFC];
	p0 =	slt.s32 s2, $0x200;
	v2 =	vld [tilespmem:s10+$0x7470];
	[tilespmem:s25+$0x50] =	vst v1;
	s11 =	smov.u32 s2  }
0x887: {  	p2 =	slt.s32 s0, $0x200;
	s8 =	sld [smem:s14+$0xFFFFFFFD];
	s11 =	simm.s32 @!p0 $0x200;
	v1 =	vld [tilespmem:s3+$0x7470];
	[tilespmem:s25+$0xD0] =	vst v0  }
0x888: {  	p0 =	sgt.s32 s2, $0x3E8;
	s12 =	sld [smem:s14+$0xFFFFFFFE];
	s15 =	sshll.u32 s11, $0x7  }
0x889: {  	v0 =	vld [tilespmem:s5+$0x7470];
	[tilespmem:s25+$0x150] =	vst v4;
	p3 =	slt.s32 s6, $0x200;
	s11 =	smov.u32 s0;
	s16 =	smov.u32 s6  }
0x88a: {  	p5 =	sgt.s32 s6, $0x3E8;
	s23 =	sld [smem:s14+$0xFFFFFFFF];
	s15 =	simm.s32 @p0 $0x10080  }
0x88b: {  	[tilespmem:s25+$0xFFFFFE60] =	vst v5;
	v4 =	vld [tilespmem:s28+$0x7470];
	p0 =	slt.s32 s7, $0x200;
	s11 =	simm.s32 @!p2 $0x200;
	s16 =	simm.s32 @!p3 $0x200  }
0x88c: {  	s17 =	smov.u32 s7;
	p6 =	sgt.s32 s7, $0x3E8;
	s2 =	sld [smem:s14+$0xFFFFFFF9]  }
0x88d: {  	p4 =	slt.s32 s8, $0x200;
	v5 =	vld [tilespmem:s15+$0x7410];
	[tilespmem:s25+$0xFFFFFEE0] =	vst v3;
	s17 =	simm.s32 @!p0 $0x200;
	s18 =	smov.u32 s8  }
0x88e: {  	p2 =	slt.s32 s12, $0x200;
	[tilespmem:s25+$0xFFFFFF60] =	vst v2;
	v2 =	vld [tilespmem:s24+$0x7470];
	s18 =	simm.s32 @!p4 $0x200;
	s19 =	smov.u32 s12  }
0x88f: {  	p0 =	slt.s32 s23, $0x200;
	v3 =	vld [tilespmem:s1+$0x7480];
	[tilespmem:s25+$0xFFFFFFE0] =	vst v1;
	s19 =	simm.s32 @!p2 $0x200;
	s20 =	smov.u32 s23  }
0x890: {  	p3 =	slt.s32 s2, $0x200;
	s20 =	simm.s32 @!p0 $0x200;
	v1 =	vld [tilespmem:s26+$0x7480];
	[tilespmem:s25+$0x60] =	vst v0;
	s1 =	smov.u32 s2  }
0x891: {  	s26 =	sshll.u32 s11, $0x7;
	s25 =	sadd.s32 $0x400, s25;
	s1 =	simm.s32 @!p3 $0x200;
	v0 =	vld [tilespmem:s10+$0x7480];
	[tilespmem:s9+$0xE0] =	vst v4  }
0x892: {  	s11 =	sshll.u32 s17, $0x7;
	s10 =	sshll.u32 s16, $0x7;
	s1 =	sshll.u32 s1, $0x7;
	[tilespmem:s25+$0x180] =	vst v5;
	v4 =	vld [tilespmem:s3+$0x7480]  }
0x893: {  	s17 =	sshll.u32 s19, $0x7;
	s16 =	sshll.u32 s18, $0x7;
	s18 =	sshll.u32 s20, $0x7;
	v5 =	vld [tilespmem:s15+$0x7420];
	[tilespmem:s9+$0x160] =	vst v2  }
0x894: {  	p4 =	sgt.s32 s0, $0x3E8;
	p2 =	sgt.s32 s12, $0x3E8;
	p0 =	sgt.s32 s2, $0x3E8;
	[tilespmem:s9+$0xFFFFFE70] =	vst v3;
	v2 =	vld [tilespmem:s5+$0x7480]  }
0x895: {  	p3 =	sgt.s32 s8, $0x3E8;
	s26 =	simm.s32 @p4 $0x10080;
	p4 =	sgt.s32 s23, $0x3E8;
	[tilespmem:s9+$0xFFFFFEF0] =	vst v1;
	v1 =	vld [tilespmem:s28+$0x7480]  }
0x896: {  	s10 =	simm.s32 @p5 $0x10080;
	s3 =	smov.u32 s11;
	s1 =	simm.s32 @p0 $0x10080;
	[tilespmem:s9+$0xFFFFFF70] =	vst v0;
	v0 =	vld [tilespmem:s24+$0x7480]  }
0x897: {  	s3 =	simm.s32 @p6 $0x10080;
	s5 =	smov.u32 s16;
	s28 =	smov.u32 s17;
	v3 =	vld [tilespmem:s1+$0x7410];
	[tilespmem:s9+$0xFFFFFFF0] =	vst v4  }
0x898: {  	s5 =	simm.s32 @p3 $0x10080;
	s28 =	simm.s32 @p2 $0x10080;
	s24 =	smov.u32 s18;
	v4 =	vld [tilespmem:s26+$0x7410];
	[tilespmem:s25+$0x190] =	vst v5  }
0x899: {  	s24 =	simm.s32 @p4 $0x10080;
	v5 =	vld [tilespmem:s15+$0x7430];
	[tilespmem:s9+$0x70] =	vst v2  }
0x89a: {  	v2 =	vld [tilespmem:s10+$0x7410];
	[tilespmem:s9+$0xF0] =	vst v1  }
0x89b: {  	v1 =	vld [tilespmem:s3+$0x7410];
	[tilespmem:s9+$0x170] =	vst v0;
	s9 =	smov.u32 s25  }
0x89c: {  	[tilespmem:s25+$0xFFFFFE00] =	vst v3;
	v0 =	vld [tilespmem:s5+$0x7410]  }
0x89d: {  	[tilespmem:s25+$0xFFFFFE80] =	vst v4;
	v3 =	vld [tilespmem:s28+$0x7410]  }
0x89e: {  	v4 =	vld [tilespmem:s24+$0x7410];
	[tilespmem:s25+$0x1A0] =	vst v5  }
0x89f: {  	[tilespmem:s25+$0xFFFFFF00] =	vst v2;
	v2 =	vld [tilespmem:s15+$0x7440]  }
0x8a0: {  	v5 =	vld [tilespmem:s1+$0x7420];
	[tilespmem:s25+$0xFFFFFF80] =	vst v1  }
0x8a1: {  	v1 =	vld [tilespmem:s26+$0x7420];
	[tilespmem:s25+$0x0] =	vst v0  }
0x8a2: {  	v0 =	vld [tilespmem:s10+$0x7420];
	[tilespmem:s25+$0x80] =	vst v3  }
0x8a3: {  	v3 =	vld [tilespmem:s3+$0x7420];
	[tilespmem:s25+$0x100] =	vst v4  }
0x8a4: {  	v4 =	vld [tilespmem:s5+$0x7420];
	[tilespmem:s25+$0x1B0] =	vst v2  }
0x8a5: {  	[tilespmem:s25+$0xFFFFFE10] =	vst v5;
	v2 =	vld [tilespmem:s15+$0x7450]  }
0x8a6: {  	[tilespmem:s25+$0xFFFFFE90] =	vst v1;
	v1 =	vld [tilespmem:s28+$0x7420]  }
0x8a7: {  	[tilespmem:s25+$0xFFFFFF10] =	vst v0;
	v0 =	vld [tilespmem:s24+$0x7420]  }
0x8a8: {  	v5 =	vld [tilespmem:s1+$0x7430];
	[tilespmem:s25+$0xFFFFFF90] =	vst v3  }
0x8a9: {  	v3 =	vld [tilespmem:s26+$0x7430];
	[tilespmem:s25+$0x10] =	vst v4  }
0x8aa: {  	v4 =	vld [tilespmem:s10+$0x7430];
	[tilespmem:s25+$0x1C0] =	vst v2  }
0x8ab: {  	[tilespmem:s25+$0x90] =	vst v1;
	v1 =	vld [tilespmem:s15+$0x7460]  }
0x8ac: {  	v2 =	vld [tilespmem:s3+$0x7430];
	[tilespmem:s25+$0x110] =	vst v0  }
0x8ad: {  	[tilespmem:s25+$0xFFFFFE20] =	vst v5;
	v0 =	vld [tilespmem:s5+$0x7430]  }
0x8ae: {  	[tilespmem:s25+$0xFFFFFEA0] =	vst v3;
	v3 =	vld [tilespmem:s28+$0x7430]  }
0x8af: {  	[tilespmem:s25+$0xFFFFFF20] =	vst v4;
	v4 =	vld [tilespmem:s24+$0x7430]  }
0x8b0: {  	v5 =	vld [tilespmem:s1+$0x7440];
	[tilespmem:s25+$0x1D0] =	vst v1  }
0x8b1: {  	[tilespmem:s25+$0xFFFFFFA0] =	vst v2;
	v1 =	vld [tilespmem:s15+$0x7470]  }
0x8b2: {  	v2 =	vld [tilespmem:s26+$0x7440];
	[tilespmem:s25+$0x20] =	vst v0  }
0x8b3: {  	v0 =	vld [tilespmem:s10+$0x7440];
	[tilespmem:s25+$0xA0] =	vst v3  }
0x8b4: {  	v3 =	vld [tilespmem:s3+$0x7440];
	[tilespmem:s25+$0x120] =	vst v4  }
0x8b5: {  	[tilespmem:s25+$0xFFFFFE30] =	vst v5;
	v4 =	vld [tilespmem:s5+$0x7440]  }
0x8b6: {  	v5 =	vld [tilespmem:s28+$0x7440];
	[tilespmem:s25+$0x1E0] =	vst v1  }
0x8b7: {  	[tilespmem:s25+$0xFFFFFEB0] =	vst v2;
	v1 =	vld [tilespmem:s15+$0x7480]  }
0x8b8: {  	[tilespmem:s25+$0xFFFFFF30] =	vst v0;
	v0 =	vld [tilespmem:s24+$0x7440]  }
0x8b9: {  	v2 =	vld [tilespmem:s1+$0x7450];
	[tilespmem:s25+$0xFFFFFFB0] =	vst v3  }
0x8ba: {  	v3 =	vld [tilespmem:s26+$0x7450];
	[tilespmem:s25+$0x30] =	vst v4  }
0x8bb: {  	v4 =	vld [tilespmem:s10+$0x7450];
	[tilespmem:s25+$0xB0] =	vst v5  }
0x8bc: {  	v5 =	vld [tilespmem:s3+$0x7450];
	[tilespmem:s25+$0x1F0] =	vst v1  }
0x8bd: {  	v1 =	vld [tilespmem:s5+$0x7450];
	[tilespmem:s25+$0x130] =	vst v0  }
0x8be: {  	[tilespmem:s25+$0xFFFFFE40] =	vst v2;
	v0 =	vld [tilespmem:s28+$0x7450]  }
0x8bf: {  	[tilespmem:s25+$0xFFFFFEC0] =	vst v3;
	v6 =	vld [tilespmem:s24+$0x7450]  }
0x8c0: {  	v7 =	vld [tilespmem:s1+$0x7460];
	[tilespmem:s25+$0xFFFFFF40] =	vst v4  }
.Ltmp14:
0x8c1: {  	v4 =	vld [tilespmem:s26+$0x7460];
	[tilespmem:s25+$0xFFFFFFC0] =	vst v5;
	(pc) =	sbr.rel @p1 .LBB2_30-.Ltmp14, $4  }
0x8c2: {  	v3 =	vld [tilespmem:s10+$0x7460];
	[tilespmem:s25+$0x40] =	vst v1  }
0x8c3: {  	v2 =	vld [tilespmem:s3+$0x7460];
	[tilespmem:s25+$0xC0] =	vst v0  }
0x8c4: {  	v1 =	vld [tilespmem:s5+$0x7460];
	[tilespmem:s25+$0x140] =	vst v6  }
0x8c5: {  	s14 =	sadd.s32 $0x8, s14;
	[tilespmem:s25+$0xFFFFFE50] =	vst v7;
	v0 =	vld [tilespmem:s28+$0x7460]  }
0x8c6: {  	[tilespmem:s25+$0xFFFFFED0] =	vst v4;
	v4 =	vld [tilespmem:s24+$0x7460]  }
0x8c7: {  	v5 =	vld [tilespmem:s1+$0x7470];
	[tilespmem:s25+$0xFFFFFF50] =	vst v3  }
0x8c8: {  	v3 =	vld [tilespmem:s26+$0x7470];
	[tilespmem:s25+$0xFFFFFFD0] =	vst v2  }
0x8c9: {  	v2 =	vld [tilespmem:s10+$0x7470];
	[tilespmem:s25+$0x50] =	vst v1  }
0x8ca: {  	v1 =	vld [tilespmem:s3+$0x7470];
	[tilespmem:s25+$0xD0] =	vst v0  }
0x8cb: {  	v0 =	vld [tilespmem:s5+$0x7470];
	[tilespmem:s25+$0x150] =	vst v4  }
0x8cc: {  	[tilespmem:s25+$0xFFFFFE60] =	vst v5;
	v4 =	vld [tilespmem:s28+$0x7470]  }
0x8cd: {  	[tilespmem:s25+$0xFFFFFEE0] =	vst v3;
	v3 =	vld [tilespmem:s24+$0x7470]  }
0x8ce: {  	[tilespmem:s25+$0xFFFFFF60] =	vst v2;
	v2 =	vld [tilespmem:s1+$0x7480]  }
0x8cf: {  	[tilespmem:s25+$0xFFFFFFE0] =	vst v1;
	v1 =	vld [tilespmem:s26+$0x7480]  }
0x8d0: {  	[tilespmem:s25+$0x60] =	vst v0;
	v0 =	vld [tilespmem:s10+$0x7480]  }
0x8d1: {  	[tilespmem:s9+$0xE0] =	vst v4;
	v4 =	vld [tilespmem:s3+$0x7480]  }
0x8d2: {  	[tilespmem:s9+$0x160] =	vst v3;
	v3 =	vld [tilespmem:s5+$0x7480]  }
0x8d3: {  	[tilespmem:s9+$0xFFFFFE70] =	vst v2;
	v2 =	vld [tilespmem:s28+$0x7480]  }
0x8d4: {  	[tilespmem:s9+$0xFFFFFEF0] =	vst v1;
	v1 =	vld [tilespmem:s24+$0x7480]  }
0x8d5: {  	[tilespmem:s9+$0xFFFFFF70] =	vst v0  }
0x8d6: {  	[tilespmem:s9+$0xFFFFFFF0] =	vst v4  }
0x8d7: {  	[tilespmem:s9+$0x70] =	vst v3  }
0x8d8: {  	[tilespmem:s9+$0xF0] =	vst v2  }
0x8d9: {  	[tilespmem:s9+$0x170] =	vst v1  }
0x8da: {  	s0 =	rddreg [dreg:$0x14]  }
0x8db: {  	[hbm4b:s0+s4] =	stream.linear.scatter [tilespmem:s31], [sflag:$0x5], $0x4000, $0x38;
	[tilespmem:$0x1F810] =	vst v63  }
0x8dc: {  	_ =	swait.ge [sflag:s21], $0x4000  }
0x8dd: {  	[sflag:s21] =	ssyncset.done $0x0  }
0x8de: {  	[sflag:s21] =	ssyncadd.s32 $0xFFFFC000  }
0x8df: {  	s0 =	sld [smem:$0x287]  }
0x8e0: {  	s2 =	sld [smem:$0x281]  }
0x8e1: {  	s24 =	sld [smem:$0x282]  }
0x8e2: {  	s25 =	simm.s32 $0x17A10;
	s29 =	sld [smem:$0x283];
	p0 =	slt.s32 s0, $0x200  }
0x8e3: {  	p1 =	sgt.s32 s0, $0x3E8;
	s6 =	sld [smem:$0x284];
	s0 =	simm.s32 @!p0 $0x200  }
0x8e4: {  	p0 =	slt.s32 s2, $0x200;
	s7 =	sld [smem:$0x285];
	s9 =	sshll.u32 s0, $0x7  }
0x8e5: {  	s8 =	smov.u32 s2;
	s30 =	sld [smem:$0x286];
	s9 =	simm.s32 @p1 $0x10080  }
0x8e6: {  	s8 =	simm.s32 @!p0 $0x200;
	s10 =	smov.u32 s24;
	s1 =	sld [smem:$0x280];
	v0 =	vld [tilespmem:s9+$0x7410]  }
0x8e7: {  	p1 =	slt.s32 s24, $0x200;
	p2 =	slt.s32 s29, $0x200;
	s11 =	smov.u32 s29  }
0x8e8: {  	s26 =	sshll.u32 s8, $0x7;
	p3 =	slt.s32 s6, $0x200;
	s10 =	simm.s32 @!p1 $0x200  }
0x8e9: {  	s12 =	smov.u32 s6;
	s11 =	simm.s32 @!p2 $0x200;
	p1 =	slt.s32 s7, $0x200  }
0x8ea: {  	s12 =	simm.s32 @!p3 $0x200;
	s13 =	smov.u32 s7;
	p0 =	slt.s32 s1, $0x200  }
0x8eb: {  	p4 =	sgt.s32 s1, $0x3E8;
	s1 =	simm.s32 @!p0 $0x200;
	p0 =	sgt.s32 s2, $0x3E8;
	[tilespmem:s25+$0x180] =	vst v0  }
0x8ec: {  	s10 =	sshll.u32 s10, $0x7;
	s3 =	sshll.u32 s11, $0x7;
	s26 =	simm.s32 @p0 $0x10080;
	v0 =	vld [tilespmem:s9+$0x7420]  }
0x8ed: {  	p2 =	slt.s32 s30, $0x200;
	s13 =	simm.s32 @!p1 $0x200;
	p1 =	sgt.s32 s29, $0x3E8;
	v2 =	vld [tilespmem:s26+$0x7410]  }
0x8ee: {  	s5 =	sshll.u32 s12, $0x7;
	s3 =	simm.s32 @p1 $0x10080;
	s1 =	sshll.u32 s1, $0x7  }
0x8ef: {  	s28 =	sshll.u32 s13, $0x7;
	v4 =	vld [tilespmem:s3+$0x7410];
	p0 =	sgt.s32 s24, $0x3E8;
	s1 =	simm.s32 @p4 $0x10080  }
0x8f0: {  	p1 =	sgt.s32 s7, $0x3E8;
	s2 =	smov.u32 s30;
	s10 =	simm.s32 @p0 $0x10080;
	v1 =	vld [tilespmem:s1+$0x7410]  }
0x8f1: {  	s28 =	simm.s32 @p1 $0x10080;
	s2 =	simm.s32 @!p2 $0x200;
	p0 =	sgt.s32 s6, $0x3E8;
	v3 =	vld [tilespmem:s10+$0x7410];
	[tilespmem:s25+$0x190] =	vst v0  }
0x8f2: {  	s24 =	sshll.u32 s2, $0x7;
	s5 =	simm.s32 @p0 $0x10080;
	p0 =	sgt.s32 s30, $0x3E8;
	[tilespmem:s25+$0xFFFFFE80] =	vst v2;
	v2 =	vld [tilespmem:s28+$0x7410]  }
0x8f3: {  	s24 =	simm.s32 @p0 $0x10080;
	v0 =	vld [tilespmem:s9+$0x7430]  }
0x8f4: {  	v5 =	vld [tilespmem:s24+$0x7410];
	[tilespmem:s25+$0xFFFFFF80] =	vst v4  }
0x8f5: {  	[tilespmem:s25+$0xFFFFFE00] =	vst v1;
	v1 =	vld [tilespmem:s5+$0x7410]  }
0x8f6: {  	[tilespmem:s25+$0xFFFFFF00] =	vst v3;
	v4 =	vld [tilespmem:s26+$0x7420]  }
0x8f7: {  	v3 =	vld [tilespmem:s1+$0x7420];
	[tilespmem:s25+$0x80] =	vst v2  }
0x8f8: {  	v2 =	vld [tilespmem:s3+$0x7420];
	[tilespmem:s25+$0x1A0] =	vst v0  }
0x8f9: {  	[tilespmem:s25+$0x100] =	vst v5;
	v0 =	vld [tilespmem:s9+$0x7440]  }
0x8fa: {  	[tilespmem:s25+$0x0] =	vst v1  }
0x8fb: {  	v1 =	vld [tilespmem:s10+$0x7420];
	[tilespmem:s25+$0xFFFFFE90] =	vst v4  }
0x8fc: {  	v5 =	vld [tilespmem:s5+$0x7420];
	[tilespmem:s25+$0xFFFFFE10] =	vst v3  }
0x8fd: {  	v3 =	vld [tilespmem:s28+$0x7420];
	[tilespmem:s25+$0xFFFFFF90] =	vst v2  }
0x8fe: {  	v2 =	vld [tilespmem:s26+$0x7430];
	[tilespmem:s25+$0x1B0] =	vst v0  }
0x8ff: {  	v0 =	vld [tilespmem:s9+$0x7450]  }
0x900: {  	v4 =	vld [tilespmem:s1+$0x7430];
	[tilespmem:s25+$0xFFFFFF10] =	vst v1  }
0x901: {  	v1 =	vld [tilespmem:s24+$0x7420];
	[tilespmem:s25+$0x10] =	vst v5  }
0x902: {  	v5 =	vld [tilespmem:s10+$0x7430];
	[tilespmem:s25+$0x90] =	vst v3  }
0x903: {  	v3 =	vld [tilespmem:s3+$0x7430];
	[tilespmem:s25+$0xFFFFFEA0] =	vst v2  }
0x904: {  	v2 =	vld [tilespmem:s28+$0x7430];
	[tilespmem:s25+$0x1C0] =	vst v0  }
0x905: {  	[tilespmem:s25+$0xFFFFFE20] =	vst v4;
	v0 =	vld [tilespmem:s9+$0x7460]  }
0x906: {  	[tilespmem:s25+$0x110] =	vst v1;
	v1 =	vld [tilespmem:s5+$0x7430]  }
0x907: {  	[tilespmem:s25+$0xFFFFFF20] =	vst v5;
	v4 =	vld [tilespmem:s24+$0x7430]  }
0x908: {  	v5 =	vld [tilespmem:s1+$0x7440];
	[tilespmem:s25+$0xFFFFFFA0] =	vst v3  }
0x909: {  	v3 =	vld [tilespmem:s26+$0x7440];
	[tilespmem:s25+$0xA0] =	vst v2  }
0x90a: {  	v2 =	vld [tilespmem:s3+$0x7440];
	[tilespmem:s25+$0x1D0] =	vst v0  }
0x90b: {  	[tilespmem:s25+$0x20] =	vst v1;
	v0 =	vld [tilespmem:s9+$0x7470]  }
0x90c: {  	v1 =	vld [tilespmem:s10+$0x7440];
	[tilespmem:s25+$0x120] =	vst v4  }
0x90d: {  	[tilespmem:s25+$0xFFFFFE30] =	vst v5;
	v4 =	vld [tilespmem:s5+$0x7440]  }
0x90e: {  	v5 =	vld [tilespmem:s28+$0x7440];
	[tilespmem:s25+$0xFFFFFEB0] =	vst v3  }
0x90f: {  	v3 =	vld [tilespmem:s1+$0x7450];
	[tilespmem:s25+$0xFFFFFFB0] =	vst v2  }
0x910: {  	v2 =	vld [tilespmem:s26+$0x7450];
	[tilespmem:s25+$0x1E0] =	vst v0  }
0x911: {  	[tilespmem:s25+$0xFFFFFF30] =	vst v1;
	v0 =	vld [tilespmem:s9+$0x7480]  }
0x912: {  	v1 =	vld [tilespmem:s24+$0x7440];
	[tilespmem:s25+$0x30] =	vst v4  }
0x913: {  	v4 =	vld [tilespmem:s10+$0x7450];
	[tilespmem:s25+$0xB0] =	vst v5  }
0x914: {  	v5 =	vld [tilespmem:s3+$0x7450];
	[tilespmem:s25+$0xFFFFFE40] =	vst v3  }
0x915: {  	v7 =	vld [tilespmem:s1+$0x7460];
	[tilespmem:s25+$0xFFFFFEC0] =	vst v2  }
0x916: {  	[tilespmem:s25+$0x1F0] =	vst v0;
	v0 =	vld [tilespmem:s5+$0x7450]  }
0x917: {  	[tilespmem:s25+$0x130] =	vst v1;
	v1 =	vld [tilespmem:s28+$0x7450]  }
0x918: {  	v6 =	vld [tilespmem:s24+$0x7450];
	[tilespmem:s25+$0xFFFFFF40] =	vst v4  }
0x919: {  	v4 =	vld [tilespmem:s26+$0x7460];
	[tilespmem:s25+$0xFFFFFFC0] =	vst v5  }
0x91a: {  	v3 =	vld [tilespmem:s10+$0x7460];
	[tilespmem:s25+$0xFFFFFE50] =	vst v7  }
0x91b: {  	v2 =	vld [tilespmem:s3+$0x7460];
	[tilespmem:s25+$0x40] =	vst v0  }
0x91c: {  	[tilespmem:s25+$0xC0] =	vst v1;
	v1 =	vld [tilespmem:s5+$0x7460]  }
0x91d: {  	s14 =	simm.s32 $0x28F;
	s13 =	simm.s32 $0x0;
	s9 =	simm.s32 $0x17A10;
	[tilespmem:s25+$0x140] =	vst v6;
	v0 =	vld [tilespmem:s28+$0x7460]  }
.LBB2_32:
0x91e: {  	s2 =	sld [smem:s14+$0x0];
	s13 =	sadd.s32 $0x8, s13;
	[tilespmem:s25+$0xFFFFFED0] =	vst v4;
	v4 =	vld [tilespmem:s24+$0x7460]  }
0x91f: {  	s0 =	sld [smem:s14+$0xFFFFFFFA];
	p1 =	slt.u32 s13, $0x78;
	v5 =	vld [tilespmem:s1+$0x7470];
	[tilespmem:s25+$0xFFFFFF50] =	vst v3  }
0x920: {  	s6 =	sld [smem:s14+$0xFFFFFFFB];
	v3 =	vld [tilespmem:s26+$0x7470];
	[tilespmem:s25+$0xFFFFFFD0] =	vst v2  }
0x921: {  	s7 =	sld [smem:s14+$0xFFFFFFFC];
	p0 =	slt.s32 s2, $0x200;
	v2 =	vld [tilespmem:s10+$0x7470];
	[tilespmem:s25+$0x50] =	vst v1;
	s11 =	smov.u32 s2  }
0x922: {  	p2 =	slt.s32 s0, $0x200;
	s8 =	sld [smem:s14+$0xFFFFFFFD];
	s11 =	simm.s32 @!p0 $0x200;
	v1 =	vld [tilespmem:s3+$0x7470];
	[tilespmem:s25+$0xD0] =	vst v0  }
0x923: {  	p0 =	sgt.s32 s2, $0x3E8;
	s12 =	sld [smem:s14+$0xFFFFFFFE];
	s15 =	sshll.u32 s11, $0x7  }
0x924: {  	v0 =	vld [tilespmem:s5+$0x7470];
	[tilespmem:s25+$0x150] =	vst v4;
	p3 =	slt.s32 s6, $0x200;
	s11 =	smov.u32 s0;
	s16 =	smov.u32 s6  }
0x925: {  	p5 =	sgt.s32 s6, $0x3E8;
	s23 =	sld [smem:s14+$0xFFFFFFFF];
	s15 =	simm.s32 @p0 $0x10080  }
0x926: {  	[tilespmem:s25+$0xFFFFFE60] =	vst v5;
	v4 =	vld [tilespmem:s28+$0x7470];
	p0 =	slt.s32 s7, $0x200;
	s11 =	simm.s32 @!p2 $0x200;
	s16 =	simm.s32 @!p3 $0x200  }
0x927: {  	s17 =	smov.u32 s7;
	p6 =	sgt.s32 s7, $0x3E8;
	s2 =	sld [smem:s14+$0xFFFFFFF9]  }
0x928: {  	p4 =	slt.s32 s8, $0x200;
	v5 =	vld [tilespmem:s15+$0x7410];
	[tilespmem:s25+$0xFFFFFEE0] =	vst v3;
	s17 =	simm.s32 @!p0 $0x200;
	s18 =	smov.u32 s8  }
0x929: {  	p2 =	slt.s32 s12, $0x200;
	[tilespmem:s25+$0xFFFFFF60] =	vst v2;
	v2 =	vld [tilespmem:s24+$0x7470];
	s18 =	simm.s32 @!p4 $0x200;
	s19 =	smov.u32 s12  }
0x92a: {  	p0 =	slt.s32 s23, $0x200;
	v3 =	vld [tilespmem:s1+$0x7480];
	[tilespmem:s25+$0xFFFFFFE0] =	vst v1;
	s19 =	simm.s32 @!p2 $0x200;
	s20 =	smov.u32 s23  }
0x92b: {  	p3 =	slt.s32 s2, $0x200;
	s20 =	simm.s32 @!p0 $0x200;
	v1 =	vld [tilespmem:s26+$0x7480];
	[tilespmem:s25+$0x60] =	vst v0;
	s1 =	smov.u32 s2  }
0x92c: {  	s26 =	sshll.u32 s11, $0x7;
	s25 =	sadd.s32 $0x400, s25;
	s1 =	simm.s32 @!p3 $0x200;
	v0 =	vld [tilespmem:s10+$0x7480];
	[tilespmem:s9+$0xE0] =	vst v4  }
0x92d: {  	s11 =	sshll.u32 s17, $0x7;
	s10 =	sshll.u32 s16, $0x7;
	s1 =	sshll.u32 s1, $0x7;
	[tilespmem:s25+$0x180] =	vst v5;
	v4 =	vld [tilespmem:s3+$0x7480]  }
0x92e: {  	s17 =	sshll.u32 s19, $0x7;
	s16 =	sshll.u32 s18, $0x7;
	s18 =	sshll.u32 s20, $0x7;
	v5 =	vld [tilespmem:s15+$0x7420];
	[tilespmem:s9+$0x160] =	vst v2  }
0x92f: {  	p4 =	sgt.s32 s0, $0x3E8;
	p2 =	sgt.s32 s12, $0x3E8;
	p0 =	sgt.s32 s2, $0x3E8;
	[tilespmem:s9+$0xFFFFFE70] =	vst v3;
	v2 =	vld [tilespmem:s5+$0x7480]  }
0x930: {  	p3 =	sgt.s32 s8, $0x3E8;
	s26 =	simm.s32 @p4 $0x10080;
	p4 =	sgt.s32 s23, $0x3E8;
	[tilespmem:s9+$0xFFFFFEF0] =	vst v1;
	v1 =	vld [tilespmem:s28+$0x7480]  }
0x931: {  	s10 =	simm.s32 @p5 $0x10080;
	s3 =	smov.u32 s11;
	s1 =	simm.s32 @p0 $0x10080;
	[tilespmem:s9+$0xFFFFFF70] =	vst v0;
	v0 =	vld [tilespmem:s24+$0x7480]  }
0x932: {  	s3 =	simm.s32 @p6 $0x10080;
	s5 =	smov.u32 s16;
	s28 =	smov.u32 s17;
	v3 =	vld [tilespmem:s1+$0x7410];
	[tilespmem:s9+$0xFFFFFFF0] =	vst v4  }
0x933: {  	s5 =	simm.s32 @p3 $0x10080;
	s28 =	simm.s32 @p2 $0x10080;
	s24 =	smov.u32 s18;
	v4 =	vld [tilespmem:s26+$0x7410];
	[tilespmem:s25+$0x190] =	vst v5  }
0x934: {  	s24 =	simm.s32 @p4 $0x10080;
	v5 =	vld [tilespmem:s15+$0x7430];
	[tilespmem:s9+$0x70] =	vst v2  }
0x935: {  	v2 =	vld [tilespmem:s10+$0x7410];
	[tilespmem:s9+$0xF0] =	vst v1  }
0x936: {  	v1 =	vld [tilespmem:s3+$0x7410];
	[tilespmem:s9+$0x170] =	vst v0;
	s9 =	smov.u32 s25  }
0x937: {  	[tilespmem:s25+$0xFFFFFE00] =	vst v3;
	v0 =	vld [tilespmem:s5+$0x7410]  }
0x938: {  	[tilespmem:s25+$0xFFFFFE80] =	vst v4;
	v3 =	vld [tilespmem:s28+$0x7410]  }
0x939: {  	v4 =	vld [tilespmem:s24+$0x7410];
	[tilespmem:s25+$0x1A0] =	vst v5  }
0x93a: {  	[tilespmem:s25+$0xFFFFFF00] =	vst v2;
	v2 =	vld [tilespmem:s15+$0x7440]  }
0x93b: {  	v5 =	vld [tilespmem:s1+$0x7420];
	[tilespmem:s25+$0xFFFFFF80] =	vst v1  }
0x93c: {  	v1 =	vld [tilespmem:s26+$0x7420];
	[tilespmem:s25+$0x0] =	vst v0  }
0x93d: {  	v0 =	vld [tilespmem:s10+$0x7420];
	[tilespmem:s25+$0x80] =	vst v3  }
0x93e: {  	v3 =	vld [tilespmem:s3+$0x7420];
	[tilespmem:s25+$0x100] =	vst v4  }
0x93f: {  	v4 =	vld [tilespmem:s5+$0x7420];
	[tilespmem:s25+$0x1B0] =	vst v2  }
0x940: {  	[tilespmem:s25+$0xFFFFFE10] =	vst v5;
	v2 =	vld [tilespmem:s15+$0x7450]  }
0x941: {  	[tilespmem:s25+$0xFFFFFE90] =	vst v1;
	v1 =	vld [tilespmem:s28+$0x7420]  }
0x942: {  	[tilespmem:s25+$0xFFFFFF10] =	vst v0;
	v0 =	vld [tilespmem:s24+$0x7420]  }
0x943: {  	v5 =	vld [tilespmem:s1+$0x7430];
	[tilespmem:s25+$0xFFFFFF90] =	vst v3  }
0x944: {  	v3 =	vld [tilespmem:s26+$0x7430];
	[tilespmem:s25+$0x10] =	vst v4  }
0x945: {  	v4 =	vld [tilespmem:s10+$0x7430];
	[tilespmem:s25+$0x1C0] =	vst v2  }
0x946: {  	[tilespmem:s25+$0x90] =	vst v1;
	v1 =	vld [tilespmem:s15+$0x7460]  }
0x947: {  	v2 =	vld [tilespmem:s3+$0x7430];
	[tilespmem:s25+$0x110] =	vst v0  }
0x948: {  	[tilespmem:s25+$0xFFFFFE20] =	vst v5;
	v0 =	vld [tilespmem:s5+$0x7430]  }
0x949: {  	[tilespmem:s25+$0xFFFFFEA0] =	vst v3;
	v3 =	vld [tilespmem:s28+$0x7430]  }
0x94a: {  	[tilespmem:s25+$0xFFFFFF20] =	vst v4;
	v4 =	vld [tilespmem:s24+$0x7430]  }
0x94b: {  	v5 =	vld [tilespmem:s1+$0x7440];
	[tilespmem:s25+$0x1D0] =	vst v1  }
0x94c: {  	[tilespmem:s25+$0xFFFFFFA0] =	vst v2;
	v1 =	vld [tilespmem:s15+$0x7470]  }
0x94d: {  	v2 =	vld [tilespmem:s26+$0x7440];
	[tilespmem:s25+$0x20] =	vst v0  }
0x94e: {  	v0 =	vld [tilespmem:s10+$0x7440];
	[tilespmem:s25+$0xA0] =	vst v3  }
0x94f: {  	v3 =	vld [tilespmem:s3+$0x7440];
	[tilespmem:s25+$0x120] =	vst v4  }
0x950: {  	[tilespmem:s25+$0xFFFFFE30] =	vst v5;
	v4 =	vld [tilespmem:s5+$0x7440]  }
0x951: {  	v5 =	vld [tilespmem:s28+$0x7440];
	[tilespmem:s25+$0x1E0] =	vst v1  }
0x952: {  	[tilespmem:s25+$0xFFFFFEB0] =	vst v2;
	v1 =	vld [tilespmem:s15+$0x7480]  }
0x953: {  	[tilespmem:s25+$0xFFFFFF30] =	vst v0;
	v0 =	vld [tilespmem:s24+$0x7440]  }
0x954: {  	v2 =	vld [tilespmem:s1+$0x7450];
	[tilespmem:s25+$0xFFFFFFB0] =	vst v3  }
0x955: {  	v3 =	vld [tilespmem:s26+$0x7450];
	[tilespmem:s25+$0x30] =	vst v4  }
0x956: {  	v4 =	vld [tilespmem:s10+$0x7450];
	[tilespmem:s25+$0xB0] =	vst v5  }
0x957: {  	v5 =	vld [tilespmem:s3+$0x7450];
	[tilespmem:s25+$0x1F0] =	vst v1  }
0x958: {  	v1 =	vld [tilespmem:s5+$0x7450];
	[tilespmem:s25+$0x130] =	vst v0  }
0x959: {  	[tilespmem:s25+$0xFFFFFE40] =	vst v2;
	v0 =	vld [tilespmem:s28+$0x7450]  }
0x95a: {  	[tilespmem:s25+$0xFFFFFEC0] =	vst v3;
	v6 =	vld [tilespmem:s24+$0x7450]  }
0x95b: {  	v7 =	vld [tilespmem:s1+$0x7460];
	[tilespmem:s25+$0xFFFFFF40] =	vst v4  }
.Ltmp15:
0x95c: {  	v4 =	vld [tilespmem:s26+$0x7460];
	[tilespmem:s25+$0xFFFFFFC0] =	vst v5;
	(pc) =	sbr.rel @p1 .LBB2_32-.Ltmp15, $4  }
0x95d: {  	v3 =	vld [tilespmem:s10+$0x7460];
	[tilespmem:s25+$0x40] =	vst v1  }
0x95e: {  	v2 =	vld [tilespmem:s3+$0x7460];
	[tilespmem:s25+$0xC0] =	vst v0  }
0x95f: {  	v1 =	vld [tilespmem:s5+$0x7460];
	[tilespmem:s25+$0x140] =	vst v6  }
0x960: {  	s14 =	sadd.s32 $0x8, s14;
	[tilespmem:s25+$0xFFFFFE50] =	vst v7;
	v0 =	vld [tilespmem:s28+$0x7460]  }
0x961: {  	[tilespmem:s25+$0xFFFFFED0] =	vst v4;
	v4 =	vld [tilespmem:s24+$0x7460]  }
0x962: {  	v5 =	vld [tilespmem:s1+$0x7470];
	[tilespmem:s25+$0xFFFFFF50] =	vst v3  }
0x963: {  	v3 =	vld [tilespmem:s26+$0x7470];
	[tilespmem:s25+$0xFFFFFFD0] =	vst v2  }
0x964: {  	v2 =	vld [tilespmem:s10+$0x7470];
	[tilespmem:s25+$0x50] =	vst v1  }
0x965: {  	v1 =	vld [tilespmem:s3+$0x7470];
	[tilespmem:s25+$0xD0] =	vst v0  }
0x966: {  	v0 =	vld [tilespmem:s5+$0x7470];
	[tilespmem:s25+$0x150] =	vst v4  }
0x967: {  	[tilespmem:s25+$0xFFFFFE60] =	vst v5;
	v4 =	vld [tilespmem:s28+$0x7470]  }
0x968: {  	[tilespmem:s25+$0xFFFFFEE0] =	vst v3;
	v3 =	vld [tilespmem:s24+$0x7470]  }
0x969: {  	[tilespmem:s25+$0xFFFFFF60] =	vst v2;
	v2 =	vld [tilespmem:s1+$0x7480]  }
0x96a: {  	[tilespmem:s25+$0xFFFFFFE0] =	vst v1;
	v1 =	vld [tilespmem:s26+$0x7480]  }
0x96b: {  	[tilespmem:s25+$0x60] =	vst v0;
	v0 =	vld [tilespmem:s10+$0x7480]  }
0x96c: {  	[tilespmem:s9+$0xE0] =	vst v4;
	v4 =	vld [tilespmem:s3+$0x7480]  }
0x96d: {  	[tilespmem:s9+$0x160] =	vst v3;
	v3 =	vld [tilespmem:s5+$0x7480]  }
0x96e: {  	[tilespmem:s9+$0xFFFFFE70] =	vst v2;
	v2 =	vld [tilespmem:s28+$0x7480]  }
0x96f: {  	[tilespmem:s9+$0xFFFFFEF0] =	vst v1;
	v1 =	vld [tilespmem:s24+$0x7480]  }
0x970: {  	[tilespmem:s9+$0xFFFFFF70] =	vst v0  }
0x971: {  	[tilespmem:s9+$0xFFFFFFF0] =	vst v4  }
0x972: {  	[tilespmem:s9+$0x70] =	vst v3  }
0x973: {  	[tilespmem:s9+$0xF0] =	vst v2  }
0x974: {  	[tilespmem:s9+$0x170] =	vst v1  }
0x975: {  	s23 =	simm.s32 $0x17810;
	s0 =	rddreg [dreg:$0x15]  }
0x976: {  	[hbm4b:s0+s4] =	stream.linear.scatter [tilespmem:s23], [sflag:$0x4], $0x4000, $0x38;
	[tilespmem:$0x1F810] =	vst v63  }
0x977: {  	_ =	swait.ge [sflag:s22], $0x4000  }
0x978: {  	[sflag:s22] =	ssyncset.done $0x0  }
0x979: {  	[sflag:s22] =	ssyncadd.s32 $0xFFFFC000  }
0x97a: {  	s0 =	sld [smem:$0x387]  }
0x97b: {  	s2 =	sld [smem:$0x381]  }
0x97c: {  	s24 =	sld [smem:$0x382]  }
0x97d: {  	s25 =	simm.s32 $0x1BA10;
	s29 =	sld [smem:$0x383];
	p0 =	slt.s32 s0, $0x200  }
0x97e: {  	p1 =	sgt.s32 s0, $0x3E8;
	s6 =	sld [smem:$0x384];
	s0 =	simm.s32 @!p0 $0x200  }
0x97f: {  	p0 =	slt.s32 s2, $0x200;
	s7 =	sld [smem:$0x385];
	s9 =	sshll.u32 s0, $0x7  }
0x980: {  	s8 =	smov.u32 s2;
	s30 =	sld [smem:$0x386];
	s9 =	simm.s32 @p1 $0x10080  }
0x981: {  	s8 =	simm.s32 @!p0 $0x200;
	s10 =	smov.u32 s24;
	s1 =	sld [smem:$0x380];
	v0 =	vld [tilespmem:s9+$0x7410]  }
0x982: {  	p1 =	slt.s32 s24, $0x200;
	p2 =	slt.s32 s29, $0x200;
	s11 =	smov.u32 s29  }
0x983: {  	s26 =	sshll.u32 s8, $0x7;
	p3 =	slt.s32 s6, $0x200;
	s10 =	simm.s32 @!p1 $0x200  }
0x984: {  	s12 =	smov.u32 s6;
	s11 =	simm.s32 @!p2 $0x200;
	p1 =	slt.s32 s7, $0x200  }
0x985: {  	s12 =	simm.s32 @!p3 $0x200;
	s13 =	smov.u32 s7;
	p0 =	slt.s32 s1, $0x200  }
0x986: {  	p4 =	sgt.s32 s1, $0x3E8;
	s1 =	simm.s32 @!p0 $0x200;
	p0 =	sgt.s32 s2, $0x3E8;
	[tilespmem:s25+$0x180] =	vst v0  }
0x987: {  	s10 =	sshll.u32 s10, $0x7;
	s3 =	sshll.u32 s11, $0x7;
	s26 =	simm.s32 @p0 $0x10080;
	v0 =	vld [tilespmem:s9+$0x7420]  }
0x988: {  	p2 =	slt.s32 s30, $0x200;
	s13 =	simm.s32 @!p1 $0x200;
	p1 =	sgt.s32 s29, $0x3E8;
	v2 =	vld [tilespmem:s26+$0x7410]  }
0x989: {  	s5 =	sshll.u32 s12, $0x7;
	s3 =	simm.s32 @p1 $0x10080;
	s1 =	sshll.u32 s1, $0x7  }
0x98a: {  	s28 =	sshll.u32 s13, $0x7;
	v4 =	vld [tilespmem:s3+$0x7410];
	p0 =	sgt.s32 s24, $0x3E8;
	s1 =	simm.s32 @p4 $0x10080  }
0x98b: {  	p1 =	sgt.s32 s7, $0x3E8;
	s2 =	smov.u32 s30;
	s10 =	simm.s32 @p0 $0x10080;
	v1 =	vld [tilespmem:s1+$0x7410]  }
0x98c: {  	s28 =	simm.s32 @p1 $0x10080;
	s2 =	simm.s32 @!p2 $0x200;
	p0 =	sgt.s32 s6, $0x3E8;
	v3 =	vld [tilespmem:s10+$0x7410];
	[tilespmem:s25+$0x190] =	vst v0  }
0x98d: {  	s24 =	sshll.u32 s2, $0x7;
	s5 =	simm.s32 @p0 $0x10080;
	p0 =	sgt.s32 s30, $0x3E8;
	[tilespmem:s25+$0xFFFFFE80] =	vst v2;
	v2 =	vld [tilespmem:s28+$0x7410]  }
0x98e: {  	s24 =	simm.s32 @p0 $0x10080;
	v0 =	vld [tilespmem:s9+$0x7430]  }
0x98f: {  	v5 =	vld [tilespmem:s24+$0x7410];
	[tilespmem:s25+$0xFFFFFF80] =	vst v4  }
0x990: {  	[tilespmem:s25+$0xFFFFFE00] =	vst v1;
	v1 =	vld [tilespmem:s5+$0x7410]  }
0x991: {  	[tilespmem:s25+$0xFFFFFF00] =	vst v3;
	v4 =	vld [tilespmem:s26+$0x7420]  }
0x992: {  	v3 =	vld [tilespmem:s1+$0x7420];
	[tilespmem:s25+$0x80] =	vst v2  }
0x993: {  	v2 =	vld [tilespmem:s3+$0x7420];
	[tilespmem:s25+$0x1A0] =	vst v0  }
0x994: {  	[tilespmem:s25+$0x100] =	vst v5;
	v0 =	vld [tilespmem:s9+$0x7440]  }
0x995: {  	[tilespmem:s25+$0x0] =	vst v1  }
0x996: {  	v1 =	vld [tilespmem:s10+$0x7420];
	[tilespmem:s25+$0xFFFFFE90] =	vst v4  }
0x997: {  	v5 =	vld [tilespmem:s5+$0x7420];
	[tilespmem:s25+$0xFFFFFE10] =	vst v3  }
0x998: {  	v3 =	vld [tilespmem:s28+$0x7420];
	[tilespmem:s25+$0xFFFFFF90] =	vst v2  }
0x999: {  	v2 =	vld [tilespmem:s26+$0x7430];
	[tilespmem:s25+$0x1B0] =	vst v0  }
0x99a: {  	v0 =	vld [tilespmem:s9+$0x7450]  }
0x99b: {  	v4 =	vld [tilespmem:s1+$0x7430];
	[tilespmem:s25+$0xFFFFFF10] =	vst v1  }
0x99c: {  	v1 =	vld [tilespmem:s24+$0x7420];
	[tilespmem:s25+$0x10] =	vst v5  }
0x99d: {  	v5 =	vld [tilespmem:s10+$0x7430];
	[tilespmem:s25+$0x90] =	vst v3  }
0x99e: {  	v3 =	vld [tilespmem:s3+$0x7430];
	[tilespmem:s25+$0xFFFFFEA0] =	vst v2  }
0x99f: {  	v2 =	vld [tilespmem:s28+$0x7430];
	[tilespmem:s25+$0x1C0] =	vst v0  }
0x9a0: {  	[tilespmem:s25+$0xFFFFFE20] =	vst v4;
	v0 =	vld [tilespmem:s9+$0x7460]  }
0x9a1: {  	[tilespmem:s25+$0x110] =	vst v1;
	v1 =	vld [tilespmem:s5+$0x7430]  }
0x9a2: {  	[tilespmem:s25+$0xFFFFFF20] =	vst v5;
	v4 =	vld [tilespmem:s24+$0x7430]  }
0x9a3: {  	v5 =	vld [tilespmem:s1+$0x7440];
	[tilespmem:s25+$0xFFFFFFA0] =	vst v3  }
0x9a4: {  	v3 =	vld [tilespmem:s26+$0x7440];
	[tilespmem:s25+$0xA0] =	vst v2  }
0x9a5: {  	v2 =	vld [tilespmem:s3+$0x7440];
	[tilespmem:s25+$0x1D0] =	vst v0  }
0x9a6: {  	[tilespmem:s25+$0x20] =	vst v1;
	v0 =	vld [tilespmem:s9+$0x7470]  }
0x9a7: {  	v1 =	vld [tilespmem:s10+$0x7440];
	[tilespmem:s25+$0x120] =	vst v4  }
0x9a8: {  	[tilespmem:s25+$0xFFFFFE30] =	vst v5;
	v4 =	vld [tilespmem:s5+$0x7440]  }
0x9a9: {  	v5 =	vld [tilespmem:s28+$0x7440];
	[tilespmem:s25+$0xFFFFFEB0] =	vst v3  }
0x9aa: {  	v3 =	vld [tilespmem:s1+$0x7450];
	[tilespmem:s25+$0xFFFFFFB0] =	vst v2  }
0x9ab: {  	v2 =	vld [tilespmem:s26+$0x7450];
	[tilespmem:s25+$0x1E0] =	vst v0  }
0x9ac: {  	[tilespmem:s25+$0xFFFFFF30] =	vst v1;
	v0 =	vld [tilespmem:s9+$0x7480]  }
0x9ad: {  	v1 =	vld [tilespmem:s24+$0x7440];
	[tilespmem:s25+$0x30] =	vst v4  }
0x9ae: {  	v4 =	vld [tilespmem:s10+$0x7450];
	[tilespmem:s25+$0xB0] =	vst v5  }
0x9af: {  	v5 =	vld [tilespmem:s3+$0x7450];
	[tilespmem:s25+$0xFFFFFE40] =	vst v3  }
0x9b0: {  	v7 =	vld [tilespmem:s1+$0x7460];
	[tilespmem:s25+$0xFFFFFEC0] =	vst v2  }
0x9b1: {  	[tilespmem:s25+$0x1F0] =	vst v0;
	v0 =	vld [tilespmem:s5+$0x7450]  }
0x9b2: {  	[tilespmem:s25+$0x130] =	vst v1;
	v1 =	vld [tilespmem:s28+$0x7450]  }
0x9b3: {  	v6 =	vld [tilespmem:s24+$0x7450];
	[tilespmem:s25+$0xFFFFFF40] =	vst v4  }
0x9b4: {  	v4 =	vld [tilespmem:s26+$0x7460];
	[tilespmem:s25+$0xFFFFFFC0] =	vst v5  }
0x9b5: {  	v3 =	vld [tilespmem:s10+$0x7460];
	[tilespmem:s25+$0xFFFFFE50] =	vst v7  }
0x9b6: {  	v2 =	vld [tilespmem:s3+$0x7460];
	[tilespmem:s25+$0x40] =	vst v0  }
0x9b7: {  	[tilespmem:s25+$0xC0] =	vst v1;
	v1 =	vld [tilespmem:s5+$0x7460]  }
0x9b8: {  	s14 =	simm.s32 $0x38F;
	s13 =	simm.s32 $0x0;
	s9 =	simm.s32 $0x1BA10;
	[tilespmem:s25+$0x140] =	vst v6;
	v0 =	vld [tilespmem:s28+$0x7460]  }
.LBB2_34:
0x9b9: {  	s2 =	sld [smem:s14+$0x0];
	s13 =	sadd.s32 $0x8, s13;
	[tilespmem:s25+$0xFFFFFED0] =	vst v4;
	v4 =	vld [tilespmem:s24+$0x7460]  }
0x9ba: {  	s0 =	sld [smem:s14+$0xFFFFFFFA];
	p1 =	slt.u32 s13, $0x78;
	v5 =	vld [tilespmem:s1+$0x7470];
	[tilespmem:s25+$0xFFFFFF50] =	vst v3  }
0x9bb: {  	s6 =	sld [smem:s14+$0xFFFFFFFB];
	v3 =	vld [tilespmem:s26+$0x7470];
	[tilespmem:s25+$0xFFFFFFD0] =	vst v2  }
0x9bc: {  	s7 =	sld [smem:s14+$0xFFFFFFFC];
	p0 =	slt.s32 s2, $0x200;
	v2 =	vld [tilespmem:s10+$0x7470];
	[tilespmem:s25+$0x50] =	vst v1;
	s11 =	smov.u32 s2  }
0x9bd: {  	p2 =	slt.s32 s0, $0x200;
	s8 =	sld [smem:s14+$0xFFFFFFFD];
	s11 =	simm.s32 @!p0 $0x200;
	v1 =	vld [tilespmem:s3+$0x7470];
	[tilespmem:s25+$0xD0] =	vst v0  }
0x9be: {  	p0 =	sgt.s32 s2, $0x3E8;
	s12 =	sld [smem:s14+$0xFFFFFFFE];
	s15 =	sshll.u32 s11, $0x7  }
0x9bf: {  	v0 =	vld [tilespmem:s5+$0x7470];
	[tilespmem:s25+$0x150] =	vst v4;
	p3 =	slt.s32 s6, $0x200;
	s11 =	smov.u32 s0;
	s16 =	smov.u32 s6  }
0x9c0: {  	p5 =	sgt.s32 s6, $0x3E8;
	s23 =	sld [smem:s14+$0xFFFFFFFF];
	s15 =	simm.s32 @p0 $0x10080  }
0x9c1: {  	[tilespmem:s25+$0xFFFFFE60] =	vst v5;
	v4 =	vld [tilespmem:s28+$0x7470];
	p0 =	slt.s32 s7, $0x200;
	s11 =	simm.s32 @!p2 $0x200;
	s16 =	simm.s32 @!p3 $0x200  }
0x9c2: {  	s17 =	smov.u32 s7;
	p6 =	sgt.s32 s7, $0x3E8;
	s2 =	sld [smem:s14+$0xFFFFFFF9]  }
0x9c3: {  	p4 =	slt.s32 s8, $0x200;
	v5 =	vld [tilespmem:s15+$0x7410];
	[tilespmem:s25+$0xFFFFFEE0] =	vst v3;
	s17 =	simm.s32 @!p0 $0x200;
	s18 =	smov.u32 s8  }
0x9c4: {  	p2 =	slt.s32 s12, $0x200;
	[tilespmem:s25+$0xFFFFFF60] =	vst v2;
	v2 =	vld [tilespmem:s24+$0x7470];
	s18 =	simm.s32 @!p4 $0x200;
	s19 =	smov.u32 s12  }
0x9c5: {  	p0 =	slt.s32 s23, $0x200;
	v3 =	vld [tilespmem:s1+$0x7480];
	[tilespmem:s25+$0xFFFFFFE0] =	vst v1;
	s19 =	simm.s32 @!p2 $0x200;
	s20 =	smov.u32 s23  }
0x9c6: {  	p3 =	slt.s32 s2, $0x200;
	s20 =	simm.s32 @!p0 $0x200;
	v1 =	vld [tilespmem:s26+$0x7480];
	[tilespmem:s25+$0x60] =	vst v0;
	s1 =	smov.u32 s2  }
0x9c7: {  	s26 =	sshll.u32 s11, $0x7;
	s25 =	sadd.s32 $0x400, s25;
	s1 =	simm.s32 @!p3 $0x200;
	v0 =	vld [tilespmem:s10+$0x7480];
	[tilespmem:s9+$0xE0] =	vst v4  }
0x9c8: {  	s11 =	sshll.u32 s17, $0x7;
	s10 =	sshll.u32 s16, $0x7;
	s1 =	sshll.u32 s1, $0x7;
	[tilespmem:s25+$0x180] =	vst v5;
	v4 =	vld [tilespmem:s3+$0x7480]  }
0x9c9: {  	s17 =	sshll.u32 s19, $0x7;
	s16 =	sshll.u32 s18, $0x7;
	s18 =	sshll.u32 s20, $0x7;
	v5 =	vld [tilespmem:s15+$0x7420];
	[tilespmem:s9+$0x160] =	vst v2  }
0x9ca: {  	p4 =	sgt.s32 s0, $0x3E8;
	p2 =	sgt.s32 s12, $0x3E8;
	p0 =	sgt.s32 s2, $0x3E8;
	[tilespmem:s9+$0xFFFFFE70] =	vst v3;
	v2 =	vld [tilespmem:s5+$0x7480]  }
0x9cb: {  	p3 =	sgt.s32 s8, $0x3E8;
	s26 =	simm.s32 @p4 $0x10080;
	p4 =	sgt.s32 s23, $0x3E8;
	[tilespmem:s9+$0xFFFFFEF0] =	vst v1;
	v1 =	vld [tilespmem:s28+$0x7480]  }
0x9cc: {  	s10 =	simm.s32 @p5 $0x10080;
	s3 =	smov.u32 s11;
	s1 =	simm.s32 @p0 $0x10080;
	[tilespmem:s9+$0xFFFFFF70] =	vst v0;
	v0 =	vld [tilespmem:s24+$0x7480]  }
0x9cd: {  	s3 =	simm.s32 @p6 $0x10080;
	s5 =	smov.u32 s16;
	s28 =	smov.u32 s17;
	v3 =	vld [tilespmem:s1+$0x7410];
	[tilespmem:s9+$0xFFFFFFF0] =	vst v4  }
0x9ce: {  	s5 =	simm.s32 @p3 $0x10080;
	s28 =	simm.s32 @p2 $0x10080;
	s24 =	smov.u32 s18;
	v4 =	vld [tilespmem:s26+$0x7410];
	[tilespmem:s25+$0x190] =	vst v5  }
0x9cf: {  	s24 =	simm.s32 @p4 $0x10080;
	v5 =	vld [tilespmem:s15+$0x7430];
	[tilespmem:s9+$0x70] =	vst v2  }
0x9d0: {  	v2 =	vld [tilespmem:s10+$0x7410];
	[tilespmem:s9+$0xF0] =	vst v1  }
0x9d1: {  	v1 =	vld [tilespmem:s3+$0x7410];
	[tilespmem:s9+$0x170] =	vst v0;
	s9 =	smov.u32 s25  }
0x9d2: {  	[tilespmem:s25+$0xFFFFFE00] =	vst v3;
	v0 =	vld [tilespmem:s5+$0x7410]  }
0x9d3: {  	[tilespmem:s25+$0xFFFFFE80] =	vst v4;
	v3 =	vld [tilespmem:s28+$0x7410]  }
0x9d4: {  	v4 =	vld [tilespmem:s24+$0x7410];
	[tilespmem:s25+$0x1A0] =	vst v5  }
0x9d5: {  	[tilespmem:s25+$0xFFFFFF00] =	vst v2;
	v2 =	vld [tilespmem:s15+$0x7440]  }
0x9d6: {  	v5 =	vld [tilespmem:s1+$0x7420];
	[tilespmem:s25+$0xFFFFFF80] =	vst v1  }
0x9d7: {  	v1 =	vld [tilespmem:s26+$0x7420];
	[tilespmem:s25+$0x0] =	vst v0  }
0x9d8: {  	v0 =	vld [tilespmem:s10+$0x7420];
	[tilespmem:s25+$0x80] =	vst v3  }
0x9d9: {  	v3 =	vld [tilespmem:s3+$0x7420];
	[tilespmem:s25+$0x100] =	vst v4  }
0x9da: {  	v4 =	vld [tilespmem:s5+$0x7420];
	[tilespmem:s25+$0x1B0] =	vst v2  }
0x9db: {  	[tilespmem:s25+$0xFFFFFE10] =	vst v5;
	v2 =	vld [tilespmem:s15+$0x7450]  }
0x9dc: {  	[tilespmem:s25+$0xFFFFFE90] =	vst v1;
	v1 =	vld [tilespmem:s28+$0x7420]  }
0x9dd: {  	[tilespmem:s25+$0xFFFFFF10] =	vst v0;
	v0 =	vld [tilespmem:s24+$0x7420]  }
0x9de: {  	v5 =	vld [tilespmem:s1+$0x7430];
	[tilespmem:s25+$0xFFFFFF90] =	vst v3  }
0x9df: {  	v3 =	vld [tilespmem:s26+$0x7430];
	[tilespmem:s25+$0x10] =	vst v4  }
0x9e0: {  	v4 =	vld [tilespmem:s10+$0x7430];
	[tilespmem:s25+$0x1C0] =	vst v2  }
0x9e1: {  	[tilespmem:s25+$0x90] =	vst v1;
	v1 =	vld [tilespmem:s15+$0x7460]  }
0x9e2: {  	v2 =	vld [tilespmem:s3+$0x7430];
	[tilespmem:s25+$0x110] =	vst v0  }
0x9e3: {  	[tilespmem:s25+$0xFFFFFE20] =	vst v5;
	v0 =	vld [tilespmem:s5+$0x7430]  }
0x9e4: {  	[tilespmem:s25+$0xFFFFFEA0] =	vst v3;
	v3 =	vld [tilespmem:s28+$0x7430]  }
0x9e5: {  	[tilespmem:s25+$0xFFFFFF20] =	vst v4;
	v4 =	vld [tilespmem:s24+$0x7430]  }
0x9e6: {  	v5 =	vld [tilespmem:s1+$0x7440];
	[tilespmem:s25+$0x1D0] =	vst v1  }
0x9e7: {  	[tilespmem:s25+$0xFFFFFFA0] =	vst v2;
	v1 =	vld [tilespmem:s15+$0x7470]  }
0x9e8: {  	v2 =	vld [tilespmem:s26+$0x7440];
	[tilespmem:s25+$0x20] =	vst v0  }
0x9e9: {  	v0 =	vld [tilespmem:s10+$0x7440];
	[tilespmem:s25+$0xA0] =	vst v3  }
0x9ea: {  	v3 =	vld [tilespmem:s3+$0x7440];
	[tilespmem:s25+$0x120] =	vst v4  }
0x9eb: {  	[tilespmem:s25+$0xFFFFFE30] =	vst v5;
	v4 =	vld [tilespmem:s5+$0x7440]  }
0x9ec: {  	v5 =	vld [tilespmem:s28+$0x7440];
	[tilespmem:s25+$0x1E0] =	vst v1  }
0x9ed: {  	[tilespmem:s25+$0xFFFFFEB0] =	vst v2;
	v1 =	vld [tilespmem:s15+$0x7480]  }
0x9ee: {  	[tilespmem:s25+$0xFFFFFF30] =	vst v0;
	v0 =	vld [tilespmem:s24+$0x7440]  }
0x9ef: {  	v2 =	vld [tilespmem:s1+$0x7450];
	[tilespmem:s25+$0xFFFFFFB0] =	vst v3  }
0x9f0: {  	v3 =	vld [tilespmem:s26+$0x7450];
	[tilespmem:s25+$0x30] =	vst v4  }
0x9f1: {  	v4 =	vld [tilespmem:s10+$0x7450];
	[tilespmem:s25+$0xB0] =	vst v5  }
0x9f2: {  	v5 =	vld [tilespmem:s3+$0x7450];
	[tilespmem:s25+$0x1F0] =	vst v1  }
0x9f3: {  	v1 =	vld [tilespmem:s5+$0x7450];
	[tilespmem:s25+$0x130] =	vst v0  }
0x9f4: {  	[tilespmem:s25+$0xFFFFFE40] =	vst v2;
	v0 =	vld [tilespmem:s28+$0x7450]  }
0x9f5: {  	[tilespmem:s25+$0xFFFFFEC0] =	vst v3;
	v6 =	vld [tilespmem:s24+$0x7450]  }
0x9f6: {  	v7 =	vld [tilespmem:s1+$0x7460];
	[tilespmem:s25+$0xFFFFFF40] =	vst v4  }
.Ltmp16:
0x9f7: {  	v4 =	vld [tilespmem:s26+$0x7460];
	[tilespmem:s25+$0xFFFFFFC0] =	vst v5;
	(pc) =	sbr.rel @p1 .LBB2_34-.Ltmp16, $4  }
0x9f8: {  	v3 =	vld [tilespmem:s10+$0x7460];
	[tilespmem:s25+$0x40] =	vst v1  }
0x9f9: {  	v2 =	vld [tilespmem:s3+$0x7460];
	[tilespmem:s25+$0xC0] =	vst v0  }
0x9fa: {  	v1 =	vld [tilespmem:s5+$0x7460];
	[tilespmem:s25+$0x140] =	vst v6  }
0x9fb: {  	s14 =	sadd.s32 $0x8, s14;
	[tilespmem:s25+$0xFFFFFE50] =	vst v7;
	v0 =	vld [tilespmem:s28+$0x7460]  }
0x9fc: {  	[tilespmem:s25+$0xFFFFFED0] =	vst v4;
	v50 =	vld [tilespmem:s24+$0x7460]  }
0x9fd: {  	v5 =	vld [tilespmem:s1+$0x7470];
	[tilespmem:s25+$0xFFFFFF50] =	vst v3  }
0x9fe: {  	v51 =	vld [tilespmem:s26+$0x7470];
	[tilespmem:s25+$0xFFFFFFD0] =	vst v2  }
0x9ff: {  	v52 =	vld [tilespmem:s10+$0x7470];
	[tilespmem:s25+$0x50] =	vst v1  }
0xa00: {  	v53 =	vld [tilespmem:s3+$0x7470];
	[tilespmem:s25+$0xD0] =	vst v0  }
0xa01: {  	v54 =	vld [tilespmem:s5+$0x7470];
	[tilespmem:s25+$0x150] =	vst v50  }
0xa02: {  	[tilespmem:s25+$0xFFFFFE60] =	vst v5;
	v55 =	vld [tilespmem:s28+$0x7470]  }
0xa03: {  	[tilespmem:s25+$0xFFFFFEE0] =	vst v51;
	v56 =	vld [tilespmem:s24+$0x7470]  }
0xa04: {  	v57 =	vld [tilespmem:s1+$0x7480];
	[tilespmem:s25+$0xFFFFFF60] =	vst v52  }
0xa05: {  	v58 =	vld [tilespmem:s26+$0x7480];
	[tilespmem:s25+$0xFFFFFFE0] =	vst v53  }
0xa06: {  	v59 =	vld [tilespmem:s10+$0x7480];
	[tilespmem:s25+$0x60] =	vst v54  }
0xa07: {  	v60 =	vld [tilespmem:s3+$0x7480];
	[tilespmem:s9+$0xE0] =	vst v55  }
0xa08: {  	v61 =	vld [tilespmem:s5+$0x7480];
	[tilespmem:s9+$0x160] =	vst v56  }
0xa09: {  	[tilespmem:s9+$0xFFFFFE70] =	vst v57;
	v62 =	vld [tilespmem:s28+$0x7480]  }
0xa0a: {  	[tilespmem:s9+$0xFFFFFEF0] =	vst v58;
	v63 =	vld [tilespmem:s24+$0x7480]  }
0xa0b: {  	[tilespmem:s9+$0xFFFFFF70] =	vst v59  }
0xa0c: {  	[tilespmem:s9+$0xFFFFFFF0] =	vst v60  }
0xa0d: {  	[tilespmem:s9+$0x70] =	vst v61  }
0xa0e: {  	[tilespmem:s9+$0xF0] =	vst v62  }
0xa0f: {  	[tilespmem:s9+$0x170] =	vst v63  }
0xa10: {  	s0 =	rddreg [dreg:$0x16]  }
0xa11: {  	[hbm4b:s0+s4] =	stream.linear.scatter [tilespmem:s31], [sflag:$0x5], $0x4000, $0x38;
	[tilespmem:$0x1F810] =	vst v63  }
0xa12: {  	_ =	swait.ge [sflag:s21], $0x4000  }
0xa13: {  	[sflag:s21] =	ssyncset.done $0x0  }
0xa14: {  	[sflag:s21] =	ssyncadd.s32 $0xFFFFC000  }
0xa15: {  	_ =	swait.ge [sflag:s22], $0x4000  }
0xa16: {  	s30 =	rddreg [dreg:$0x1e]  }
0xa17: {  	s31 =	rddreg [dreg:$0x17];
	s1 =	sadd.s32 $0x1, s30  }
0xa18: {  	p0 =	sne.s32 s1, s31  }
.Ltmp17:
0xa19: {  	_ = 	snop;
	(pc) =	sbr.rel @p0 .LBB2_1-.Ltmp17, $3  }
0xa1a: {  	_ =	sdelay $0x1  }
0xa1b: {  	[sflag:s22] =	ssyncset.done $0x0  }
0xa1c: {  	[sflag:s22] =	ssyncadd.s32 $0xFFFFC000  }
0xa1d: {  	_ =	sfence.sel $0x180000  }
0xa1e: {  	[bflag:$0x0] =	sbarrier.arrive $0xFFFF  }
0xa1f: {  	_ =	strace $0x90000047  }
0xa20: {  	[bflag:$0x2] =	sbarrier.arrive $0xFFFF  }
0xa21: {  	s1 =	sld [smem:$0x7FD];
	_ =	sdelay $0x2  }
0xa22: {  	s0 =	rddreg [dreg:$0x5];
	p0 =	seq.s32 s1, $0x1  }
0xa23: {  	s0 =	sadd.s32 @!p0 $0x100000, s0  }
0xa24: {  	[sflag:s0] =	ssyncadd.tile.s32 @!p0 $0x1;
	_ =	shalt  }
.Lfunc_end2:
_tile_overlayer_lowered:
.L_overlay_start_2:
0xa25: {  	(tag) =	ssettag $0x2  }
0xa26: {  	s0 =	rddreg [dreg:$0x0];
	s2 =	stileid.u32  }
0xa27: {  	s1 =	rddreg [dreg:$0x1];
	p0 =	sne.s32 s2, $0x0  }
0xa28: {  	s3 =	rddreg [dreg:$0x2];
	[bflag:$0x3] =	sbarrier.arrive $0xFFFF;
	s2 =	simm.s32 @!p0 $0x1C06  }
0xa29: {  	[timem:s3], [sflag:s2] =	dma.local @!p0 [hbm:s0], s1  }
0xa2a: {  	s0 =	simm.s32 @!p0 $0x6  }
0xa2b: {  	_ =	swait.ge @!p0 [sflag:s0], s1  }
0xa2c: {  	s1 =	ssub.s32 @!p0 $0x0, s1;
	[sflag:s0] =	ssyncset.done @!p0 $0x0  }
0xa2d: {  	[sflag:s0] =	ssyncadd.s32 @!p0 s1  }
0xa2e: {  	[bflag:$0x3] =	sbarrier.arrive $0xFFFF  }
0xa2f: {  	_ =	shalt  }

</sc_bundles>
